<compile_context>
chip_gen: v7x
topology: tpu7x:2x2x1
jax: 0.10.2.dev20260603
libtpu: 0.0.44.dev20260713+nightly
codegen_flags: <defaults>
</compile_context>

<pallas_src>
import functools

import jax
import jax.numpy as jnp
from jax import lax
from jax.experimental import pallas as pl
from jax.experimental.pallas import tpu as pltpu
from jax.experimental.pallas import tpu_sc as plsc

N = 10000
E = 320000
D_IN = 128
H1, C1 = 8, 64
H2, C2 = 4, 32

NC, NS = 2, 16
NT = NC * NS
NLANE = 16
NB = 1000
IC = 128

E_PAD = 327680
N_PAD = 10016
SINK = N

_MESH = plsc.VectorSubcoreMesh(
    core_axis_name="c", subcore_axis_name="s", num_cores=NC, num_subcores=NS
)
_SC_PARAMS = pltpu.CompilerParams(use_tc_tiling_on_sc=False)


def _f32(shape):
    return jax.ShapeDtypeStruct(shape, jnp.float32)



def _tc_transform(x, W, Asrc, Adst):
    d_in = x.shape[1]
    hc = W.shape[1]

    def body(x_ref, w_ref, am_s_ref, am_d_ref, h_ref, as_ref, ad_ref):
        h = jnp.dot(x_ref[...], w_ref[...], preferred_element_type=jnp.float32)
        h_ref[...] = h
        as_ref[...] = jnp.dot(h, am_s_ref[...], preferred_element_type=jnp.float32)
        ad_ref[...] = jnp.dot(h, am_d_ref[...], preferred_element_type=jnp.float32)

    return pl.pallas_call(
        body,
        grid=(N // NB,),
        in_specs=[
            pl.BlockSpec((NB, d_in), lambda i: (i, 0)),
            pl.BlockSpec((d_in, hc), lambda i: (0, 0)),
            pl.BlockSpec((hc, NLANE), lambda i: (0, 0)),
            pl.BlockSpec((hc, NLANE), lambda i: (0, 0)),
        ],
        out_specs=[
            pl.BlockSpec((NB, hc), lambda i: (i, 0)),
            pl.BlockSpec((NB, NLANE), lambda i: (i, 0)),
            pl.BlockSpec((NB, NLANE), lambda i: (i, 0)),
        ],
        out_shape=[_f32((N, hc)), _f32((N, NLANE)), _f32((N, NLANE))],
    )(x, W, Asrc, Adst)



_WK = 1024
_WCH = _WK // IC

_ZR = N_PAD // NS
_FR = N // NS


def _sc_weights(src2, dst2, a_src, a_dst, z16):
    ept = E_PAD // NT

    @functools.partial(
        pl.kernel,
        out_type=(_f32((E_PAD, NLANE)), _f32((NC * N, NLANE))),
        mesh=_MESH,
        compiler_params=_SC_PARAMS,
        scratch_types=[
            pltpu.VMEM((_WCH, IC), jnp.int32),
            pltpu.VMEM((_WCH, IC), jnp.int32),
            pltpu.VMEM((_WK, NLANE), jnp.float32),
            pltpu.VMEM((_WK, NLANE), jnp.float32),
            pltpu.VMEM((_WK, NLANE), jnp.float32),
            pltpu.VMEM_SHARED((N_PAD, NLANE), jnp.float32),
            pltpu.SemaphoreType.DMA,
            pltpu.SemaphoreType.DMA,
        ],
    )
    def wkernel(src_hbm, dst_hbm, as_hbm, ad_hbm, z_hbm, wtab_hbm, den_hbm,
                srcb, dstb, asb, adb, wb, den_sh, sem1, sem2):
        c = lax.axis_index("c")
        s = lax.axis_index("s")

        pltpu.sync_copy(z_hbm.at[pl.ds(s * _ZR, _ZR), :],
                        den_sh.at[pl.ds(s * _ZR, _ZR), :])
        plsc.subcore_barrier()

        base = (c * NS + s) * ept

        @pl.loop(0, ept, step=_WK)
        def _(off):
            o = base + off
            oc = o // IC
            pltpu.sync_copy(src_hbm.at[pl.ds(oc, _WCH), :], srcb)
            pltpu.sync_copy(dst_hbm.at[pl.ds(oc, _WCH), :], dstb)
            cps = []
            for j in range(_WCH):
                cps.append(pltpu.async_copy(
                    as_hbm.at[srcb.at[j]], asb.at[pl.ds(j * IC, IC), :], sem1))
                cps.append(pltpu.async_copy(
                    ad_hbm.at[dstb.at[j]], adb.at[pl.ds(j * IC, IC), :], sem2))
            for cp in cps:
                cp.wait()

            @pl.loop(0, _WK)
            def _(i):
                ev = asb[i] + adb[i]
                ev = jnp.where(ev >= 0.0, ev, ev * 0.2)
                wb[i] = jnp.exp(ev)

            pltpu.sync_copy(wb, wtab_hbm.at[pl.ds(o, _WK), :])
            for j in range(_WCH):
                pltpu.sync_copy(wb.at[pl.ds(j * IC, IC), :],
                                den_sh.at[dstb.at[j]], add=True)

        plsc.subcore_barrier()
        pltpu.sync_copy(den_sh.at[pl.ds(s * _FR, _FR), :],
                        den_hbm.at[pl.ds(c * N + s * _FR, _FR), :])

    return wkernel(src2, dst2, a_src, a_dst, z16)



_AK = 512
_ACH = _AK // IC
_SW = 64


def _lane_bcast(wv, lane):
    idx = jnp.full((NLANE, 1), lane, jnp.int32)
    dnums = lax.GatherDimensionNumbers(
        offset_dims=(), collapsed_slice_dims=(0,), start_index_map=(0,))
    return lax.gather(wv, idx, dnums, (1,),
                      mode=lax.GatherScatterMode.PROMISE_IN_BOUNDS)


def _sc_agg(htab, src2, dst2, wtab, z64, ch):
    heads = H1 if ch == C1 else H2
    mult = heads * ch // _SW
    sps = mult // NC
    hps = _SW // ch
    cph = ch // NLANE
    ept = E_PAD // NS

    @functools.partial(
        pl.kernel,
        out_type=_f32((mult * N, _SW)),
        mesh=_MESH,
        compiler_params=_SC_PARAMS,
        scratch_types=[
            pltpu.VMEM((_ACH, IC), jnp.int32),
            pltpu.VMEM((_ACH, IC), jnp.int32),
            pltpu.VMEM((_ACH, IC), jnp.int32),
            pltpu.VMEM((_AK, NLANE), jnp.float32),
            pltpu.VMEM((_AK, _SW), jnp.float32),
            pltpu.VMEM_SHARED((N_PAD, _SW), jnp.float32),
            pltpu.SemaphoreType.DMA,
        ],
    )
    def akernel(htab_hbm, src_hbm, dst_hbm, wtab_hbm, z_hbm, acc_hbm,
                srcb, dstb, idxb, wb, rows, acc_sh, sem):
        c = lax.axis_index("c")
        s = lax.axis_index("s")
        base = s * ept

        for qq in range(sps):
            q = c * sps + qq

            pltpu.sync_copy(z_hbm.at[pl.ds(s * _ZR, _ZR), :],
                            acc_sh.at[pl.ds(s * _ZR, _ZR), :])
            plsc.subcore_barrier()

            @pl.loop(0, ept, step=_AK)
            def _(off):
                o = base + off
                oc = o // IC
                pltpu.sync_copy(src_hbm.at[pl.ds(oc, _ACH), :], srcb)
                pltpu.sync_copy(dst_hbm.at[pl.ds(oc, _ACH), :], dstb)
                pltpu.sync_copy(wtab_hbm.at[pl.ds(o, _AK), :], wb)

                @pl.loop(0, _ACH)
                def _(r):
                    @pl.loop(0, IC, step=NLANE)
                    def _(k):
                        iv = srcb[r, pl.ds(k, NLANE)]
                        idxb[r, pl.ds(k, NLANE)] = iv * mult + q

                cps = [pltpu.async_copy(htab_hbm.at[idxb.at[j]],
                                        rows.at[pl.ds(j * IC, IC), :], sem)
                       for j in range(_ACH)]
                for cp in cps:
                    cp.wait()

                @pl.loop(0, _AK)
                def _(i):
                    wv = wb[i]
                    for hh in range(hps):
                        m = _lane_bcast(wv, q * hps + hh)
                        for j in range(cph):
                            sl = pl.ds((hh * cph + j) * NLANE, NLANE)
                            rows[i, sl] = rows[i, sl] * m

                for j in range(_ACH):
                    pltpu.sync_copy(rows.at[pl.ds(j * IC, IC), :],
                                    acc_sh.at[dstb.at[j]], add=True)

            plsc.subcore_barrier()
            pltpu.sync_copy(acc_sh.at[pl.ds(s * _FR, _FR), :],
                            acc_hbm.at[pl.ds(q * N + s * _FR, _FR), :])
            plsc.subcore_barrier()

    return akernel(htab, src2, dst2, wtab, z64)



def _tc_post(acc, den0, den1, h, a_src, a_dst, bias, sel, elu):
    nq = sel.shape[0]
    hc = h.shape[1]

    def body(acc_ref, d0_ref, d1_ref, h_ref, as_ref, ad_ref,
             b_ref, sel_ref, o_ref):
        accv = jnp.concatenate([acc_ref[0], acc_ref[1]], axis=1)
        e = as_ref[...] + ad_ref[...]
        ws = jnp.exp(jnp.where(e >= 0.0, e, e * 0.2))
        sel_m = sel_ref[0]
        den = jnp.dot(d0_ref[...] + d1_ref[...] + ws, sel_m,
                      preferred_element_type=jnp.float32)
        wse = jnp.dot(ws, sel_m, preferred_element_type=jnp.float32)
        o = (accv + wse * h_ref[...]) / den + b_ref[...]
        if elu:
            o = jnp.where(o > 0.0, o, jnp.exp(o) - 1.0)
        o_ref[...] = o

    in_specs = [
        pl.BlockSpec((2, NB, _SW), lambda i, q: (q, i, 0)),
        pl.BlockSpec((NB, NLANE), lambda i, q: (i, 0)),
        pl.BlockSpec((NB, NLANE), lambda i, q: (i, 0)),
        pl.BlockSpec((NB, 128), lambda i, q: (i, q)),
        pl.BlockSpec((NB, NLANE), lambda i, q: (i, 0)),
        pl.BlockSpec((NB, NLANE), lambda i, q: (i, 0)),
        pl.BlockSpec((1, 128), lambda i, q: (0, q)),
        pl.BlockSpec((1, NLANE, 128), lambda i, q: (q, 0, 0)),
    ]
    args = [acc, den0, den1, h, a_src, a_dst, bias.reshape(1, hc), sel]
    return pl.pallas_call(
        body,
        grid=(N // NB, nq),
        in_specs=in_specs,
        out_specs=pl.BlockSpec((NB, 128), lambda i, q: (i, q)),
        out_shape=_f32((N, hc)),
    )(*args)



def _att_mat(att):
    heads, ch = att.shape
    m = jnp.zeros((heads * ch, NLANE), jnp.float32)
    rows = jnp.arange(heads * ch)
    cols = jnp.repeat(jnp.arange(heads), ch)
    return m.at[rows, cols].set(att.reshape(-1))


def _sel_mat(nq, ch):
    cols = jnp.arange(128)
    heads_per_slice = 128 // ch
    sel = jnp.zeros((nq, NLANE, 128), jnp.float32)
    for q in range(nq):
        head = q * heads_per_slice + cols // ch
        sel = sel.at[q, head, cols].set(1.0)
    return sel


def _pad_rows(a, rows):
    return jnp.concatenate(
        [a, jnp.zeros((rows - a.shape[0],) + a.shape[1:], a.dtype)])


def kernel(x, edge_index, W1, att_src1, att_dst1, b1,
           W2, att_src2, att_dst2, b2):
    src2 = jnp.concatenate(
        [edge_index[0], jnp.zeros((E_PAD - E,), jnp.int32)]).reshape(-1, IC)
    dst2 = jnp.concatenate(
        [edge_index[1], jnp.full((E_PAD - E,), SINK, jnp.int32)]).reshape(-1, IC)
    z16 = jnp.zeros((N_PAD, NLANE), jnp.float32)
    z64 = jnp.zeros((N_PAD, _SW), jnp.float32)

    h1, as1, ad1 = _tc_transform(x, W1, _att_mat(att_src1), _att_mat(att_dst1))
    w1, den1 = _sc_weights(src2, dst2, as1, _pad_rows(ad1, N_PAD), z16)
    acc1 = _sc_agg(h1.reshape(N * 8, _SW), src2, dst2, w1, z64, C1)
    y1 = _tc_post(acc1.reshape(8, N, _SW), den1[:N], den1[N:], h1, as1, ad1,
                  b1, _sel_mat(4, C1), elu=True)

    h2, as2, ad2 = _tc_transform(y1, W2, _att_mat(att_src2), _att_mat(att_dst2))
    w2, den2 = _sc_weights(src2, dst2, as2, _pad_rows(ad2, N_PAD), z16)
    acc2 = _sc_agg(h2.reshape(N * 2, _SW), src2, dst2, w2, z64, C2)
    out = _tc_post(acc2.reshape(2, N, _SW), den2[:N], den2[N:], h2, as2, ad2,
                   b2, _sel_mat(1, C2), elu=False)
    return out

# --- scband reference (transcript-rebuilt; emitter-appended) ---
"""Pipeline reference for scband-topology-gnn-50422916055274 (READ-ONLY COPY).

The authoritative reference and input builder live on the scoring server;
editing this copy changes nothing except your own understanding.
"""

import jax, jax.numpy as jnp
import numpy as np

N = 10000
E = 320000
D_IN = 128
H1, C1 = 8, 64
H2, C2 = 4, 32


def gat_layer(x, edge_index, W, att_src, att_dst, bias, heads, out_ch):
    # Faithful PyG GATConv (concat=True, negative_slope=0.2, add_self_loops=True,
    # dropout inactive in eval mode).
    n = x.shape[0]
    loop = jnp.arange(n, dtype=edge_index.dtype)
    src = jnp.concatenate([edge_index[0], loop])
    dst = jnp.concatenate([edge_index[1], loop])
    h = (x @ W).reshape(n, heads, out_ch)
    a_src = jnp.sum(h * att_src[None, :, :], axis=-1)  # [N, H]
    a_dst = jnp.sum(h * att_dst[None, :, :], axis=-1)  # [N, H]
    e = a_src[src] + a_dst[dst]                        # [E+N, H]
    e = jax.nn.leaky_relu(e, negative_slope=0.2)
    m = jax.ops.segment_max(e, dst, num_segments=n)    # softmax over incoming edges
    ex = jnp.exp(e - m[dst])
    s = jax.ops.segment_sum(ex, dst, num_segments=n)
    alpha = ex / (s[dst] + 1e-16)                      # [E+N, H]
    msg = h[src] * alpha[:, :, None]                   # [E+N, H, C]
    out = jax.ops.segment_sum(msg, dst, num_segments=n)
    return out.reshape(n, heads * out_ch) + bias


def setup_inputs(seed: int = 0):
    key = jax.random.key(seed)
    ks = jax.random.split(key, 10)
    scale = 0.1
    x = jax.random.normal(ks[0], (N, D_IN), dtype=jnp.float32)
    edge_index = jax.random.randint(ks[1], (2, E), 0, N, dtype=jnp.int32)
    W1 = jax.random.normal(ks[2], (D_IN, H1 * C1), dtype=jnp.float32) * scale
    att_src1 = jax.random.normal(ks[3], (H1, C1), dtype=jnp.float32) * scale
    att_dst1 = jax.random.normal(ks[4], (H1, C1), dtype=jnp.float32) * scale
    b1 = jnp.zeros((H1 * C1,), dtype=jnp.float32)
    W2 = jax.random.normal(ks[5], (H1 * C1, H2 * C2), dtype=jnp.float32) * scale
    att_src2 = jax.random.normal(ks[6], (H2, C2), dtype=jnp.float32) * scale
    att_dst2 = jax.random.normal(ks[7], (H2, C2), dtype=jnp.float32) * scale
    b2 = jnp.zeros((H2 * C2,), dtype=jnp.float32)
    return {"x": x, "edge_index": edge_index, "W1": W1, "att_src1": att_src1,
            "att_dst1": att_dst1, "b1": b1, "W2": W2, "att_src2": att_src2,
            "att_dst2": att_dst2, "b2": b2}


def reference(x, edge_index, W1, att_src1, att_dst1, b1, W2, att_src2, att_dst2, b2):
    h = gat_layer(x, edge_index, W1, att_src1, att_dst1, b1, H1, C1)
    h = jax.nn.elu(h)
    # dropout p=0.2 is identity in eval mode
    out = gat_layer(h, edge_index, W2, att_src2, att_dst2, b2, H2, C2)
    return out

if __name__ == "__main__":
    import jax
    _d = setup_inputs()
    print(jax.jit(kernel)(*tuple(_d.values())))

</pallas_src>

<mosaic_0001>
#map = affine_map<(d0, d1) -> (0, 0)>
module attributes {stable_mosaic.version = 14 : i64} {
  func.func @wkernel(%arg0: i32, %arg1: i32, %arg2: memref<2560x128xi32, #tpu.memory_space<hbm>>, %arg3: memref<2560x128xi32, #tpu.memory_space<hbm>>, %arg4: memref<10000x16xf32, #tpu.memory_space<hbm>>, %arg5: memref<10016x16xf32, #tpu.memory_space<hbm>>, %arg6: memref<10016x16xf32, #tpu.memory_space<hbm>>, %arg7: memref<327680x16xf32, #tpu.memory_space<hbm>>, %arg8: memref<20000x16xf32, #tpu.memory_space<hbm>>, %arg9: memref<8x128xi32, #tpu.memory_space<vmem>>, %arg10: memref<8x128xi32, #tpu.memory_space<vmem>>, %arg11: memref<1024x16xf32, #tpu.memory_space<vmem>>, %arg12: memref<1024x16xf32, #tpu.memory_space<vmem>>, %arg13: memref<1024x16xf32, #tpu.memory_space<vmem>>, %arg14: memref<10016x16xf32, #tpu.memory_space<vmem_shared>>, %arg15: memref<!tpu.dma_semaphore, #tpu.memory_space<semaphore_mem>>, %arg16: memref<!tpu.dma_semaphore, #tpu.memory_space<semaphore_mem>>) attributes {dimension_semantics = [#tpu.dimension_semantics<core_parallel>, #tpu.dimension_semantics<subcore_parallel>], iteration_bounds = array<i64: 2, 16>, scalar_prefetch = 0 : i64, scratch_operands = 8 : i64, tpu.core_type = #tpu.core_type<sc_vector_subcore>, window_params = [{transform_indices = #map}, {transform_indices = #map}, {transform_indices = #map}, {transform_indices = #map}, {transform_indices = #map}, {transform_indices = #map}, {transform_indices = #map}]} {
    %mul3A = arith.constant 626 : i32
    %mul3A_0 = arith.muli %arg1, %mul3A : i32
    %mul3A_1 = arith.constant 626 : i32
    %mul3A_2 = arith.muli %arg1, %mul3A_1 : i32
    "tpu.region"() ({
      %run_scoped3A = tpu.sem_alloc : memref<!tpu.dma_semaphore, #tpu.memory_space<semaphore_mem>>
      %dma_start3A = arith.constant 0 : i32
      %dma_start3A_19 = tpu.memref_slice %arg14[%mul3A_2, %dma_start3A] : memref<10016x16xf32, #tpu.memory_space<vmem_shared>> -> memref<626x16xf32, #tpu.memory_space<vmem_shared>>
      %dma_start3A_20 = arith.constant 0 : i32
      %dma_start3A_21 = tpu.memref_slice %arg6[%mul3A_0, %dma_start3A_20] : memref<10016x16xf32, #tpu.memory_space<hbm>> -> memref<626x16xf32, #tpu.memory_space<hbm>>
      tpu.enqueue_dma source(%dma_start3A_21 : memref<626x16xf32, #tpu.memory_space<hbm>>) target(%dma_start3A_19 : memref<626x16xf32, #tpu.memory_space<vmem_shared>>) target_semaphore(%run_scoped3A : memref<!tpu.dma_semaphore, #tpu.memory_space<semaphore_mem>>)
      %dma_wait3A = arith.constant 0 : i32
      %dma_wait3A_22 = tpu.memref_slice %arg14[%mul3A_2, %dma_wait3A] : memref<10016x16xf32, #tpu.memory_space<vmem_shared>> -> memref<626x16xf32, #tpu.memory_space<vmem_shared>>
      %dma_wait3A_23 = arith.constant 0 : i32
      %dma_wait3A_24 = tpu.memref_slice %arg6[%mul3A_0, %dma_wait3A_23] : memref<10016x16xf32, #tpu.memory_space<hbm>> -> memref<626x16xf32, #tpu.memory_space<hbm>>
      tpu.wait_dma2 semaphore(%run_scoped3A : memref<!tpu.dma_semaphore, #tpu.memory_space<semaphore_mem>>) src(%dma_wait3A_24 : memref<626x16xf32, #tpu.memory_space<hbm>>) dst(%dma_wait3A_22 : memref<626x16xf32, #tpu.memory_space<vmem_shared>>)
      tpu.yield
    }) : () -> ()
    %barrier3A = arith.constant 0 : index
    tpu.barrier barrier_id(%barrier3A)
    %mul3A_3 = arith.constant 16 : i32
    %mul3A_4 = arith.muli %arg0, %mul3A_3 : i32
    %add3A = arith.addi %mul3A_4, %arg1 : i32
    %mul3A_5 = arith.constant 10240 : i32
    %mul3A_6 = arith.muli %add3A, %mul3A_5 : i32
    %scan3A = arith.constant 0 : i32
    %scan3A_7 = arith.constant 10 : i32
    %scan3A_8 = arith.addi %scan3A, %scan3A_7 : i32
    %scan3A_9 = arith.constant 1 : i32
    scf.for %scan3A_19 = %scan3A to %scan3A_8 step %scan3A_9  : i32 {
      %mul3A_20 = arith.constant 1024 : i32
      %mul3A_21 = arith.muli %scan3A_19, %mul3A_20 : i32
      %add3A_22 = arith.constant 0 : i32
      %add3A_23 = arith.addi %add3A_22, %mul3A_21 : i32
      %add3A_24 = arith.addi %mul3A_6, %add3A_23 : i32
      %jit3A = arith.constant 128 : i32
      %div3A = arith.divsi %add3A_24, %jit3A : i32
      %sign3A = arith.constant 0 : i32
      %sign3A_25 = arith.cmpi sgt, %add3A_24, %sign3A : i32
      %sign3A_26 = arith.extui %sign3A_25 : i1 to i32
      %sign3A_27 = arith.constant 0 : i32
      %sign3A_28 = arith.cmpi slt, %add3A_24, %sign3A_27 : i32
      %sign3A_29 = arith.extui %sign3A_28 : i1 to i32
      %sign3A_30 = arith.subi %sign3A_26, %sign3A_29 : i32
      %sign3A_31 = arith.constant 0 : i32
      %sign3A_32 = arith.cmpi sgt, %jit3A, %sign3A_31 : i32
      %sign3A_33 = arith.extui %sign3A_32 : i1 to i32
      %sign3A_34 = arith.constant 0 : i32
      %sign3A_35 = arith.cmpi slt, %jit3A, %sign3A_34 : i32
      %sign3A_36 = arith.extui %sign3A_35 : i1 to i32
      %sign3A_37 = arith.subi %sign3A_33, %sign3A_36 : i32
      %ne3A = arith.cmpi ne, %sign3A_30, %sign3A_37 : i32
      %rem3A = arith.remsi %add3A_24, %jit3A : i32
      %ne3A_38 = arith.constant 0 : i32
      %ne3A_39 = arith.cmpi ne, %rem3A, %ne3A_38 : i32
      %and3A = arith.andi %ne3A, %ne3A_39 : i1
      %sub3A = arith.constant 1 : i32
      %sub3A_40 = arith.subi %div3A, %sub3A : i32
      %select_n3A = arith.select %and3A, %sub3A_40, %div3A : i32
      "tpu.region"() ({
        %run_scoped3A_371 = tpu.sem_alloc : memref<!tpu.dma_semaphore, #tpu.memory_space<semaphore_mem>>
        %dma_start3A_372 = arith.constant 0 : i32
        %dma_start3A_373 = tpu.memref_slice %arg2[%select_n3A, %dma_start3A_372] : memref<2560x128xi32, #tpu.memory_space<hbm>> -> memref<8x128xi32, #tpu.memory_space<hbm>>
        %dma_start3A_374 = arith.constant 0 : i32
        %dma_start3A_375 = tpu.memref_slice %arg2[%select_n3A, %dma_start3A_374] : memref<2560x128xi32, #tpu.memory_space<hbm>> -> memref<8x128xi32, #tpu.memory_space<hbm>>
        tpu.enqueue_dma source(%dma_start3A_375 : memref<8x128xi32, #tpu.memory_space<hbm>>) target(%arg9 : memref<8x128xi32, #tpu.memory_space<vmem>>) target_semaphore(%run_scoped3A_371 : memref<!tpu.dma_semaphore, #tpu.memory_space<semaphore_mem>>)
        %dma_wait3A_376 = arith.constant 0 : i32
        %dma_wait3A_377 = tpu.memref_slice %arg2[%select_n3A, %dma_wait3A_376] : memref<2560x128xi32, #tpu.memory_space<hbm>> -> memref<8x128xi32, #tpu.memory_space<hbm>>
        %dma_wait3A_378 = arith.constant 0 : i32
        %dma_wait3A_379 = tpu.memref_slice %arg2[%select_n3A, %dma_wait3A_378] : memref<2560x128xi32, #tpu.memory_space<hbm>> -> memref<8x128xi32, #tpu.memory_space<hbm>>
        tpu.wait_dma2 semaphore(%run_scoped3A_371 : memref<!tpu.dma_semaphore, #tpu.memory_space<semaphore_mem>>) src(%dma_wait3A_379 : memref<8x128xi32, #tpu.memory_space<hbm>>) dst(%arg9 : memref<8x128xi32, #tpu.memory_space<vmem>>)
        tpu.yield
      }) : () -> ()
      "tpu.region"() ({
        %run_scoped3A_371 = tpu.sem_alloc : memref<!tpu.dma_semaphore, #tpu.memory_space<semaphore_mem>>
        %dma_start3A_372 = arith.constant 0 : i32
        %dma_start3A_373 = tpu.memref_slice %arg3[%select_n3A, %dma_start3A_372] : memref<2560x128xi32, #tpu.memory_space<hbm>> -> memref<8x128xi32, #tpu.memory_space<hbm>>
        %dma_start3A_374 = arith.constant 0 : i32
        %dma_start3A_375 = tpu.memref_slice %arg3[%select_n3A, %dma_start3A_374] : memref<2560x128xi32, #tpu.memory_space<hbm>> -> memref<8x128xi32, #tpu.memory_space<hbm>>
        tpu.enqueue_dma source(%dma_start3A_375 : memref<8x128xi32, #tpu.memory_space<hbm>>) target(%arg10 : memref<8x128xi32, #tpu.memory_space<vmem>>) target_semaphore(%run_scoped3A_371 : memref<!tpu.dma_semaphore, #tpu.memory_space<semaphore_mem>>)
        %dma_wait3A_376 = arith.constant 0 : i32
        %dma_wait3A_377 = tpu.memref_slice %arg3[%select_n3A, %dma_wait3A_376] : memref<2560x128xi32, #tpu.memory_space<hbm>> -> memref<8x128xi32, #tpu.memory_space<hbm>>
        %dma_wait3A_378 = arith.constant 0 : i32
        %dma_wait3A_379 = tpu.memref_slice %arg3[%select_n3A, %dma_wait3A_378] : memref<2560x128xi32, #tpu.memory_space<hbm>> -> memref<8x128xi32, #tpu.memory_space<hbm>>
        tpu.wait_dma2 semaphore(%run_scoped3A_371 : memref<!tpu.dma_semaphore, #tpu.memory_space<semaphore_mem>>) src(%dma_wait3A_379 : memref<8x128xi32, #tpu.memory_space<hbm>>) dst(%arg10 : memref<8x128xi32, #tpu.memory_space<vmem>>)
        tpu.yield
      }) : () -> ()
      %dma_start3A = arith.constant 0 : i32
      %dma_start3A_41 = arith.constant 0 : i32
      %dma_start3A_42 = arith.constant 0 : i32
      %dma_start3A_43 = tpu.memref_slice %arg11[%dma_start3A_41, %dma_start3A_42] : memref<1024x16xf32, #tpu.memory_space<vmem>> -> memref<128x16xf32, #tpu.memory_space<vmem>>
      %dma_start3A_44 = arith.constant 0 : i32
      %dma_start3A_45 = tpu.memref_slice %arg9[%dma_start3A, %dma_start3A_44] : memref<8x128xi32, #tpu.memory_space<vmem>> -> memref<1x128xi32, #tpu.memory_space<vmem>>
      %dma_start3A_46 = tpu.memref_squeeze %dma_start3A_45 : memref<1x128xi32, #tpu.memory_space<vmem>> -> memref<128xi32, #tpu.memory_space<vmem>>
      %dma_start3A_47 = arith.constant 0 : i32
      %dma_start3A_48 = arith.constant 0 : i32
      %dma_start3A_49 = tpu.memref_slice %arg4[%dma_start3A_47, %dma_start3A_48] : memref<10000x16xf32, #tpu.memory_space<hbm>> -> memref<10000x16xf32, #tpu.memory_space<hbm>>
      tpu.enqueue_indirect_dma source(%dma_start3A_49 : memref<10000x16xf32, #tpu.memory_space<hbm>>) target(%dma_start3A_43 : memref<128x16xf32, #tpu.memory_space<vmem>>) offsets(%dma_start3A_46 : memref<128xi32, #tpu.memory_space<vmem>>) semaphore(%arg15 : memref<!tpu.dma_semaphore, #tpu.memory_space<semaphore_mem>>)
      %dma_start3A_50 = arith.constant 0 : i32
      %dma_start3A_51 = arith.constant 0 : i32
      %dma_start3A_52 = arith.constant 0 : i32
      %dma_start3A_53 = tpu.memref_slice %arg12[%dma_start3A_51, %dma_start3A_52] : memref<1024x16xf32, #tpu.memory_space<vmem>> -> memref<128x16xf32, #tpu.memory_space<vmem>>
      %dma_start3A_54 = arith.constant 0 : i32
      %dma_start3A_55 = tpu.memref_slice %arg10[%dma_start3A_50, %dma_start3A_54] : memref<8x128xi32, #tpu.memory_space<vmem>> -> memref<1x128xi32, #tpu.memory_space<vmem>>
      %dma_start3A_56 = tpu.memref_squeeze %dma_start3A_55 : memref<1x128xi32, #tpu.memory_space<vmem>> -> memref<128xi32, #tpu.memory_space<vmem>>
      %dma_start3A_57 = arith.constant 0 : i32
      %dma_start3A_58 = arith.constant 0 : i32
      %dma_start3A_59 = tpu.memref_slice %arg5[%dma_start3A_57, %dma_start3A_58] : memref<10016x16xf32, #tpu.memory_space<hbm>> -> memref<10016x16xf32, #tpu.memory_space<hbm>>
      tpu.enqueue_indirect_dma source(%dma_start3A_59 : memref<10016x16xf32, #tpu.memory_space<hbm>>) target(%dma_start3A_53 : memref<128x16xf32, #tpu.memory_space<vmem>>) offsets(%dma_start3A_56 : memref<128xi32, #tpu.memory_space<vmem>>) semaphore(%arg16 : memref<!tpu.dma_semaphore, #tpu.memory_space<semaphore_mem>>)
      %dma_start3A_60 = arith.constant 1 : i32
      %dma_start3A_61 = arith.constant 128 : i32
      %dma_start3A_62 = arith.constant 0 : i32
      %dma_start3A_63 = tpu.memref_slice %arg11[%dma_start3A_61, %dma_start3A_62] : memref<1024x16xf32, #tpu.memory_space<vmem>> -> memref<128x16xf32, #tpu.memory_space<vmem>>
      %dma_start3A_64 = arith.constant 0 : i32
      %dma_start3A_65 = tpu.memref_slice %arg9[%dma_start3A_60, %dma_start3A_64] : memref<8x128xi32, #tpu.memory_space<vmem>> -> memref<1x128xi32, #tpu.memory_space<vmem>>
      %dma_start3A_66 = tpu.memref_squeeze %dma_start3A_65 : memref<1x128xi32, #tpu.memory_space<vmem>> -> memref<128xi32, #tpu.memory_space<vmem>>
      %dma_start3A_67 = arith.constant 0 : i32
      %dma_start3A_68 = arith.constant 0 : i32
      %dma_start3A_69 = tpu.memref_slice %arg4[%dma_start3A_67, %dma_start3A_68] : memref<10000x16xf32, #tpu.memory_space<hbm>> -> memref<10000x16xf32, #tpu.memory_space<hbm>>
      tpu.enqueue_indirect_dma source(%dma_start3A_69 : memref<10000x16xf32, #tpu.memory_space<hbm>>) target(%dma_start3A_63 : memref<128x16xf32, #tpu.memory_space<vmem>>) offsets(%dma_start3A_66 : memref<128xi32, #tpu.memory_space<vmem>>) semaphore(%arg15 : memref<!tpu.dma_semaphore, #tpu.memory_space<semaphore_mem>>)
      %dma_start3A_70 = arith.constant 1 : i32
      %dma_start3A_71 = arith.constant 128 : i32
      %dma_start3A_72 = arith.constant 0 : i32
      %dma_start3A_73 = tpu.memref_slice %arg12[%dma_start3A_71, %dma_start3A_72] : memref<1024x16xf32, #tpu.memory_space<vmem>> -> memref<128x16xf32, #tpu.memory_space<vmem>>
      %dma_start3A_74 = arith.constant 0 : i32
      %dma_start3A_75 = tpu.memref_slice %arg10[%dma_start3A_70, %dma_start3A_74] : memref<8x128xi32, #tpu.memory_space<vmem>> -> memref<1x128xi32, #tpu.memory_space<vmem>>
      %dma_start3A_76 = tpu.memref_squeeze %dma_start3A_75 : memref<1x128xi32, #tpu.memory_space<vmem>> -> memref<128xi32, #tpu.memory_space<vmem>>
      %dma_start3A_77 = arith.constant 0 : i32
      %dma_start3A_78 = arith.constant 0 : i32
      %dma_start3A_79 = tpu.memref_slice %arg5[%dma_start3A_77, %dma_start3A_78] : memref<10016x16xf32, #tpu.memory_space<hbm>> -> memref<10016x16xf32, #tpu.memory_space<hbm>>
      tpu.enqueue_indirect_dma source(%dma_start3A_79 : memref<10016x16xf32, #tpu.memory_space<hbm>>) target(%dma_start3A_73 : memref<128x16xf32, #tpu.memory_space<vmem>>) offsets(%dma_start3A_76 : memref<128xi32, #tpu.memory_space<vmem>>) semaphore(%arg16 : memref<!tpu.dma_semaphore, #tpu.memory_space<semaphore_mem>>)
      %dma_start3A_80 = arith.constant 2 : i32
      %dma_start3A_81 = arith.constant 256 : i32
      %dma_start3A_82 = arith.constant 0 : i32
      %dma_start3A_83 = tpu.memref_slice %arg11[%dma_start3A_81, %dma_start3A_82] : memref<1024x16xf32, #tpu.memory_space<vmem>> -> memref<128x16xf32, #tpu.memory_space<vmem>>
      %dma_start3A_84 = arith.constant 0 : i32
      %dma_start3A_85 = tpu.memref_slice %arg9[%dma_start3A_80, %dma_start3A_84] : memref<8x128xi32, #tpu.memory_space<vmem>> -> memref<1x128xi32, #tpu.memory_space<vmem>>
      %dma_start3A_86 = tpu.memref_squeeze %dma_start3A_85 : memref<1x128xi32, #tpu.memory_space<vmem>> -> memref<128xi32, #tpu.memory_space<vmem>>
      %dma_start3A_87 = arith.constant 0 : i32
      %dma_start3A_88 = arith.constant 0 : i32
      %dma_start3A_89 = tpu.memref_slice %arg4[%dma_start3A_87, %dma_start3A_88] : memref<10000x16xf32, #tpu.memory_space<hbm>> -> memref<10000x16xf32, #tpu.memory_space<hbm>>
      tpu.enqueue_indirect_dma source(%dma_start3A_89 : memref<10000x16xf32, #tpu.memory_space<hbm>>) target(%dma_start3A_83 : memref<128x16xf32, #tpu.memory_space<vmem>>) offsets(%dma_start3A_86 : memref<128xi32, #tpu.memory_space<vmem>>) semaphore(%arg15 : memref<!tpu.dma_semaphore, #tpu.memory_space<semaphore_mem>>)
      %dma_start3A_90 = arith.constant 2 : i32
      %dma_start3A_91 = arith.constant 256 : i32
      %dma_start3A_92 = arith.constant 0 : i32
      %dma_start3A_93 = tpu.memref_slice %arg12[%dma_start3A_91, %dma_start3A_92] : memref<1024x16xf32, #tpu.memory_space<vmem>> -> memref<128x16xf32, #tpu.memory_space<vmem>>
      %dma_start3A_94 = arith.constant 0 : i32
      %dma_start3A_95 = tpu.memref_slice %arg10[%dma_start3A_90, %dma_start3A_94] : memref<8x128xi32, #tpu.memory_space<vmem>> -> memref<1x128xi32, #tpu.memory_space<vmem>>
      %dma_start3A_96 = tpu.memref_squeeze %dma_start3A_95 : memref<1x128xi32, #tpu.memory_space<vmem>> -> memref<128xi32, #tpu.memory_space<vmem>>
      %dma_start3A_97 = arith.constant 0 : i32
      %dma_start3A_98 = arith.constant 0 : i32
      %dma_start3A_99 = tpu.memref_slice %arg5[%dma_start3A_97, %dma_start3A_98] : memref<10016x16xf32, #tpu.memory_space<hbm>> -> memref<10016x16xf32, #tpu.memory_space<hbm>>
      tpu.enqueue_indirect_dma source(%dma_start3A_99 : memref<10016x16xf32, #tpu.memory_space<hbm>>) target(%dma_start3A_93 : memref<128x16xf32, #tpu.memory_space<vmem>>) offsets(%dma_start3A_96 : memref<128xi32, #tpu.memory_space<vmem>>) semaphore(%arg16 : memref<!tpu.dma_semaphore, #tpu.memory_space<semaphore_mem>>)
      %dma_start3A_100 = arith.constant 3 : i32
      %dma_start3A_101 = arith.constant 384 : i32
      %dma_start3A_102 = arith.constant 0 : i32
      %dma_start3A_103 = tpu.memref_slice %arg11[%dma_start3A_101, %dma_start3A_102] : memref<1024x16xf32, #tpu.memory_space<vmem>> -> memref<128x16xf32, #tpu.memory_space<vmem>>
      %dma_start3A_104 = arith.constant 0 : i32
      %dma_start3A_105 = tpu.memref_slice %arg9[%dma_start3A_100, %dma_start3A_104] : memref<8x128xi32, #tpu.memory_space<vmem>> -> memref<1x128xi32, #tpu.memory_space<vmem>>
      %dma_start3A_106 = tpu.memref_squeeze %dma_start3A_105 : memref<1x128xi32, #tpu.memory_space<vmem>> -> memref<128xi32, #tpu.memory_space<vmem>>
      %dma_start3A_107 = arith.constant 0 : i32
      %dma_start3A_108 = arith.constant 0 : i32
      %dma_start3A_109 = tpu.memref_slice %arg4[%dma_start3A_107, %dma_start3A_108] : memref<10000x16xf32, #tpu.memory_space<hbm>> -> memref<10000x16xf32, #tpu.memory_space<hbm>>
      tpu.enqueue_indirect_dma source(%dma_start3A_109 : memref<10000x16xf32, #tpu.memory_space<hbm>>) target(%dma_start3A_103 : memref<128x16xf32, #tpu.memory_space<vmem>>) offsets(%dma_start3A_106 : memref<128xi32, #tpu.memory_space<vmem>>) semaphore(%arg15 : memref<!tpu.dma_semaphore, #tpu.memory_space<semaphore_mem>>)
      %dma_start3A_110 = arith.constant 3 : i32
      %dma_start3A_111 = arith.constant 384 : i32
      %dma_start3A_112 = arith.constant 0 : i32
      %dma_start3A_113 = tpu.memref_slice %arg12[%dma_start3A_111, %dma_start3A_112] : memref<1024x16xf32, #tpu.memory_space<vmem>> -> memref<128x16xf32, #tpu.memory_space<vmem>>
      %dma_start3A_114 = arith.constant 0 : i32
      %dma_start3A_115 = tpu.memref_slice %arg10[%dma_start3A_110, %dma_start3A_114] : memref<8x128xi32, #tpu.memory_space<vmem>> -> memref<1x128xi32, #tpu.memory_space<vmem>>
      %dma_start3A_116 = tpu.memref_squeeze %dma_start3A_115 : memref<1x128xi32, #tpu.memory_space<vmem>> -> memref<128xi32, #tpu.memory_space<vmem>>
      %dma_start3A_117 = arith.constant 0 : i32
      %dma_start3A_118 = arith.constant 0 : i32
      %dma_start3A_119 = tpu.memref_slice %arg5[%dma_start3A_117, %dma_start3A_118] : memref<10016x16xf32, #tpu.memory_space<hbm>> -> memref<10016x16xf32, #tpu.memory_space<hbm>>
      tpu.enqueue_indirect_dma source(%dma_start3A_119 : memref<10016x16xf32, #tpu.memory_space<hbm>>) target(%dma_start3A_113 : memref<128x16xf32, #tpu.memory_space<vmem>>) offsets(%dma_start3A_116 : memref<128xi32, #tpu.memory_space<vmem>>) semaphore(%arg16 : memref<!tpu.dma_semaphore, #tpu.memory_space<semaphore_mem>>)
      %dma_start3A_120 = arith.constant 4 : i32
      %dma_start3A_121 = arith.constant 512 : i32
      %dma_start3A_122 = arith.constant 0 : i32
      %dma_start3A_123 = tpu.memref_slice %arg11[%dma_start3A_121, %dma_start3A_122] : memref<1024x16xf32, #tpu.memory_space<vmem>> -> memref<128x16xf32, #tpu.memory_space<vmem>>
      %dma_start3A_124 = arith.constant 0 : i32
      %dma_start3A_125 = tpu.memref_slice %arg9[%dma_start3A_120, %dma_start3A_124] : memref<8x128xi32, #tpu.memory_space<vmem>> -> memref<1x128xi32, #tpu.memory_space<vmem>>
      %dma_start3A_126 = tpu.memref_squeeze %dma_start3A_125 : memref<1x128xi32, #tpu.memory_space<vmem>> -> memref<128xi32, #tpu.memory_space<vmem>>
      %dma_start3A_127 = arith.constant 0 : i32
      %dma_start3A_128 = arith.constant 0 : i32
      %dma_start3A_129 = tpu.memref_slice %arg4[%dma_start3A_127, %dma_start3A_128] : memref<10000x16xf32, #tpu.memory_space<hbm>> -> memref<10000x16xf32, #tpu.memory_space<hbm>>
      tpu.enqueue_indirect_dma source(%dma_start3A_129 : memref<10000x16xf32, #tpu.memory_space<hbm>>) target(%dma_start3A_123 : memref<128x16xf32, #tpu.memory_space<vmem>>) offsets(%dma_start3A_126 : memref<128xi32, #tpu.memory_space<vmem>>) semaphore(%arg15 : memref<!tpu.dma_semaphore, #tpu.memory_space<semaphore_mem>>)
      %dma_start3A_130 = arith.constant 4 : i32
      %dma_start3A_131 = arith.constant 512 : i32
      %dma_start3A_132 = arith.constant 0 : i32
      %dma_start3A_133 = tpu.memref_slice %arg12[%dma_start3A_131, %dma_start3A_132] : memref<1024x16xf32, #tpu.memory_space<vmem>> -> memref<128x16xf32, #tpu.memory_space<vmem>>
      %dma_start3A_134 = arith.constant 0 : i32
      %dma_start3A_135 = tpu.memref_slice %arg10[%dma_start3A_130, %dma_start3A_134] : memref<8x128xi32, #tpu.memory_space<vmem>> -> memref<1x128xi32, #tpu.memory_space<vmem>>
      %dma_start3A_136 = tpu.memref_squeeze %dma_start3A_135 : memref<1x128xi32, #tpu.memory_space<vmem>> -> memref<128xi32, #tpu.memory_space<vmem>>
      %dma_start3A_137 = arith.constant 0 : i32
      %dma_start3A_138 = arith.constant 0 : i32
      %dma_start3A_139 = tpu.memref_slice %arg5[%dma_start3A_137, %dma_start3A_138] : memref<10016x16xf32, #tpu.memory_space<hbm>> -> memref<10016x16xf32, #tpu.memory_space<hbm>>
      tpu.enqueue_indirect_dma source(%dma_start3A_139 : memref<10016x16xf32, #tpu.memory_space<hbm>>) target(%dma_start3A_133 : memref<128x16xf32, #tpu.memory_space<vmem>>) offsets(%dma_start3A_136 : memref<128xi32, #tpu.memory_space<vmem>>) semaphore(%arg16 : memref<!tpu.dma_semaphore, #tpu.memory_space<semaphore_mem>>)
      %dma_start3A_140 = arith.constant 5 : i32
      %dma_start3A_141 = arith.constant 640 : i32
      %dma_start3A_142 = arith.constant 0 : i32
      %dma_start3A_143 = tpu.memref_slice %arg11[%dma_start3A_141, %dma_start3A_142] : memref<1024x16xf32, #tpu.memory_space<vmem>> -> memref<128x16xf32, #tpu.memory_space<vmem>>
      %dma_start3A_144 = arith.constant 0 : i32
      %dma_start3A_145 = tpu.memref_slice %arg9[%dma_start3A_140, %dma_start3A_144] : memref<8x128xi32, #tpu.memory_space<vmem>> -> memref<1x128xi32, #tpu.memory_space<vmem>>
      %dma_start3A_146 = tpu.memref_squeeze %dma_start3A_145 : memref<1x128xi32, #tpu.memory_space<vmem>> -> memref<128xi32, #tpu.memory_space<vmem>>
      %dma_start3A_147 = arith.constant 0 : i32
      %dma_start3A_148 = arith.constant 0 : i32
      %dma_start3A_149 = tpu.memref_slice %arg4[%dma_start3A_147, %dma_start3A_148] : memref<10000x16xf32, #tpu.memory_space<hbm>> -> memref<10000x16xf32, #tpu.memory_space<hbm>>
      tpu.enqueue_indirect_dma source(%dma_start3A_149 : memref<10000x16xf32, #tpu.memory_space<hbm>>) target(%dma_start3A_143 : memref<128x16xf32, #tpu.memory_space<vmem>>) offsets(%dma_start3A_146 : memref<128xi32, #tpu.memory_space<vmem>>) semaphore(%arg15 : memref<!tpu.dma_semaphore, #tpu.memory_space<semaphore_mem>>)
      %dma_start3A_150 = arith.constant 5 : i32
      %dma_start3A_151 = arith.constant 640 : i32
      %dma_start3A_152 = arith.constant 0 : i32
      %dma_start3A_153 = tpu.memref_slice %arg12[%dma_start3A_151, %dma_start3A_152] : memref<1024x16xf32, #tpu.memory_space<vmem>> -> memref<128x16xf32, #tpu.memory_space<vmem>>
      %dma_start3A_154 = arith.constant 0 : i32
      %dma_start3A_155 = tpu.memref_slice %arg10[%dma_start3A_150, %dma_start3A_154] : memref<8x128xi32, #tpu.memory_space<vmem>> -> memref<1x128xi32, #tpu.memory_space<vmem>>
      %dma_start3A_156 = tpu.memref_squeeze %dma_start3A_155 : memref<1x128xi32, #tpu.memory_space<vmem>> -> memref<128xi32, #tpu.memory_space<vmem>>
      %dma_start3A_157 = arith.constant 0 : i32
      %dma_start3A_158 = arith.constant 0 : i32
      %dma_start3A_159 = tpu.memref_slice %arg5[%dma_start3A_157, %dma_start3A_158] : memref<10016x16xf32, #tpu.memory_space<hbm>> -> memref<10016x16xf32, #tpu.memory_space<hbm>>
      tpu.enqueue_indirect_dma source(%dma_start3A_159 : memref<10016x16xf32, #tpu.memory_space<hbm>>) target(%dma_start3A_153 : memref<128x16xf32, #tpu.memory_space<vmem>>) offsets(%dma_start3A_156 : memref<128xi32, #tpu.memory_space<vmem>>) semaphore(%arg16 : memref<!tpu.dma_semaphore, #tpu.memory_space<semaphore_mem>>)
      %dma_start3A_160 = arith.constant 6 : i32
      %dma_start3A_161 = arith.constant 768 : i32
      %dma_start3A_162 = arith.constant 0 : i32
      %dma_start3A_163 = tpu.memref_slice %arg11[%dma_start3A_161, %dma_start3A_162] : memref<1024x16xf32, #tpu.memory_space<vmem>> -> memref<128x16xf32, #tpu.memory_space<vmem>>
      %dma_start3A_164 = arith.constant 0 : i32
      %dma_start3A_165 = tpu.memref_slice %arg9[%dma_start3A_160, %dma_start3A_164] : memref<8x128xi32, #tpu.memory_space<vmem>> -> memref<1x128xi32, #tpu.memory_space<vmem>>
      %dma_start3A_166 = tpu.memref_squeeze %dma_start3A_165 : memref<1x128xi32, #tpu.memory_space<vmem>> -> memref<128xi32, #tpu.memory_space<vmem>>
      %dma_start3A_167 = arith.constant 0 : i32
      %dma_start3A_168 = arith.constant 0 : i32
      %dma_start3A_169 = tpu.memref_slice %arg4[%dma_start3A_167, %dma_start3A_168] : memref<10000x16xf32, #tpu.memory_space<hbm>> -> memref<10000x16xf32, #tpu.memory_space<hbm>>
      tpu.enqueue_indirect_dma source(%dma_start3A_169 : memref<10000x16xf32, #tpu.memory_space<hbm>>) target(%dma_start3A_163 : memref<128x16xf32, #tpu.memory_space<vmem>>) offsets(%dma_start3A_166 : memref<128xi32, #tpu.memory_space<vmem>>) semaphore(%arg15 : memref<!tpu.dma_semaphore, #tpu.memory_space<semaphore_mem>>)
      %dma_start3A_170 = arith.constant 6 : i32
      %dma_start3A_171 = arith.constant 768 : i32
      %dma_start3A_172 = arith.constant 0 : i32
      %dma_start3A_173 = tpu.memref_slice %arg12[%dma_start3A_171, %dma_start3A_172] : memref<1024x16xf32, #tpu.memory_space<vmem>> -> memref<128x16xf32, #tpu.memory_space<vmem>>
      %dma_start3A_174 = arith.constant 0 : i32
      %dma_start3A_175 = tpu.memref_slice %arg10[%dma_start3A_170, %dma_start3A_174] : memref<8x128xi32, #tpu.memory_space<vmem>> -> memref<1x128xi32, #tpu.memory_space<vmem>>
      %dma_start3A_176 = tpu.memref_squeeze %dma_start3A_175 : memref<1x128xi32, #tpu.memory_space<vmem>> -> memref<128xi32, #tpu.memory_space<vmem>>
      %dma_start3A_177 = arith.constant 0 : i32
      %dma_start3A_178 = arith.constant 0 : i32
      %dma_start3A_179 = tpu.memref_slice %arg5[%dma_start3A_177, %dma_start3A_178] : memref<10016x16xf32, #tpu.memory_space<hbm>> -> memref<10016x16xf32, #tpu.memory_space<hbm>>
      tpu.enqueue_indirect_dma source(%dma_start3A_179 : memref<10016x16xf32, #tpu.memory_space<hbm>>) target(%dma_start3A_173 : memref<128x16xf32, #tpu.memory_space<vmem>>) offsets(%dma_start3A_176 : memref<128xi32, #tpu.memory_space<vmem>>) semaphore(%arg16 : memref<!tpu.dma_semaphore, #tpu.memory_space<semaphore_mem>>)
      %dma_start3A_180 = arith.constant 7 : i32
      %dma_start3A_181 = arith.constant 896 : i32
      %dma_start3A_182 = arith.constant 0 : i32
      %dma_start3A_183 = tpu.memref_slice %arg11[%dma_start3A_181, %dma_start3A_182] : memref<1024x16xf32, #tpu.memory_space<vmem>> -> memref<128x16xf32, #tpu.memory_space<vmem>>
      %dma_start3A_184 = arith.constant 0 : i32
      %dma_start3A_185 = tpu.memref_slice %arg9[%dma_start3A_180, %dma_start3A_184] : memref<8x128xi32, #tpu.memory_space<vmem>> -> memref<1x128xi32, #tpu.memory_space<vmem>>
      %dma_start3A_186 = tpu.memref_squeeze %dma_start3A_185 : memref<1x128xi32, #tpu.memory_space<vmem>> -> memref<128xi32, #tpu.memory_space<vmem>>
      %dma_start3A_187 = arith.constant 0 : i32
      %dma_start3A_188 = arith.constant 0 : i32
      %dma_start3A_189 = tpu.memref_slice %arg4[%dma_start3A_187, %dma_start3A_188] : memref<10000x16xf32, #tpu.memory_space<hbm>> -> memref<10000x16xf32, #tpu.memory_space<hbm>>
      tpu.enqueue_indirect_dma source(%dma_start3A_189 : memref<10000x16xf32, #tpu.memory_space<hbm>>) target(%dma_start3A_183 : memref<128x16xf32, #tpu.memory_space<vmem>>) offsets(%dma_start3A_186 : memref<128xi32, #tpu.memory_space<vmem>>) semaphore(%arg15 : memref<!tpu.dma_semaphore, #tpu.memory_space<semaphore_mem>>)
      %dma_start3A_190 = arith.constant 7 : i32
      %dma_start3A_191 = arith.constant 896 : i32
      %dma_start3A_192 = arith.constant 0 : i32
      %dma_start3A_193 = tpu.memref_slice %arg12[%dma_start3A_191, %dma_start3A_192] : memref<1024x16xf32, #tpu.memory_space<vmem>> -> memref<128x16xf32, #tpu.memory_space<vmem>>
      %dma_start3A_194 = arith.constant 0 : i32
      %dma_start3A_195 = tpu.memref_slice %arg10[%dma_start3A_190, %dma_start3A_194] : memref<8x128xi32, #tpu.memory_space<vmem>> -> memref<1x128xi32, #tpu.memory_space<vmem>>
      %dma_start3A_196 = tpu.memref_squeeze %dma_start3A_195 : memref<1x128xi32, #tpu.memory_space<vmem>> -> memref<128xi32, #tpu.memory_space<vmem>>
      %dma_start3A_197 = arith.constant 0 : i32
      %dma_start3A_198 = arith.constant 0 : i32
      %dma_start3A_199 = tpu.memref_slice %arg5[%dma_start3A_197, %dma_start3A_198] : memref<10016x16xf32, #tpu.memory_space<hbm>> -> memref<10016x16xf32, #tpu.memory_space<hbm>>
      tpu.enqueue_indirect_dma source(%dma_start3A_199 : memref<10016x16xf32, #tpu.memory_space<hbm>>) target(%dma_start3A_193 : memref<128x16xf32, #tpu.memory_space<vmem>>) offsets(%dma_start3A_196 : memref<128xi32, #tpu.memory_space<vmem>>) semaphore(%arg16 : memref<!tpu.dma_semaphore, #tpu.memory_space<semaphore_mem>>)
      %dma_wait3A = arith.constant 0 : i32
      %dma_wait3A_200 = arith.constant 0 : i32
      %dma_wait3A_201 = arith.constant 0 : i32
      %dma_wait3A_202 = tpu.memref_slice %arg11[%dma_wait3A_200, %dma_wait3A_201] : memref<1024x16xf32, #tpu.memory_space<vmem>> -> memref<128x16xf32, #tpu.memory_space<vmem>>
      %dma_wait3A_203 = arith.constant 0 : i32
      %dma_wait3A_204 = tpu.memref_slice %arg9[%dma_wait3A, %dma_wait3A_203] : memref<8x128xi32, #tpu.memory_space<vmem>> -> memref<1x128xi32, #tpu.memory_space<vmem>>
      %dma_wait3A_205 = tpu.memref_squeeze %dma_wait3A_204 : memref<1x128xi32, #tpu.memory_space<vmem>> -> memref<128xi32, #tpu.memory_space<vmem>>
      %dma_wait3A_206 = arith.constant 0 : i32
      %dma_wait3A_207 = arith.constant 0 : i32
      %dma_wait3A_208 = tpu.memref_slice %arg4[%dma_wait3A_206, %dma_wait3A_207] : memref<10000x16xf32, #tpu.memory_space<hbm>> -> memref<10000x16xf32, #tpu.memory_space<hbm>>
      tpu.wait_indirect_dma semaphore(%arg15 : memref<!tpu.dma_semaphore, #tpu.memory_space<semaphore_mem>>) src(%dma_wait3A_208 : memref<10000x16xf32, #tpu.memory_space<hbm>>) dst(%dma_wait3A_202 : memref<128x16xf32, #tpu.memory_space<vmem>>)
      %dma_wait3A_209 = arith.constant 0 : i32
      %dma_wait3A_210 = arith.constant 0 : i32
      %dma_wait3A_211 = arith.constant 0 : i32
      %dma_wait3A_212 = tpu.memref_slice %arg12[%dma_wait3A_210, %dma_wait3A_211] : memref<1024x16xf32, #tpu.memory_space<vmem>> -> memref<128x16xf32, #tpu.memory_space<vmem>>
      %dma_wait3A_213 = arith.constant 0 : i32
      %dma_wait3A_214 = tpu.memref_slice %arg10[%dma_wait3A_209, %dma_wait3A_213] : memref<8x128xi32, #tpu.memory_space<vmem>> -> memref<1x128xi32, #tpu.memory_space<vmem>>
      %dma_wait3A_215 = tpu.memref_squeeze %dma_wait3A_214 : memref<1x128xi32, #tpu.memory_space<vmem>> -> memref<128xi32, #tpu.memory_space<vmem>>
      %dma_wait3A_216 = arith.constant 0 : i32
      %dma_wait3A_217 = arith.constant 0 : i32
      %dma_wait3A_218 = tpu.memref_slice %arg5[%dma_wait3A_216, %dma_wait3A_217] : memref<10016x16xf32, #tpu.memory_space<hbm>> -> memref<10016x16xf32, #tpu.memory_space<hbm>>
      tpu.wait_indirect_dma semaphore(%arg16 : memref<!tpu.dma_semaphore, #tpu.memory_space<semaphore_mem>>) src(%dma_wait3A_218 : memref<10016x16xf32, #tpu.memory_space<hbm>>) dst(%dma_wait3A_212 : memref<128x16xf32, #tpu.memory_space<vmem>>)
      %dma_wait3A_219 = arith.constant 1 : i32
      %dma_wait3A_220 = arith.constant 128 : i32
      %dma_wait3A_221 = arith.constant 0 : i32
      %dma_wait3A_222 = tpu.memref_slice %arg11[%dma_wait3A_220, %dma_wait3A_221] : memref<1024x16xf32, #tpu.memory_space<vmem>> -> memref<128x16xf32, #tpu.memory_space<vmem>>
      %dma_wait3A_223 = arith.constant 0 : i32
      %dma_wait3A_224 = tpu.memref_slice %arg9[%dma_wait3A_219, %dma_wait3A_223] : memref<8x128xi32, #tpu.memory_space<vmem>> -> memref<1x128xi32, #tpu.memory_space<vmem>>
      %dma_wait3A_225 = tpu.memref_squeeze %dma_wait3A_224 : memref<1x128xi32, #tpu.memory_space<vmem>> -> memref<128xi32, #tpu.memory_space<vmem>>
      %dma_wait3A_226 = arith.constant 0 : i32
      %dma_wait3A_227 = arith.constant 0 : i32
      %dma_wait3A_228 = tpu.memref_slice %arg4[%dma_wait3A_226, %dma_wait3A_227] : memref<10000x16xf32, #tpu.memory_space<hbm>> -> memref<10000x16xf32, #tpu.memory_space<hbm>>
      tpu.wait_indirect_dma semaphore(%arg15 : memref<!tpu.dma_semaphore, #tpu.memory_space<semaphore_mem>>) src(%dma_wait3A_228 : memref<10000x16xf32, #tpu.memory_space<hbm>>) dst(%dma_wait3A_222 : memref<128x16xf32, #tpu.memory_space<vmem>>)
      %dma_wait3A_229 = arith.constant 1 : i32
      %dma_wait3A_230 = arith.constant 128 : i32
      %dma_wait3A_231 = arith.constant 0 : i32
      %dma_wait3A_232 = tpu.memref_slice %arg12[%dma_wait3A_230, %dma_wait3A_231] : memref<1024x16xf32, #tpu.memory_space<vmem>> -> memref<128x16xf32, #tpu.memory_space<vmem>>
      %dma_wait3A_233 = arith.constant 0 : i32
      %dma_wait3A_234 = tpu.memref_slice %arg10[%dma_wait3A_229, %dma_wait3A_233] : memref<8x128xi32, #tpu.memory_space<vmem>> -> memref<1x128xi32, #tpu.memory_space<vmem>>
      %dma_wait3A_235 = tpu.memref_squeeze %dma_wait3A_234 : memref<1x128xi32, #tpu.memory_space<vmem>> -> memref<128xi32, #tpu.memory_space<vmem>>
      %dma_wait3A_236 = arith.constant 0 : i32
      %dma_wait3A_237 = arith.constant 0 : i32
      %dma_wait3A_238 = tpu.memref_slice %arg5[%dma_wait3A_236, %dma_wait3A_237] : memref<10016x16xf32, #tpu.memory_space<hbm>> -> memref<10016x16xf32, #tpu.memory_space<hbm>>
      tpu.wait_indirect_dma semaphore(%arg16 : memref<!tpu.dma_semaphore, #tpu.memory_space<semaphore_mem>>) src(%dma_wait3A_238 : memref<10016x16xf32, #tpu.memory_space<hbm>>) dst(%dma_wait3A_232 : memref<128x16xf32, #tpu.memory_space<vmem>>)
      %dma_wait3A_239 = arith.constant 2 : i32
      %dma_wait3A_240 = arith.constant 256 : i32
      %dma_wait3A_241 = arith.constant 0 : i32
      %dma_wait3A_242 = tpu.memref_slice %arg11[%dma_wait3A_240, %dma_wait3A_241] : memref<1024x16xf32, #tpu.memory_space<vmem>> -> memref<128x16xf32, #tpu.memory_space<vmem>>
      %dma_wait3A_243 = arith.constant 0 : i32
      %dma_wait3A_244 = tpu.memref_slice %arg9[%dma_wait3A_239, %dma_wait3A_243] : memref<8x128xi32, #tpu.memory_space<vmem>> -> memref<1x128xi32, #tpu.memory_space<vmem>>
      %dma_wait3A_245 = tpu.memref_squeeze %dma_wait3A_244 : memref<1x128xi32, #tpu.memory_space<vmem>> -> memref<128xi32, #tpu.memory_space<vmem>>
      %dma_wait3A_246 = arith.constant 0 : i32
      %dma_wait3A_247 = arith.constant 0 : i32
      %dma_wait3A_248 = tpu.memref_slice %arg4[%dma_wait3A_246, %dma_wait3A_247] : memref<10000x16xf32, #tpu.memory_space<hbm>> -> memref<10000x16xf32, #tpu.memory_space<hbm>>
      tpu.wait_indirect_dma semaphore(%arg15 : memref<!tpu.dma_semaphore, #tpu.memory_space<semaphore_mem>>) src(%dma_wait3A_248 : memref<10000x16xf32, #tpu.memory_space<hbm>>) dst(%dma_wait3A_242 : memref<128x16xf32, #tpu.memory_space<vmem>>)
      %dma_wait3A_249 = arith.constant 2 : i32
      %dma_wait3A_250 = arith.constant 256 : i32
      %dma_wait3A_251 = arith.constant 0 : i32
      %dma_wait3A_252 = tpu.memref_slice %arg12[%dma_wait3A_250, %dma_wait3A_251] : memref<1024x16xf32, #tpu.memory_space<vmem>> -> memref<128x16xf32, #tpu.memory_space<vmem>>
      %dma_wait3A_253 = arith.constant 0 : i32
      %dma_wait3A_254 = tpu.memref_slice %arg10[%dma_wait3A_249, %dma_wait3A_253] : memref<8x128xi32, #tpu.memory_space<vmem>> -> memref<1x128xi32, #tpu.memory_space<vmem>>
      %dma_wait3A_255 = tpu.memref_squeeze %dma_wait3A_254 : memref<1x128xi32, #tpu.memory_space<vmem>> -> memref<128xi32, #tpu.memory_space<vmem>>
      %dma_wait3A_256 = arith.constant 0 : i32
      %dma_wait3A_257 = arith.constant 0 : i32
      %dma_wait3A_258 = tpu.memref_slice %arg5[%dma_wait3A_256, %dma_wait3A_257] : memref<10016x16xf32, #tpu.memory_space<hbm>> -> memref<10016x16xf32, #tpu.memory_space<hbm>>
      tpu.wait_indirect_dma semaphore(%arg16 : memref<!tpu.dma_semaphore, #tpu.memory_space<semaphore_mem>>) src(%dma_wait3A_258 : memref<10016x16xf32, #tpu.memory_space<hbm>>) dst(%dma_wait3A_252 : memref<128x16xf32, #tpu.memory_space<vmem>>)
      %dma_wait3A_259 = arith.constant 3 : i32
      %dma_wait3A_260 = arith.constant 384 : i32
      %dma_wait3A_261 = arith.constant 0 : i32
      %dma_wait3A_262 = tpu.memref_slice %arg11[%dma_wait3A_260, %dma_wait3A_261] : memref<1024x16xf32, #tpu.memory_space<vmem>> -> memref<128x16xf32, #tpu.memory_space<vmem>>
      %dma_wait3A_263 = arith.constant 0 : i32
      %dma_wait3A_264 = tpu.memref_slice %arg9[%dma_wait3A_259, %dma_wait3A_263] : memref<8x128xi32, #tpu.memory_space<vmem>> -> memref<1x128xi32, #tpu.memory_space<vmem>>
      %dma_wait3A_265 = tpu.memref_squeeze %dma_wait3A_264 : memref<1x128xi32, #tpu.memory_space<vmem>> -> memref<128xi32, #tpu.memory_space<vmem>>
      %dma_wait3A_266 = arith.constant 0 : i32
      %dma_wait3A_267 = arith.constant 0 : i32
      %dma_wait3A_268 = tpu.memref_slice %arg4[%dma_wait3A_266, %dma_wait3A_267] : memref<10000x16xf32, #tpu.memory_space<hbm>> -> memref<10000x16xf32, #tpu.memory_space<hbm>>
      tpu.wait_indirect_dma semaphore(%arg15 : memref<!tpu.dma_semaphore, #tpu.memory_space<semaphore_mem>>) src(%dma_wait3A_268 : memref<10000x16xf32, #tpu.memory_space<hbm>>) dst(%dma_wait3A_262 : memref<128x16xf32, #tpu.memory_space<vmem>>)
      %dma_wait3A_269 = arith.constant 3 : i32
      %dma_wait3A_270 = arith.constant 384 : i32
      %dma_wait3A_271 = arith.constant 0 : i32
      %dma_wait3A_272 = tpu.memref_slice %arg12[%dma_wait3A_270, %dma_wait3A_271] : memref<1024x16xf32, #tpu.memory_space<vmem>> -> memref<128x16xf32, #tpu.memory_space<vmem>>
      %dma_wait3A_273 = arith.constant 0 : i32
      %dma_wait3A_274 = tpu.memref_slice %arg10[%dma_wait3A_269, %dma_wait3A_273] : memref<8x128xi32, #tpu.memory_space<vmem>> -> memref<1x128xi32, #tpu.memory_space<vmem>>
      %dma_wait3A_275 = tpu.memref_squeeze %dma_wait3A_274 : memref<1x128xi32, #tpu.memory_space<vmem>> -> memref<128xi32, #tpu.memory_space<vmem>>
      %dma_wait3A_276 = arith.constant 0 : i32
      %dma_wait3A_277 = arith.constant 0 : i32
      %dma_wait3A_278 = tpu.memref_slice %arg5[%dma_wait3A_276, %dma_wait3A_277] : memref<10016x16xf32, #tpu.memory_space<hbm>> -> memref<10016x16xf32, #tpu.memory_space<hbm>>
      tpu.wait_indirect_dma semaphore(%arg16 : memref<!tpu.dma_semaphore, #tpu.memory_space<semaphore_mem>>) src(%dma_wait3A_278 : memref<10016x16xf32, #tpu.memory_space<hbm>>) dst(%dma_wait3A_272 : memref<128x16xf32, #tpu.memory_space<vmem>>)
      %dma_wait3A_279 = arith.constant 4 : i32
      %dma_wait3A_280 = arith.constant 512 : i32
      %dma_wait3A_281 = arith.constant 0 : i32
      %dma_wait3A_282 = tpu.memref_slice %arg11[%dma_wait3A_280, %dma_wait3A_281] : memref<1024x16xf32, #tpu.memory_space<vmem>> -> memref<128x16xf32, #tpu.memory_space<vmem>>
      %dma_wait3A_283 = arith.constant 0 : i32
      %dma_wait3A_284 = tpu.memref_slice %arg9[%dma_wait3A_279, %dma_wait3A_283] : memref<8x128xi32, #tpu.memory_space<vmem>> -> memref<1x128xi32, #tpu.memory_space<vmem>>
      %dma_wait3A_285 = tpu.memref_squeeze %dma_wait3A_284 : memref<1x128xi32, #tpu.memory_space<vmem>> -> memref<128xi32, #tpu.memory_space<vmem>>
      %dma_wait3A_286 = arith.constant 0 : i32
      %dma_wait3A_287 = arith.constant 0 : i32
      %dma_wait3A_288 = tpu.memref_slice %arg4[%dma_wait3A_286, %dma_wait3A_287] : memref<10000x16xf32, #tpu.memory_space<hbm>> -> memref<10000x16xf32, #tpu.memory_space<hbm>>
      tpu.wait_indirect_dma semaphore(%arg15 : memref<!tpu.dma_semaphore, #tpu.memory_space<semaphore_mem>>) src(%dma_wait3A_288 : memref<10000x16xf32, #tpu.memory_space<hbm>>) dst(%dma_wait3A_282 : memref<128x16xf32, #tpu.memory_space<vmem>>)
      %dma_wait3A_289 = arith.constant 4 : i32
      %dma_wait3A_290 = arith.constant 512 : i32
      %dma_wait3A_291 = arith.constant 0 : i32
      %dma_wait3A_292 = tpu.memref_slice %arg12[%dma_wait3A_290, %dma_wait3A_291] : memref<1024x16xf32, #tpu.memory_space<vmem>> -> memref<128x16xf32, #tpu.memory_space<vmem>>
      %dma_wait3A_293 = arith.constant 0 : i32
      %dma_wait3A_294 = tpu.memref_slice %arg10[%dma_wait3A_289, %dma_wait3A_293] : memref<8x128xi32, #tpu.memory_space<vmem>> -> memref<1x128xi32, #tpu.memory_space<vmem>>
      %dma_wait3A_295 = tpu.memref_squeeze %dma_wait3A_294 : memref<1x128xi32, #tpu.memory_space<vmem>> -> memref<128xi32, #tpu.memory_space<vmem>>
      %dma_wait3A_296 = arith.constant 0 : i32
      %dma_wait3A_297 = arith.constant 0 : i32
      %dma_wait3A_298 = tpu.memref_slice %arg5[%dma_wait3A_296, %dma_wait3A_297] : memref<10016x16xf32, #tpu.memory_space<hbm>> -> memref<10016x16xf32, #tpu.memory_space<hbm>>
      tpu.wait_indirect_dma semaphore(%arg16 : memref<!tpu.dma_semaphore, #tpu.memory_space<semaphore_mem>>) src(%dma_wait3A_298 : memref<10016x16xf32, #tpu.memory_space<hbm>>) dst(%dma_wait3A_292 : memref<128x16xf32, #tpu.memory_space<vmem>>)
      %dma_wait3A_299 = arith.constant 5 : i32
      %dma_wait3A_300 = arith.constant 640 : i32
      %dma_wait3A_301 = arith.constant 0 : i32
      %dma_wait3A_302 = tpu.memref_slice %arg11[%dma_wait3A_300, %dma_wait3A_301] : memref<1024x16xf32, #tpu.memory_space<vmem>> -> memref<128x16xf32, #tpu.memory_space<vmem>>
      %dma_wait3A_303 = arith.constant 0 : i32
      %dma_wait3A_304 = tpu.memref_slice %arg9[%dma_wait3A_299, %dma_wait3A_303] : memref<8x128xi32, #tpu.memory_space<vmem>> -> memref<1x128xi32, #tpu.memory_space<vmem>>
      %dma_wait3A_305 = tpu.memref_squeeze %dma_wait3A_304 : memref<1x128xi32, #tpu.memory_space<vmem>> -> memref<128xi32, #tpu.memory_space<vmem>>
      %dma_wait3A_306 = arith.constant 0 : i32
      %dma_wait3A_307 = arith.constant 0 : i32
      %dma_wait3A_308 = tpu.memref_slice %arg4[%dma_wait3A_306, %dma_wait3A_307] : memref<10000x16xf32, #tpu.memory_space<hbm>> -> memref<10000x16xf32, #tpu.memory_space<hbm>>
      tpu.wait_indirect_dma semaphore(%arg15 : memref<!tpu.dma_semaphore, #tpu.memory_space<semaphore_mem>>) src(%dma_wait3A_308 : memref<10000x16xf32, #tpu.memory_space<hbm>>) dst(%dma_wait3A_302 : memref<128x16xf32, #tpu.memory_space<vmem>>)
      %dma_wait3A_309 = arith.constant 5 : i32
      %dma_wait3A_310 = arith.constant 640 : i32
      %dma_wait3A_311 = arith.constant 0 : i32
      %dma_wait3A_312 = tpu.memref_slice %arg12[%dma_wait3A_310, %dma_wait3A_311] : memref<1024x16xf32, #tpu.memory_space<vmem>> -> memref<128x16xf32, #tpu.memory_space<vmem>>
      %dma_wait3A_313 = arith.constant 0 : i32
      %dma_wait3A_314 = tpu.memref_slice %arg10[%dma_wait3A_309, %dma_wait3A_313] : memref<8x128xi32, #tpu.memory_space<vmem>> -> memref<1x128xi32, #tpu.memory_space<vmem>>
      %dma_wait3A_315 = tpu.memref_squeeze %dma_wait3A_314 : memref<1x128xi32, #tpu.memory_space<vmem>> -> memref<128xi32, #tpu.memory_space<vmem>>
      %dma_wait3A_316 = arith.constant 0 : i32
      %dma_wait3A_317 = arith.constant 0 : i32
      %dma_wait3A_318 = tpu.memref_slice %arg5[%dma_wait3A_316, %dma_wait3A_317] : memref<10016x16xf32, #tpu.memory_space<hbm>> -> memref<10016x16xf32, #tpu.memory_space<hbm>>
      tpu.wait_indirect_dma semaphore(%arg16 : memref<!tpu.dma_semaphore, #tpu.memory_space<semaphore_mem>>) src(%dma_wait3A_318 : memref<10016x16xf32, #tpu.memory_space<hbm>>) dst(%dma_wait3A_312 : memref<128x16xf32, #tpu.memory_space<vmem>>)
      %dma_wait3A_319 = arith.constant 6 : i32
      %dma_wait3A_320 = arith.constant 768 : i32
      %dma_wait3A_321 = arith.constant 0 : i32
      %dma_wait3A_322 = tpu.memref_slice %arg11[%dma_wait3A_320, %dma_wait3A_321] : memref<1024x16xf32, #tpu.memory_space<vmem>> -> memref<128x16xf32, #tpu.memory_space<vmem>>
      %dma_wait3A_323 = arith.constant 0 : i32
      %dma_wait3A_324 = tpu.memref_slice %arg9[%dma_wait3A_319, %dma_wait3A_323] : memref<8x128xi32, #tpu.memory_space<vmem>> -> memref<1x128xi32, #tpu.memory_space<vmem>>
      %dma_wait3A_325 = tpu.memref_squeeze %dma_wait3A_324 : memref<1x128xi32, #tpu.memory_space<vmem>> -> memref<128xi32, #tpu.memory_space<vmem>>
      %dma_wait3A_326 = arith.constant 0 : i32
      %dma_wait3A_327 = arith.constant 0 : i32
      %dma_wait3A_328 = tpu.memref_slice %arg4[%dma_wait3A_326, %dma_wait3A_327] : memref<10000x16xf32, #tpu.memory_space<hbm>> -> memref<10000x16xf32, #tpu.memory_space<hbm>>
      tpu.wait_indirect_dma semaphore(%arg15 : memref<!tpu.dma_semaphore, #tpu.memory_space<semaphore_mem>>) src(%dma_wait3A_328 : memref<10000x16xf32, #tpu.memory_space<hbm>>) dst(%dma_wait3A_322 : memref<128x16xf32, #tpu.memory_space<vmem>>)
      %dma_wait3A_329 = arith.constant 6 : i32
      %dma_wait3A_330 = arith.constant 768 : i32
      %dma_wait3A_331 = arith.constant 0 : i32
      %dma_wait3A_332 = tpu.memref_slice %arg12[%dma_wait3A_330, %dma_wait3A_331] : memref<1024x16xf32, #tpu.memory_space<vmem>> -> memref<128x16xf32, #tpu.memory_space<vmem>>
      %dma_wait3A_333 = arith.constant 0 : i32
      %dma_wait3A_334 = tpu.memref_slice %arg10[%dma_wait3A_329, %dma_wait3A_333] : memref<8x128xi32, #tpu.memory_space<vmem>> -> memref<1x128xi32, #tpu.memory_space<vmem>>
      %dma_wait3A_335 = tpu.memref_squeeze %dma_wait3A_334 : memref<1x128xi32, #tpu.memory_space<vmem>> -> memref<128xi32, #tpu.memory_space<vmem>>
      %dma_wait3A_336 = arith.constant 0 : i32
      %dma_wait3A_337 = arith.constant 0 : i32
      %dma_wait3A_338 = tpu.memref_slice %arg5[%dma_wait3A_336, %dma_wait3A_337] : memref<10016x16xf32, #tpu.memory_space<hbm>> -> memref<10016x16xf32, #tpu.memory_space<hbm>>
      tpu.wait_indirect_dma semaphore(%arg16 : memref<!tpu.dma_semaphore, #tpu.memory_space<semaphore_mem>>) src(%dma_wait3A_338 : memref<10016x16xf32, #tpu.memory_space<hbm>>) dst(%dma_wait3A_332 : memref<128x16xf32, #tpu.memory_space<vmem>>)
      %dma_wait3A_339 = arith.constant 7 : i32
      %dma_wait3A_340 = arith.constant 896 : i32
      %dma_wait3A_341 = arith.constant 0 : i32
      %dma_wait3A_342 = tpu.memref_slice %arg11[%dma_wait3A_340, %dma_wait3A_341] : memref<1024x16xf32, #tpu.memory_space<vmem>> -> memref<128x16xf32, #tpu.memory_space<vmem>>
      %dma_wait3A_343 = arith.constant 0 : i32
      %dma_wait3A_344 = tpu.memref_slice %arg9[%dma_wait3A_339, %dma_wait3A_343] : memref<8x128xi32, #tpu.memory_space<vmem>> -> memref<1x128xi32, #tpu.memory_space<vmem>>
      %dma_wait3A_345 = tpu.memref_squeeze %dma_wait3A_344 : memref<1x128xi32, #tpu.memory_space<vmem>> -> memref<128xi32, #tpu.memory_space<vmem>>
      %dma_wait3A_346 = arith.constant 0 : i32
      %dma_wait3A_347 = arith.constant 0 : i32
      %dma_wait3A_348 = tpu.memref_slice %arg4[%dma_wait3A_346, %dma_wait3A_347] : memref<10000x16xf32, #tpu.memory_space<hbm>> -> memref<10000x16xf32, #tpu.memory_space<hbm>>
      tpu.wait_indirect_dma semaphore(%arg15 : memref<!tpu.dma_semaphore, #tpu.memory_space<semaphore_mem>>) src(%dma_wait3A_348 : memref<10000x16xf32, #tpu.memory_space<hbm>>) dst(%dma_wait3A_342 : memref<128x16xf32, #tpu.memory_space<vmem>>)
      %dma_wait3A_349 = arith.constant 7 : i32
      %dma_wait3A_350 = arith.constant 896 : i32
      %dma_wait3A_351 = arith.constant 0 : i32
      %dma_wait3A_352 = tpu.memref_slice %arg12[%dma_wait3A_350, %dma_wait3A_351] : memref<1024x16xf32, #tpu.memory_space<vmem>> -> memref<128x16xf32, #tpu.memory_space<vmem>>
      %dma_wait3A_353 = arith.constant 0 : i32
      %dma_wait3A_354 = tpu.memref_slice %arg10[%dma_wait3A_349, %dma_wait3A_353] : memref<8x128xi32, #tpu.memory_space<vmem>> -> memref<1x128xi32, #tpu.memory_space<vmem>>
      %dma_wait3A_355 = tpu.memref_squeeze %dma_wait3A_354 : memref<1x128xi32, #tpu.memory_space<vmem>> -> memref<128xi32, #tpu.memory_space<vmem>>
      %dma_wait3A_356 = arith.constant 0 : i32
      %dma_wait3A_357 = arith.constant 0 : i32
      %dma_wait3A_358 = tpu.memref_slice %arg5[%dma_wait3A_356, %dma_wait3A_357] : memref<10016x16xf32, #tpu.memory_space<hbm>> -> memref<10016x16xf32, #tpu.memory_space<hbm>>
      tpu.wait_indirect_dma semaphore(%arg16 : memref<!tpu.dma_semaphore, #tpu.memory_space<semaphore_mem>>) src(%dma_wait3A_358 : memref<10016x16xf32, #tpu.memory_space<hbm>>) dst(%dma_wait3A_352 : memref<128x16xf32, #tpu.memory_space<vmem>>)
      %scan3A_359 = arith.constant 0 : i32
      %scan3A_360 = arith.constant 1024 : i32
      %scan3A_361 = arith.addi %scan3A_359, %scan3A_360 : i32
      %scan3A_362 = arith.constant 1 : i32
      scf.for %scan3A_371 = %scan3A_359 to %scan3A_361 step %scan3A_362  : i32 {
        %mul3A_372 = arith.constant 1 : i32
        %mul3A_373 = arith.muli %scan3A_371, %mul3A_372 : i32
        %add3A_374 = arith.constant 0 : i32
        %add3A_375 = arith.addi %add3A_374, %mul3A_373 : i32
        %get3A = arith.index_cast %add3A_375 : i32 to index
        %get3A_376 = arith.constant 0 : index
        %get3A_377 = tpu.vector_load %arg11[%get3A, %get3A_376] {strides = array<i32>} : memref<1024x16xf32, #tpu.memory_space<vmem>>, vector<1x16xf32>,
        %get3A_378 = vector.shape_cast %get3A_377 : vector<1x16xf32> to vector<16xf32>
        %get3A_379 = arith.index_cast %add3A_375 : i32 to index
        %get3A_380 = arith.constant 0 : index
        %get3A_381 = tpu.vector_load %arg12[%get3A_379, %get3A_380] {strides = array<i32>} : memref<1024x16xf32, #tpu.memory_space<vmem>>, vector<1x16xf32>,
        %get3A_382 = vector.shape_cast %get3A_381 : vector<1x16xf32> to vector<16xf32>
        %add3A_383 = arith.addf %get3A_378, %get3A_382 : vector<16xf32>
        %ge3A = arith.constant 0.000000e+00 : f32
        %ge3A_384 = vector.broadcast %ge3A : f32 to vector<16xf32>
        %ge3A_385 = arith.cmpf oge, %add3A_383, %ge3A_384 : vector<16xf32>
        %mul3A_386 = arith.constant 2.000000e-01 : f32
        %mul3A_387 = vector.broadcast %mul3A_386 : f32 to vector<16xf32>
        %mul3A_388 = arith.mulf %add3A_383, %mul3A_387 : vector<16xf32>
        %select_n3A_389 = arith.select %ge3A_385, %add3A_383, %mul3A_388 : vector<16xi1>, vector<16xf32>
        %exp3A = math.exp %select_n3A_389 : vector<16xf32>
        %swap3A = arith.index_cast %add3A_375 : i32 to index
        %swap3A_390 = arith.constant 0 : index
        %swap3A_391 = tpu.vector_load %arg13[%swap3A, %swap3A_390] {strides = array<i32>} : memref<1024x16xf32, #tpu.memory_space<vmem>>, vector<1x16xf32>,
        %swap3A_392 = vector.shape_cast %swap3A_391 : vector<1x16xf32> to vector<16xf32>
        %swap3A_393 = vector.shape_cast %exp3A : vector<16xf32> to vector<1x16xf32>
        tpu.vector_store %arg13[%swap3A, %swap3A_390], %swap3A_393 {strides = array<i32>} : memref<1024x16xf32, #tpu.memory_space<vmem>>, vector<1x16xf32>,
      }
      %scan3A_363 = arith.constant 1024 : i32
      "tpu.region"() ({
        %run_scoped3A_371 = tpu.sem_alloc : memref<!tpu.dma_semaphore, #tpu.memory_space<semaphore_mem>>
        %dma_start3A_372 = arith.constant 0 : i32
        %dma_start3A_373 = tpu.memref_slice %arg7[%add3A_24, %dma_start3A_372] : memref<327680x16xf32, #tpu.memory_space<hbm>> -> memref<1024x16xf32, #tpu.memory_space<hbm>>
        %dma_start3A_374 = arith.constant 0 : i32
        %dma_start3A_375 = tpu.memref_slice %arg7[%add3A_24, %dma_start3A_374] : memref<327680x16xf32, #tpu.memory_space<hbm>> -> memref<1024x16xf32, #tpu.memory_space<hbm>>
        tpu.enqueue_dma source(%arg13 : memref<1024x16xf32, #tpu.memory_space<vmem>>) target(%dma_start3A_375 : memref<1024x16xf32, #tpu.memory_space<hbm>>) target_semaphore(%run_scoped3A_371 : memref<!tpu.dma_semaphore, #tpu.memory_space<semaphore_mem>>)
        %dma_wait3A_376 = arith.constant 0 : i32
        %dma_wait3A_377 = tpu.memref_slice %arg7[%add3A_24, %dma_wait3A_376] : memref<327680x16xf32, #tpu.memory_space<hbm>> -> memref<1024x16xf32, #tpu.memory_space<hbm>>
        %dma_wait3A_378 = arith.constant 0 : i32
        %dma_wait3A_379 = tpu.memref_slice %arg7[%add3A_24, %dma_wait3A_378] : memref<327680x16xf32, #tpu.memory_space<hbm>> -> memref<1024x16xf32, #tpu.memory_space<hbm>>
        tpu.wait_dma2 semaphore(%run_scoped3A_371 : memref<!tpu.dma_semaphore, #tpu.memory_space<semaphore_mem>>) src(%arg13 : memref<1024x16xf32, #tpu.memory_space<vmem>>) dst(%dma_wait3A_379 : memref<1024x16xf32, #tpu.memory_space<hbm>>)
        tpu.yield
      }) : () -> ()
      %run_scoped3A = arith.constant 0 : i32
      "tpu.region"() ({
        %run_scoped3A_371 = tpu.sem_alloc : memref<!tpu.dma_semaphore, #tpu.memory_space<semaphore_mem>>
        %dma_start3A_372 = arith.constant 0 : i32
        %dma_start3A_373 = arith.constant 0 : i32
        %dma_start3A_374 = tpu.memref_slice %arg13[%dma_start3A_372, %dma_start3A_373] : memref<1024x16xf32, #tpu.memory_space<vmem>> -> memref<128x16xf32, #tpu.memory_space<vmem>>
        %dma_start3A_375 = arith.constant 0 : i32
        %dma_start3A_376 = tpu.memref_slice %arg10[%run_scoped3A, %dma_start3A_375] : memref<8x128xi32, #tpu.memory_space<vmem>> -> memref<1x128xi32, #tpu.memory_space<vmem>>
        %dma_start3A_377 = tpu.memref_squeeze %dma_start3A_376 : memref<1x128xi32, #tpu.memory_space<vmem>> -> memref<128xi32, #tpu.memory_space<vmem>>
        %dma_start3A_378 = arith.constant 0 : i32
        %dma_start3A_379 = arith.constant 0 : i32
        %dma_start3A_380 = tpu.memref_slice %arg14[%dma_start3A_378, %dma_start3A_379] : memref<10016x16xf32, #tpu.memory_space<vmem_shared>> -> memref<10016x16xf32, #tpu.memory_space<vmem_shared>>
        tpu.enqueue_indirect_dma source(%dma_start3A_374 : memref<128x16xf32, #tpu.memory_space<vmem>>) target(%dma_start3A_380 : memref<10016x16xf32, #tpu.memory_space<vmem_shared>>) offsets(%dma_start3A_377 : memref<128xi32, #tpu.memory_space<vmem>>) semaphore(%run_scoped3A_371 : memref<!tpu.dma_semaphore, #tpu.memory_space<semaphore_mem>>) {add = true}
        %dma_wait3A_381 = arith.constant 0 : i32
        %dma_wait3A_382 = arith.constant 0 : i32
        %dma_wait3A_383 = tpu.memref_slice %arg13[%dma_wait3A_381, %dma_wait3A_382] : memref<1024x16xf32, #tpu.memory_space<vmem>> -> memref<128x16xf32, #tpu.memory_space<vmem>>
        %dma_wait3A_384 = arith.constant 0 : i32
        %dma_wait3A_385 = tpu.memref_slice %arg10[%run_scoped3A, %dma_wait3A_384] : memref<8x128xi32, #tpu.memory_space<vmem>> -> memref<1x128xi32, #tpu.memory_space<vmem>>
        %dma_wait3A_386 = tpu.memref_squeeze %dma_wait3A_385 : memref<1x128xi32, #tpu.memory_space<vmem>> -> memref<128xi32, #tpu.memory_space<vmem>>
        %dma_wait3A_387 = arith.constant 0 : i32
        %dma_wait3A_388 = arith.constant 0 : i32
        %dma_wait3A_389 = tpu.memref_slice %arg14[%dma_wait3A_387, %dma_wait3A_388] : memref<10016x16xf32, #tpu.memory_space<vmem_shared>> -> memref<10016x16xf32, #tpu.memory_space<vmem_shared>>
        tpu.wait_indirect_dma semaphore(%run_scoped3A_371 : memref<!tpu.dma_semaphore, #tpu.memory_space<semaphore_mem>>) src(%dma_wait3A_383 : memref<128x16xf32, #tpu.memory_space<vmem>>) dst(%dma_wait3A_389 : memref<10016x16xf32, #tpu.memory_space<vmem_shared>>)
        tpu.yield
      }) : () -> ()
      %run_scoped3A_364 = arith.constant 1 : i32
      "tpu.region"() ({
        %run_scoped3A_371 = tpu.sem_alloc : memref<!tpu.dma_semaphore, #tpu.memory_space<semaphore_mem>>
        %dma_start3A_372 = arith.constant 128 : i32
        %dma_start3A_373 = arith.constant 0 : i32
        %dma_start3A_374 = tpu.memref_slice %arg13[%dma_start3A_372, %dma_start3A_373] : memref<1024x16xf32, #tpu.memory_space<vmem>> -> memref<128x16xf32, #tpu.memory_space<vmem>>
        %dma_start3A_375 = arith.constant 0 : i32
        %dma_start3A_376 = tpu.memref_slice %arg10[%run_scoped3A_364, %dma_start3A_375] : memref<8x128xi32, #tpu.memory_space<vmem>> -> memref<1x128xi32, #tpu.memory_space<vmem>>
        %dma_start3A_377 = tpu.memref_squeeze %dma_start3A_376 : memref<1x128xi32, #tpu.memory_space<vmem>> -> memref<128xi32, #tpu.memory_space<vmem>>
        %dma_start3A_378 = arith.constant 0 : i32
        %dma_start3A_379 = arith.constant 0 : i32
        %dma_start3A_380 = tpu.memref_slice %arg14[%dma_start3A_378, %dma_start3A_379] : memref<10016x16xf32, #tpu.memory_space<vmem_shared>> -> memref<10016x16xf32, #tpu.memory_space<vmem_shared>>
        tpu.enqueue_indirect_dma source(%dma_start3A_374 : memref<128x16xf32, #tpu.memory_space<vmem>>) target(%dma_start3A_380 : memref<10016x16xf32, #tpu.memory_space<vmem_shared>>) offsets(%dma_start3A_377 : memref<128xi32, #tpu.memory_space<vmem>>) semaphore(%run_scoped3A_371 : memref<!tpu.dma_semaphore, #tpu.memory_space<semaphore_mem>>) {add = true}
        %dma_wait3A_381 = arith.constant 128 : i32
        %dma_wait3A_382 = arith.constant 0 : i32
        %dma_wait3A_383 = tpu.memref_slice %arg13[%dma_wait3A_381, %dma_wait3A_382] : memref<1024x16xf32, #tpu.memory_space<vmem>> -> memref<128x16xf32, #tpu.memory_space<vmem>>
        %dma_wait3A_384 = arith.constant 0 : i32
        %dma_wait3A_385 = tpu.memref_slice %arg10[%run_scoped3A_364, %dma_wait3A_384] : memref<8x128xi32, #tpu.memory_space<vmem>> -> memref<1x128xi32, #tpu.memory_space<vmem>>
        %dma_wait3A_386 = tpu.memref_squeeze %dma_wait3A_385 : memref<1x128xi32, #tpu.memory_space<vmem>> -> memref<128xi32, #tpu.memory_space<vmem>>
        %dma_wait3A_387 = arith.constant 0 : i32
        %dma_wait3A_388 = arith.constant 0 : i32
        %dma_wait3A_389 = tpu.memref_slice %arg14[%dma_wait3A_387, %dma_wait3A_388] : memref<10016x16xf32, #tpu.memory_space<vmem_shared>> -> memref<10016x16xf32, #tpu.memory_space<vmem_shared>>
        tpu.wait_indirect_dma semaphore(%run_scoped3A_371 : memref<!tpu.dma_semaphore, #tpu.memory_space<semaphore_mem>>) src(%dma_wait3A_383 : memref<128x16xf32, #tpu.memory_space<vmem>>) dst(%dma_wait3A_389 : memref<10016x16xf32, #tpu.memory_space<vmem_shared>>)
        tpu.yield
      }) : () -> ()
      %run_scoped3A_365 = arith.constant 2 : i32
      "tpu.region"() ({
        %run_scoped3A_371 = tpu.sem_alloc : memref<!tpu.dma_semaphore, #tpu.memory_space<semaphore_mem>>
        %dma_start3A_372 = arith.constant 256 : i32
        %dma_start3A_373 = arith.constant 0 : i32
        %dma_start3A_374 = tpu.memref_slice %arg13[%dma_start3A_372, %dma_start3A_373] : memref<1024x16xf32, #tpu.memory_space<vmem>> -> memref<128x16xf32, #tpu.memory_space<vmem>>
        %dma_start3A_375 = arith.constant 0 : i32
        %dma_start3A_376 = tpu.memref_slice %arg10[%run_scoped3A_365, %dma_start3A_375] : memref<8x128xi32, #tpu.memory_space<vmem>> -> memref<1x128xi32, #tpu.memory_space<vmem>>
        %dma_start3A_377 = tpu.memref_squeeze %dma_start3A_376 : memref<1x128xi32, #tpu.memory_space<vmem>> -> memref<128xi32, #tpu.memory_space<vmem>>
        %dma_start3A_378 = arith.constant 0 : i32
        %dma_start3A_379 = arith.constant 0 : i32
        %dma_start3A_380 = tpu.memref_slice %arg14[%dma_start3A_378, %dma_start3A_379] : memref<10016x16xf32, #tpu.memory_space<vmem_shared>> -> memref<10016x16xf32, #tpu.memory_space<vmem_shared>>
        tpu.enqueue_indirect_dma source(%dma_start3A_374 : memref<128x16xf32, #tpu.memory_space<vmem>>) target(%dma_start3A_380 : memref<10016x16xf32, #tpu.memory_space<vmem_shared>>) offsets(%dma_start3A_377 : memref<128xi32, #tpu.memory_space<vmem>>) semaphore(%run_scoped3A_371 : memref<!tpu.dma_semaphore, #tpu.memory_space<semaphore_mem>>) {add = true}
        %dma_wait3A_381 = arith.constant 256 : i32
        %dma_wait3A_382 = arith.constant 0 : i32
        %dma_wait3A_383 = tpu.memref_slice %arg13[%dma_wait3A_381, %dma_wait3A_382] : memref<1024x16xf32, #tpu.memory_space<vmem>> -> memref<128x16xf32, #tpu.memory_space<vmem>>
        %dma_wait3A_384 = arith.constant 0 : i32
        %dma_wait3A_385 = tpu.memref_slice %arg10[%run_scoped3A_365, %dma_wait3A_384] : memref<8x128xi32, #tpu.memory_space<vmem>> -> memref<1x128xi32, #tpu.memory_space<vmem>>
        %dma_wait3A_386 = tpu.memref_squeeze %dma_wait3A_385 : memref<1x128xi32, #tpu.memory_space<vmem>> -> memref<128xi32, #tpu.memory_space<vmem>>
        %dma_wait3A_387 = arith.constant 0 : i32
        %dma_wait3A_388 = arith.constant 0 : i32
        %dma_wait3A_389 = tpu.memref_slice %arg14[%dma_wait3A_387, %dma_wait3A_388] : memref<10016x16xf32, #tpu.memory_space<vmem_shared>> -> memref<10016x16xf32, #tpu.memory_space<vmem_shared>>
        tpu.wait_indirect_dma semaphore(%run_scoped3A_371 : memref<!tpu.dma_semaphore, #tpu.memory_space<semaphore_mem>>) src(%dma_wait3A_383 : memref<128x16xf32, #tpu.memory_space<vmem>>) dst(%dma_wait3A_389 : memref<10016x16xf32, #tpu.memory_space<vmem_shared>>)
        tpu.yield
      }) : () -> ()
      %run_scoped3A_366 = arith.constant 3 : i32
      "tpu.region"() ({
        %run_scoped3A_371 = tpu.sem_alloc : memref<!tpu.dma_semaphore, #tpu.memory_space<semaphore_mem>>
        %dma_start3A_372 = arith.constant 384 : i32
        %dma_start3A_373 = arith.constant 0 : i32
        %dma_start3A_374 = tpu.memref_slice %arg13[%dma_start3A_372, %dma_start3A_373] : memref<1024x16xf32, #tpu.memory_space<vmem>> -> memref<128x16xf32, #tpu.memory_space<vmem>>
        %dma_start3A_375 = arith.constant 0 : i32
        %dma_start3A_376 = tpu.memref_slice %arg10[%run_scoped3A_366, %dma_start3A_375] : memref<8x128xi32, #tpu.memory_space<vmem>> -> memref<1x128xi32, #tpu.memory_space<vmem>>
        %dma_start3A_377 = tpu.memref_squeeze %dma_start3A_376 : memref<1x128xi32, #tpu.memory_space<vmem>> -> memref<128xi32, #tpu.memory_space<vmem>>
        %dma_start3A_378 = arith.constant 0 : i32
        %dma_start3A_379 = arith.constant 0 : i32
        %dma_start3A_380 = tpu.memref_slice %arg14[%dma_start3A_378, %dma_start3A_379] : memref<10016x16xf32, #tpu.memory_space<vmem_shared>> -> memref<10016x16xf32, #tpu.memory_space<vmem_shared>>
        tpu.enqueue_indirect_dma source(%dma_start3A_374 : memref<128x16xf32, #tpu.memory_space<vmem>>) target(%dma_start3A_380 : memref<10016x16xf32, #tpu.memory_space<vmem_shared>>) offsets(%dma_start3A_377 : memref<128xi32, #tpu.memory_space<vmem>>) semaphore(%run_scoped3A_371 : memref<!tpu.dma_semaphore, #tpu.memory_space<semaphore_mem>>) {add = true}
        %dma_wait3A_381 = arith.constant 384 : i32
        %dma_wait3A_382 = arith.constant 0 : i32
        %dma_wait3A_383 = tpu.memref_slice %arg13[%dma_wait3A_381, %dma_wait3A_382] : memref<1024x16xf32, #tpu.memory_space<vmem>> -> memref<128x16xf32, #tpu.memory_space<vmem>>
        %dma_wait3A_384 = arith.constant 0 : i32
        %dma_wait3A_385 = tpu.memref_slice %arg10[%run_scoped3A_366, %dma_wait3A_384] : memref<8x128xi32, #tpu.memory_space<vmem>> -> memref<1x128xi32, #tpu.memory_space<vmem>>
        %dma_wait3A_386 = tpu.memref_squeeze %dma_wait3A_385 : memref<1x128xi32, #tpu.memory_space<vmem>> -> memref<128xi32, #tpu.memory_space<vmem>>
        %dma_wait3A_387 = arith.constant 0 : i32
        %dma_wait3A_388 = arith.constant 0 : i32
        %dma_wait3A_389 = tpu.memref_slice %arg14[%dma_wait3A_387, %dma_wait3A_388] : memref<10016x16xf32, #tpu.memory_space<vmem_shared>> -> memref<10016x16xf32, #tpu.memory_space<vmem_shared>>
        tpu.wait_indirect_dma semaphore(%run_scoped3A_371 : memref<!tpu.dma_semaphore, #tpu.memory_space<semaphore_mem>>) src(%dma_wait3A_383 : memref<128x16xf32, #tpu.memory_space<vmem>>) dst(%dma_wait3A_389 : memref<10016x16xf32, #tpu.memory_space<vmem_shared>>)
        tpu.yield
      }) : () -> ()
      %run_scoped3A_367 = arith.constant 4 : i32
      "tpu.region"() ({
        %run_scoped3A_371 = tpu.sem_alloc : memref<!tpu.dma_semaphore, #tpu.memory_space<semaphore_mem>>
        %dma_start3A_372 = arith.constant 512 : i32
        %dma_start3A_373 = arith.constant 0 : i32
        %dma_start3A_374 = tpu.memref_slice %arg13[%dma_start3A_372, %dma_start3A_373] : memref<1024x16xf32, #tpu.memory_space<vmem>> -> memref<128x16xf32, #tpu.memory_space<vmem>>
        %dma_start3A_375 = arith.constant 0 : i32
        %dma_start3A_376 = tpu.memref_slice %arg10[%run_scoped3A_367, %dma_start3A_375] : memref<8x128xi32, #tpu.memory_space<vmem>> -> memref<1x128xi32, #tpu.memory_space<vmem>>
        %dma_start3A_377 = tpu.memref_squeeze %dma_start3A_376 : memref<1x128xi32, #tpu.memory_space<vmem>> -> memref<128xi32, #tpu.memory_space<vmem>>
        %dma_start3A_378 = arith.constant 0 : i32
        %dma_start3A_379 = arith.constant 0 : i32
        %dma_start3A_380 = tpu.memref_slice %arg14[%dma_start3A_378, %dma_start3A_379] : memref<10016x16xf32, #tpu.memory_space<vmem_shared>> -> memref<10016x16xf32, #tpu.memory_space<vmem_shared>>
        tpu.enqueue_indirect_dma source(%dma_start3A_374 : memref<128x16xf32, #tpu.memory_space<vmem>>) target(%dma_start3A_380 : memref<10016x16xf32, #tpu.memory_space<vmem_shared>>) offsets(%dma_start3A_377 : memref<128xi32, #tpu.memory_space<vmem>>) semaphore(%run_scoped3A_371 : memref<!tpu.dma_semaphore, #tpu.memory_space<semaphore_mem>>) {add = true}
        %dma_wait3A_381 = arith.constant 512 : i32
        %dma_wait3A_382 = arith.constant 0 : i32
        %dma_wait3A_383 = tpu.memref_slice %arg13[%dma_wait3A_381, %dma_wait3A_382] : memref<1024x16xf32, #tpu.memory_space<vmem>> -> memref<128x16xf32, #tpu.memory_space<vmem>>
        %dma_wait3A_384 = arith.constant 0 : i32
        %dma_wait3A_385 = tpu.memref_slice %arg10[%run_scoped3A_367, %dma_wait3A_384] : memref<8x128xi32, #tpu.memory_space<vmem>> -> memref<1x128xi32, #tpu.memory_space<vmem>>
        %dma_wait3A_386 = tpu.memref_squeeze %dma_wait3A_385 : memref<1x128xi32, #tpu.memory_space<vmem>> -> memref<128xi32, #tpu.memory_space<vmem>>
        %dma_wait3A_387 = arith.constant 0 : i32
        %dma_wait3A_388 = arith.constant 0 : i32
        %dma_wait3A_389 = tpu.memref_slice %arg14[%dma_wait3A_387, %dma_wait3A_388] : memref<10016x16xf32, #tpu.memory_space<vmem_shared>> -> memref<10016x16xf32, #tpu.memory_space<vmem_shared>>
        tpu.wait_indirect_dma semaphore(%run_scoped3A_371 : memref<!tpu.dma_semaphore, #tpu.memory_space<semaphore_mem>>) src(%dma_wait3A_383 : memref<128x16xf32, #tpu.memory_space<vmem>>) dst(%dma_wait3A_389 : memref<10016x16xf32, #tpu.memory_space<vmem_shared>>)
        tpu.yield
      }) : () -> ()
      %run_scoped3A_368 = arith.constant 5 : i32
      "tpu.region"() ({
        %run_scoped3A_371 = tpu.sem_alloc : memref<!tpu.dma_semaphore, #tpu.memory_space<semaphore_mem>>
        %dma_start3A_372 = arith.constant 640 : i32
        %dma_start3A_373 = arith.constant 0 : i32
        %dma_start3A_374 = tpu.memref_slice %arg13[%dma_start3A_372, %dma_start3A_373] : memref<1024x16xf32, #tpu.memory_space<vmem>> -> memref<128x16xf32, #tpu.memory_space<vmem>>
        %dma_start3A_375 = arith.constant 0 : i32
        %dma_start3A_376 = tpu.memref_slice %arg10[%run_scoped3A_368, %dma_start3A_375] : memref<8x128xi32, #tpu.memory_space<vmem>> -> memref<1x128xi32, #tpu.memory_space<vmem>>
        %dma_start3A_377 = tpu.memref_squeeze %dma_start3A_376 : memref<1x128xi32, #tpu.memory_space<vmem>> -> memref<128xi32, #tpu.memory_space<vmem>>
        %dma_start3A_378 = arith.constant 0 : i32
        %dma_start3A_379 = arith.constant 0 : i32
        %dma_start3A_380 = tpu.memref_slice %arg14[%dma_start3A_378, %dma_start3A_379] : memref<10016x16xf32, #tpu.memory_space<vmem_shared>> -> memref<10016x16xf32, #tpu.memory_space<vmem_shared>>
        tpu.enqueue_indirect_dma source(%dma_start3A_374 : memref<128x16xf32, #tpu.memory_space<vmem>>) target(%dma_start3A_380 : memref<10016x16xf32, #tpu.memory_space<vmem_shared>>) offsets(%dma_start3A_377 : memref<128xi32, #tpu.memory_space<vmem>>) semaphore(%run_scoped3A_371 : memref<!tpu.dma_semaphore, #tpu.memory_space<semaphore_mem>>) {add = true}
        %dma_wait3A_381 = arith.constant 640 : i32
        %dma_wait3A_382 = arith.constant 0 : i32
        %dma_wait3A_383 = tpu.memref_slice %arg13[%dma_wait3A_381, %dma_wait3A_382] : memref<1024x16xf32, #tpu.memory_space<vmem>> -> memref<128x16xf32, #tpu.memory_space<vmem>>
        %dma_wait3A_384 = arith.constant 0 : i32
        %dma_wait3A_385 = tpu.memref_slice %arg10[%run_scoped3A_368, %dma_wait3A_384] : memref<8x128xi32, #tpu.memory_space<vmem>> -> memref<1x128xi32, #tpu.memory_space<vmem>>
        %dma_wait3A_386 = tpu.memref_squeeze %dma_wait3A_385 : memref<1x128xi32, #tpu.memory_space<vmem>> -> memref<128xi32, #tpu.memory_space<vmem>>
        %dma_wait3A_387 = arith.constant 0 : i32
        %dma_wait3A_388 = arith.constant 0 : i32
        %dma_wait3A_389 = tpu.memref_slice %arg14[%dma_wait3A_387, %dma_wait3A_388] : memref<10016x16xf32, #tpu.memory_space<vmem_shared>> -> memref<10016x16xf32, #tpu.memory_space<vmem_shared>>
        tpu.wait_indirect_dma semaphore(%run_scoped3A_371 : memref<!tpu.dma_semaphore, #tpu.memory_space<semaphore_mem>>) src(%dma_wait3A_383 : memref<128x16xf32, #tpu.memory_space<vmem>>) dst(%dma_wait3A_389 : memref<10016x16xf32, #tpu.memory_space<vmem_shared>>)
        tpu.yield
      }) : () -> ()
      %run_scoped3A_369 = arith.constant 6 : i32
      "tpu.region"() ({
        %run_scoped3A_371 = tpu.sem_alloc : memref<!tpu.dma_semaphore, #tpu.memory_space<semaphore_mem>>
        %dma_start3A_372 = arith.constant 768 : i32
        %dma_start3A_373 = arith.constant 0 : i32
        %dma_start3A_374 = tpu.memref_slice %arg13[%dma_start3A_372, %dma_start3A_373] : memref<1024x16xf32, #tpu.memory_space<vmem>> -> memref<128x16xf32, #tpu.memory_space<vmem>>
        %dma_start3A_375 = arith.constant 0 : i32
        %dma_start3A_376 = tpu.memref_slice %arg10[%run_scoped3A_369, %dma_start3A_375] : memref<8x128xi32, #tpu.memory_space<vmem>> -> memref<1x128xi32, #tpu.memory_space<vmem>>
        %dma_start3A_377 = tpu.memref_squeeze %dma_start3A_376 : memref<1x128xi32, #tpu.memory_space<vmem>> -> memref<128xi32, #tpu.memory_space<vmem>>
        %dma_start3A_378 = arith.constant 0 : i32
        %dma_start3A_379 = arith.constant 0 : i32
        %dma_start3A_380 = tpu.memref_slice %arg14[%dma_start3A_378, %dma_start3A_379] : memref<10016x16xf32, #tpu.memory_space<vmem_shared>> -> memref<10016x16xf32, #tpu.memory_space<vmem_shared>>
        tpu.enqueue_indirect_dma source(%dma_start3A_374 : memref<128x16xf32, #tpu.memory_space<vmem>>) target(%dma_start3A_380 : memref<10016x16xf32, #tpu.memory_space<vmem_shared>>) offsets(%dma_start3A_377 : memref<128xi32, #tpu.memory_space<vmem>>) semaphore(%run_scoped3A_371 : memref<!tpu.dma_semaphore, #tpu.memory_space<semaphore_mem>>) {add = true}
        %dma_wait3A_381 = arith.constant 768 : i32
        %dma_wait3A_382 = arith.constant 0 : i32
        %dma_wait3A_383 = tpu.memref_slice %arg13[%dma_wait3A_381, %dma_wait3A_382] : memref<1024x16xf32, #tpu.memory_space<vmem>> -> memref<128x16xf32, #tpu.memory_space<vmem>>
        %dma_wait3A_384 = arith.constant 0 : i32
        %dma_wait3A_385 = tpu.memref_slice %arg10[%run_scoped3A_369, %dma_wait3A_384] : memref<8x128xi32, #tpu.memory_space<vmem>> -> memref<1x128xi32, #tpu.memory_space<vmem>>
        %dma_wait3A_386 = tpu.memref_squeeze %dma_wait3A_385 : memref<1x128xi32, #tpu.memory_space<vmem>> -> memref<128xi32, #tpu.memory_space<vmem>>
        %dma_wait3A_387 = arith.constant 0 : i32
        %dma_wait3A_388 = arith.constant 0 : i32
        %dma_wait3A_389 = tpu.memref_slice %arg14[%dma_wait3A_387, %dma_wait3A_388] : memref<10016x16xf32, #tpu.memory_space<vmem_shared>> -> memref<10016x16xf32, #tpu.memory_space<vmem_shared>>
        tpu.wait_indirect_dma semaphore(%run_scoped3A_371 : memref<!tpu.dma_semaphore, #tpu.memory_space<semaphore_mem>>) src(%dma_wait3A_383 : memref<128x16xf32, #tpu.memory_space<vmem>>) dst(%dma_wait3A_389 : memref<10016x16xf32, #tpu.memory_space<vmem_shared>>)
        tpu.yield
      }) : () -> ()
      %run_scoped3A_370 = arith.constant 7 : i32
      "tpu.region"() ({
        %run_scoped3A_371 = tpu.sem_alloc : memref<!tpu.dma_semaphore, #tpu.memory_space<semaphore_mem>>
        %dma_start3A_372 = arith.constant 896 : i32
        %dma_start3A_373 = arith.constant 0 : i32
        %dma_start3A_374 = tpu.memref_slice %arg13[%dma_start3A_372, %dma_start3A_373] : memref<1024x16xf32, #tpu.memory_space<vmem>> -> memref<128x16xf32, #tpu.memory_space<vmem>>
        %dma_start3A_375 = arith.constant 0 : i32
        %dma_start3A_376 = tpu.memref_slice %arg10[%run_scoped3A_370, %dma_start3A_375] : memref<8x128xi32, #tpu.memory_space<vmem>> -> memref<1x128xi32, #tpu.memory_space<vmem>>
        %dma_start3A_377 = tpu.memref_squeeze %dma_start3A_376 : memref<1x128xi32, #tpu.memory_space<vmem>> -> memref<128xi32, #tpu.memory_space<vmem>>
        %dma_start3A_378 = arith.constant 0 : i32
        %dma_start3A_379 = arith.constant 0 : i32
        %dma_start3A_380 = tpu.memref_slice %arg14[%dma_start3A_378, %dma_start3A_379] : memref<10016x16xf32, #tpu.memory_space<vmem_shared>> -> memref<10016x16xf32, #tpu.memory_space<vmem_shared>>
        tpu.enqueue_indirect_dma source(%dma_start3A_374 : memref<128x16xf32, #tpu.memory_space<vmem>>) target(%dma_start3A_380 : memref<10016x16xf32, #tpu.memory_space<vmem_shared>>) offsets(%dma_start3A_377 : memref<128xi32, #tpu.memory_space<vmem>>) semaphore(%run_scoped3A_371 : memref<!tpu.dma_semaphore, #tpu.memory_space<semaphore_mem>>) {add = true}
        %dma_wait3A_381 = arith.constant 896 : i32
        %dma_wait3A_382 = arith.constant 0 : i32
        %dma_wait3A_383 = tpu.memref_slice %arg13[%dma_wait3A_381, %dma_wait3A_382] : memref<1024x16xf32, #tpu.memory_space<vmem>> -> memref<128x16xf32, #tpu.memory_space<vmem>>
        %dma_wait3A_384 = arith.constant 0 : i32
        %dma_wait3A_385 = tpu.memref_slice %arg10[%run_scoped3A_370, %dma_wait3A_384] : memref<8x128xi32, #tpu.memory_space<vmem>> -> memref<1x128xi32, #tpu.memory_space<vmem>>
        %dma_wait3A_386 = tpu.memref_squeeze %dma_wait3A_385 : memref<1x128xi32, #tpu.memory_space<vmem>> -> memref<128xi32, #tpu.memory_space<vmem>>
        %dma_wait3A_387 = arith.constant 0 : i32
        %dma_wait3A_388 = arith.constant 0 : i32
        %dma_wait3A_389 = tpu.memref_slice %arg14[%dma_wait3A_387, %dma_wait3A_388] : memref<10016x16xf32, #tpu.memory_space<vmem_shared>> -> memref<10016x16xf32, #tpu.memory_space<vmem_shared>>
        tpu.wait_indirect_dma semaphore(%run_scoped3A_371 : memref<!tpu.dma_semaphore, #tpu.memory_space<semaphore_mem>>) src(%dma_wait3A_383 : memref<128x16xf32, #tpu.memory_space<vmem>>) dst(%dma_wait3A_389 : memref<10016x16xf32, #tpu.memory_space<vmem_shared>>)
        tpu.yield
      }) : () -> ()
    }
    %scan3A_10 = arith.constant 10 : i32
    %barrier3A_11 = arith.constant 0 : index
    tpu.barrier barrier_id(%barrier3A_11)
    %mul3A_12 = arith.constant 625 : i32
    %mul3A_13 = arith.muli %arg1, %mul3A_12 : i32
    %mul3A_14 = arith.constant 10000 : i32
    %mul3A_15 = arith.muli %arg0, %mul3A_14 : i32
    %mul3A_16 = arith.constant 625 : i32
    %mul3A_17 = arith.muli %arg1, %mul3A_16 : i32
    %add3A_18 = arith.addi %mul3A_15, %mul3A_17 : i32
    "tpu.region"() ({
      %run_scoped3A = tpu.sem_alloc : memref<!tpu.dma_semaphore, #tpu.memory_space<semaphore_mem>>
      %dma_start3A = arith.constant 0 : i32
      %dma_start3A_19 = tpu.memref_slice %arg8[%add3A_18, %dma_start3A] : memref<20000x16xf32, #tpu.memory_space<hbm>> -> memref<625x16xf32, #tpu.memory_space<hbm>>
      %dma_start3A_20 = arith.constant 0 : i32
      %dma_start3A_21 = tpu.memref_slice %arg14[%mul3A_13, %dma_start3A_20] : memref<10016x16xf32, #tpu.memory_space<vmem_shared>> -> memref<625x16xf32, #tpu.memory_space<vmem_shared>>
      tpu.enqueue_dma source(%dma_start3A_21 : memref<625x16xf32, #tpu.memory_space<vmem_shared>>) target(%dma_start3A_19 : memref<625x16xf32, #tpu.memory_space<hbm>>) target_semaphore(%run_scoped3A : memref<!tpu.dma_semaphore, #tpu.memory_space<semaphore_mem>>)
      %dma_wait3A = arith.constant 0 : i32
      %dma_wait3A_22 = tpu.memref_slice %arg8[%add3A_18, %dma_wait3A] : memref<20000x16xf32, #tpu.memory_space<hbm>> -> memref<625x16xf32, #tpu.memory_space<hbm>>
      %dma_wait3A_23 = arith.constant 0 : i32
      %dma_wait3A_24 = tpu.memref_slice %arg14[%mul3A_13, %dma_wait3A_23] : memref<10016x16xf32, #tpu.memory_space<vmem_shared>> -> memref<625x16xf32, #tpu.memory_space<vmem_shared>>
      tpu.wait_dma2 semaphore(%run_scoped3A : memref<!tpu.dma_semaphore, #tpu.memory_space<semaphore_mem>>) src(%dma_wait3A_24 : memref<625x16xf32, #tpu.memory_space<vmem_shared>>) dst(%dma_wait3A_22 : memref<625x16xf32, #tpu.memory_space<hbm>>)
      tpu.yield
    }) : () -> ()
    return
  }
}

#map = affine_map<(d0, d1) -> (0, 0)>
module attributes {stable_mosaic.version = 14 : i64} {
  func.func @akernel(%arg0: i32, %arg1: i32, %arg2: memref<20000x64xf32, #tpu.memory_space<hbm>>, %arg3: memref<2560x128xi32, #tpu.memory_space<hbm>>, %arg4: memref<2560x128xi32, #tpu.memory_space<hbm>>, %arg5: memref<327680x16xf32, #tpu.memory_space<hbm>>, %arg6: memref<10016x64xf32, #tpu.memory_space<hbm>>, %arg7: memref<20000x64xf32, #tpu.memory_space<hbm>>, %arg8: memref<4x128xi32, #tpu.memory_space<vmem>>, %arg9: memref<4x128xi32, #tpu.memory_space<vmem>>, %arg10: memref<4x128xi32, #tpu.memory_space<vmem>>, %arg11: memref<512x16xf32, #tpu.memory_space<vmem>>, %arg12: memref<512x64xf32, #tpu.memory_space<vmem>>, %arg13: memref<10016x64xf32, #tpu.memory_space<vmem_shared>>, %arg14: memref<!tpu.dma_semaphore, #tpu.memory_space<semaphore_mem>>) attributes {dimension_semantics = [#tpu.dimension_semantics<core_parallel>, #tpu.dimension_semantics<subcore_parallel>], iteration_bounds = array<i64: 2, 16>, scalar_prefetch = 0 : i64, scratch_operands = 7 : i64, tpu.core_type = #tpu.core_type<sc_vector_subcore>, window_params = [{transform_indices = #map}, {transform_indices = #map}, {transform_indices = #map}, {transform_indices = #map}, {transform_indices = #map}, {transform_indices = #map}]} {
    %mul3A = arith.constant 20480 : i32
    %mul3A_0 = arith.muli %arg1, %mul3A : i32
    %mul3A_1 = arith.constant 1 : i32
    %mul3A_2 = arith.muli %arg0, %mul3A_1 : i32
    %add3A = arith.constant 0 : i32
    %add3A_3 = arith.addi %mul3A_2, %add3A : i32
    %mul3A_4 = arith.constant 626 : i32
    %mul3A_5 = arith.muli %arg1, %mul3A_4 : i32
    %mul3A_6 = arith.constant 626 : i32
    %mul3A_7 = arith.muli %arg1, %mul3A_6 : i32
    "tpu.region"() ({
      %run_scoped3A = tpu.sem_alloc : memref<!tpu.dma_semaphore, #tpu.memory_space<semaphore_mem>>
      %dma_start3A = arith.constant 0 : i32
      %dma_start3A_21 = tpu.memref_slice %arg13[%mul3A_7, %dma_start3A] : memref<10016x64xf32, #tpu.memory_space<vmem_shared>> -> memref<626x64xf32, #tpu.memory_space<vmem_shared>>
      %dma_start3A_22 = arith.constant 0 : i32
      %dma_start3A_23 = tpu.memref_slice %arg6[%mul3A_5, %dma_start3A_22] : memref<10016x64xf32, #tpu.memory_space<hbm>> -> memref<626x64xf32, #tpu.memory_space<hbm>>
      tpu.enqueue_dma source(%dma_start3A_23 : memref<626x64xf32, #tpu.memory_space<hbm>>) target(%dma_start3A_21 : memref<626x64xf32, #tpu.memory_space<vmem_shared>>) target_semaphore(%run_scoped3A : memref<!tpu.dma_semaphore, #tpu.memory_space<semaphore_mem>>)
      %dma_wait3A = arith.constant 0 : i32
      %dma_wait3A_24 = tpu.memref_slice %arg13[%mul3A_7, %dma_wait3A] : memref<10016x64xf32, #tpu.memory_space<vmem_shared>> -> memref<626x64xf32, #tpu.memory_space<vmem_shared>>
      %dma_wait3A_25 = arith.constant 0 : i32
      %dma_wait3A_26 = tpu.memref_slice %arg6[%mul3A_5, %dma_wait3A_25] : memref<10016x64xf32, #tpu.memory_space<hbm>> -> memref<626x64xf32, #tpu.memory_space<hbm>>
      tpu.wait_dma2 semaphore(%run_scoped3A : memref<!tpu.dma_semaphore, #tpu.memory_space<semaphore_mem>>) src(%dma_wait3A_26 : memref<626x64xf32, #tpu.memory_space<hbm>>) dst(%dma_wait3A_24 : memref<626x64xf32, #tpu.memory_space<vmem_shared>>)
      tpu.yield
    }) : () -> ()
    %barrier3A = arith.constant 0 : index
    tpu.barrier barrier_id(%barrier3A)
    %scan3A = arith.constant 0 : i32
    %scan3A_8 = arith.constant 40 : i32
    %scan3A_9 = arith.addi %scan3A, %scan3A_8 : i32
    %scan3A_10 = arith.constant 1 : i32
    scf.for %scan3A_21 = %scan3A to %scan3A_9 step %scan3A_10  : i32 {
      %mul3A_22 = arith.constant 512 : i32
      %mul3A_23 = arith.muli %scan3A_21, %mul3A_22 : i32
      %add3A_24 = arith.constant 0 : i32
      %add3A_25 = arith.addi %add3A_24, %mul3A_23 : i32
      %add3A_26 = arith.addi %mul3A_0, %add3A_25 : i32
      %jit3A = arith.constant 128 : i32
      %div3A = arith.divsi %add3A_26, %jit3A : i32
      %sign3A = arith.constant 0 : i32
      %sign3A_27 = arith.cmpi sgt, %add3A_26, %sign3A : i32
      %sign3A_28 = arith.extui %sign3A_27 : i1 to i32
      %sign3A_29 = arith.constant 0 : i32
      %sign3A_30 = arith.cmpi slt, %add3A_26, %sign3A_29 : i32
      %sign3A_31 = arith.extui %sign3A_30 : i1 to i32
      %sign3A_32 = arith.subi %sign3A_28, %sign3A_31 : i32
      %sign3A_33 = arith.constant 0 : i32
      %sign3A_34 = arith.cmpi sgt, %jit3A, %sign3A_33 : i32
      %sign3A_35 = arith.extui %sign3A_34 : i1 to i32
      %sign3A_36 = arith.constant 0 : i32
      %sign3A_37 = arith.cmpi slt, %jit3A, %sign3A_36 : i32
      %sign3A_38 = arith.extui %sign3A_37 : i1 to i32
      %sign3A_39 = arith.subi %sign3A_35, %sign3A_38 : i32
      %ne3A = arith.cmpi ne, %sign3A_32, %sign3A_39 : i32
      %rem3A = arith.remsi %add3A_26, %jit3A : i32
      %ne3A_40 = arith.constant 0 : i32
      %ne3A_41 = arith.cmpi ne, %rem3A, %ne3A_40 : i32
      %and3A = arith.andi %ne3A, %ne3A_41 : i1
      %sub3A = arith.constant 1 : i32
      %sub3A_42 = arith.subi %div3A, %sub3A : i32
      %select_n3A = arith.select %and3A, %sub3A_42, %div3A : i32
      "tpu.region"() ({
        %run_scoped3A_134 = tpu.sem_alloc : memref<!tpu.dma_semaphore, #tpu.memory_space<semaphore_mem>>
        %dma_start3A_135 = arith.constant 0 : i32
        %dma_start3A_136 = tpu.memref_slice %arg3[%select_n3A, %dma_start3A_135] : memref<2560x128xi32, #tpu.memory_space<hbm>> -> memref<4x128xi32, #tpu.memory_space<hbm>>
        %dma_start3A_137 = arith.constant 0 : i32
        %dma_start3A_138 = tpu.memref_slice %arg3[%select_n3A, %dma_start3A_137] : memref<2560x128xi32, #tpu.memory_space<hbm>> -> memref<4x128xi32, #tpu.memory_space<hbm>>
        tpu.enqueue_dma source(%dma_start3A_138 : memref<4x128xi32, #tpu.memory_space<hbm>>) target(%arg8 : memref<4x128xi32, #tpu.memory_space<vmem>>) target_semaphore(%run_scoped3A_134 : memref<!tpu.dma_semaphore, #tpu.memory_space<semaphore_mem>>)
        %dma_wait3A_139 = arith.constant 0 : i32
        %dma_wait3A_140 = tpu.memref_slice %arg3[%select_n3A, %dma_wait3A_139] : memref<2560x128xi32, #tpu.memory_space<hbm>> -> memref<4x128xi32, #tpu.memory_space<hbm>>
        %dma_wait3A_141 = arith.constant 0 : i32
        %dma_wait3A_142 = tpu.memref_slice %arg3[%select_n3A, %dma_wait3A_141] : memref<2560x128xi32, #tpu.memory_space<hbm>> -> memref<4x128xi32, #tpu.memory_space<hbm>>
        tpu.wait_dma2 semaphore(%run_scoped3A_134 : memref<!tpu.dma_semaphore, #tpu.memory_space<semaphore_mem>>) src(%dma_wait3A_142 : memref<4x128xi32, #tpu.memory_space<hbm>>) dst(%arg8 : memref<4x128xi32, #tpu.memory_space<vmem>>)
        tpu.yield
      }) : () -> ()
      "tpu.region"() ({
        %run_scoped3A_134 = tpu.sem_alloc : memref<!tpu.dma_semaphore, #tpu.memory_space<semaphore_mem>>
        %dma_start3A_135 = arith.constant 0 : i32
        %dma_start3A_136 = tpu.memref_slice %arg4[%select_n3A, %dma_start3A_135] : memref<2560x128xi32, #tpu.memory_space<hbm>> -> memref<4x128xi32, #tpu.memory_space<hbm>>
        %dma_start3A_137 = arith.constant 0 : i32
        %dma_start3A_138 = tpu.memref_slice %arg4[%select_n3A, %dma_start3A_137] : memref<2560x128xi32, #tpu.memory_space<hbm>> -> memref<4x128xi32, #tpu.memory_space<hbm>>
        tpu.enqueue_dma source(%dma_start3A_138 : memref<4x128xi32, #tpu.memory_space<hbm>>) target(%arg9 : memref<4x128xi32, #tpu.memory_space<vmem>>) target_semaphore(%run_scoped3A_134 : memref<!tpu.dma_semaphore, #tpu.memory_space<semaphore_mem>>)
        %dma_wait3A_139 = arith.constant 0 : i32
        %dma_wait3A_140 = tpu.memref_slice %arg4[%select_n3A, %dma_wait3A_139] : memref<2560x128xi32, #tpu.memory_space<hbm>> -> memref<4x128xi32, #tpu.memory_space<hbm>>
        %dma_wait3A_141 = arith.constant 0 : i32
        %dma_wait3A_142 = tpu.memref_slice %arg4[%select_n3A, %dma_wait3A_141] : memref<2560x128xi32, #tpu.memory_space<hbm>> -> memref<4x128xi32, #tpu.memory_space<hbm>>
        tpu.wait_dma2 semaphore(%run_scoped3A_134 : memref<!tpu.dma_semaphore, #tpu.memory_space<semaphore_mem>>) src(%dma_wait3A_142 : memref<4x128xi32, #tpu.memory_space<hbm>>) dst(%arg9 : memref<4x128xi32, #tpu.memory_space<vmem>>)
        tpu.yield
      }) : () -> ()
      "tpu.region"() ({
        %run_scoped3A_134 = tpu.sem_alloc : memref<!tpu.dma_semaphore, #tpu.memory_space<semaphore_mem>>
        %dma_start3A_135 = arith.constant 0 : i32
        %dma_start3A_136 = tpu.memref_slice %arg5[%add3A_26, %dma_start3A_135] : memref<327680x16xf32, #tpu.memory_space<hbm>> -> memref<512x16xf32, #tpu.memory_space<hbm>>
        %dma_start3A_137 = arith.constant 0 : i32
        %dma_start3A_138 = tpu.memref_slice %arg5[%add3A_26, %dma_start3A_137] : memref<327680x16xf32, #tpu.memory_space<hbm>> -> memref<512x16xf32, #tpu.memory_space<hbm>>
        tpu.enqueue_dma source(%dma_start3A_138 : memref<512x16xf32, #tpu.memory_space<hbm>>) target(%arg11 : memref<512x16xf32, #tpu.memory_space<vmem>>) target_semaphore(%run_scoped3A_134 : memref<!tpu.dma_semaphore, #tpu.memory_space<semaphore_mem>>)
        %dma_wait3A_139 = arith.constant 0 : i32
        %dma_wait3A_140 = tpu.memref_slice %arg5[%add3A_26, %dma_wait3A_139] : memref<327680x16xf32, #tpu.memory_space<hbm>> -> memref<512x16xf32, #tpu.memory_space<hbm>>
        %dma_wait3A_141 = arith.constant 0 : i32
        %dma_wait3A_142 = tpu.memref_slice %arg5[%add3A_26, %dma_wait3A_141] : memref<327680x16xf32, #tpu.memory_space<hbm>> -> memref<512x16xf32, #tpu.memory_space<hbm>>
        tpu.wait_dma2 semaphore(%run_scoped3A_134 : memref<!tpu.dma_semaphore, #tpu.memory_space<semaphore_mem>>) src(%dma_wait3A_142 : memref<512x16xf32, #tpu.memory_space<hbm>>) dst(%arg11 : memref<512x16xf32, #tpu.memory_space<vmem>>)
        tpu.yield
      }) : () -> ()
      %scan3A_43 = arith.constant 0 : i32
      %scan3A_44 = arith.constant 4 : i32
      %scan3A_45 = arith.addi %scan3A_43, %scan3A_44 : i32
      %scan3A_46 = arith.constant 1 : i32
      scf.for %scan3A_134 = %scan3A_43 to %scan3A_45 step %scan3A_46  : i32 {
        %mul3A_135 = arith.constant 1 : i32
        %mul3A_136 = arith.muli %scan3A_134, %mul3A_135 : i32
        %add3A_137 = arith.constant 0 : i32
        %add3A_138 = arith.addi %add3A_137, %mul3A_136 : i32
        %scan3A_139 = arith.constant 0 : i32
        %scan3A_140 = arith.constant 8 : i32
        %scan3A_141 = arith.addi %scan3A_139, %scan3A_140 : i32
        %scan3A_142 = arith.constant 1 : i32
        scf.for %scan3A_144 = %scan3A_139 to %scan3A_141 step %scan3A_142  : i32 {
          %mul3A_145 = arith.constant 16 : i32
          %mul3A_146 = arith.muli %scan3A_144, %mul3A_145 : i32
          %add3A_147 = arith.constant 0 : i32
          %add3A_148 = arith.addi %add3A_147, %mul3A_146 : i32
          %get3A = arith.index_cast %add3A_138 : i32 to index
          %get3A_149 = arith.index_cast %add3A_148 : i32 to index
          %get3A_150 = tpu.vector_load %arg8[%get3A, %get3A_149] {strides = array<i32>} : memref<4x128xi32, #tpu.memory_space<vmem>>, vector<1x16xi32>,
          %get3A_151 = vector.shape_cast %get3A_150 : vector<1x16xi32> to vector<16xi32>
          %mul3A_152 = arith.constant 2 : i32
          %mul3A_153 = vector.broadcast %mul3A_152 : i32 to vector<16xi32>
          %mul3A_154 = arith.muli %get3A_151, %mul3A_153 : vector<16xi32>
          %add3A_155 = vector.broadcast %add3A_3 : i32 to vector<16xi32>
          %add3A_156 = arith.addi %mul3A_154, %add3A_155 : vector<16xi32>
          %swap3A = arith.index_cast %add3A_138 : i32 to index
          %swap3A_157 = arith.index_cast %add3A_148 : i32 to index
          %swap3A_158 = tpu.vector_load %arg10[%swap3A, %swap3A_157] {strides = array<i32>} : memref<4x128xi32, #tpu.memory_space<vmem>>, vector<1x16xi32>,
          %swap3A_159 = vector.shape_cast %swap3A_158 : vector<1x16xi32> to vector<16xi32>
          %swap3A_160 = vector.shape_cast %add3A_156 : vector<16xi32> to vector<1x16xi32>
          tpu.vector_store %arg10[%swap3A, %swap3A_157], %swap3A_160 {strides = array<i32>} : memref<4x128xi32, #tpu.memory_space<vmem>>, vector<1x16xi32>,
        }
        %scan3A_143 = arith.constant 8 : i32
      }
      %scan3A_47 = arith.constant 4 : i32
      %dma_start3A = arith.constant 0 : i32
      %dma_start3A_48 = arith.constant 0 : i32
      %dma_start3A_49 = arith.constant 0 : i32
      %dma_start3A_50 = tpu.memref_slice %arg12[%dma_start3A_48, %dma_start3A_49] : memref<512x64xf32, #tpu.memory_space<vmem>> -> memref<128x64xf32, #tpu.memory_space<vmem>>
      %dma_start3A_51 = arith.constant 0 : i32
      %dma_start3A_52 = tpu.memref_slice %arg10[%dma_start3A, %dma_start3A_51] : memref<4x128xi32, #tpu.memory_space<vmem>> -> memref<1x128xi32, #tpu.memory_space<vmem>>
      %dma_start3A_53 = tpu.memref_squeeze %dma_start3A_52 : memref<1x128xi32, #tpu.memory_space<vmem>> -> memref<128xi32, #tpu.memory_space<vmem>>
      %dma_start3A_54 = arith.constant 0 : i32
      %dma_start3A_55 = arith.constant 0 : i32
      %dma_start3A_56 = tpu.memref_slice %arg2[%dma_start3A_54, %dma_start3A_55] : memref<20000x64xf32, #tpu.memory_space<hbm>> -> memref<20000x64xf32, #tpu.memory_space<hbm>>
      tpu.enqueue_indirect_dma source(%dma_start3A_56 : memref<20000x64xf32, #tpu.memory_space<hbm>>) target(%dma_start3A_50 : memref<128x64xf32, #tpu.memory_space<vmem>>) offsets(%dma_start3A_53 : memref<128xi32, #tpu.memory_space<vmem>>) semaphore(%arg14 : memref<!tpu.dma_semaphore, #tpu.memory_space<semaphore_mem>>)
      %dma_start3A_57 = arith.constant 1 : i32
      %dma_start3A_58 = arith.constant 128 : i32
      %dma_start3A_59 = arith.constant 0 : i32
      %dma_start3A_60 = tpu.memref_slice %arg12[%dma_start3A_58, %dma_start3A_59] : memref<512x64xf32, #tpu.memory_space<vmem>> -> memref<128x64xf32, #tpu.memory_space<vmem>>
      %dma_start3A_61 = arith.constant 0 : i32
      %dma_start3A_62 = tpu.memref_slice %arg10[%dma_start3A_57, %dma_start3A_61] : memref<4x128xi32, #tpu.memory_space<vmem>> -> memref<1x128xi32, #tpu.memory_space<vmem>>
      %dma_start3A_63 = tpu.memref_squeeze %dma_start3A_62 : memref<1x128xi32, #tpu.memory_space<vmem>> -> memref<128xi32, #tpu.memory_space<vmem>>
      %dma_start3A_64 = arith.constant 0 : i32
      %dma_start3A_65 = arith.constant 0 : i32
      %dma_start3A_66 = tpu.memref_slice %arg2[%dma_start3A_64, %dma_start3A_65] : memref<20000x64xf32, #tpu.memory_space<hbm>> -> memref<20000x64xf32, #tpu.memory_space<hbm>>
      tpu.enqueue_indirect_dma source(%dma_start3A_66 : memref<20000x64xf32, #tpu.memory_space<hbm>>) target(%dma_start3A_60 : memref<128x64xf32, #tpu.memory_space<vmem>>) offsets(%dma_start3A_63 : memref<128xi32, #tpu.memory_space<vmem>>) semaphore(%arg14 : memref<!tpu.dma_semaphore, #tpu.memory_space<semaphore_mem>>)
      %dma_start3A_67 = arith.constant 2 : i32
      %dma_start3A_68 = arith.constant 256 : i32
      %dma_start3A_69 = arith.constant 0 : i32
      %dma_start3A_70 = tpu.memref_slice %arg12[%dma_start3A_68, %dma_start3A_69] : memref<512x64xf32, #tpu.memory_space<vmem>> -> memref<128x64xf32, #tpu.memory_space<vmem>>
      %dma_start3A_71 = arith.constant 0 : i32
      %dma_start3A_72 = tpu.memref_slice %arg10[%dma_start3A_67, %dma_start3A_71] : memref<4x128xi32, #tpu.memory_space<vmem>> -> memref<1x128xi32, #tpu.memory_space<vmem>>
      %dma_start3A_73 = tpu.memref_squeeze %dma_start3A_72 : memref<1x128xi32, #tpu.memory_space<vmem>> -> memref<128xi32, #tpu.memory_space<vmem>>
      %dma_start3A_74 = arith.constant 0 : i32
      %dma_start3A_75 = arith.constant 0 : i32
      %dma_start3A_76 = tpu.memref_slice %arg2[%dma_start3A_74, %dma_start3A_75] : memref<20000x64xf32, #tpu.memory_space<hbm>> -> memref<20000x64xf32, #tpu.memory_space<hbm>>
      tpu.enqueue_indirect_dma source(%dma_start3A_76 : memref<20000x64xf32, #tpu.memory_space<hbm>>) target(%dma_start3A_70 : memref<128x64xf32, #tpu.memory_space<vmem>>) offsets(%dma_start3A_73 : memref<128xi32, #tpu.memory_space<vmem>>) semaphore(%arg14 : memref<!tpu.dma_semaphore, #tpu.memory_space<semaphore_mem>>)
      %dma_start3A_77 = arith.constant 3 : i32
      %dma_start3A_78 = arith.constant 384 : i32
      %dma_start3A_79 = arith.constant 0 : i32
      %dma_start3A_80 = tpu.memref_slice %arg12[%dma_start3A_78, %dma_start3A_79] : memref<512x64xf32, #tpu.memory_space<vmem>> -> memref<128x64xf32, #tpu.memory_space<vmem>>
      %dma_start3A_81 = arith.constant 0 : i32
      %dma_start3A_82 = tpu.memref_slice %arg10[%dma_start3A_77, %dma_start3A_81] : memref<4x128xi32, #tpu.memory_space<vmem>> -> memref<1x128xi32, #tpu.memory_space<vmem>>
      %dma_start3A_83 = tpu.memref_squeeze %dma_start3A_82 : memref<1x128xi32, #tpu.memory_space<vmem>> -> memref<128xi32, #tpu.memory_space<vmem>>
      %dma_start3A_84 = arith.constant 0 : i32
      %dma_start3A_85 = arith.constant 0 : i32
      %dma_start3A_86 = tpu.memref_slice %arg2[%dma_start3A_84, %dma_start3A_85] : memref<20000x64xf32, #tpu.memory_space<hbm>> -> memref<20000x64xf32, #tpu.memory_space<hbm>>
      tpu.enqueue_indirect_dma source(%dma_start3A_86 : memref<20000x64xf32, #tpu.memory_space<hbm>>) target(%dma_start3A_80 : memref<128x64xf32, #tpu.memory_space<vmem>>) offsets(%dma_start3A_83 : memref<128xi32, #tpu.memory_space<vmem>>) semaphore(%arg14 : memref<!tpu.dma_semaphore, #tpu.memory_space<semaphore_mem>>)
      %dma_wait3A = arith.constant 0 : i32
      %dma_wait3A_87 = arith.constant 0 : i32
      %dma_wait3A_88 = arith.constant 0 : i32
      %dma_wait3A_89 = tpu.memref_slice %arg12[%dma_wait3A_87, %dma_wait3A_88] : memref<512x64xf32, #tpu.memory_space<vmem>> -> memref<128x64xf32, #tpu.memory_space<vmem>>
      %dma_wait3A_90 = arith.constant 0 : i32
      %dma_wait3A_91 = tpu.memref_slice %arg10[%dma_wait3A, %dma_wait3A_90] : memref<4x128xi32, #tpu.memory_space<vmem>> -> memref<1x128xi32, #tpu.memory_space<vmem>>
      %dma_wait3A_92 = tpu.memref_squeeze %dma_wait3A_91 : memref<1x128xi32, #tpu.memory_space<vmem>> -> memref<128xi32, #tpu.memory_space<vmem>>
      %dma_wait3A_93 = arith.constant 0 : i32
      %dma_wait3A_94 = arith.constant 0 : i32
      %dma_wait3A_95 = tpu.memref_slice %arg2[%dma_wait3A_93, %dma_wait3A_94] : memref<20000x64xf32, #tpu.memory_space<hbm>> -> memref<20000x64xf32, #tpu.memory_space<hbm>>
      tpu.wait_indirect_dma semaphore(%arg14 : memref<!tpu.dma_semaphore, #tpu.memory_space<semaphore_mem>>) src(%dma_wait3A_95 : memref<20000x64xf32, #tpu.memory_space<hbm>>) dst(%dma_wait3A_89 : memref<128x64xf32, #tpu.memory_space<vmem>>)
      %dma_wait3A_96 = arith.constant 1 : i32
      %dma_wait3A_97 = arith.constant 128 : i32
      %dma_wait3A_98 = arith.constant 0 : i32
      %dma_wait3A_99 = tpu.memref_slice %arg12[%dma_wait3A_97, %dma_wait3A_98] : memref<512x64xf32, #tpu.memory_space<vmem>> -> memref<128x64xf32, #tpu.memory_space<vmem>>
      %dma_wait3A_100 = arith.constant 0 : i32
      %dma_wait3A_101 = tpu.memref_slice %arg10[%dma_wait3A_96, %dma_wait3A_100] : memref<4x128xi32, #tpu.memory_space<vmem>> -> memref<1x128xi32, #tpu.memory_space<vmem>>
      %dma_wait3A_102 = tpu.memref_squeeze %dma_wait3A_101 : memref<1x128xi32, #tpu.memory_space<vmem>> -> memref<128xi32, #tpu.memory_space<vmem>>
      %dma_wait3A_103 = arith.constant 0 : i32
      %dma_wait3A_104 = arith.constant 0 : i32
      %dma_wait3A_105 = tpu.memref_slice %arg2[%dma_wait3A_103, %dma_wait3A_104] : memref<20000x64xf32, #tpu.memory_space<hbm>> -> memref<20000x64xf32, #tpu.memory_space<hbm>>
      tpu.wait_indirect_dma semaphore(%arg14 : memref<!tpu.dma_semaphore, #tpu.memory_space<semaphore_mem>>) src(%dma_wait3A_105 : memref<20000x64xf32, #tpu.memory_space<hbm>>) dst(%dma_wait3A_99 : memref<128x64xf32, #tpu.memory_space<vmem>>)
      %dma_wait3A_106 = arith.constant 2 : i32
      %dma_wait3A_107 = arith.constant 256 : i32
      %dma_wait3A_108 = arith.constant 0 : i32
      %dma_wait3A_109 = tpu.memref_slice %arg12[%dma_wait3A_107, %dma_wait3A_108] : memref<512x64xf32, #tpu.memory_space<vmem>> -> memref<128x64xf32, #tpu.memory_space<vmem>>
      %dma_wait3A_110 = arith.constant 0 : i32
      %dma_wait3A_111 = tpu.memref_slice %arg10[%dma_wait3A_106, %dma_wait3A_110] : memref<4x128xi32, #tpu.memory_space<vmem>> -> memref<1x128xi32, #tpu.memory_space<vmem>>
      %dma_wait3A_112 = tpu.memref_squeeze %dma_wait3A_111 : memref<1x128xi32, #tpu.memory_space<vmem>> -> memref<128xi32, #tpu.memory_space<vmem>>
      %dma_wait3A_113 = arith.constant 0 : i32
      %dma_wait3A_114 = arith.constant 0 : i32
      %dma_wait3A_115 = tpu.memref_slice %arg2[%dma_wait3A_113, %dma_wait3A_114] : memref<20000x64xf32, #tpu.memory_space<hbm>> -> memref<20000x64xf32, #tpu.memory_space<hbm>>
      tpu.wait_indirect_dma semaphore(%arg14 : memref<!tpu.dma_semaphore, #tpu.memory_space<semaphore_mem>>) src(%dma_wait3A_115 : memref<20000x64xf32, #tpu.memory_space<hbm>>) dst(%dma_wait3A_109 : memref<128x64xf32, #tpu.memory_space<vmem>>)
      %dma_wait3A_116 = arith.constant 3 : i32
      %dma_wait3A_117 = arith.constant 384 : i32
      %dma_wait3A_118 = arith.constant 0 : i32
      %dma_wait3A_119 = tpu.memref_slice %arg12[%dma_wait3A_117, %dma_wait3A_118] : memref<512x64xf32, #tpu.memory_space<vmem>> -> memref<128x64xf32, #tpu.memory_space<vmem>>
      %dma_wait3A_120 = arith.constant 0 : i32
      %dma_wait3A_121 = tpu.memref_slice %arg10[%dma_wait3A_116, %dma_wait3A_120] : memref<4x128xi32, #tpu.memory_space<vmem>> -> memref<1x128xi32, #tpu.memory_space<vmem>>
      %dma_wait3A_122 = tpu.memref_squeeze %dma_wait3A_121 : memref<1x128xi32, #tpu.memory_space<vmem>> -> memref<128xi32, #tpu.memory_space<vmem>>
      %dma_wait3A_123 = arith.constant 0 : i32
      %dma_wait3A_124 = arith.constant 0 : i32
      %dma_wait3A_125 = tpu.memref_slice %arg2[%dma_wait3A_123, %dma_wait3A_124] : memref<20000x64xf32, #tpu.memory_space<hbm>> -> memref<20000x64xf32, #tpu.memory_space<hbm>>
      tpu.wait_indirect_dma semaphore(%arg14 : memref<!tpu.dma_semaphore, #tpu.memory_space<semaphore_mem>>) src(%dma_wait3A_125 : memref<20000x64xf32, #tpu.memory_space<hbm>>) dst(%dma_wait3A_119 : memref<128x64xf32, #tpu.memory_space<vmem>>)
      %scan3A_126 = arith.constant 0 : i32
      %scan3A_127 = arith.constant 512 : i32
      %scan3A_128 = arith.addi %scan3A_126, %scan3A_127 : i32
      %scan3A_129 = arith.constant 1 : i32
      scf.for %scan3A_134 = %scan3A_126 to %scan3A_128 step %scan3A_129  : i32 {
        %mul3A_135 = arith.constant 1 : i32
        %mul3A_136 = arith.muli %scan3A_134, %mul3A_135 : i32
        %add3A_137 = arith.constant 0 : i32
        %add3A_138 = arith.addi %add3A_137, %mul3A_136 : i32
        %get3A = arith.index_cast %add3A_138 : i32 to index
        %get3A_139 = arith.constant 0 : index
        %get3A_140 = tpu.vector_load %arg11[%get3A, %get3A_139] {strides = array<i32>} : memref<512x16xf32, #tpu.memory_space<vmem>>, vector<1x16xf32>,
        %get3A_141 = vector.shape_cast %get3A_140 : vector<1x16xf32> to vector<16xf32>
        %mul3A_142 = arith.constant 2 : i32
        %mul3A_143 = arith.muli %add3A_3, %mul3A_142 : i32
        %add3A_144 = arith.constant 0 : i32
        %add3A_145 = arith.addi %mul3A_143, %add3A_144 : i32
        %broadcast_in_dim3A = vector.broadcast %add3A_145 : i32 to vector<16x1xi32>
        %gather3A = vector.shape_cast %broadcast_in_dim3A : vector<16x1xi32> to vector<16xi32>
        %gather3A_146 = tpu.dynamic_gather %get3A_141[%gather3A] in [0] : vector<16xf32>, vector<16xi32> -> vector<16xf32>
        %get3A_147 = arith.index_cast %add3A_138 : i32 to index
        %get3A_148 = arith.constant 0 : index
        %get3A_149 = tpu.vector_load %arg12[%get3A_147, %get3A_148] {strides = array<i32>} : memref<512x64xf32, #tpu.memory_space<vmem>>, vector<1x16xf32>,
        %get3A_150 = vector.shape_cast %get3A_149 : vector<1x16xf32> to vector<16xf32>
        %mul3A_151 = arith.mulf %get3A_150, %gather3A_146 : vector<16xf32>
        %swap3A = arith.index_cast %add3A_138 : i32 to index
        %swap3A_152 = arith.constant 0 : index
        %swap3A_153 = tpu.vector_load %arg12[%swap3A, %swap3A_152] {strides = array<i32>} : memref<512x64xf32, #tpu.memory_space<vmem>>, vector<1x16xf32>,
        %swap3A_154 = vector.shape_cast %swap3A_153 : vector<1x16xf32> to vector<16xf32>
        %swap3A_155 = vector.shape_cast %mul3A_151 : vector<16xf32> to vector<1x16xf32>
        tpu.vector_store %arg12[%swap3A, %swap3A_152], %swap3A_155 {strides = array<i32>} : memref<512x64xf32, #tpu.memory_space<vmem>>, vector<1x16xf32>,
        %get3A_156 = arith.index_cast %add3A_138 : i32 to index
        %get3A_157 = arith.constant 16 : index
        %get3A_158 = tpu.vector_load %arg12[%get3A_156, %get3A_157] {strides = array<i32>} : memref<512x64xf32, #tpu.memory_space<vmem>>, vector<1x16xf32>,
        %get3A_159 = vector.shape_cast %get3A_158 : vector<1x16xf32> to vector<16xf32>
        %mul3A_160 = arith.mulf %get3A_159, %gather3A_146 : vector<16xf32>
        %swap3A_161 = arith.index_cast %add3A_138 : i32 to index
        %swap3A_162 = arith.constant 16 : index
        %swap3A_163 = tpu.vector_load %arg12[%swap3A_161, %swap3A_162] {strides = array<i32>} : memref<512x64xf32, #tpu.memory_space<vmem>>, vector<1x16xf32>,
        %swap3A_164 = vector.shape_cast %swap3A_163 : vector<1x16xf32> to vector<16xf32>
        %swap3A_165 = vector.shape_cast %mul3A_160 : vector<16xf32> to vector<1x16xf32>
        tpu.vector_store %arg12[%swap3A_161, %swap3A_162], %swap3A_165 {strides = array<i32>} : memref<512x64xf32, #tpu.memory_space<vmem>>, vector<1x16xf32>,
        %mul3A_166 = arith.constant 2 : i32
        %mul3A_167 = arith.muli %add3A_3, %mul3A_166 : i32
        %add3A_168 = arith.constant 1 : i32
        %add3A_169 = arith.addi %mul3A_167, %add3A_168 : i32
        %broadcast_in_dim3A_170 = vector.broadcast %add3A_169 : i32 to vector<16x1xi32>
        %gather3A_171 = vector.shape_cast %broadcast_in_dim3A_170 : vector<16x1xi32> to vector<16xi32>
        %gather3A_172 = tpu.dynamic_gather %get3A_141[%gather3A_171] in [0] : vector<16xf32>, vector<16xi32> -> vector<16xf32>
        %get3A_173 = arith.index_cast %add3A_138 : i32 to index
        %get3A_174 = arith.constant 32 : index
        %get3A_175 = tpu.vector_load %arg12[%get3A_173, %get3A_174] {strides = array<i32>} : memref<512x64xf32, #tpu.memory_space<vmem>>, vector<1x16xf32>,
        %get3A_176 = vector.shape_cast %get3A_175 : vector<1x16xf32> to vector<16xf32>
        %mul3A_177 = arith.mulf %get3A_176, %gather3A_172 : vector<16xf32>
        %swap3A_178 = arith.index_cast %add3A_138 : i32 to index
        %swap3A_179 = arith.constant 32 : index
        %swap3A_180 = tpu.vector_load %arg12[%swap3A_178, %swap3A_179] {strides = array<i32>} : memref<512x64xf32, #tpu.memory_space<vmem>>, vector<1x16xf32>,
        %swap3A_181 = vector.shape_cast %swap3A_180 : vector<1x16xf32> to vector<16xf32>
        %swap3A_182 = vector.shape_cast %mul3A_177 : vector<16xf32> to vector<1x16xf32>
        tpu.vector_store %arg12[%swap3A_178, %swap3A_179], %swap3A_182 {strides = array<i32>} : memref<512x64xf32, #tpu.memory_space<vmem>>, vector<1x16xf32>,
        %get3A_183 = arith.index_cast %add3A_138 : i32 to index
        %get3A_184 = arith.constant 48 : index
        %get3A_185 = tpu.vector_load %arg12[%get3A_183, %get3A_184] {strides = array<i32>} : memref<512x64xf32, #tpu.memory_space<vmem>>, vector<1x16xf32>,
        %get3A_186 = vector.shape_cast %get3A_185 : vector<1x16xf32> to vector<16xf32>
        %mul3A_187 = arith.mulf %get3A_186, %gather3A_172 : vector<16xf32>
        %swap3A_188 = arith.index_cast %add3A_138 : i32 to index
        %swap3A_189 = arith.constant 48 : index
        %swap3A_190 = tpu.vector_load %arg12[%swap3A_188, %swap3A_189] {strides = array<i32>} : memref<512x64xf32, #tpu.memory_space<vmem>>, vector<1x16xf32>,
        %swap3A_191 = vector.shape_cast %swap3A_190 : vector<1x16xf32> to vector<16xf32>
        %swap3A_192 = vector.shape_cast %mul3A_187 : vector<16xf32> to vector<1x16xf32>
        tpu.vector_store %arg12[%swap3A_188, %swap3A_189], %swap3A_192 {strides = array<i32>} : memref<512x64xf32, #tpu.memory_space<vmem>>, vector<1x16xf32>,
      }
      %scan3A_130 = arith.constant 512 : i32
      %run_scoped3A = arith.constant 0 : i32
      "tpu.region"() ({
        %run_scoped3A_134 = tpu.sem_alloc : memref<!tpu.dma_semaphore, #tpu.memory_space<semaphore_mem>>
        %dma_start3A_135 = arith.constant 0 : i32
        %dma_start3A_136 = arith.constant 0 : i32
        %dma_start3A_137 = tpu.memref_slice %arg12[%dma_start3A_135, %dma_start3A_136] : memref<512x64xf32, #tpu.memory_space<vmem>> -> memref<128x64xf32, #tpu.memory_space<vmem>>
        %dma_start3A_138 = arith.constant 0 : i32
        %dma_start3A_139 = tpu.memref_slice %arg9[%run_scoped3A, %dma_start3A_138] : memref<4x128xi32, #tpu.memory_space<vmem>> -> memref<1x128xi32, #tpu.memory_space<vmem>>
        %dma_start3A_140 = tpu.memref_squeeze %dma_start3A_139 : memref<1x128xi32, #tpu.memory_space<vmem>> -> memref<128xi32, #tpu.memory_space<vmem>>
        %dma_start3A_141 = arith.constant 0 : i32
        %dma_start3A_142 = arith.constant 0 : i32
        %dma_start3A_143 = tpu.memref_slice %arg13[%dma_start3A_141, %dma_start3A_142] : memref<10016x64xf32, #tpu.memory_space<vmem_shared>> -> memref<10016x64xf32, #tpu.memory_space<vmem_shared>>
        tpu.enqueue_indirect_dma source(%dma_start3A_137 : memref<128x64xf32, #tpu.memory_space<vmem>>) target(%dma_start3A_143 : memref<10016x64xf32, #tpu.memory_space<vmem_shared>>) offsets(%dma_start3A_140 : memref<128xi32, #tpu.memory_space<vmem>>) semaphore(%run_scoped3A_134 : memref<!tpu.dma_semaphore, #tpu.memory_space<semaphore_mem>>) {add = true}
        %dma_wait3A_144 = arith.constant 0 : i32
        %dma_wait3A_145 = arith.constant 0 : i32
        %dma_wait3A_146 = tpu.memref_slice %arg12[%dma_wait3A_144, %dma_wait3A_145] : memref<512x64xf32, #tpu.memory_space<vmem>> -> memref<128x64xf32, #tpu.memory_space<vmem>>
        %dma_wait3A_147 = arith.constant 0 : i32
        %dma_wait3A_148 = tpu.memref_slice %arg9[%run_scoped3A, %dma_wait3A_147] : memref<4x128xi32, #tpu.memory_space<vmem>> -> memref<1x128xi32, #tpu.memory_space<vmem>>
        %dma_wait3A_149 = tpu.memref_squeeze %dma_wait3A_148 : memref<1x128xi32, #tpu.memory_space<vmem>> -> memref<128xi32, #tpu.memory_space<vmem>>
        %dma_wait3A_150 = arith.constant 0 : i32
        %dma_wait3A_151 = arith.constant 0 : i32
        %dma_wait3A_152 = tpu.memref_slice %arg13[%dma_wait3A_150, %dma_wait3A_151] : memref<10016x64xf32, #tpu.memory_space<vmem_shared>> -> memref<10016x64xf32, #tpu.memory_space<vmem_shared>>
        tpu.wait_indirect_dma semaphore(%run_scoped3A_134 : memref<!tpu.dma_semaphore, #tpu.memory_space<semaphore_mem>>) src(%dma_wait3A_146 : memref<128x64xf32, #tpu.memory_space<vmem>>) dst(%dma_wait3A_152 : memref<10016x64xf32, #tpu.memory_space<vmem_shared>>)
        tpu.yield
      }) : () -> ()
      %run_scoped3A_131 = arith.constant 1 : i32
      "tpu.region"() ({
        %run_scoped3A_134 = tpu.sem_alloc : memref<!tpu.dma_semaphore, #tpu.memory_space<semaphore_mem>>
        %dma_start3A_135 = arith.constant 128 : i32
        %dma_start3A_136 = arith.constant 0 : i32
        %dma_start3A_137 = tpu.memref_slice %arg12[%dma_start3A_135, %dma_start3A_136] : memref<512x64xf32, #tpu.memory_space<vmem>> -> memref<128x64xf32, #tpu.memory_space<vmem>>
        %dma_start3A_138 = arith.constant 0 : i32
        %dma_start3A_139 = tpu.memref_slice %arg9[%run_scoped3A_131, %dma_start3A_138] : memref<4x128xi32, #tpu.memory_space<vmem>> -> memref<1x128xi32, #tpu.memory_space<vmem>>
        %dma_start3A_140 = tpu.memref_squeeze %dma_start3A_139 : memref<1x128xi32, #tpu.memory_space<vmem>> -> memref<128xi32, #tpu.memory_space<vmem>>
        %dma_start3A_141 = arith.constant 0 : i32
        %dma_start3A_142 = arith.constant 0 : i32
        %dma_start3A_143 = tpu.memref_slice %arg13[%dma_start3A_141, %dma_start3A_142] : memref<10016x64xf32, #tpu.memory_space<vmem_shared>> -> memref<10016x64xf32, #tpu.memory_space<vmem_shared>>
        tpu.enqueue_indirect_dma source(%dma_start3A_137 : memref<128x64xf32, #tpu.memory_space<vmem>>) target(%dma_start3A_143 : memref<10016x64xf32, #tpu.memory_space<vmem_shared>>) offsets(%dma_start3A_140 : memref<128xi32, #tpu.memory_space<vmem>>) semaphore(%run_scoped3A_134 : memref<!tpu.dma_semaphore, #tpu.memory_space<semaphore_mem>>) {add = true}
        %dma_wait3A_144 = arith.constant 128 : i32
        %dma_wait3A_145 = arith.constant 0 : i32
        %dma_wait3A_146 = tpu.memref_slice %arg12[%dma_wait3A_144, %dma_wait3A_145] : memref<512x64xf32, #tpu.memory_space<vmem>> -> memref<128x64xf32, #tpu.memory_space<vmem>>
        %dma_wait3A_147 = arith.constant 0 : i32
        %dma_wait3A_148 = tpu.memref_slice %arg9[%run_scoped3A_131, %dma_wait3A_147] : memref<4x128xi32, #tpu.memory_space<vmem>> -> memref<1x128xi32, #tpu.memory_space<vmem>>
        %dma_wait3A_149 = tpu.memref_squeeze %dma_wait3A_148 : memref<1x128xi32, #tpu.memory_space<vmem>> -> memref<128xi32, #tpu.memory_space<vmem>>
        %dma_wait3A_150 = arith.constant 0 : i32
        %dma_wait3A_151 = arith.constant 0 : i32
        %dma_wait3A_152 = tpu.memref_slice %arg13[%dma_wait3A_150, %dma_wait3A_151] : memref<10016x64xf32, #tpu.memory_space<vmem_shared>> -> memref<10016x64xf32, #tpu.memory_space<vmem_shared>>
        tpu.wait_indirect_dma semaphore(%run_scoped3A_134 : memref<!tpu.dma_semaphore, #tpu.memory_space<semaphore_mem>>) src(%dma_wait3A_146 : memref<128x64xf32, #tpu.memory_space<vmem>>) dst(%dma_wait3A_152 : memref<10016x64xf32, #tpu.memory_space<vmem_shared>>)
        tpu.yield
      }) : () -> ()
      %run_scoped3A_132 = arith.constant 2 : i32
      "tpu.region"() ({
        %run_scoped3A_134 = tpu.sem_alloc : memref<!tpu.dma_semaphore, #tpu.memory_space<semaphore_mem>>
        %dma_start3A_135 = arith.constant 256 : i32
        %dma_start3A_136 = arith.constant 0 : i32
        %dma_start3A_137 = tpu.memref_slice %arg12[%dma_start3A_135, %dma_start3A_136] : memref<512x64xf32, #tpu.memory_space<vmem>> -> memref<128x64xf32, #tpu.memory_space<vmem>>
        %dma_start3A_138 = arith.constant 0 : i32
        %dma_start3A_139 = tpu.memref_slice %arg9[%run_scoped3A_132, %dma_start3A_138] : memref<4x128xi32, #tpu.memory_space<vmem>> -> memref<1x128xi32, #tpu.memory_space<vmem>>
        %dma_start3A_140 = tpu.memref_squeeze %dma_start3A_139 : memref<1x128xi32, #tpu.memory_space<vmem>> -> memref<128xi32, #tpu.memory_space<vmem>>
        %dma_start3A_141 = arith.constant 0 : i32
        %dma_start3A_142 = arith.constant 0 : i32
        %dma_start3A_143 = tpu.memref_slice %arg13[%dma_start3A_141, %dma_start3A_142] : memref<10016x64xf32, #tpu.memory_space<vmem_shared>> -> memref<10016x64xf32, #tpu.memory_space<vmem_shared>>
        tpu.enqueue_indirect_dma source(%dma_start3A_137 : memref<128x64xf32, #tpu.memory_space<vmem>>) target(%dma_start3A_143 : memref<10016x64xf32, #tpu.memory_space<vmem_shared>>) offsets(%dma_start3A_140 : memref<128xi32, #tpu.memory_space<vmem>>) semaphore(%run_scoped3A_134 : memref<!tpu.dma_semaphore, #tpu.memory_space<semaphore_mem>>) {add = true}
        %dma_wait3A_144 = arith.constant 256 : i32
        %dma_wait3A_145 = arith.constant 0 : i32
        %dma_wait3A_146 = tpu.memref_slice %arg12[%dma_wait3A_144, %dma_wait3A_145] : memref<512x64xf32, #tpu.memory_space<vmem>> -> memref<128x64xf32, #tpu.memory_space<vmem>>
        %dma_wait3A_147 = arith.constant 0 : i32
        %dma_wait3A_148 = tpu.memref_slice %arg9[%run_scoped3A_132, %dma_wait3A_147] : memref<4x128xi32, #tpu.memory_space<vmem>> -> memref<1x128xi32, #tpu.memory_space<vmem>>
        %dma_wait3A_149 = tpu.memref_squeeze %dma_wait3A_148 : memref<1x128xi32, #tpu.memory_space<vmem>> -> memref<128xi32, #tpu.memory_space<vmem>>
        %dma_wait3A_150 = arith.constant 0 : i32
        %dma_wait3A_151 = arith.constant 0 : i32
        %dma_wait3A_152 = tpu.memref_slice %arg13[%dma_wait3A_150, %dma_wait3A_151] : memref<10016x64xf32, #tpu.memory_space<vmem_shared>> -> memref<10016x64xf32, #tpu.memory_space<vmem_shared>>
        tpu.wait_indirect_dma semaphore(%run_scoped3A_134 : memref<!tpu.dma_semaphore, #tpu.memory_space<semaphore_mem>>) src(%dma_wait3A_146 : memref<128x64xf32, #tpu.memory_space<vmem>>) dst(%dma_wait3A_152 : memref<10016x64xf32, #tpu.memory_space<vmem_shared>>)
        tpu.yield
      }) : () -> ()
      %run_scoped3A_133 = arith.constant 3 : i32
      "tpu.region"() ({
        %run_scoped3A_134 = tpu.sem_alloc : memref<!tpu.dma_semaphore, #tpu.memory_space<semaphore_mem>>
        %dma_start3A_135 = arith.constant 384 : i32
        %dma_start3A_136 = arith.constant 0 : i32
        %dma_start3A_137 = tpu.memref_slice %arg12[%dma_start3A_135, %dma_start3A_136] : memref<512x64xf32, #tpu.memory_space<vmem>> -> memref<128x64xf32, #tpu.memory_space<vmem>>
        %dma_start3A_138 = arith.constant 0 : i32
        %dma_start3A_139 = tpu.memref_slice %arg9[%run_scoped3A_133, %dma_start3A_138] : memref<4x128xi32, #tpu.memory_space<vmem>> -> memref<1x128xi32, #tpu.memory_space<vmem>>
        %dma_start3A_140 = tpu.memref_squeeze %dma_start3A_139 : memref<1x128xi32, #tpu.memory_space<vmem>> -> memref<128xi32, #tpu.memory_space<vmem>>
        %dma_start3A_141 = arith.constant 0 : i32
        %dma_start3A_142 = arith.constant 0 : i32
        %dma_start3A_143 = tpu.memref_slice %arg13[%dma_start3A_141, %dma_start3A_142] : memref<10016x64xf32, #tpu.memory_space<vmem_shared>> -> memref<10016x64xf32, #tpu.memory_space<vmem_shared>>
        tpu.enqueue_indirect_dma source(%dma_start3A_137 : memref<128x64xf32, #tpu.memory_space<vmem>>) target(%dma_start3A_143 : memref<10016x64xf32, #tpu.memory_space<vmem_shared>>) offsets(%dma_start3A_140 : memref<128xi32, #tpu.memory_space<vmem>>) semaphore(%run_scoped3A_134 : memref<!tpu.dma_semaphore, #tpu.memory_space<semaphore_mem>>) {add = true}
        %dma_wait3A_144 = arith.constant 384 : i32
        %dma_wait3A_145 = arith.constant 0 : i32
        %dma_wait3A_146 = tpu.memref_slice %arg12[%dma_wait3A_144, %dma_wait3A_145] : memref<512x64xf32, #tpu.memory_space<vmem>> -> memref<128x64xf32, #tpu.memory_space<vmem>>
        %dma_wait3A_147 = arith.constant 0 : i32
        %dma_wait3A_148 = tpu.memref_slice %arg9[%run_scoped3A_133, %dma_wait3A_147] : memref<4x128xi32, #tpu.memory_space<vmem>> -> memref<1x128xi32, #tpu.memory_space<vmem>>
        %dma_wait3A_149 = tpu.memref_squeeze %dma_wait3A_148 : memref<1x128xi32, #tpu.memory_space<vmem>> -> memref<128xi32, #tpu.memory_space<vmem>>
        %dma_wait3A_150 = arith.constant 0 : i32
        %dma_wait3A_151 = arith.constant 0 : i32
        %dma_wait3A_152 = tpu.memref_slice %arg13[%dma_wait3A_150, %dma_wait3A_151] : memref<10016x64xf32, #tpu.memory_space<vmem_shared>> -> memref<10016x64xf32, #tpu.memory_space<vmem_shared>>
        tpu.wait_indirect_dma semaphore(%run_scoped3A_134 : memref<!tpu.dma_semaphore, #tpu.memory_space<semaphore_mem>>) src(%dma_wait3A_146 : memref<128x64xf32, #tpu.memory_space<vmem>>) dst(%dma_wait3A_152 : memref<10016x64xf32, #tpu.memory_space<vmem_shared>>)
        tpu.yield
      }) : () -> ()
    }
    %scan3A_11 = arith.constant 40 : i32
    %barrier3A_12 = arith.constant 0 : index
    tpu.barrier barrier_id(%barrier3A_12)
    %mul3A_13 = arith.constant 625 : i32
    %mul3A_14 = arith.muli %arg1, %mul3A_13 : i32
    %mul3A_15 = arith.constant 10000 : i32
    %mul3A_16 = arith.muli %add3A_3, %mul3A_15 : i32
    %mul3A_17 = arith.constant 625 : i32
    %mul3A_18 = arith.muli %arg1, %mul3A_17 : i32
    %add3A_19 = arith.addi %mul3A_16, %mul3A_18 : i32
    "tpu.region"() ({
      %run_scoped3A = tpu.sem_alloc : memref<!tpu.dma_semaphore, #tpu.memory_space<semaphore_mem>>
      %dma_start3A = arith.constant 0 : i32
      %dma_start3A_21 = tpu.memref_slice %arg7[%add3A_19, %dma_start3A] : memref<20000x64xf32, #tpu.memory_space<hbm>> -> memref<625x64xf32, #tpu.memory_space<hbm>>
      %dma_start3A_22 = arith.constant 0 : i32
      %dma_start3A_23 = tpu.memref_slice %arg13[%mul3A_14, %dma_start3A_22] : memref<10016x64xf32, #tpu.memory_space<vmem_shared>> -> memref<625x64xf32, #tpu.memory_space<vmem_shared>>
      tpu.enqueue_dma source(%dma_start3A_23 : memref<625x64xf32, #tpu.memory_space<vmem_shared>>) target(%dma_start3A_21 : memref<625x64xf32, #tpu.memory_space<hbm>>) target_semaphore(%run_scoped3A : memref<!tpu.dma_semaphore, #tpu.memory_space<semaphore_mem>>)
      %dma_wait3A = arith.constant 0 : i32
      %dma_wait3A_24 = tpu.memref_slice %arg7[%add3A_19, %dma_wait3A] : memref<20000x64xf32, #tpu.memory_space<hbm>> -> memref<625x64xf32, #tpu.memory_space<hbm>>
      %dma_wait3A_25 = arith.constant 0 : i32
      %dma_wait3A_26 = tpu.memref_slice %arg13[%mul3A_14, %dma_wait3A_25] : memref<10016x64xf32, #tpu.memory_space<vmem_shared>> -> memref<625x64xf32, #tpu.memory_space<vmem_shared>>
      tpu.wait_dma2 semaphore(%run_scoped3A : memref<!tpu.dma_semaphore, #tpu.memory_space<semaphore_mem>>) src(%dma_wait3A_26 : memref<625x64xf32, #tpu.memory_space<vmem_shared>>) dst(%dma_wait3A_24 : memref<625x64xf32, #tpu.memory_space<hbm>>)
      tpu.yield
    }) : () -> ()
    %barrier3A_20 = arith.constant 0 : index
    tpu.barrier barrier_id(%barrier3A_20)
    return
  }
}

#map = affine_map<(d0, d1) -> (0, 0)>
module attributes {stable_mosaic.version = 14 : i64} {
  func.func @wkernel(%arg0: i32, %arg1: i32, %arg2: memref<2560x128xi32, #tpu.memory_space<hbm>>, %arg3: memref<2560x128xi32, #tpu.memory_space<hbm>>, %arg4: memref<10000x16xf32, #tpu.memory_space<hbm>>, %arg5: memref<10016x16xf32, #tpu.memory_space<hbm>>, %arg6: memref<10016x16xf32, #tpu.memory_space<hbm>>, %arg7: memref<327680x16xf32, #tpu.memory_space<hbm>>, %arg8: memref<20000x16xf32, #tpu.memory_space<hbm>>, %arg9: memref<8x128xi32, #tpu.memory_space<vmem>>, %arg10: memref<8x128xi32, #tpu.memory_space<vmem>>, %arg11: memref<1024x16xf32, #tpu.memory_space<vmem>>, %arg12: memref<1024x16xf32, #tpu.memory_space<vmem>>, %arg13: memref<1024x16xf32, #tpu.memory_space<vmem>>, %arg14: memref<10016x16xf32, #tpu.memory_space<vmem_shared>>, %arg15: memref<!tpu.dma_semaphore, #tpu.memory_space<semaphore_mem>>, %arg16: memref<!tpu.dma_semaphore, #tpu.memory_space<semaphore_mem>>) attributes {dimension_semantics = [#tpu.dimension_semantics<core_parallel>, #tpu.dimension_semantics<subcore_parallel>], iteration_bounds = array<i64: 2, 16>, scalar_prefetch = 0 : i64, scratch_operands = 8 : i64, tpu.core_type = #tpu.core_type<sc_vector_subcore>, window_params = [{transform_indices = #map}, {transform_indices = #map}, {transform_indices = #map}, {transform_indices = #map}, {transform_indices = #map}, {transform_indices = #map}, {transform_indices = #map}]} {
    %mul3A = arith.constant 626 : i32
    %mul3A_0 = arith.muli %arg1, %mul3A : i32
    %mul3A_1 = arith.constant 626 : i32
    %mul3A_2 = arith.muli %arg1, %mul3A_1 : i32
    "tpu.region"() ({
      %run_scoped3A = tpu.sem_alloc : memref<!tpu.dma_semaphore, #tpu.memory_space<semaphore_mem>>
      %dma_start3A = arith.constant 0 : i32
      %dma_start3A_19 = tpu.memref_slice %arg14[%mul3A_2, %dma_start3A] : memref<10016x16xf32, #tpu.memory_space<vmem_shared>> -> memref<626x16xf32, #tpu.memory_space<vmem_shared>>
      %dma_start3A_20 = arith.constant 0 : i32
      %dma_start3A_21 = tpu.memref_slice %arg6[%mul3A_0, %dma_start3A_20] : memref<10016x16xf32, #tpu.memory_space<hbm>> -> memref<626x16xf32, #tpu.memory_space<hbm>>
      tpu.enqueue_dma source(%dma_start3A_21 : memref<626x16xf32, #tpu.memory_space<hbm>>) target(%dma_start3A_19 : memref<626x16xf32, #tpu.memory_space<vmem_shared>>) target_semaphore(%run_scoped3A : memref<!tpu.dma_semaphore, #tpu.memory_space<semaphore_mem>>)
      %dma_wait3A = arith.constant 0 : i32
      %dma_wait3A_22 = tpu.memref_slice %arg14[%mul3A_2, %dma_wait3A] : memref<10016x16xf32, #tpu.memory_space<vmem_shared>> -> memref<626x16xf32, #tpu.memory_space<vmem_shared>>
      %dma_wait3A_23 = arith.constant 0 : i32
      %dma_wait3A_24 = tpu.memref_slice %arg6[%mul3A_0, %dma_wait3A_23] : memref<10016x16xf32, #tpu.memory_space<hbm>> -> memref<626x16xf32, #tpu.memory_space<hbm>>
      tpu.wait_dma2 semaphore(%run_scoped3A : memref<!tpu.dma_semaphore, #tpu.memory_space<semaphore_mem>>) src(%dma_wait3A_24 : memref<626x16xf32, #tpu.memory_space<hbm>>) dst(%dma_wait3A_22 : memref<626x16xf32, #tpu.memory_space<vmem_shared>>)
      tpu.yield
    }) : () -> ()
    %barrier3A = arith.constant 0 : index
    tpu.barrier barrier_id(%barrier3A)
    %mul3A_3 = arith.constant 16 : i32
    %mul3A_4 = arith.muli %arg0, %mul3A_3 : i32
    %add3A = arith.addi %mul3A_4, %arg1 : i32
    %mul3A_5 = arith.constant 10240 : i32
    %mul3A_6 = arith.muli %add3A, %mul3A_5 : i32
    %scan3A = arith.constant 0 : i32
    %scan3A_7 = arith.constant 10 : i32
    %scan3A_8 = arith.addi %scan3A, %scan3A_7 : i32
    %scan3A_9 = arith.constant 1 : i32
    scf.for %scan3A_19 = %scan3A to %scan3A_8 step %scan3A_9  : i32 {
      %mul3A_20 = arith.constant 1024 : i32
      %mul3A_21 = arith.muli %scan3A_19, %mul3A_20 : i32
      %add3A_22 = arith.constant 0 : i32
      %add3A_23 = arith.addi %add3A_22, %mul3A_21 : i32
      %add3A_24 = arith.addi %mul3A_6, %add3A_23 : i32
      %jit3A = arith.constant 128 : i32
      %div3A = arith.divsi %add3A_24, %jit3A : i32
      %sign3A = arith.constant 0 : i32
      %sign3A_25 = arith.cmpi sgt, %add3A_24, %sign3A : i32
      %sign3A_26 = arith.extui %sign3A_25 : i1 to i32
      %sign3A_27 = arith.constant 0 : i32
      %sign3A_28 = arith.cmpi slt, %add3A_24, %sign3A_27 : i32
      %sign3A_29 = arith.extui %sign3A_28 : i1 to i32
      %sign3A_30 = arith.subi %sign3A_26, %sign3A_29 : i32
      %sign3A_31 = arith.constant 0 : i32
      %sign3A_32 = arith.cmpi sgt, %jit3A, %sign3A_31 : i32
      %sign3A_33 = arith.extui %sign3A_32 : i1 to i32
      %sign3A_34 = arith.constant 0 : i32
      %sign3A_35 = arith.cmpi slt, %jit3A, %sign3A_34 : i32
      %sign3A_36 = arith.extui %sign3A_35 : i1 to i32
      %sign3A_37 = arith.subi %sign3A_33, %sign3A_36 : i32
      %ne3A = arith.cmpi ne, %sign3A_30, %sign3A_37 : i32
      %rem3A = arith.remsi %add3A_24, %jit3A : i32
      %ne3A_38 = arith.constant 0 : i32
      %ne3A_39 = arith.cmpi ne, %rem3A, %ne3A_38 : i32
      %and3A = arith.andi %ne3A, %ne3A_39 : i1
      %sub3A = arith.constant 1 : i32
      %sub3A_40 = arith.subi %div3A, %sub3A : i32
      %select_n3A = arith.select %and3A, %sub3A_40, %div3A : i32
      "tpu.region"() ({
        %run_scoped3A_371 = tpu.sem_alloc : memref<!tpu.dma_semaphore, #tpu.memory_space<semaphore_mem>>
        %dma_start3A_372 = arith.constant 0 : i32
        %dma_start3A_373 = tpu.memref_slice %arg2[%select_n3A, %dma_start3A_372] : memref<2560x128xi32, #tpu.memory_space<hbm>> -> memref<8x128xi32, #tpu.memory_space<hbm>>
        %dma_start3A_374 = arith.constant 0 : i32
        %dma_start3A_375 = tpu.memref_slice %arg2[%select_n3A, %dma_start3A_374] : memref<2560x128xi32, #tpu.memory_space<hbm>> -> memref<8x128xi32, #tpu.memory_space<hbm>>
        tpu.enqueue_dma source(%dma_start3A_375 : memref<8x128xi32, #tpu.memory_space<hbm>>) target(%arg9 : memref<8x128xi32, #tpu.memory_space<vmem>>) target_semaphore(%run_scoped3A_371 : memref<!tpu.dma_semaphore, #tpu.memory_space<semaphore_mem>>)
        %dma_wait3A_376 = arith.constant 0 : i32
        %dma_wait3A_377 = tpu.memref_slice %arg2[%select_n3A, %dma_wait3A_376] : memref<2560x128xi32, #tpu.memory_space<hbm>> -> memref<8x128xi32, #tpu.memory_space<hbm>>
        %dma_wait3A_378 = arith.constant 0 : i32
        %dma_wait3A_379 = tpu.memref_slice %arg2[%select_n3A, %dma_wait3A_378] : memref<2560x128xi32, #tpu.memory_space<hbm>> -> memref<8x128xi32, #tpu.memory_space<hbm>>
        tpu.wait_dma2 semaphore(%run_scoped3A_371 : memref<!tpu.dma_semaphore, #tpu.memory_space<semaphore_mem>>) src(%dma_wait3A_379 : memref<8x128xi32, #tpu.memory_space<hbm>>) dst(%arg9 : memref<8x128xi32, #tpu.memory_space<vmem>>)
        tpu.yield
      }) : () -> ()
      "tpu.region"() ({
        %run_scoped3A_371 = tpu.sem_alloc : memref<!tpu.dma_semaphore, #tpu.memory_space<semaphore_mem>>
        %dma_start3A_372 = arith.constant 0 : i32
        %dma_start3A_373 = tpu.memref_slice %arg3[%select_n3A, %dma_start3A_372] : memref<2560x128xi32, #tpu.memory_space<hbm>> -> memref<8x128xi32, #tpu.memory_space<hbm>>
        %dma_start3A_374 = arith.constant 0 : i32
        %dma_start3A_375 = tpu.memref_slice %arg3[%select_n3A, %dma_start3A_374] : memref<2560x128xi32, #tpu.memory_space<hbm>> -> memref<8x128xi32, #tpu.memory_space<hbm>>
        tpu.enqueue_dma source(%dma_start3A_375 : memref<8x128xi32, #tpu.memory_space<hbm>>) target(%arg10 : memref<8x128xi32, #tpu.memory_space<vmem>>) target_semaphore(%run_scoped3A_371 : memref<!tpu.dma_semaphore, #tpu.memory_space<semaphore_mem>>)
        %dma_wait3A_376 = arith.constant 0 : i32
        %dma_wait3A_377 = tpu.memref_slice %arg3[%select_n3A, %dma_wait3A_376] : memref<2560x128xi32, #tpu.memory_space<hbm>> -> memref<8x128xi32, #tpu.memory_space<hbm>>
        %dma_wait3A_378 = arith.constant 0 : i32
        %dma_wait3A_379 = tpu.memref_slice %arg3[%select_n3A, %dma_wait3A_378] : memref<2560x128xi32, #tpu.memory_space<hbm>> -> memref<8x128xi32, #tpu.memory_space<hbm>>
        tpu.wait_dma2 semaphore(%run_scoped3A_371 : memref<!tpu.dma_semaphore, #tpu.memory_space<semaphore_mem>>) src(%dma_wait3A_379 : memref<8x128xi32, #tpu.memory_space<hbm>>) dst(%arg10 : memref<8x128xi32, #tpu.memory_space<vmem>>)
        tpu.yield
      }) : () -> ()
      %dma_start3A = arith.constant 0 : i32
      %dma_start3A_41 = arith.constant 0 : i32
      %dma_start3A_42 = arith.constant 0 : i32
      %dma_start3A_43 = tpu.memref_slice %arg11[%dma_start3A_41, %dma_start3A_42] : memref<1024x16xf32, #tpu.memory_space<vmem>> -> memref<128x16xf32, #tpu.memory_space<vmem>>
      %dma_start3A_44 = arith.constant 0 : i32
      %dma_start3A_45 = tpu.memref_slice %arg9[%dma_start3A, %dma_start3A_44] : memref<8x128xi32, #tpu.memory_space<vmem>> -> memref<1x128xi32, #tpu.memory_space<vmem>>
      %dma_start3A_46 = tpu.memref_squeeze %dma_start3A_45 : memref<1x128xi32, #tpu.memory_space<vmem>> -> memref<128xi32, #tpu.memory_space<vmem>>
      %dma_start3A_47 = arith.constant 0 : i32
      %dma_start3A_48 = arith.constant 0 : i32
      %dma_start3A_49 = tpu.memref_slice %arg4[%dma_start3A_47, %dma_start3A_48] : memref<10000x16xf32, #tpu.memory_space<hbm>> -> memref<10000x16xf32, #tpu.memory_space<hbm>>
      tpu.enqueue_indirect_dma source(%dma_start3A_49 : memref<10000x16xf32, #tpu.memory_space<hbm>>) target(%dma_start3A_43 : memref<128x16xf32, #tpu.memory_space<vmem>>) offsets(%dma_start3A_46 : memref<128xi32, #tpu.memory_space<vmem>>) semaphore(%arg15 : memref<!tpu.dma_semaphore, #tpu.memory_space<semaphore_mem>>)
      %dma_start3A_50 = arith.constant 0 : i32
      %dma_start3A_51 = arith.constant 0 : i32
      %dma_start3A_52 = arith.constant 0 : i32
      %dma_start3A_53 = tpu.memref_slice %arg12[%dma_start3A_51, %dma_start3A_52] : memref<1024x16xf32, #tpu.memory_space<vmem>> -> memref<128x16xf32, #tpu.memory_space<vmem>>
      %dma_start3A_54 = arith.constant 0 : i32
      %dma_start3A_55 = tpu.memref_slice %arg10[%dma_start3A_50, %dma_start3A_54] : memref<8x128xi32, #tpu.memory_space<vmem>> -> memref<1x128xi32, #tpu.memory_space<vmem>>
      %dma_start3A_56 = tpu.memref_squeeze %dma_start3A_55 : memref<1x128xi32, #tpu.memory_space<vmem>> -> memref<128xi32, #tpu.memory_space<vmem>>
      %dma_start3A_57 = arith.constant 0 : i32
      %dma_start3A_58 = arith.constant 0 : i32
      %dma_start3A_59 = tpu.memref_slice %arg5[%dma_start3A_57, %dma_start3A_58] : memref<10016x16xf32, #tpu.memory_space<hbm>> -> memref<10016x16xf32, #tpu.memory_space<hbm>>
      tpu.enqueue_indirect_dma source(%dma_start3A_59 : memref<10016x16xf32, #tpu.memory_space<hbm>>) target(%dma_start3A_53 : memref<128x16xf32, #tpu.memory_space<vmem>>) offsets(%dma_start3A_56 : memref<128xi32, #tpu.memory_space<vmem>>) semaphore(%arg16 : memref<!tpu.dma_semaphore, #tpu.memory_space<semaphore_mem>>)
      %dma_start3A_60 = arith.constant 1 : i32
      %dma_start3A_61 = arith.constant 128 : i32
      %dma_start3A_62 = arith.constant 0 : i32
      %dma_start3A_63 = tpu.memref_slice %arg11[%dma_start3A_61, %dma_start3A_62] : memref<1024x16xf32, #tpu.memory_space<vmem>> -> memref<128x16xf32, #tpu.memory_space<vmem>>
      %dma_start3A_64 = arith.constant 0 : i32
      %dma_start3A_65 = tpu.memref_slice %arg9[%dma_start3A_60, %dma_start3A_64] : memref<8x128xi32, #tpu.memory_space<vmem>> -> memref<1x128xi32, #tpu.memory_space<vmem>>
      %dma_start3A_66 = tpu.memref_squeeze %dma_start3A_65 : memref<1x128xi32, #tpu.memory_space<vmem>> -> memref<128xi32, #tpu.memory_space<vmem>>
      %dma_start3A_67 = arith.constant 0 : i32
      %dma_start3A_68 = arith.constant 0 : i32
      %dma_start3A_69 = tpu.memref_slice %arg4[%dma_start3A_67, %dma_start3A_68] : memref<10000x16xf32, #tpu.memory_space<hbm>> -> memref<10000x16xf32, #tpu.memory_space<hbm>>
      tpu.enqueue_indirect_dma source(%dma_start3A_69 : memref<10000x16xf32, #tpu.memory_space<hbm>>) target(%dma_start3A_63 : memref<128x16xf32, #tpu.memory_space<vmem>>) offsets(%dma_start3A_66 : memref<128xi32, #tpu.memory_space<vmem>>) semaphore(%arg15 : memref<!tpu.dma_semaphore, #tpu.memory_space<semaphore_mem>>)
      %dma_start3A_70 = arith.constant 1 : i32
      %dma_start3A_71 = arith.constant 128 : i32
      %dma_start3A_72 = arith.constant 0 : i32
      %dma_start3A_73 = tpu.memref_slice %arg12[%dma_start3A_71, %dma_start3A_72] : memref<1024x16xf32, #tpu.memory_space<vmem>> -> memref<128x16xf32, #tpu.memory_space<vmem>>
      %dma_start3A_74 = arith.constant 0 : i32
      %dma_start3A_75 = tpu.memref_slice %arg10[%dma_start3A_70, %dma_start3A_74] : memref<8x128xi32, #tpu.memory_space<vmem>> -> memref<1x128xi32, #tpu.memory_space<vmem>>
      %dma_start3A_76 = tpu.memref_squeeze %dma_start3A_75 : memref<1x128xi32, #tpu.memory_space<vmem>> -> memref<128xi32, #tpu.memory_space<vmem>>
      %dma_start3A_77 = arith.constant 0 : i32
      %dma_start3A_78 = arith.constant 0 : i32
      %dma_start3A_79 = tpu.memref_slice %arg5[%dma_start3A_77, %dma_start3A_78] : memref<10016x16xf32, #tpu.memory_space<hbm>> -> memref<10016x16xf32, #tpu.memory_space<hbm>>
      tpu.enqueue_indirect_dma source(%dma_start3A_79 : memref<10016x16xf32, #tpu.memory_space<hbm>>) target(%dma_start3A_73 : memref<128x16xf32, #tpu.memory_space<vmem>>) offsets(%dma_start3A_76 : memref<128xi32, #tpu.memory_space<vmem>>) semaphore(%arg16 : memref<!tpu.dma_semaphore, #tpu.memory_space<semaphore_mem>>)
      %dma_start3A_80 = arith.constant 2 : i32
      %dma_start3A_81 = arith.constant 256 : i32
      %dma_start3A_82 = arith.constant 0 : i32
      %dma_start3A_83 = tpu.memref_slice %arg11[%dma_start3A_81, %dma_start3A_82] : memref<1024x16xf32, #tpu.memory_space<vmem>> -> memref<128x16xf32, #tpu.memory_space<vmem>>
      %dma_start3A_84 = arith.constant 0 : i32
      %dma_start3A_85 = tpu.memref_slice %arg9[%dma_start3A_80, %dma_start3A_84] : memref<8x128xi32, #tpu.memory_space<vmem>> -> memref<1x128xi32, #tpu.memory_space<vmem>>
      %dma_start3A_86 = tpu.memref_squeeze %dma_start3A_85 : memref<1x128xi32, #tpu.memory_space<vmem>> -> memref<128xi32, #tpu.memory_space<vmem>>
      %dma_start3A_87 = arith.constant 0 : i32
      %dma_start3A_88 = arith.constant 0 : i32
      %dma_start3A_89 = tpu.memref_slice %arg4[%dma_start3A_87, %dma_start3A_88] : memref<10000x16xf32, #tpu.memory_space<hbm>> -> memref<10000x16xf32, #tpu.memory_space<hbm>>
      tpu.enqueue_indirect_dma source(%dma_start3A_89 : memref<10000x16xf32, #tpu.memory_space<hbm>>) target(%dma_start3A_83 : memref<128x16xf32, #tpu.memory_space<vmem>>) offsets(%dma_start3A_86 : memref<128xi32, #tpu.memory_space<vmem>>) semaphore(%arg15 : memref<!tpu.dma_semaphore, #tpu.memory_space<semaphore_mem>>)
      %dma_start3A_90 = arith.constant 2 : i32
      %dma_start3A_91 = arith.constant 256 : i32
      %dma_start3A_92 = arith.constant 0 : i32
      %dma_start3A_93 = tpu.memref_slice %arg12[%dma_start3A_91, %dma_start3A_92] : memref<1024x16xf32, #tpu.memory_space<vmem>> -> memref<128x16xf32, #tpu.memory_space<vmem>>
      %dma_start3A_94 = arith.constant 0 : i32
      %dma_start3A_95 = tpu.memref_slice %arg10[%dma_start3A_90, %dma_start3A_94] : memref<8x128xi32, #tpu.memory_space<vmem>> -> memref<1x128xi32, #tpu.memory_space<vmem>>
      %dma_start3A_96 = tpu.memref_squeeze %dma_start3A_95 : memref<1x128xi32, #tpu.memory_space<vmem>> -> memref<128xi32, #tpu.memory_space<vmem>>
      %dma_start3A_97 = arith.constant 0 : i32
      %dma_start3A_98 = arith.constant 0 : i32
      %dma_start3A_99 = tpu.memref_slice %arg5[%dma_start3A_97, %dma_start3A_98] : memref<10016x16xf32, #tpu.memory_space<hbm>> -> memref<10016x16xf32, #tpu.memory_space<hbm>>
      tpu.enqueue_indirect_dma source(%dma_start3A_99 : memref<10016x16xf32, #tpu.memory_space<hbm>>) target(%dma_start3A_93 : memref<128x16xf32, #tpu.memory_space<vmem>>) offsets(%dma_start3A_96 : memref<128xi32, #tpu.memory_space<vmem>>) semaphore(%arg16 : memref<!tpu.dma_semaphore, #tpu.memory_space<semaphore_mem>>)
      %dma_start3A_100 = arith.constant 3 : i32
      %dma_start3A_101 = arith.constant 384 : i32
      %dma_start3A_102 = arith.constant 0 : i32
      %dma_start3A_103 = tpu.memref_slice %arg11[%dma_start3A_101, %dma_start3A_102] : memref<1024x16xf32, #tpu.memory_space<vmem>> -> memref<128x16xf32, #tpu.memory_space<vmem>>
      %dma_start3A_104 = arith.constant 0 : i32
      %dma_start3A_105 = tpu.memref_slice %arg9[%dma_start3A_100, %dma_start3A_104] : memref<8x128xi32, #tpu.memory_space<vmem>> -> memref<1x128xi32, #tpu.memory_space<vmem>>
      %dma_start3A_106 = tpu.memref_squeeze %dma_start3A_105 : memref<1x128xi32, #tpu.memory_space<vmem>> -> memref<128xi32, #tpu.memory_space<vmem>>
      %dma_start3A_107 = arith.constant 0 : i32
      %dma_start3A_108 = arith.constant 0 : i32
      %dma_start3A_109 = tpu.memref_slice %arg4[%dma_start3A_107, %dma_start3A_108] : memref<10000x16xf32, #tpu.memory_space<hbm>> -> memref<10000x16xf32, #tpu.memory_space<hbm>>
      tpu.enqueue_indirect_dma source(%dma_start3A_109 : memref<10000x16xf32, #tpu.memory_space<hbm>>) target(%dma_start3A_103 : memref<128x16xf32, #tpu.memory_space<vmem>>) offsets(%dma_start3A_106 : memref<128xi32, #tpu.memory_space<vmem>>) semaphore(%arg15 : memref<!tpu.dma_semaphore, #tpu.memory_space<semaphore_mem>>)
      %dma_start3A_110 = arith.constant 3 : i32
      %dma_start3A_111 = arith.constant 384 : i32
      %dma_start3A_112 = arith.constant 0 : i32
      %dma_start3A_113 = tpu.memref_slice %arg12[%dma_start3A_111, %dma_start3A_112] : memref<1024x16xf32, #tpu.memory_space<vmem>> -> memref<128x16xf32, #tpu.memory_space<vmem>>
      %dma_start3A_114 = arith.constant 0 : i32
      %dma_start3A_115 = tpu.memref_slice %arg10[%dma_start3A_110, %dma_start3A_114] : memref<8x128xi32, #tpu.memory_space<vmem>> -> memref<1x128xi32, #tpu.memory_space<vmem>>
      %dma_start3A_116 = tpu.memref_squeeze %dma_start3A_115 : memref<1x128xi32, #tpu.memory_space<vmem>> -> memref<128xi32, #tpu.memory_space<vmem>>
      %dma_start3A_117 = arith.constant 0 : i32
      %dma_start3A_118 = arith.constant 0 : i32
      %dma_start3A_119 = tpu.memref_slice %arg5[%dma_start3A_117, %dma_start3A_118] : memref<10016x16xf32, #tpu.memory_space<hbm>> -> memref<10016x16xf32, #tpu.memory_space<hbm>>
      tpu.enqueue_indirect_dma source(%dma_start3A_119 : memref<10016x16xf32, #tpu.memory_space<hbm>>) target(%dma_start3A_113 : memref<128x16xf32, #tpu.memory_space<vmem>>) offsets(%dma_start3A_116 : memref<128xi32, #tpu.memory_space<vmem>>) semaphore(%arg16 : memref<!tpu.dma_semaphore, #tpu.memory_space<semaphore_mem>>)
      %dma_start3A_120 = arith.constant 4 : i32
      %dma_start3A_121 = arith.constant 512 : i32
      %dma_start3A_122 = arith.constant 0 : i32
      %dma_start3A_123 = tpu.memref_slice %arg11[%dma_start3A_121, %dma_start3A_122] : memref<1024x16xf32, #tpu.memory_space<vmem>> -> memref<128x16xf32, #tpu.memory_space<vmem>>
      %dma_start3A_124 = arith.constant 0 : i32
      %dma_start3A_125 = tpu.memref_slice %arg9[%dma_start3A_120, %dma_start3A_124] : memref<8x128xi32, #tpu.memory_space<vmem>> -> memref<1x128xi32, #tpu.memory_space<vmem>>
      %dma_start3A_126 = tpu.memref_squeeze %dma_start3A_125 : memref<1x128xi32, #tpu.memory_space<vmem>> -> memref<128xi32, #tpu.memory_space<vmem>>
      %dma_start3A_127 = arith.constant 0 : i32
      %dma_start3A_128 = arith.constant 0 : i32
      %dma_start3A_129 = tpu.memref_slice %arg4[%dma_start3A_127, %dma_start3A_128] : memref<10000x16xf32, #tpu.memory_space<hbm>> -> memref<10000x16xf32, #tpu.memory_space<hbm>>
      tpu.enqueue_indirect_dma source(%dma_start3A_129 : memref<10000x16xf32, #tpu.memory_space<hbm>>) target(%dma_start3A_123 : memref<128x16xf32, #tpu.memory_space<vmem>>) offsets(%dma_start3A_126 : memref<128xi32, #tpu.memory_space<vmem>>) semaphore(%arg15 : memref<!tpu.dma_semaphore, #tpu.memory_space<semaphore_mem>>)
      %dma_start3A_130 = arith.constant 4 : i32
      %dma_start3A_131 = arith.constant 512 : i32
      %dma_start3A_132 = arith.constant 0 : i32
      %dma_start3A_133 = tpu.memref_slice %arg12[%dma_start3A_131, %dma_start3A_132] : memref<1024x16xf32, #tpu.memory_space<vmem>> -> memref<128x16xf32, #tpu.memory_space<vmem>>
      %dma_start3A_134 = arith.constant 0 : i32
      %dma_start3A_135 = tpu.memref_slice %arg10[%dma_start3A_130, %dma_start3A_134] : memref<8x128xi32, #tpu.memory_space<vmem>> -> memref<1x128xi32, #tpu.memory_space<vmem>>
      %dma_start3A_136 = tpu.memref_squeeze %dma_start3A_135 : memref<1x128xi32, #tpu.memory_space<vmem>> -> memref<128xi32, #tpu.memory_space<vmem>>
      %dma_start3A_137 = arith.constant 0 : i32
      %dma_start3A_138 = arith.constant 0 : i32
      %dma_start3A_139 = tpu.memref_slice %arg5[%dma_start3A_137, %dma_start3A_138] : memref<10016x16xf32, #tpu.memory_space<hbm>> -> memref<10016x16xf32, #tpu.memory_space<hbm>>
      tpu.enqueue_indirect_dma source(%dma_start3A_139 : memref<10016x16xf32, #tpu.memory_space<hbm>>) target(%dma_start3A_133 : memref<128x16xf32, #tpu.memory_space<vmem>>) offsets(%dma_start3A_136 : memref<128xi32, #tpu.memory_space<vmem>>) semaphore(%arg16 : memref<!tpu.dma_semaphore, #tpu.memory_space<semaphore_mem>>)
      %dma_start3A_140 = arith.constant 5 : i32
      %dma_start3A_141 = arith.constant 640 : i32
      %dma_start3A_142 = arith.constant 0 : i32
      %dma_start3A_143 = tpu.memref_slice %arg11[%dma_start3A_141, %dma_start3A_142] : memref<1024x16xf32, #tpu.memory_space<vmem>> -> memref<128x16xf32, #tpu.memory_space<vmem>>
      %dma_start3A_144 = arith.constant 0 : i32
      %dma_start3A_145 = tpu.memref_slice %arg9[%dma_start3A_140, %dma_start3A_144] : memref<8x128xi32, #tpu.memory_space<vmem>> -> memref<1x128xi32, #tpu.memory_space<vmem>>
      %dma_start3A_146 = tpu.memref_squeeze %dma_start3A_145 : memref<1x128xi32, #tpu.memory_space<vmem>> -> memref<128xi32, #tpu.memory_space<vmem>>
      %dma_start3A_147 = arith.constant 0 : i32
      %dma_start3A_148 = arith.constant 0 : i32
      %dma_start3A_149 = tpu.memref_slice %arg4[%dma_start3A_147, %dma_start3A_148] : memref<10000x16xf32, #tpu.memory_space<hbm>> -> memref<10000x16xf32, #tpu.memory_space<hbm>>
      tpu.enqueue_indirect_dma source(%dma_start3A_149 : memref<10000x16xf32, #tpu.memory_space<hbm>>) target(%dma_start3A_143 : memref<128x16xf32, #tpu.memory_space<vmem>>) offsets(%dma_start3A_146 : memref<128xi32, #tpu.memory_space<vmem>>) semaphore(%arg15 : memref<!tpu.dma_semaphore, #tpu.memory_space<semaphore_mem>>)
      %dma_start3A_150 = arith.constant 5 : i32
      %dma_start3A_151 = arith.constant 640 : i32
      %dma_start3A_152 = arith.constant 0 : i32
      %dma_start3A_153 = tpu.memref_slice %arg12[%dma_start3A_151, %dma_start3A_152] : memref<1024x16xf32, #tpu.memory_space<vmem>> -> memref<128x16xf32, #tpu.memory_space<vmem>>
      %dma_start3A_154 = arith.constant 0 : i32
      %dma_start3A_155 = tpu.memref_slice %arg10[%dma_start3A_150, %dma_start3A_154] : memref<8x128xi32, #tpu.memory_space<vmem>> -> memref<1x128xi32, #tpu.memory_space<vmem>>
      %dma_start3A_156 = tpu.memref_squeeze %dma_start3A_155 : memref<1x128xi32, #tpu.memory_space<vmem>> -> memref<128xi32, #tpu.memory_space<vmem>>
      %dma_start3A_157 = arith.constant 0 : i32
      %dma_start3A_158 = arith.constant 0 : i32
      %dma_start3A_159 = tpu.memref_slice %arg5[%dma_start3A_157, %dma_start3A_158] : memref<10016x16xf32, #tpu.memory_space<hbm>> -> memref<10016x16xf32, #tpu.memory_space<hbm>>
      tpu.enqueue_indirect_dma source(%dma_start3A_159 : memref<10016x16xf32, #tpu.memory_space<hbm>>) target(%dma_start3A_153 : memref<128x16xf32, #tpu.memory_space<vmem>>) offsets(%dma_start3A_156 : memref<128xi32, #tpu.memory_space<vmem>>) semaphore(%arg16 : memref<!tpu.dma_semaphore, #tpu.memory_space<semaphore_mem>>)
      %dma_start3A_160 = arith.constant 6 : i32
      %dma_start3A_161 = arith.constant 768 : i32
      %dma_start3A_162 = arith.constant 0 : i32
      %dma_start3A_163 = tpu.memref_slice %arg11[%dma_start3A_161, %dma_start3A_162] : memref<1024x16xf32, #tpu.memory_space<vmem>> -> memref<128x16xf32, #tpu.memory_space<vmem>>
      %dma_start3A_164 = arith.constant 0 : i32
      %dma_start3A_165 = tpu.memref_slice %arg9[%dma_start3A_160, %dma_start3A_164] : memref<8x128xi32, #tpu.memory_space<vmem>> -> memref<1x128xi32, #tpu.memory_space<vmem>>
      %dma_start3A_166 = tpu.memref_squeeze %dma_start3A_165 : memref<1x128xi32, #tpu.memory_space<vmem>> -> memref<128xi32, #tpu.memory_space<vmem>>
      %dma_start3A_167 = arith.constant 0 : i32
      %dma_start3A_168 = arith.constant 0 : i32
      %dma_start3A_169 = tpu.memref_slice %arg4[%dma_start3A_167, %dma_start3A_168] : memref<10000x16xf32, #tpu.memory_space<hbm>> -> memref<10000x16xf32, #tpu.memory_space<hbm>>
      tpu.enqueue_indirect_dma source(%dma_start3A_169 : memref<10000x16xf32, #tpu.memory_space<hbm>>) target(%dma_start3A_163 : memref<128x16xf32, #tpu.memory_space<vmem>>) offsets(%dma_start3A_166 : memref<128xi32, #tpu.memory_space<vmem>>) semaphore(%arg15 : memref<!tpu.dma_semaphore, #tpu.memory_space<semaphore_mem>>)
      %dma_start3A_170 = arith.constant 6 : i32
      %dma_start3A_171 = arith.constant 768 : i32
      %dma_start3A_172 = arith.constant 0 : i32
      %dma_start3A_173 = tpu.memref_slice %arg12[%dma_start3A_171, %dma_start3A_172] : memref<1024x16xf32, #tpu.memory_space<vmem>> -> memref<128x16xf32, #tpu.memory_space<vmem>>
      %dma_start3A_174 = arith.constant 0 : i32
      %dma_start3A_175 = tpu.memref_slice %arg10[%dma_start3A_170, %dma_start3A_174] : memref<8x128xi32, #tpu.memory_space<vmem>> -> memref<1x128xi32, #tpu.memory_space<vmem>>
      %dma_start3A_176 = tpu.memref_squeeze %dma_start3A_175 : memref<1x128xi32, #tpu.memory_space<vmem>> -> memref<128xi32, #tpu.memory_space<vmem>>
      %dma_start3A_177 = arith.constant 0 : i32
      %dma_start3A_178 = arith.constant 0 : i32
      %dma_start3A_179 = tpu.memref_slice %arg5[%dma_start3A_177, %dma_start3A_178] : memref<10016x16xf32, #tpu.memory_space<hbm>> -> memref<10016x16xf32, #tpu.memory_space<hbm>>
      tpu.enqueue_indirect_dma source(%dma_start3A_179 : memref<10016x16xf32, #tpu.memory_space<hbm>>) target(%dma_start3A_173 : memref<128x16xf32, #tpu.memory_space<vmem>>) offsets(%dma_start3A_176 : memref<128xi32, #tpu.memory_space<vmem>>) semaphore(%arg16 : memref<!tpu.dma_semaphore, #tpu.memory_space<semaphore_mem>>)
      %dma_start3A_180 = arith.constant 7 : i32
      %dma_start3A_181 = arith.constant 896 : i32
      %dma_start3A_182 = arith.constant 0 : i32
      %dma_start3A_183 = tpu.memref_slice %arg11[%dma_start3A_181, %dma_start3A_182] : memref<1024x16xf32, #tpu.memory_space<vmem>> -> memref<128x16xf32, #tpu.memory_space<vmem>>
      %dma_start3A_184 = arith.constant 0 : i32
      %dma_start3A_185 = tpu.memref_slice %arg9[%dma_start3A_180, %dma_start3A_184] : memref<8x128xi32, #tpu.memory_space<vmem>> -> memref<1x128xi32, #tpu.memory_space<vmem>>
      %dma_start3A_186 = tpu.memref_squeeze %dma_start3A_185 : memref<1x128xi32, #tpu.memory_space<vmem>> -> memref<128xi32, #tpu.memory_space<vmem>>
      %dma_start3A_187 = arith.constant 0 : i32
      %dma_start3A_188 = arith.constant 0 : i32
      %dma_start3A_189 = tpu.memref_slice %arg4[%dma_start3A_187, %dma_start3A_188] : memref<10000x16xf32, #tpu.memory_space<hbm>> -> memref<10000x16xf32, #tpu.memory_space<hbm>>
      tpu.enqueue_indirect_dma source(%dma_start3A_189 : memref<10000x16xf32, #tpu.memory_space<hbm>>) target(%dma_start3A_183 : memref<128x16xf32, #tpu.memory_space<vmem>>) offsets(%dma_start3A_186 : memref<128xi32, #tpu.memory_space<vmem>>) semaphore(%arg15 : memref<!tpu.dma_semaphore, #tpu.memory_space<semaphore_mem>>)
      %dma_start3A_190 = arith.constant 7 : i32
      %dma_start3A_191 = arith.constant 896 : i32
      %dma_start3A_192 = arith.constant 0 : i32
      %dma_start3A_193 = tpu.memref_slice %arg12[%dma_start3A_191, %dma_start3A_192] : memref<1024x16xf32, #tpu.memory_space<vmem>> -> memref<128x16xf32, #tpu.memory_space<vmem>>
      %dma_start3A_194 = arith.constant 0 : i32
      %dma_start3A_195 = tpu.memref_slice %arg10[%dma_start3A_190, %dma_start3A_194] : memref<8x128xi32, #tpu.memory_space<vmem>> -> memref<1x128xi32, #tpu.memory_space<vmem>>
      %dma_start3A_196 = tpu.memref_squeeze %dma_start3A_195 : memref<1x128xi32, #tpu.memory_space<vmem>> -> memref<128xi32, #tpu.memory_space<vmem>>
      %dma_start3A_197 = arith.constant 0 : i32
      %dma_start3A_198 = arith.constant 0 : i32
      %dma_start3A_199 = tpu.memref_slice %arg5[%dma_start3A_197, %dma_start3A_198] : memref<10016x16xf32, #tpu.memory_space<hbm>> -> memref<10016x16xf32, #tpu.memory_space<hbm>>
      tpu.enqueue_indirect_dma source(%dma_start3A_199 : memref<10016x16xf32, #tpu.memory_space<hbm>>) target(%dma_start3A_193 : memref<128x16xf32, #tpu.memory_space<vmem>>) offsets(%dma_start3A_196 : memref<128xi32, #tpu.memory_space<vmem>>) semaphore(%arg16 : memref<!tpu.dma_semaphore, #tpu.memory_space<semaphore_mem>>)
      %dma_wait3A = arith.constant 0 : i32
      %dma_wait3A_200 = arith.constant 0 : i32
      %dma_wait3A_201 = arith.constant 0 : i32
      %dma_wait3A_202 = tpu.memref_slice %arg11[%dma_wait3A_200, %dma_wait3A_201] : memref<1024x16xf32, #tpu.memory_space<vmem>> -> memref<128x16xf32, #tpu.memory_space<vmem>>
      %dma_wait3A_203 = arith.constant 0 : i32
      %dma_wait3A_204 = tpu.memref_slice %arg9[%dma_wait3A, %dma_wait3A_203] : memref<8x128xi32, #tpu.memory_space<vmem>> -> memref<1x128xi32, #tpu.memory_space<vmem>>
      %dma_wait3A_205 = tpu.memref_squeeze %dma_wait3A_204 : memref<1x128xi32, #tpu.memory_space<vmem>> -> memref<128xi32, #tpu.memory_space<vmem>>
      %dma_wait3A_206 = arith.constant 0 : i32
      %dma_wait3A_207 = arith.constant 0 : i32
      %dma_wait3A_208 = tpu.memref_slice %arg4[%dma_wait3A_206, %dma_wait3A_207] : memref<10000x16xf32, #tpu.memory_space<hbm>> -> memref<10000x16xf32, #tpu.memory_space<hbm>>
      tpu.wait_indirect_dma semaphore(%arg15 : memref<!tpu.dma_semaphore, #tpu.memory_space<semaphore_mem>>) src(%dma_wait3A_208 : memref<10000x16xf32, #tpu.memory_space<hbm>>) dst(%dma_wait3A_202 : memref<128x16xf32, #tpu.memory_space<vmem>>)
      %dma_wait3A_209 = arith.constant 0 : i32
      %dma_wait3A_210 = arith.constant 0 : i32
      %dma_wait3A_211 = arith.constant 0 : i32
      %dma_wait3A_212 = tpu.memref_slice %arg12[%dma_wait3A_210, %dma_wait3A_211] : memref<1024x16xf32, #tpu.memory_space<vmem>> -> memref<128x16xf32, #tpu.memory_space<vmem>>
      %dma_wait3A_213 = arith.constant 0 : i32
      %dma_wait3A_214 = tpu.memref_slice %arg10[%dma_wait3A_209, %dma_wait3A_213] : memref<8x128xi32, #tpu.memory_space<vmem>> -> memref<1x128xi32, #tpu.memory_space<vmem>>
      %dma_wait3A_215 = tpu.memref_squeeze %dma_wait3A_214 : memref<1x128xi32, #tpu.memory_space<vmem>> -> memref<128xi32, #tpu.memory_space<vmem>>
      %dma_wait3A_216 = arith.constant 0 : i32
      %dma_wait3A_217 = arith.constant 0 : i32
      %dma_wait3A_218 = tpu.memref_slice %arg5[%dma_wait3A_216, %dma_wait3A_217] : memref<10016x16xf32, #tpu.memory_space<hbm>> -> memref<10016x16xf32, #tpu.memory_space<hbm>>
      tpu.wait_indirect_dma semaphore(%arg16 : memref<!tpu.dma_semaphore, #tpu.memory_space<semaphore_mem>>) src(%dma_wait3A_218 : memref<10016x16xf32, #tpu.memory_space<hbm>>) dst(%dma_wait3A_212 : memref<128x16xf32, #tpu.memory_space<vmem>>)
      %dma_wait3A_219 = arith.constant 1 : i32
      %dma_wait3A_220 = arith.constant 128 : i32
      %dma_wait3A_221 = arith.constant 0 : i32
      %dma_wait3A_222 = tpu.memref_slice %arg11[%dma_wait3A_220, %dma_wait3A_221] : memref<1024x16xf32, #tpu.memory_space<vmem>> -> memref<128x16xf32, #tpu.memory_space<vmem>>
      %dma_wait3A_223 = arith.constant 0 : i32
      %dma_wait3A_224 = tpu.memref_slice %arg9[%dma_wait3A_219, %dma_wait3A_223] : memref<8x128xi32, #tpu.memory_space<vmem>> -> memref<1x128xi32, #tpu.memory_space<vmem>>
      %dma_wait3A_225 = tpu.memref_squeeze %dma_wait3A_224 : memref<1x128xi32, #tpu.memory_space<vmem>> -> memref<128xi32, #tpu.memory_space<vmem>>
      %dma_wait3A_226 = arith.constant 0 : i32
      %dma_wait3A_227 = arith.constant 0 : i32
      %dma_wait3A_228 = tpu.memref_slice %arg4[%dma_wait3A_226, %dma_wait3A_227] : memref<10000x16xf32, #tpu.memory_space<hbm>> -> memref<10000x16xf32, #tpu.memory_space<hbm>>
      tpu.wait_indirect_dma semaphore(%arg15 : memref<!tpu.dma_semaphore, #tpu.memory_space<semaphore_mem>>) src(%dma_wait3A_228 : memref<10000x16xf32, #tpu.memory_space<hbm>>) dst(%dma_wait3A_222 : memref<128x16xf32, #tpu.memory_space<vmem>>)
      %dma_wait3A_229 = arith.constant 1 : i32
      %dma_wait3A_230 = arith.constant 128 : i32
      %dma_wait3A_231 = arith.constant 0 : i32
      %dma_wait3A_232 = tpu.memref_slice %arg12[%dma_wait3A_230, %dma_wait3A_231] : memref<1024x16xf32, #tpu.memory_space<vmem>> -> memref<128x16xf32, #tpu.memory_space<vmem>>
      %dma_wait3A_233 = arith.constant 0 : i32
      %dma_wait3A_234 = tpu.memref_slice %arg10[%dma_wait3A_229, %dma_wait3A_233] : memref<8x128xi32, #tpu.memory_space<vmem>> -> memref<1x128xi32, #tpu.memory_space<vmem>>
      %dma_wait3A_235 = tpu.memref_squeeze %dma_wait3A_234 : memref<1x128xi32, #tpu.memory_space<vmem>> -> memref<128xi32, #tpu.memory_space<vmem>>
      %dma_wait3A_236 = arith.constant 0 : i32
      %dma_wait3A_237 = arith.constant 0 : i32
      %dma_wait3A_238 = tpu.memref_slice %arg5[%dma_wait3A_236, %dma_wait3A_237] : memref<10016x16xf32, #tpu.memory_space<hbm>> -> memref<10016x16xf32, #tpu.memory_space<hbm>>
      tpu.wait_indirect_dma semaphore(%arg16 : memref<!tpu.dma_semaphore, #tpu.memory_space<semaphore_mem>>) src(%dma_wait3A_238 : memref<10016x16xf32, #tpu.memory_space<hbm>>) dst(%dma_wait3A_232 : memref<128x16xf32, #tpu.memory_space<vmem>>)
      %dma_wait3A_239 = arith.constant 2 : i32
      %dma_wait3A_240 = arith.constant 256 : i32
      %dma_wait3A_241 = arith.constant 0 : i32
      %dma_wait3A_242 = tpu.memref_slice %arg11[%dma_wait3A_240, %dma_wait3A_241] : memref<1024x16xf32, #tpu.memory_space<vmem>> -> memref<128x16xf32, #tpu.memory_space<vmem>>
      %dma_wait3A_243 = arith.constant 0 : i32
      %dma_wait3A_244 = tpu.memref_slice %arg9[%dma_wait3A_239, %dma_wait3A_243] : memref<8x128xi32, #tpu.memory_space<vmem>> -> memref<1x128xi32, #tpu.memory_space<vmem>>
      %dma_wait3A_245 = tpu.memref_squeeze %dma_wait3A_244 : memref<1x128xi32, #tpu.memory_space<vmem>> -> memref<128xi32, #tpu.memory_space<vmem>>
      %dma_wait3A_246 = arith.constant 0 : i32
      %dma_wait3A_247 = arith.constant 0 : i32
      %dma_wait3A_248 = tpu.memref_slice %arg4[%dma_wait3A_246, %dma_wait3A_247] : memref<10000x16xf32, #tpu.memory_space<hbm>> -> memref<10000x16xf32, #tpu.memory_space<hbm>>
      tpu.wait_indirect_dma semaphore(%arg15 : memref<!tpu.dma_semaphore, #tpu.memory_space<semaphore_mem>>) src(%dma_wait3A_248 : memref<10000x16xf32, #tpu.memory_space<hbm>>) dst(%dma_wait3A_242 : memref<128x16xf32, #tpu.memory_space<vmem>>)
      %dma_wait3A_249 = arith.constant 2 : i32
      %dma_wait3A_250 = arith.constant 256 : i32
      %dma_wait3A_251 = arith.constant 0 : i32
      %dma_wait3A_252 = tpu.memref_slice %arg12[%dma_wait3A_250, %dma_wait3A_251] : memref<1024x16xf32, #tpu.memory_space<vmem>> -> memref<128x16xf32, #tpu.memory_space<vmem>>
      %dma_wait3A_253 = arith.constant 0 : i32
      %dma_wait3A_254 = tpu.memref_slice %arg10[%dma_wait3A_249, %dma_wait3A_253] : memref<8x128xi32, #tpu.memory_space<vmem>> -> memref<1x128xi32, #tpu.memory_space<vmem>>
      %dma_wait3A_255 = tpu.memref_squeeze %dma_wait3A_254 : memref<1x128xi32, #tpu.memory_space<vmem>> -> memref<128xi32, #tpu.memory_space<vmem>>
      %dma_wait3A_256 = arith.constant 0 : i32
      %dma_wait3A_257 = arith.constant 0 : i32
      %dma_wait3A_258 = tpu.memref_slice %arg5[%dma_wait3A_256, %dma_wait3A_257] : memref<10016x16xf32, #tpu.memory_space<hbm>> -> memref<10016x16xf32, #tpu.memory_space<hbm>>
      tpu.wait_indirect_dma semaphore(%arg16 : memref<!tpu.dma_semaphore, #tpu.memory_space<semaphore_mem>>) src(%dma_wait3A_258 : memref<10016x16xf32, #tpu.memory_space<hbm>>) dst(%dma_wait3A_252 : memref<128x16xf32, #tpu.memory_space<vmem>>)
      %dma_wait3A_259 = arith.constant 3 : i32
      %dma_wait3A_260 = arith.constant 384 : i32
      %dma_wait3A_261 = arith.constant 0 : i32
      %dma_wait3A_262 = tpu.memref_slice %arg11[%dma_wait3A_260, %dma_wait3A_261] : memref<1024x16xf32, #tpu.memory_space<vmem>> -> memref<128x16xf32, #tpu.memory_space<vmem>>
      %dma_wait3A_263 = arith.constant 0 : i32
      %dma_wait3A_264 = tpu.memref_slice %arg9[%dma_wait3A_259, %dma_wait3A_263] : memref<8x128xi32, #tpu.memory_space<vmem>> -> memref<1x128xi32, #tpu.memory_space<vmem>>
      %dma_wait3A_265 = tpu.memref_squeeze %dma_wait3A_264 : memref<1x128xi32, #tpu.memory_space<vmem>> -> memref<128xi32, #tpu.memory_space<vmem>>
      %dma_wait3A_266 = arith.constant 0 : i32
      %dma_wait3A_267 = arith.constant 0 : i32
      %dma_wait3A_268 = tpu.memref_slice %arg4[%dma_wait3A_266, %dma_wait3A_267] : memref<10000x16xf32, #tpu.memory_space<hbm>> -> memref<10000x16xf32, #tpu.memory_space<hbm>>
      tpu.wait_indirect_dma semaphore(%arg15 : memref<!tpu.dma_semaphore, #tpu.memory_space<semaphore_mem>>) src(%dma_wait3A_268 : memref<10000x16xf32, #tpu.memory_space<hbm>>) dst(%dma_wait3A_262 : memref<128x16xf32, #tpu.memory_space<vmem>>)
      %dma_wait3A_269 = arith.constant 3 : i32
      %dma_wait3A_270 = arith.constant 384 : i32
      %dma_wait3A_271 = arith.constant 0 : i32
      %dma_wait3A_272 = tpu.memref_slice %arg12[%dma_wait3A_270, %dma_wait3A_271] : memref<1024x16xf32, #tpu.memory_space<vmem>> -> memref<128x16xf32, #tpu.memory_space<vmem>>
      %dma_wait3A_273 = arith.constant 0 : i32
      %dma_wait3A_274 = tpu.memref_slice %arg10[%dma_wait3A_269, %dma_wait3A_273] : memref<8x128xi32, #tpu.memory_space<vmem>> -> memref<1x128xi32, #tpu.memory_space<vmem>>
      %dma_wait3A_275 = tpu.memref_squeeze %dma_wait3A_274 : memref<1x128xi32, #tpu.memory_space<vmem>> -> memref<128xi32, #tpu.memory_space<vmem>>
      %dma_wait3A_276 = arith.constant 0 : i32
      %dma_wait3A_277 = arith.constant 0 : i32
      %dma_wait3A_278 = tpu.memref_slice %arg5[%dma_wait3A_276, %dma_wait3A_277] : memref<10016x16xf32, #tpu.memory_space<hbm>> -> memref<10016x16xf32, #tpu.memory_space<hbm>>
      tpu.wait_indirect_dma semaphore(%arg16 : memref<!tpu.dma_semaphore, #tpu.memory_space<semaphore_mem>>) src(%dma_wait3A_278 : memref<10016x16xf32, #tpu.memory_space<hbm>>) dst(%dma_wait3A_272 : memref<128x16xf32, #tpu.memory_space<vmem>>)
      %dma_wait3A_279 = arith.constant 4 : i32
      %dma_wait3A_280 = arith.constant 512 : i32
      %dma_wait3A_281 = arith.constant 0 : i32
      %dma_wait3A_282 = tpu.memref_slice %arg11[%dma_wait3A_280, %dma_wait3A_281] : memref<1024x16xf32, #tpu.memory_space<vmem>> -> memref<128x16xf32, #tpu.memory_space<vmem>>
      %dma_wait3A_283 = arith.constant 0 : i32
      %dma_wait3A_284 = tpu.memref_slice %arg9[%dma_wait3A_279, %dma_wait3A_283] : memref<8x128xi32, #tpu.memory_space<vmem>> -> memref<1x128xi32, #tpu.memory_space<vmem>>
      %dma_wait3A_285 = tpu.memref_squeeze %dma_wait3A_284 : memref<1x128xi32, #tpu.memory_space<vmem>> -> memref<128xi32, #tpu.memory_space<vmem>>
      %dma_wait3A_286 = arith.constant 0 : i32
      %dma_wait3A_287 = arith.constant 0 : i32
      %dma_wait3A_288 = tpu.memref_slice %arg4[%dma_wait3A_286, %dma_wait3A_287] : memref<10000x16xf32, #tpu.memory_space<hbm>> -> memref<10000x16xf32, #tpu.memory_space<hbm>>
      tpu.wait_indirect_dma semaphore(%arg15 : memref<!tpu.dma_semaphore, #tpu.memory_space<semaphore_mem>>) src(%dma_wait3A_288 : memref<10000x16xf32, #tpu.memory_space<hbm>>) dst(%dma_wait3A_282 : memref<128x16xf32, #tpu.memory_space<vmem>>)
      %dma_wait3A_289 = arith.constant 4 : i32
      %dma_wait3A_290 = arith.constant 512 : i32
      %dma_wait3A_291 = arith.constant 0 : i32
      %dma_wait3A_292 = tpu.memref_slice %arg12[%dma_wait3A_290, %dma_wait3A_291] : memref<1024x16xf32, #tpu.memory_space<vmem>> -> memref<128x16xf32, #tpu.memory_space<vmem>>
      %dma_wait3A_293 = arith.constant 0 : i32
      %dma_wait3A_294 = tpu.memref_slice %arg10[%dma_wait3A_289, %dma_wait3A_293] : memref<8x128xi32, #tpu.memory_space<vmem>> -> memref<1x128xi32, #tpu.memory_space<vmem>>
      %dma_wait3A_295 = tpu.memref_squeeze %dma_wait3A_294 : memref<1x128xi32, #tpu.memory_space<vmem>> -> memref<128xi32, #tpu.memory_space<vmem>>
      %dma_wait3A_296 = arith.constant 0 : i32
      %dma_wait3A_297 = arith.constant 0 : i32
      %dma_wait3A_298 = tpu.memref_slice %arg5[%dma_wait3A_296, %dma_wait3A_297] : memref<10016x16xf32, #tpu.memory_space<hbm>> -> memref<10016x16xf32, #tpu.memory_space<hbm>>
      tpu.wait_indirect_dma semaphore(%arg16 : memref<!tpu.dma_semaphore, #tpu.memory_space<semaphore_mem>>) src(%dma_wait3A_298 : memref<10016x16xf32, #tpu.memory_space<hbm>>) dst(%dma_wait3A_292 : memref<128x16xf32, #tpu.memory_space<vmem>>)
      %dma_wait3A_299 = arith.constant 5 : i32
      %dma_wait3A_300 = arith.constant 640 : i32
      %dma_wait3A_301 = arith.constant 0 : i32
      %dma_wait3A_302 = tpu.memref_slice %arg11[%dma_wait3A_300, %dma_wait3A_301] : memref<1024x16xf32, #tpu.memory_space<vmem>> -> memref<128x16xf32, #tpu.memory_space<vmem>>
      %dma_wait3A_303 = arith.constant 0 : i32
      %dma_wait3A_304 = tpu.memref_slice %arg9[%dma_wait3A_299, %dma_wait3A_303] : memref<8x128xi32, #tpu.memory_space<vmem>> -> memref<1x128xi32, #tpu.memory_space<vmem>>
      %dma_wait3A_305 = tpu.memref_squeeze %dma_wait3A_304 : memref<1x128xi32, #tpu.memory_space<vmem>> -> memref<128xi32, #tpu.memory_space<vmem>>
      %dma_wait3A_306 = arith.constant 0 : i32
      %dma_wait3A_307 = arith.constant 0 : i32
      %dma_wait3A_308 = tpu.memref_slice %arg4[%dma_wait3A_306, %dma_wait3A_307] : memref<10000x16xf32, #tpu.memory_space<hbm>> -> memref<10000x16xf32, #tpu.memory_space<hbm>>
      tpu.wait_indirect_dma semaphore(%arg15 : memref<!tpu.dma_semaphore, #tpu.memory_space<semaphore_mem>>) src(%dma_wait3A_308 : memref<10000x16xf32, #tpu.memory_space<hbm>>) dst(%dma_wait3A_302 : memref<128x16xf32, #tpu.memory_space<vmem>>)
      %dma_wait3A_309 = arith.constant 5 : i32
      %dma_wait3A_310 = arith.constant 640 : i32
      %dma_wait3A_311 = arith.constant 0 : i32
      %dma_wait3A_312 = tpu.memref_slice %arg12[%dma_wait3A_310, %dma_wait3A_311] : memref<1024x16xf32, #tpu.memory_space<vmem>> -> memref<128x16xf32, #tpu.memory_space<vmem>>
      %dma_wait3A_313 = arith.constant 0 : i32
      %dma_wait3A_314 = tpu.memref_slice %arg10[%dma_wait3A_309, %dma_wait3A_313] : memref<8x128xi32, #tpu.memory_space<vmem>> -> memref<1x128xi32, #tpu.memory_space<vmem>>
      %dma_wait3A_315 = tpu.memref_squeeze %dma_wait3A_314 : memref<1x128xi32, #tpu.memory_space<vmem>> -> memref<128xi32, #tpu.memory_space<vmem>>
      %dma_wait3A_316 = arith.constant 0 : i32
      %dma_wait3A_317 = arith.constant 0 : i32
      %dma_wait3A_318 = tpu.memref_slice %arg5[%dma_wait3A_316, %dma_wait3A_317] : memref<10016x16xf32, #tpu.memory_space<hbm>> -> memref<10016x16xf32, #tpu.memory_space<hbm>>
      tpu.wait_indirect_dma semaphore(%arg16 : memref<!tpu.dma_semaphore, #tpu.memory_space<semaphore_mem>>) src(%dma_wait3A_318 : memref<10016x16xf32, #tpu.memory_space<hbm>>) dst(%dma_wait3A_312 : memref<128x16xf32, #tpu.memory_space<vmem>>)
      %dma_wait3A_319 = arith.constant 6 : i32
      %dma_wait3A_320 = arith.constant 768 : i32
      %dma_wait3A_321 = arith.constant 0 : i32
      %dma_wait3A_322 = tpu.memref_slice %arg11[%dma_wait3A_320, %dma_wait3A_321] : memref<1024x16xf32, #tpu.memory_space<vmem>> -> memref<128x16xf32, #tpu.memory_space<vmem>>
      %dma_wait3A_323 = arith.constant 0 : i32
      %dma_wait3A_324 = tpu.memref_slice %arg9[%dma_wait3A_319, %dma_wait3A_323] : memref<8x128xi32, #tpu.memory_space<vmem>> -> memref<1x128xi32, #tpu.memory_space<vmem>>
      %dma_wait3A_325 = tpu.memref_squeeze %dma_wait3A_324 : memref<1x128xi32, #tpu.memory_space<vmem>> -> memref<128xi32, #tpu.memory_space<vmem>>
      %dma_wait3A_326 = arith.constant 0 : i32
      %dma_wait3A_327 = arith.constant 0 : i32
      %dma_wait3A_328 = tpu.memref_slice %arg4[%dma_wait3A_326, %dma_wait3A_327] : memref<10000x16xf32, #tpu.memory_space<hbm>> -> memref<10000x16xf32, #tpu.memory_space<hbm>>
      tpu.wait_indirect_dma semaphore(%arg15 : memref<!tpu.dma_semaphore, #tpu.memory_space<semaphore_mem>>) src(%dma_wait3A_328 : memref<10000x16xf32, #tpu.memory_space<hbm>>) dst(%dma_wait3A_322 : memref<128x16xf32, #tpu.memory_space<vmem>>)
      %dma_wait3A_329 = arith.constant 6 : i32
      %dma_wait3A_330 = arith.constant 768 : i32
      %dma_wait3A_331 = arith.constant 0 : i32
      %dma_wait3A_332 = tpu.memref_slice %arg12[%dma_wait3A_330, %dma_wait3A_331] : memref<1024x16xf32, #tpu.memory_space<vmem>> -> memref<128x16xf32, #tpu.memory_space<vmem>>
      %dma_wait3A_333 = arith.constant 0 : i32
      %dma_wait3A_334 = tpu.memref_slice %arg10[%dma_wait3A_329, %dma_wait3A_333] : memref<8x128xi32, #tpu.memory_space<vmem>> -> memref<1x128xi32, #tpu.memory_space<vmem>>
      %dma_wait3A_335 = tpu.memref_squeeze %dma_wait3A_334 : memref<1x128xi32, #tpu.memory_space<vmem>> -> memref<128xi32, #tpu.memory_space<vmem>>
      %dma_wait3A_336 = arith.constant 0 : i32
      %dma_wait3A_337 = arith.constant 0 : i32
      %dma_wait3A_338 = tpu.memref_slice %arg5[%dma_wait3A_336, %dma_wait3A_337] : memref<10016x16xf32, #tpu.memory_space<hbm>> -> memref<10016x16xf32, #tpu.memory_space<hbm>>
      tpu.wait_indirect_dma semaphore(%arg16 : memref<!tpu.dma_semaphore, #tpu.memory_space<semaphore_mem>>) src(%dma_wait3A_338 : memref<10016x16xf32, #tpu.memory_space<hbm>>) dst(%dma_wait3A_332 : memref<128x16xf32, #tpu.memory_space<vmem>>)
      %dma_wait3A_339 = arith.constant 7 : i32
      %dma_wait3A_340 = arith.constant 896 : i32
      %dma_wait3A_341 = arith.constant 0 : i32
      %dma_wait3A_342 = tpu.memref_slice %arg11[%dma_wait3A_340, %dma_wait3A_341] : memref<1024x16xf32, #tpu.memory_space<vmem>> -> memref<128x16xf32, #tpu.memory_space<vmem>>
      %dma_wait3A_343 = arith.constant 0 : i32
      %dma_wait3A_344 = tpu.memref_slice %arg9[%dma_wait3A_339, %dma_wait3A_343] : memref<8x128xi32, #tpu.memory_space<vmem>> -> memref<1x128xi32, #tpu.memory_space<vmem>>
      %dma_wait3A_345 = tpu.memref_squeeze %dma_wait3A_344 : memref<1x128xi32, #tpu.memory_space<vmem>> -> memref<128xi32, #tpu.memory_space<vmem>>
      %dma_wait3A_346 = arith.constant 0 : i32
      %dma_wait3A_347 = arith.constant 0 : i32
      %dma_wait3A_348 = tpu.memref_slice %arg4[%dma_wait3A_346, %dma_wait3A_347] : memref<10000x16xf32, #tpu.memory_space<hbm>> -> memref<10000x16xf32, #tpu.memory_space<hbm>>
      tpu.wait_indirect_dma semaphore(%arg15 : memref<!tpu.dma_semaphore, #tpu.memory_space<semaphore_mem>>) src(%dma_wait3A_348 : memref<10000x16xf32, #tpu.memory_space<hbm>>) dst(%dma_wait3A_342 : memref<128x16xf32, #tpu.memory_space<vmem>>)
      %dma_wait3A_349 = arith.constant 7 : i32
      %dma_wait3A_350 = arith.constant 896 : i32
      %dma_wait3A_351 = arith.constant 0 : i32
      %dma_wait3A_352 = tpu.memref_slice %arg12[%dma_wait3A_350, %dma_wait3A_351] : memref<1024x16xf32, #tpu.memory_space<vmem>> -> memref<128x16xf32, #tpu.memory_space<vmem>>
      %dma_wait3A_353 = arith.constant 0 : i32
      %dma_wait3A_354 = tpu.memref_slice %arg10[%dma_wait3A_349, %dma_wait3A_353] : memref<8x128xi32, #tpu.memory_space<vmem>> -> memref<1x128xi32, #tpu.memory_space<vmem>>
      %dma_wait3A_355 = tpu.memref_squeeze %dma_wait3A_354 : memref<1x128xi32, #tpu.memory_space<vmem>> -> memref<128xi32, #tpu.memory_space<vmem>>
      %dma_wait3A_356 = arith.constant 0 : i32
      %dma_wait3A_357 = arith.constant 0 : i32
      %dma_wait3A_358 = tpu.memref_slice %arg5[%dma_wait3A_356, %dma_wait3A_357] : memref<10016x16xf32, #tpu.memory_space<hbm>> -> memref<10016x16xf32, #tpu.memory_space<hbm>>
      tpu.wait_indirect_dma semaphore(%arg16 : memref<!tpu.dma_semaphore, #tpu.memory_space<semaphore_mem>>) src(%dma_wait3A_358 : memref<10016x16xf32, #tpu.memory_space<hbm>>) dst(%dma_wait3A_352 : memref<128x16xf32, #tpu.memory_space<vmem>>)
      %scan3A_359 = arith.constant 0 : i32
      %scan3A_360 = arith.constant 1024 : i32
      %scan3A_361 = arith.addi %scan3A_359, %scan3A_360 : i32
      %scan3A_362 = arith.constant 1 : i32
      scf.for %scan3A_371 = %scan3A_359 to %scan3A_361 step %scan3A_362  : i32 {
        %mul3A_372 = arith.constant 1 : i32
        %mul3A_373 = arith.muli %scan3A_371, %mul3A_372 : i32
        %add3A_374 = arith.constant 0 : i32
        %add3A_375 = arith.addi %add3A_374, %mul3A_373 : i32
        %get3A = arith.index_cast %add3A_375 : i32 to index
        %get3A_376 = arith.constant 0 : index
        %get3A_377 = tpu.vector_load %arg11[%get3A, %get3A_376] {strides = array<i32>} : memref<1024x16xf32, #tpu.memory_space<vmem>>, vector<1x16xf32>,
        %get3A_378 = vector.shape_cast %get3A_377 : vector<1x16xf32> to vector<16xf32>
        %get3A_379 = arith.index_cast %add3A_375 : i32 to index
        %get3A_380 = arith.constant 0 : index
        %get3A_381 = tpu.vector_load %arg12[%get3A_379, %get3A_380] {strides = array<i32>} : memref<1024x16xf32, #tpu.memory_space<vmem>>, vector<1x16xf32>,
        %get3A_382 = vector.shape_cast %get3A_381 : vector<1x16xf32> to vector<16xf32>
        %add3A_383 = arith.addf %get3A_378, %get3A_382 : vector<16xf32>
        %ge3A = arith.constant 0.000000e+00 : f32
        %ge3A_384 = vector.broadcast %ge3A : f32 to vector<16xf32>
        %ge3A_385 = arith.cmpf oge, %add3A_383, %ge3A_384 : vector<16xf32>
        %mul3A_386 = arith.constant 2.000000e-01 : f32
        %mul3A_387 = vector.broadcast %mul3A_386 : f32 to vector<16xf32>
        %mul3A_388 = arith.mulf %add3A_383, %mul3A_387 : vector<16xf32>
        %select_n3A_389 = arith.select %ge3A_385, %add3A_383, %mul3A_388 : vector<16xi1>, vector<16xf32>
        %exp3A = math.exp %select_n3A_389 : vector<16xf32>
        %swap3A = arith.index_cast %add3A_375 : i32 to index
        %swap3A_390 = arith.constant 0 : index
        %swap3A_391 = tpu.vector_load %arg13[%swap3A, %swap3A_390] {strides = array<i32>} : memref<1024x16xf32, #tpu.memory_space<vmem>>, vector<1x16xf32>,
        %swap3A_392 = vector.shape_cast %swap3A_391 : vector<1x16xf32> to vector<16xf32>
        %swap3A_393 = vector.shape_cast %exp3A : vector<16xf32> to vector<1x16xf32>
        tpu.vector_store %arg13[%swap3A, %swap3A_390], %swap3A_393 {strides = array<i32>} : memref<1024x16xf32, #tpu.memory_space<vmem>>, vector<1x16xf32>,
      }
      %scan3A_363 = arith.constant 1024 : i32
      "tpu.region"() ({
        %run_scoped3A_371 = tpu.sem_alloc : memref<!tpu.dma_semaphore, #tpu.memory_space<semaphore_mem>>
        %dma_start3A_372 = arith.constant 0 : i32
        %dma_start3A_373 = tpu.memref_slice %arg7[%add3A_24, %dma_start3A_372] : memref<327680x16xf32, #tpu.memory_space<hbm>> -> memref<1024x16xf32, #tpu.memory_space<hbm>>
        %dma_start3A_374 = arith.constant 0 : i32
        %dma_start3A_375 = tpu.memref_slice %arg7[%add3A_24, %dma_start3A_374] : memref<327680x16xf32, #tpu.memory_space<hbm>> -> memref<1024x16xf32, #tpu.memory_space<hbm>>
        tpu.enqueue_dma source(%arg13 : memref<1024x16xf32, #tpu.memory_space<vmem>>) target(%dma_start3A_375 : memref<1024x16xf32, #tpu.memory_space<hbm>>) target_semaphore(%run_scoped3A_371 : memref<!tpu.dma_semaphore, #tpu.memory_space<semaphore_mem>>)
        %dma_wait3A_376 = arith.constant 0 : i32
        %dma_wait3A_377 = tpu.memref_slice %arg7[%add3A_24, %dma_wait3A_376] : memref<327680x16xf32, #tpu.memory_space<hbm>> -> memref<1024x16xf32, #tpu.memory_space<hbm>>
        %dma_wait3A_378 = arith.constant 0 : i32
        %dma_wait3A_379 = tpu.memref_slice %arg7[%add3A_24, %dma_wait3A_378] : memref<327680x16xf32, #tpu.memory_space<hbm>> -> memref<1024x16xf32, #tpu.memory_space<hbm>>
        tpu.wait_dma2 semaphore(%run_scoped3A_371 : memref<!tpu.dma_semaphore, #tpu.memory_space<semaphore_mem>>) src(%arg13 : memref<1024x16xf32, #tpu.memory_space<vmem>>) dst(%dma_wait3A_379 : memref<1024x16xf32, #tpu.memory_space<hbm>>)
        tpu.yield
      }) : () -> ()
      %run_scoped3A = arith.constant 0 : i32
      "tpu.region"() ({
        %run_scoped3A_371 = tpu.sem_alloc : memref<!tpu.dma_semaphore, #tpu.memory_space<semaphore_mem>>
        %dma_start3A_372 = arith.constant 0 : i32
        %dma_start3A_373 = arith.constant 0 : i32
        %dma_start3A_374 = tpu.memref_slice %arg13[%dma_start3A_372, %dma_start3A_373] : memref<1024x16xf32, #tpu.memory_space<vmem>> -> memref<128x16xf32, #tpu.memory_space<vmem>>
        %dma_start3A_375 = arith.constant 0 : i32
        %dma_start3A_376 = tpu.memref_slice %arg10[%run_scoped3A, %dma_start3A_375] : memref<8x128xi32, #tpu.memory_space<vmem>> -> memref<1x128xi32, #tpu.memory_space<vmem>>
        %dma_start3A_377 = tpu.memref_squeeze %dma_start3A_376 : memref<1x128xi32, #tpu.memory_space<vmem>> -> memref<128xi32, #tpu.memory_space<vmem>>
        %dma_start3A_378 = arith.constant 0 : i32
        %dma_start3A_379 = arith.constant 0 : i32
        %dma_start3A_380 = tpu.memref_slice %arg14[%dma_start3A_378, %dma_start3A_379] : memref<10016x16xf32, #tpu.memory_space<vmem_shared>> -> memref<10016x16xf32, #tpu.memory_space<vmem_shared>>
        tpu.enqueue_indirect_dma source(%dma_start3A_374 : memref<128x16xf32, #tpu.memory_space<vmem>>) target(%dma_start3A_380 : memref<10016x16xf32, #tpu.memory_space<vmem_shared>>) offsets(%dma_start3A_377 : memref<128xi32, #tpu.memory_space<vmem>>) semaphore(%run_scoped3A_371 : memref<!tpu.dma_semaphore, #tpu.memory_space<semaphore_mem>>) {add = true}
        %dma_wait3A_381 = arith.constant 0 : i32
        %dma_wait3A_382 = arith.constant 0 : i32
        %dma_wait3A_383 = tpu.memref_slice %arg13[%dma_wait3A_381, %dma_wait3A_382] : memref<1024x16xf32, #tpu.memory_space<vmem>> -> memref<128x16xf32, #tpu.memory_space<vmem>>
        %dma_wait3A_384 = arith.constant 0 : i32
        %dma_wait3A_385 = tpu.memref_slice %arg10[%run_scoped3A, %dma_wait3A_384] : memref<8x128xi32, #tpu.memory_space<vmem>> -> memref<1x128xi32, #tpu.memory_space<vmem>>
        %dma_wait3A_386 = tpu.memref_squeeze %dma_wait3A_385 : memref<1x128xi32, #tpu.memory_space<vmem>> -> memref<128xi32, #tpu.memory_space<vmem>>
        %dma_wait3A_387 = arith.constant 0 : i32
        %dma_wait3A_388 = arith.constant 0 : i32
        %dma_wait3A_389 = tpu.memref_slice %arg14[%dma_wait3A_387, %dma_wait3A_388] : memref<10016x16xf32, #tpu.memory_space<vmem_shared>> -> memref<10016x16xf32, #tpu.memory_space<vmem_shared>>
        tpu.wait_indirect_dma semaphore(%run_scoped3A_371 : memref<!tpu.dma_semaphore, #tpu.memory_space<semaphore_mem>>) src(%dma_wait3A_383 : memref<128x16xf32, #tpu.memory_space<vmem>>) dst(%dma_wait3A_389 : memref<10016x16xf32, #tpu.memory_space<vmem_shared>>)
        tpu.yield
      }) : () -> ()
      %run_scoped3A_364 = arith.constant 1 : i32
      "tpu.region"() ({
        %run_scoped3A_371 = tpu.sem_alloc : memref<!tpu.dma_semaphore, #tpu.memory_space<semaphore_mem>>
        %dma_start3A_372 = arith.constant 128 : i32
        %dma_start3A_373 = arith.constant 0 : i32
        %dma_start3A_374 = tpu.memref_slice %arg13[%dma_start3A_372, %dma_start3A_373] : memref<1024x16xf32, #tpu.memory_space<vmem>> -> memref<128x16xf32, #tpu.memory_space<vmem>>
        %dma_start3A_375 = arith.constant 0 : i32
        %dma_start3A_376 = tpu.memref_slice %arg10[%run_scoped3A_364, %dma_start3A_375] : memref<8x128xi32, #tpu.memory_space<vmem>> -> memref<1x128xi32, #tpu.memory_space<vmem>>
        %dma_start3A_377 = tpu.memref_squeeze %dma_start3A_376 : memref<1x128xi32, #tpu.memory_space<vmem>> -> memref<128xi32, #tpu.memory_space<vmem>>
        %dma_start3A_378 = arith.constant 0 : i32
        %dma_start3A_379 = arith.constant 0 : i32
        %dma_start3A_380 = tpu.memref_slice %arg14[%dma_start3A_378, %dma_start3A_379] : memref<10016x16xf32, #tpu.memory_space<vmem_shared>> -> memref<10016x16xf32, #tpu.memory_space<vmem_shared>>
        tpu.enqueue_indirect_dma source(%dma_start3A_374 : memref<128x16xf32, #tpu.memory_space<vmem>>) target(%dma_start3A_380 : memref<10016x16xf32, #tpu.memory_space<vmem_shared>>) offsets(%dma_start3A_377 : memref<128xi32, #tpu.memory_space<vmem>>) semaphore(%run_scoped3A_371 : memref<!tpu.dma_semaphore, #tpu.memory_space<semaphore_mem>>) {add = true}
        %dma_wait3A_381 = arith.constant 128 : i32
        %dma_wait3A_382 = arith.constant 0 : i32
        %dma_wait3A_383 = tpu.memref_slice %arg13[%dma_wait3A_381, %dma_wait3A_382] : memref<1024x16xf32, #tpu.memory_space<vmem>> -> memref<128x16xf32, #tpu.memory_space<vmem>>
        %dma_wait3A_384 = arith.constant 0 : i32
        %dma_wait3A_385 = tpu.memref_slice %arg10[%run_scoped3A_364, %dma_wait3A_384] : memref<8x128xi32, #tpu.memory_space<vmem>> -> memref<1x128xi32, #tpu.memory_space<vmem>>
        %dma_wait3A_386 = tpu.memref_squeeze %dma_wait3A_385 : memref<1x128xi32, #tpu.memory_space<vmem>> -> memref<128xi32, #tpu.memory_space<vmem>>
        %dma_wait3A_387 = arith.constant 0 : i32
        %dma_wait3A_388 = arith.constant 0 : i32
        %dma_wait3A_389 = tpu.memref_slice %arg14[%dma_wait3A_387, %dma_wait3A_388] : memref<10016x16xf32, #tpu.memory_space<vmem_shared>> -> memref<10016x16xf32, #tpu.memory_space<vmem_shared>>
        tpu.wait_indirect_dma semaphore(%run_scoped3A_371 : memref<!tpu.dma_semaphore, #tpu.memory_space<semaphore_mem>>) src(%dma_wait3A_383 : memref<128x16xf32, #tpu.memory_space<vmem>>) dst(%dma_wait3A_389 : memref<10016x16xf32, #tpu.memory_space<vmem_shared>>)
        tpu.yield
      }) : () -> ()
      %run_scoped3A_365 = arith.constant 2 : i32
      "tpu.region"() ({
        %run_scoped3A_371 = tpu.sem_alloc : memref<!tpu.dma_semaphore, #tpu.memory_space<semaphore_mem>>
        %dma_start3A_372 = arith.constant 256 : i32
        %dma_start3A_373 = arith.constant 0 : i32
        %dma_start3A_374 = tpu.memref_slice %arg13[%dma_start3A_372, %dma_start3A_373] : memref<1024x16xf32, #tpu.memory_space<vmem>> -> memref<128x16xf32, #tpu.memory_space<vmem>>
        %dma_start3A_375 = arith.constant 0 : i32
        %dma_start3A_376 = tpu.memref_slice %arg10[%run_scoped3A_365, %dma_start3A_375] : memref<8x128xi32, #tpu.memory_space<vmem>> -> memref<1x128xi32, #tpu.memory_space<vmem>>
        %dma_start3A_377 = tpu.memref_squeeze %dma_start3A_376 : memref<1x128xi32, #tpu.memory_space<vmem>> -> memref<128xi32, #tpu.memory_space<vmem>>
        %dma_start3A_378 = arith.constant 0 : i32
        %dma_start3A_379 = arith.constant 0 : i32
        %dma_start3A_380 = tpu.memref_slice %arg14[%dma_start3A_378, %dma_start3A_379] : memref<10016x16xf32, #tpu.memory_space<vmem_shared>> -> memref<10016x16xf32, #tpu.memory_space<vmem_shared>>
        tpu.enqueue_indirect_dma source(%dma_start3A_374 : memref<128x16xf32, #tpu.memory_space<vmem>>) target(%dma_start3A_380 : memref<10016x16xf32, #tpu.memory_space<vmem_shared>>) offsets(%dma_start3A_377 : memref<128xi32, #tpu.memory_space<vmem>>) semaphore(%run_scoped3A_371 : memref<!tpu.dma_semaphore, #tpu.memory_space<semaphore_mem>>) {add = true}
        %dma_wait3A_381 = arith.constant 256 : i32
        %dma_wait3A_382 = arith.constant 0 : i32
        %dma_wait3A_383 = tpu.memref_slice %arg13[%dma_wait3A_381, %dma_wait3A_382] : memref<1024x16xf32, #tpu.memory_space<vmem>> -> memref<128x16xf32, #tpu.memory_space<vmem>>
        %dma_wait3A_384 = arith.constant 0 : i32
        %dma_wait3A_385 = tpu.memref_slice %arg10[%run_scoped3A_365, %dma_wait3A_384] : memref<8x128xi32, #tpu.memory_space<vmem>> -> memref<1x128xi32, #tpu.memory_space<vmem>>
        %dma_wait3A_386 = tpu.memref_squeeze %dma_wait3A_385 : memref<1x128xi32, #tpu.memory_space<vmem>> -> memref<128xi32, #tpu.memory_space<vmem>>
        %dma_wait3A_387 = arith.constant 0 : i32
        %dma_wait3A_388 = arith.constant 0 : i32
        %dma_wait3A_389 = tpu.memref_slice %arg14[%dma_wait3A_387, %dma_wait3A_388] : memref<10016x16xf32, #tpu.memory_space<vmem_shared>> -> memref<10016x16xf32, #tpu.memory_space<vmem_shared>>
        tpu.wait_indirect_dma semaphore(%run_scoped3A_371 : memref<!tpu.dma_semaphore, #tpu.memory_space<semaphore_mem>>) src(%dma_wait3A_383 : memref<128x16xf32, #tpu.memory_space<vmem>>) dst(%dma_wait3A_389 : memref<10016x16xf32, #tpu.memory_space<vmem_shared>>)
        tpu.yield
      }) : () -> ()
      %run_scoped3A_366 = arith.constant 3 : i32
      "tpu.region"() ({
        %run_scoped3A_371 = tpu.sem_alloc : memref<!tpu.dma_semaphore, #tpu.memory_space<semaphore_mem>>
        %dma_start3A_372 = arith.constant 384 : i32
        %dma_start3A_373 = arith.constant 0 : i32
        %dma_start3A_374 = tpu.memref_slice %arg13[%dma_start3A_372, %dma_start3A_373] : memref<1024x16xf32, #tpu.memory_space<vmem>> -> memref<128x16xf32, #tpu.memory_space<vmem>>
        %dma_start3A_375 = arith.constant 0 : i32
        %dma_start3A_376 = tpu.memref_slice %arg10[%run_scoped3A_366, %dma_start3A_375] : memref<8x128xi32, #tpu.memory_space<vmem>> -> memref<1x128xi32, #tpu.memory_space<vmem>>
        %dma_start3A_377 = tpu.memref_squeeze %dma_start3A_376 : memref<1x128xi32, #tpu.memory_space<vmem>> -> memref<128xi32, #tpu.memory_space<vmem>>
        %dma_start3A_378 = arith.constant 0 : i32
        %dma_start3A_379 = arith.constant 0 : i32
        %dma_start3A_380 = tpu.memref_slice %arg14[%dma_start3A_378, %dma_start3A_379] : memref<10016x16xf32, #tpu.memory_space<vmem_shared>> -> memref<10016x16xf32, #tpu.memory_space<vmem_shared>>
        tpu.enqueue_indirect_dma source(%dma_start3A_374 : memref<128x16xf32, #tpu.memory_space<vmem>>) target(%dma_start3A_380 : memref<10016x16xf32, #tpu.memory_space<vmem_shared>>) offsets(%dma_start3A_377 : memref<128xi32, #tpu.memory_space<vmem>>) semaphore(%run_scoped3A_371 : memref<!tpu.dma_semaphore, #tpu.memory_space<semaphore_mem>>) {add = true}
        %dma_wait3A_381 = arith.constant 384 : i32
        %dma_wait3A_382 = arith.constant 0 : i32
        %dma_wait3A_383 = tpu.memref_slice %arg13[%dma_wait3A_381, %dma_wait3A_382] : memref<1024x16xf32, #tpu.memory_space<vmem>> -> memref<128x16xf32, #tpu.memory_space<vmem>>
        %dma_wait3A_384 = arith.constant 0 : i32
        %dma_wait3A_385 = tpu.memref_slice %arg10[%run_scoped3A_366, %dma_wait3A_384] : memref<8x128xi32, #tpu.memory_space<vmem>> -> memref<1x128xi32, #tpu.memory_space<vmem>>
        %dma_wait3A_386 = tpu.memref_squeeze %dma_wait3A_385 : memref<1x128xi32, #tpu.memory_space<vmem>> -> memref<128xi32, #tpu.memory_space<vmem>>
        %dma_wait3A_387 = arith.constant 0 : i32
        %dma_wait3A_388 = arith.constant 0 : i32
        %dma_wait3A_389 = tpu.memref_slice %arg14[%dma_wait3A_387, %dma_wait3A_388] : memref<10016x16xf32, #tpu.memory_space<vmem_shared>> -> memref<10016x16xf32, #tpu.memory_space<vmem_shared>>
        tpu.wait_indirect_dma semaphore(%run_scoped3A_371 : memref<!tpu.dma_semaphore, #tpu.memory_space<semaphore_mem>>) src(%dma_wait3A_383 : memref<128x16xf32, #tpu.memory_space<vmem>>) dst(%dma_wait3A_389 : memref<10016x16xf32, #tpu.memory_space<vmem_shared>>)
        tpu.yield
      }) : () -> ()
      %run_scoped3A_367 = arith.constant 4 : i32
      "tpu.region"() ({
        %run_scoped3A_371 = tpu.sem_alloc : memref<!tpu.dma_semaphore, #tpu.memory_space<semaphore_mem>>
        %dma_start3A_372 = arith.constant 512 : i32
        %dma_start3A_373 = arith.constant 0 : i32
        %dma_start3A_374 = tpu.memref_slice %arg13[%dma_start3A_372, %dma_start3A_373] : memref<1024x16xf32, #tpu.memory_space<vmem>> -> memref<128x16xf32, #tpu.memory_space<vmem>>
        %dma_start3A_375 = arith.constant 0 : i32
        %dma_start3A_376 = tpu.memref_slice %arg10[%run_scoped3A_367, %dma_start3A_375] : memref<8x128xi32, #tpu.memory_space<vmem>> -> memref<1x128xi32, #tpu.memory_space<vmem>>
        %dma_start3A_377 = tpu.memref_squeeze %dma_start3A_376 : memref<1x128xi32, #tpu.memory_space<vmem>> -> memref<128xi32, #tpu.memory_space<vmem>>
        %dma_start3A_378 = arith.constant 0 : i32
        %dma_start3A_379 = arith.constant 0 : i32
        %dma_start3A_380 = tpu.memref_slice %arg14[%dma_start3A_378, %dma_start3A_379] : memref<10016x16xf32, #tpu.memory_space<vmem_shared>> -> memref<10016x16xf32, #tpu.memory_space<vmem_shared>>
        tpu.enqueue_indirect_dma source(%dma_start3A_374 : memref<128x16xf32, #tpu.memory_space<vmem>>) target(%dma_start3A_380 : memref<10016x16xf32, #tpu.memory_space<vmem_shared>>) offsets(%dma_start3A_377 : memref<128xi32, #tpu.memory_space<vmem>>) semaphore(%run_scoped3A_371 : memref<!tpu.dma_semaphore, #tpu.memory_space<semaphore_mem>>) {add = true}
        %dma_wait3A_381 = arith.constant 512 : i32
        %dma_wait3A_382 = arith.constant 0 : i32
        %dma_wait3A_383 = tpu.memref_slice %arg13[%dma_wait3A_381, %dma_wait3A_382] : memref<1024x16xf32, #tpu.memory_space<vmem>> -> memref<128x16xf32, #tpu.memory_space<vmem>>
        %dma_wait3A_384 = arith.constant 0 : i32
        %dma_wait3A_385 = tpu.memref_slice %arg10[%run_scoped3A_367, %dma_wait3A_384] : memref<8x128xi32, #tpu.memory_space<vmem>> -> memref<1x128xi32, #tpu.memory_space<vmem>>
        %dma_wait3A_386 = tpu.memref_squeeze %dma_wait3A_385 : memref<1x128xi32, #tpu.memory_space<vmem>> -> memref<128xi32, #tpu.memory_space<vmem>>
        %dma_wait3A_387 = arith.constant 0 : i32
        %dma_wait3A_388 = arith.constant 0 : i32
        %dma_wait3A_389 = tpu.memref_slice %arg14[%dma_wait3A_387, %dma_wait3A_388] : memref<10016x16xf32, #tpu.memory_space<vmem_shared>> -> memref<10016x16xf32, #tpu.memory_space<vmem_shared>>
        tpu.wait_indirect_dma semaphore(%run_scoped3A_371 : memref<!tpu.dma_semaphore, #tpu.memory_space<semaphore_mem>>) src(%dma_wait3A_383 : memref<128x16xf32, #tpu.memory_space<vmem>>) dst(%dma_wait3A_389 : memref<10016x16xf32, #tpu.memory_space<vmem_shared>>)
        tpu.yield
      }) : () -> ()
      %run_scoped3A_368 = arith.constant 5 : i32
      "tpu.region"() ({
        %run_scoped3A_371 = tpu.sem_alloc : memref<!tpu.dma_semaphore, #tpu.memory_space<semaphore_mem>>
        %dma_start3A_372 = arith.constant 640 : i32
        %dma_start3A_373 = arith.constant 0 : i32
        %dma_start3A_374 = tpu.memref_slice %arg13[%dma_start3A_372, %dma_start3A_373] : memref<1024x16xf32, #tpu.memory_space<vmem>> -> memref<128x16xf32, #tpu.memory_space<vmem>>
        %dma_start3A_375 = arith.constant 0 : i32
        %dma_start3A_376 = tpu.memref_slice %arg10[%run_scoped3A_368, %dma_start3A_375] : memref<8x128xi32, #tpu.memory_space<vmem>> -> memref<1x128xi32, #tpu.memory_space<vmem>>
        %dma_start3A_377 = tpu.memref_squeeze %dma_start3A_376 : memref<1x128xi32, #tpu.memory_space<vmem>> -> memref<128xi32, #tpu.memory_space<vmem>>
        %dma_start3A_378 = arith.constant 0 : i32
        %dma_start3A_379 = arith.constant 0 : i32
        %dma_start3A_380 = tpu.memref_slice %arg14[%dma_start3A_378, %dma_start3A_379] : memref<10016x16xf32, #tpu.memory_space<vmem_shared>> -> memref<10016x16xf32, #tpu.memory_space<vmem_shared>>
        tpu.enqueue_indirect_dma source(%dma_start3A_374 : memref<128x16xf32, #tpu.memory_space<vmem>>) target(%dma_start3A_380 : memref<10016x16xf32, #tpu.memory_space<vmem_shared>>) offsets(%dma_start3A_377 : memref<128xi32, #tpu.memory_space<vmem>>) semaphore(%run_scoped3A_371 : memref<!tpu.dma_semaphore, #tpu.memory_space<semaphore_mem>>) {add = true}
        %dma_wait3A_381 = arith.constant 640 : i32
        %dma_wait3A_382 = arith.constant 0 : i32
        %dma_wait3A_383 = tpu.memref_slice %arg13[%dma_wait3A_381, %dma_wait3A_382] : memref<1024x16xf32, #tpu.memory_space<vmem>> -> memref<128x16xf32, #tpu.memory_space<vmem>>
        %dma_wait3A_384 = arith.constant 0 : i32
        %dma_wait3A_385 = tpu.memref_slice %arg10[%run_scoped3A_368, %dma_wait3A_384] : memref<8x128xi32, #tpu.memory_space<vmem>> -> memref<1x128xi32, #tpu.memory_space<vmem>>
        %dma_wait3A_386 = tpu.memref_squeeze %dma_wait3A_385 : memref<1x128xi32, #tpu.memory_space<vmem>> -> memref<128xi32, #tpu.memory_space<vmem>>
        %dma_wait3A_387 = arith.constant 0 : i32
        %dma_wait3A_388 = arith.constant 0 : i32
        %dma_wait3A_389 = tpu.memref_slice %arg14[%dma_wait3A_387, %dma_wait3A_388] : memref<10016x16xf32, #tpu.memory_space<vmem_shared>> -> memref<10016x16xf32, #tpu.memory_space<vmem_shared>>
        tpu.wait_indirect_dma semaphore(%run_scoped3A_371 : memref<!tpu.dma_semaphore, #tpu.memory_space<semaphore_mem>>) src(%dma_wait3A_383 : memref<128x16xf32, #tpu.memory_space<vmem>>) dst(%dma_wait3A_389 : memref<10016x16xf32, #tpu.memory_space<vmem_shared>>)
        tpu.yield
      }) : () -> ()
      %run_scoped3A_369 = arith.constant 6 : i32
      "tpu.region"() ({
        %run_scoped3A_371 = tpu.sem_alloc : memref<!tpu.dma_semaphore, #tpu.memory_space<semaphore_mem>>
        %dma_start3A_372 = arith.constant 768 : i32
        %dma_start3A_373 = arith.constant 0 : i32
        %dma_start3A_374 = tpu.memref_slice %arg13[%dma_start3A_372, %dma_start3A_373] : memref<1024x16xf32, #tpu.memory_space<vmem>> -> memref<128x16xf32, #tpu.memory_space<vmem>>
        %dma_start3A_375 = arith.constant 0 : i32
        %dma_start3A_376 = tpu.memref_slice %arg10[%run_scoped3A_369, %dma_start3A_375] : memref<8x128xi32, #tpu.memory_space<vmem>> -> memref<1x128xi32, #tpu.memory_space<vmem>>
        %dma_start3A_377 = tpu.memref_squeeze %dma_start3A_376 : memref<1x128xi32, #tpu.memory_space<vmem>> -> memref<128xi32, #tpu.memory_space<vmem>>
        %dma_start3A_378 = arith.constant 0 : i32
        %dma_start3A_379 = arith.constant 0 : i32
        %dma_start3A_380 = tpu.memref_slice %arg14[%dma_start3A_378, %dma_start3A_379] : memref<10016x16xf32, #tpu.memory_space<vmem_shared>> -> memref<10016x16xf32, #tpu.memory_space<vmem_shared>>
        tpu.enqueue_indirect_dma source(%dma_start3A_374 : memref<128x16xf32, #tpu.memory_space<vmem>>) target(%dma_start3A_380 : memref<10016x16xf32, #tpu.memory_space<vmem_shared>>) offsets(%dma_start3A_377 : memref<128xi32, #tpu.memory_space<vmem>>) semaphore(%run_scoped3A_371 : memref<!tpu.dma_semaphore, #tpu.memory_space<semaphore_mem>>) {add = true}
        %dma_wait3A_381 = arith.constant 768 : i32
        %dma_wait3A_382 = arith.constant 0 : i32
        %dma_wait3A_383 = tpu.memref_slice %arg13[%dma_wait3A_381, %dma_wait3A_382] : memref<1024x16xf32, #tpu.memory_space<vmem>> -> memref<128x16xf32, #tpu.memory_space<vmem>>
        %dma_wait3A_384 = arith.constant 0 : i32
        %dma_wait3A_385 = tpu.memref_slice %arg10[%run_scoped3A_369, %dma_wait3A_384] : memref<8x128xi32, #tpu.memory_space<vmem>> -> memref<1x128xi32, #tpu.memory_space<vmem>>
        %dma_wait3A_386 = tpu.memref_squeeze %dma_wait3A_385 : memref<1x128xi32, #tpu.memory_space<vmem>> -> memref<128xi32, #tpu.memory_space<vmem>>
        %dma_wait3A_387 = arith.constant 0 : i32
        %dma_wait3A_388 = arith.constant 0 : i32
        %dma_wait3A_389 = tpu.memref_slice %arg14[%dma_wait3A_387, %dma_wait3A_388] : memref<10016x16xf32, #tpu.memory_space<vmem_shared>> -> memref<10016x16xf32, #tpu.memory_space<vmem_shared>>
        tpu.wait_indirect_dma semaphore(%run_scoped3A_371 : memref<!tpu.dma_semaphore, #tpu.memory_space<semaphore_mem>>) src(%dma_wait3A_383 : memref<128x16xf32, #tpu.memory_space<vmem>>) dst(%dma_wait3A_389 : memref<10016x16xf32, #tpu.memory_space<vmem_shared>>)
        tpu.yield
      }) : () -> ()
      %run_scoped3A_370 = arith.constant 7 : i32
      "tpu.region"() ({
        %run_scoped3A_371 = tpu.sem_alloc : memref<!tpu.dma_semaphore, #tpu.memory_space<semaphore_mem>>
        %dma_start3A_372 = arith.constant 896 : i32
        %dma_start3A_373 = arith.constant 0 : i32
        %dma_start3A_374 = tpu.memref_slice %arg13[%dma_start3A_372, %dma_start3A_373] : memref<1024x16xf32, #tpu.memory_space<vmem>> -> memref<128x16xf32, #tpu.memory_space<vmem>>
        %dma_start3A_375 = arith.constant 0 : i32
        %dma_start3A_376 = tpu.memref_slice %arg10[%run_scoped3A_370, %dma_start3A_375] : memref<8x128xi32, #tpu.memory_space<vmem>> -> memref<1x128xi32, #tpu.memory_space<vmem>>
        %dma_start3A_377 = tpu.memref_squeeze %dma_start3A_376 : memref<1x128xi32, #tpu.memory_space<vmem>> -> memref<128xi32, #tpu.memory_space<vmem>>
        %dma_start3A_378 = arith.constant 0 : i32
        %dma_start3A_379 = arith.constant 0 : i32
        %dma_start3A_380 = tpu.memref_slice %arg14[%dma_start3A_378, %dma_start3A_379] : memref<10016x16xf32, #tpu.memory_space<vmem_shared>> -> memref<10016x16xf32, #tpu.memory_space<vmem_shared>>
        tpu.enqueue_indirect_dma source(%dma_start3A_374 : memref<128x16xf32, #tpu.memory_space<vmem>>) target(%dma_start3A_380 : memref<10016x16xf32, #tpu.memory_space<vmem_shared>>) offsets(%dma_start3A_377 : memref<128xi32, #tpu.memory_space<vmem>>) semaphore(%run_scoped3A_371 : memref<!tpu.dma_semaphore, #tpu.memory_space<semaphore_mem>>) {add = true}
        %dma_wait3A_381 = arith.constant 896 : i32
        %dma_wait3A_382 = arith.constant 0 : i32
        %dma_wait3A_383 = tpu.memref_slice %arg13[%dma_wait3A_381, %dma_wait3A_382] : memref<1024x16xf32, #tpu.memory_space<vmem>> -> memref<128x16xf32, #tpu.memory_space<vmem>>
        %dma_wait3A_384 = arith.constant 0 : i32
        %dma_wait3A_385 = tpu.memref_slice %arg10[%run_scoped3A_370, %dma_wait3A_384] : memref<8x128xi32, #tpu.memory_space<vmem>> -> memref<1x128xi32, #tpu.memory_space<vmem>>
        %dma_wait3A_386 = tpu.memref_squeeze %dma_wait3A_385 : memref<1x128xi32, #tpu.memory_space<vmem>> -> memref<128xi32, #tpu.memory_space<vmem>>
        %dma_wait3A_387 = arith.constant 0 : i32
        %dma_wait3A_388 = arith.constant 0 : i32
        %dma_wait3A_389 = tpu.memref_slice %arg14[%dma_wait3A_387, %dma_wait3A_388] : memref<10016x16xf32, #tpu.memory_space<vmem_shared>> -> memref<10016x16xf32, #tpu.memory_space<vmem_shared>>
        tpu.wait_indirect_dma semaphore(%run_scoped3A_371 : memref<!tpu.dma_semaphore, #tpu.memory_space<semaphore_mem>>) src(%dma_wait3A_383 : memref<128x16xf32, #tpu.memory_space<vmem>>) dst(%dma_wait3A_389 : memref<10016x16xf32, #tpu.memory_space<vmem_shared>>)
        tpu.yield
      }) : () -> ()
    }
    %scan3A_10 = arith.constant 10 : i32
    %barrier3A_11 = arith.constant 0 : index
    tpu.barrier barrier_id(%barrier3A_11)
    %mul3A_12 = arith.constant 625 : i32
    %mul3A_13 = arith.muli %arg1, %mul3A_12 : i32
    %mul3A_14 = arith.constant 10000 : i32
    %mul3A_15 = arith.muli %arg0, %mul3A_14 : i32
    %mul3A_16 = arith.constant 625 : i32
    %mul3A_17 = arith.muli %arg1, %mul3A_16 : i32
    %add3A_18 = arith.addi %mul3A_15, %mul3A_17 : i32
    "tpu.region"() ({
      %run_scoped3A = tpu.sem_alloc : memref<!tpu.dma_semaphore, #tpu.memory_space<semaphore_mem>>
      %dma_start3A = arith.constant 0 : i32
      %dma_start3A_19 = tpu.memref_slice %arg8[%add3A_18, %dma_start3A] : memref<20000x16xf32, #tpu.memory_space<hbm>> -> memref<625x16xf32, #tpu.memory_space<hbm>>
      %dma_start3A_20 = arith.constant 0 : i32
      %dma_start3A_21 = tpu.memref_slice %arg14[%mul3A_13, %dma_start3A_20] : memref<10016x16xf32, #tpu.memory_space<vmem_shared>> -> memref<625x16xf32, #tpu.memory_space<vmem_shared>>
      tpu.enqueue_dma source(%dma_start3A_21 : memref<625x16xf32, #tpu.memory_space<vmem_shared>>) target(%dma_start3A_19 : memref<625x16xf32, #tpu.memory_space<hbm>>) target_semaphore(%run_scoped3A : memref<!tpu.dma_semaphore, #tpu.memory_space<semaphore_mem>>)
      %dma_wait3A = arith.constant 0 : i32
      %dma_wait3A_22 = tpu.memref_slice %arg8[%add3A_18, %dma_wait3A] : memref<20000x16xf32, #tpu.memory_space<hbm>> -> memref<625x16xf32, #tpu.memory_space<hbm>>
      %dma_wait3A_23 = arith.constant 0 : i32
      %dma_wait3A_24 = tpu.memref_slice %arg14[%mul3A_13, %dma_wait3A_23] : memref<10016x16xf32, #tpu.memory_space<vmem_shared>> -> memref<625x16xf32, #tpu.memory_space<vmem_shared>>
      tpu.wait_dma2 semaphore(%run_scoped3A : memref<!tpu.dma_semaphore, #tpu.memory_space<semaphore_mem>>) src(%dma_wait3A_24 : memref<625x16xf32, #tpu.memory_space<vmem_shared>>) dst(%dma_wait3A_22 : memref<625x16xf32, #tpu.memory_space<hbm>>)
      tpu.yield
    }) : () -> ()
    return
  }
}

#map = affine_map<(d0, d1) -> (0, 0)>
module attributes {stable_mosaic.version = 14 : i64} {
  func.func @akernel(%arg0: i32, %arg1: i32, %arg2: memref<80000x64xf32, #tpu.memory_space<hbm>>, %arg3: memref<2560x128xi32, #tpu.memory_space<hbm>>, %arg4: memref<2560x128xi32, #tpu.memory_space<hbm>>, %arg5: memref<327680x16xf32, #tpu.memory_space<hbm>>, %arg6: memref<10016x64xf32, #tpu.memory_space<hbm>>, %arg7: memref<80000x64xf32, #tpu.memory_space<hbm>>, %arg8: memref<4x128xi32, #tpu.memory_space<vmem>>, %arg9: memref<4x128xi32, #tpu.memory_space<vmem>>, %arg10: memref<4x128xi32, #tpu.memory_space<vmem>>, %arg11: memref<512x16xf32, #tpu.memory_space<vmem>>, %arg12: memref<512x64xf32, #tpu.memory_space<vmem>>, %arg13: memref<10016x64xf32, #tpu.memory_space<vmem_shared>>, %arg14: memref<!tpu.dma_semaphore, #tpu.memory_space<semaphore_mem>>) attributes {dimension_semantics = [#tpu.dimension_semantics<core_parallel>, #tpu.dimension_semantics<subcore_parallel>], iteration_bounds = array<i64: 2, 16>, scalar_prefetch = 0 : i64, scratch_operands = 7 : i64, tpu.core_type = #tpu.core_type<sc_vector_subcore>, window_params = [{transform_indices = #map}, {transform_indices = #map}, {transform_indices = #map}, {transform_indices = #map}, {transform_indices = #map}, {transform_indices = #map}]} {
    %mul3A = arith.constant 20480 : i32
    %mul3A_0 = arith.muli %arg1, %mul3A : i32
    %mul3A_1 = arith.constant 4 : i32
    %mul3A_2 = arith.muli %arg0, %mul3A_1 : i32
    %add3A = arith.constant 0 : i32
    %add3A_3 = arith.addi %mul3A_2, %add3A : i32
    %mul3A_4 = arith.constant 626 : i32
    %mul3A_5 = arith.muli %arg1, %mul3A_4 : i32
    %mul3A_6 = arith.constant 626 : i32
    %mul3A_7 = arith.muli %arg1, %mul3A_6 : i32
    "tpu.region"() ({
      %run_scoped3A = tpu.sem_alloc : memref<!tpu.dma_semaphore, #tpu.memory_space<semaphore_mem>>
      %dma_start3A = arith.constant 0 : i32
      %dma_start3A_90 = tpu.memref_slice %arg13[%mul3A_7, %dma_start3A] : memref<10016x64xf32, #tpu.memory_space<vmem_shared>> -> memref<626x64xf32, #tpu.memory_space<vmem_shared>>
      %dma_start3A_91 = arith.constant 0 : i32
      %dma_start3A_92 = tpu.memref_slice %arg6[%mul3A_5, %dma_start3A_91] : memref<10016x64xf32, #tpu.memory_space<hbm>> -> memref<626x64xf32, #tpu.memory_space<hbm>>
      tpu.enqueue_dma source(%dma_start3A_92 : memref<626x64xf32, #tpu.memory_space<hbm>>) target(%dma_start3A_90 : memref<626x64xf32, #tpu.memory_space<vmem_shared>>) target_semaphore(%run_scoped3A : memref<!tpu.dma_semaphore, #tpu.memory_space<semaphore_mem>>)
      %dma_wait3A = arith.constant 0 : i32
      %dma_wait3A_93 = tpu.memref_slice %arg13[%mul3A_7, %dma_wait3A] : memref<10016x64xf32, #tpu.memory_space<vmem_shared>> -> memref<626x64xf32, #tpu.memory_space<vmem_shared>>
      %dma_wait3A_94 = arith.constant 0 : i32
      %dma_wait3A_95 = tpu.memref_slice %arg6[%mul3A_5, %dma_wait3A_94] : memref<10016x64xf32, #tpu.memory_space<hbm>> -> memref<626x64xf32, #tpu.memory_space<hbm>>
      tpu.wait_dma2 semaphore(%run_scoped3A : memref<!tpu.dma_semaphore, #tpu.memory_space<semaphore_mem>>) src(%dma_wait3A_95 : memref<626x64xf32, #tpu.memory_space<hbm>>) dst(%dma_wait3A_93 : memref<626x64xf32, #tpu.memory_space<vmem_shared>>)
      tpu.yield
    }) : () -> ()
    %barrier3A = arith.constant 0 : index
    tpu.barrier barrier_id(%barrier3A)
    %scan3A = arith.constant 0 : i32
    %scan3A_8 = arith.constant 40 : i32
    %scan3A_9 = arith.addi %scan3A, %scan3A_8 : i32
    %scan3A_10 = arith.constant 1 : i32
    scf.for %scan3A_90 = %scan3A to %scan3A_9 step %scan3A_10  : i32 {
      %mul3A_91 = arith.constant 512 : i32
      %mul3A_92 = arith.muli %scan3A_90, %mul3A_91 : i32
      %add3A_93 = arith.constant 0 : i32
      %add3A_94 = arith.addi %add3A_93, %mul3A_92 : i32
      %add3A_95 = arith.addi %mul3A_0, %add3A_94 : i32
      %jit3A = arith.constant 128 : i32
      %div3A = arith.divsi %add3A_95, %jit3A : i32
      %sign3A = arith.constant 0 : i32
      %sign3A_96 = arith.cmpi sgt, %add3A_95, %sign3A : i32
      %sign3A_97 = arith.extui %sign3A_96 : i1 to i32
      %sign3A_98 = arith.constant 0 : i32
      %sign3A_99 = arith.cmpi slt, %add3A_95, %sign3A_98 : i32
      %sign3A_100 = arith.extui %sign3A_99 : i1 to i32
      %sign3A_101 = arith.subi %sign3A_97, %sign3A_100 : i32
      %sign3A_102 = arith.constant 0 : i32
      %sign3A_103 = arith.cmpi sgt, %jit3A, %sign3A_102 : i32
      %sign3A_104 = arith.extui %sign3A_103 : i1 to i32
      %sign3A_105 = arith.constant 0 : i32
      %sign3A_106 = arith.cmpi slt, %jit3A, %sign3A_105 : i32
      %sign3A_107 = arith.extui %sign3A_106 : i1 to i32
      %sign3A_108 = arith.subi %sign3A_104, %sign3A_107 : i32
      %ne3A = arith.cmpi ne, %sign3A_101, %sign3A_108 : i32
      %rem3A = arith.remsi %add3A_95, %jit3A : i32
      %ne3A_109 = arith.constant 0 : i32
      %ne3A_110 = arith.cmpi ne, %rem3A, %ne3A_109 : i32
      %and3A = arith.andi %ne3A, %ne3A_110 : i1
      %sub3A = arith.constant 1 : i32
      %sub3A_111 = arith.subi %div3A, %sub3A : i32
      %select_n3A = arith.select %and3A, %sub3A_111, %div3A : i32
      "tpu.region"() ({
        %run_scoped3A_203 = tpu.sem_alloc : memref<!tpu.dma_semaphore, #tpu.memory_space<semaphore_mem>>
        %dma_start3A_204 = arith.constant 0 : i32
        %dma_start3A_205 = tpu.memref_slice %arg3[%select_n3A, %dma_start3A_204] : memref<2560x128xi32, #tpu.memory_space<hbm>> -> memref<4x128xi32, #tpu.memory_space<hbm>>
        %dma_start3A_206 = arith.constant 0 : i32
        %dma_start3A_207 = tpu.memref_slice %arg3[%select_n3A, %dma_start3A_206] : memref<2560x128xi32, #tpu.memory_space<hbm>> -> memref<4x128xi32, #tpu.memory_space<hbm>>
        tpu.enqueue_dma source(%dma_start3A_207 : memref<4x128xi32, #tpu.memory_space<hbm>>) target(%arg8 : memref<4x128xi32, #tpu.memory_space<vmem>>) target_semaphore(%run_scoped3A_203 : memref<!tpu.dma_semaphore, #tpu.memory_space<semaphore_mem>>)
        %dma_wait3A_208 = arith.constant 0 : i32
        %dma_wait3A_209 = tpu.memref_slice %arg3[%select_n3A, %dma_wait3A_208] : memref<2560x128xi32, #tpu.memory_space<hbm>> -> memref<4x128xi32, #tpu.memory_space<hbm>>
        %dma_wait3A_210 = arith.constant 0 : i32
        %dma_wait3A_211 = tpu.memref_slice %arg3[%select_n3A, %dma_wait3A_210] : memref<2560x128xi32, #tpu.memory_space<hbm>> -> memref<4x128xi32, #tpu.memory_space<hbm>>
        tpu.wait_dma2 semaphore(%run_scoped3A_203 : memref<!tpu.dma_semaphore, #tpu.memory_space<semaphore_mem>>) src(%dma_wait3A_211 : memref<4x128xi32, #tpu.memory_space<hbm>>) dst(%arg8 : memref<4x128xi32, #tpu.memory_space<vmem>>)
        tpu.yield
      }) : () -> ()
      "tpu.region"() ({
        %run_scoped3A_203 = tpu.sem_alloc : memref<!tpu.dma_semaphore, #tpu.memory_space<semaphore_mem>>
        %dma_start3A_204 = arith.constant 0 : i32
        %dma_start3A_205 = tpu.memref_slice %arg4[%select_n3A, %dma_start3A_204] : memref<2560x128xi32, #tpu.memory_space<hbm>> -> memref<4x128xi32, #tpu.memory_space<hbm>>
        %dma_start3A_206 = arith.constant 0 : i32
        %dma_start3A_207 = tpu.memref_slice %arg4[%select_n3A, %dma_start3A_206] : memref<2560x128xi32, #tpu.memory_space<hbm>> -> memref<4x128xi32, #tpu.memory_space<hbm>>
        tpu.enqueue_dma source(%dma_start3A_207 : memref<4x128xi32, #tpu.memory_space<hbm>>) target(%arg9 : memref<4x128xi32, #tpu.memory_space<vmem>>) target_semaphore(%run_scoped3A_203 : memref<!tpu.dma_semaphore, #tpu.memory_space<semaphore_mem>>)
        %dma_wait3A_208 = arith.constant 0 : i32
        %dma_wait3A_209 = tpu.memref_slice %arg4[%select_n3A, %dma_wait3A_208] : memref<2560x128xi32, #tpu.memory_space<hbm>> -> memref<4x128xi32, #tpu.memory_space<hbm>>
        %dma_wait3A_210 = arith.constant 0 : i32
        %dma_wait3A_211 = tpu.memref_slice %arg4[%select_n3A, %dma_wait3A_210] : memref<2560x128xi32, #tpu.memory_space<hbm>> -> memref<4x128xi32, #tpu.memory_space<hbm>>
        tpu.wait_dma2 semaphore(%run_scoped3A_203 : memref<!tpu.dma_semaphore, #tpu.memory_space<semaphore_mem>>) src(%dma_wait3A_211 : memref<4x128xi32, #tpu.memory_space<hbm>>) dst(%arg9 : memref<4x128xi32, #tpu.memory_space<vmem>>)
        tpu.yield
      }) : () -> ()
      "tpu.region"() ({
        %run_scoped3A_203 = tpu.sem_alloc : memref<!tpu.dma_semaphore, #tpu.memory_space<semaphore_mem>>
        %dma_start3A_204 = arith.constant 0 : i32
        %dma_start3A_205 = tpu.memref_slice %arg5[%add3A_95, %dma_start3A_204] : memref<327680x16xf32, #tpu.memory_space<hbm>> -> memref<512x16xf32, #tpu.memory_space<hbm>>
        %dma_start3A_206 = arith.constant 0 : i32
        %dma_start3A_207 = tpu.memref_slice %arg5[%add3A_95, %dma_start3A_206] : memref<327680x16xf32, #tpu.memory_space<hbm>> -> memref<512x16xf32, #tpu.memory_space<hbm>>
        tpu.enqueue_dma source(%dma_start3A_207 : memref<512x16xf32, #tpu.memory_space<hbm>>) target(%arg11 : memref<512x16xf32, #tpu.memory_space<vmem>>) target_semaphore(%run_scoped3A_203 : memref<!tpu.dma_semaphore, #tpu.memory_space<semaphore_mem>>)
        %dma_wait3A_208 = arith.constant 0 : i32
        %dma_wait3A_209 = tpu.memref_slice %arg5[%add3A_95, %dma_wait3A_208] : memref<327680x16xf32, #tpu.memory_space<hbm>> -> memref<512x16xf32, #tpu.memory_space<hbm>>
        %dma_wait3A_210 = arith.constant 0 : i32
        %dma_wait3A_211 = tpu.memref_slice %arg5[%add3A_95, %dma_wait3A_210] : memref<327680x16xf32, #tpu.memory_space<hbm>> -> memref<512x16xf32, #tpu.memory_space<hbm>>
        tpu.wait_dma2 semaphore(%run_scoped3A_203 : memref<!tpu.dma_semaphore, #tpu.memory_space<semaphore_mem>>) src(%dma_wait3A_211 : memref<512x16xf32, #tpu.memory_space<hbm>>) dst(%arg11 : memref<512x16xf32, #tpu.memory_space<vmem>>)
        tpu.yield
      }) : () -> ()
      %scan3A_112 = arith.constant 0 : i32
      %scan3A_113 = arith.constant 4 : i32
      %scan3A_114 = arith.addi %scan3A_112, %scan3A_113 : i32
      %scan3A_115 = arith.constant 1 : i32
      scf.for %scan3A_203 = %scan3A_112 to %scan3A_114 step %scan3A_115  : i32 {
        %mul3A_204 = arith.constant 1 : i32
        %mul3A_205 = arith.muli %scan3A_203, %mul3A_204 : i32
        %add3A_206 = arith.constant 0 : i32
        %add3A_207 = arith.addi %add3A_206, %mul3A_205 : i32
        %scan3A_208 = arith.constant 0 : i32
        %scan3A_209 = arith.constant 8 : i32
        %scan3A_210 = arith.addi %scan3A_208, %scan3A_209 : i32
        %scan3A_211 = arith.constant 1 : i32
        scf.for %scan3A_213 = %scan3A_208 to %scan3A_210 step %scan3A_211  : i32 {
          %mul3A_214 = arith.constant 16 : i32
          %mul3A_215 = arith.muli %scan3A_213, %mul3A_214 : i32
          %add3A_216 = arith.constant 0 : i32
          %add3A_217 = arith.addi %add3A_216, %mul3A_215 : i32
          %get3A = arith.index_cast %add3A_207 : i32 to index
          %get3A_218 = arith.index_cast %add3A_217 : i32 to index
          %get3A_219 = tpu.vector_load %arg8[%get3A, %get3A_218] {strides = array<i32>} : memref<4x128xi32, #tpu.memory_space<vmem>>, vector<1x16xi32>,
          %get3A_220 = vector.shape_cast %get3A_219 : vector<1x16xi32> to vector<16xi32>
          %mul3A_221 = arith.constant 8 : i32
          %mul3A_222 = vector.broadcast %mul3A_221 : i32 to vector<16xi32>
          %mul3A_223 = arith.muli %get3A_220, %mul3A_222 : vector<16xi32>
          %add3A_224 = vector.broadcast %add3A_3 : i32 to vector<16xi32>
          %add3A_225 = arith.addi %mul3A_223, %add3A_224 : vector<16xi32>
          %swap3A = arith.index_cast %add3A_207 : i32 to index
          %swap3A_226 = arith.index_cast %add3A_217 : i32 to index
          %swap3A_227 = tpu.vector_load %arg10[%swap3A, %swap3A_226] {strides = array<i32>} : memref<4x128xi32, #tpu.memory_space<vmem>>, vector<1x16xi32>,
          %swap3A_228 = vector.shape_cast %swap3A_227 : vector<1x16xi32> to vector<16xi32>
          %swap3A_229 = vector.shape_cast %add3A_225 : vector<16xi32> to vector<1x16xi32>
          tpu.vector_store %arg10[%swap3A, %swap3A_226], %swap3A_229 {strides = array<i32>} : memref<4x128xi32, #tpu.memory_space<vmem>>, vector<1x16xi32>,
        }
        %scan3A_212 = arith.constant 8 : i32
      }
      %scan3A_116 = arith.constant 4 : i32
      %dma_start3A = arith.constant 0 : i32
      %dma_start3A_117 = arith.constant 0 : i32
      %dma_start3A_118 = arith.constant 0 : i32
      %dma_start3A_119 = tpu.memref_slice %arg12[%dma_start3A_117, %dma_start3A_118] : memref<512x64xf32, #tpu.memory_space<vmem>> -> memref<128x64xf32, #tpu.memory_space<vmem>>
      %dma_start3A_120 = arith.constant 0 : i32
      %dma_start3A_121 = tpu.memref_slice %arg10[%dma_start3A, %dma_start3A_120] : memref<4x128xi32, #tpu.memory_space<vmem>> -> memref<1x128xi32, #tpu.memory_space<vmem>>
      %dma_start3A_122 = tpu.memref_squeeze %dma_start3A_121 : memref<1x128xi32, #tpu.memory_space<vmem>> -> memref<128xi32, #tpu.memory_space<vmem>>
      %dma_start3A_123 = arith.constant 0 : i32
      %dma_start3A_124 = arith.constant 0 : i32
      %dma_start3A_125 = tpu.memref_slice %arg2[%dma_start3A_123, %dma_start3A_124] : memref<80000x64xf32, #tpu.memory_space<hbm>> -> memref<80000x64xf32, #tpu.memory_space<hbm>>
      tpu.enqueue_indirect_dma source(%dma_start3A_125 : memref<80000x64xf32, #tpu.memory_space<hbm>>) target(%dma_start3A_119 : memref<128x64xf32, #tpu.memory_space<vmem>>) offsets(%dma_start3A_122 : memref<128xi32, #tpu.memory_space<vmem>>) semaphore(%arg14 : memref<!tpu.dma_semaphore, #tpu.memory_space<semaphore_mem>>)
      %dma_start3A_126 = arith.constant 1 : i32
      %dma_start3A_127 = arith.constant 128 : i32
      %dma_start3A_128 = arith.constant 0 : i32
      %dma_start3A_129 = tpu.memref_slice %arg12[%dma_start3A_127, %dma_start3A_128] : memref<512x64xf32, #tpu.memory_space<vmem>> -> memref<128x64xf32, #tpu.memory_space<vmem>>
      %dma_start3A_130 = arith.constant 0 : i32
      %dma_start3A_131 = tpu.memref_slice %arg10[%dma_start3A_126, %dma_start3A_130] : memref<4x128xi32, #tpu.memory_space<vmem>> -> memref<1x128xi32, #tpu.memory_space<vmem>>
      %dma_start3A_132 = tpu.memref_squeeze %dma_start3A_131 : memref<1x128xi32, #tpu.memory_space<vmem>> -> memref<128xi32, #tpu.memory_space<vmem>>
      %dma_start3A_133 = arith.constant 0 : i32
      %dma_start3A_134 = arith.constant 0 : i32
      %dma_start3A_135 = tpu.memref_slice %arg2[%dma_start3A_133, %dma_start3A_134] : memref<80000x64xf32, #tpu.memory_space<hbm>> -> memref<80000x64xf32, #tpu.memory_space<hbm>>
      tpu.enqueue_indirect_dma source(%dma_start3A_135 : memref<80000x64xf32, #tpu.memory_space<hbm>>) target(%dma_start3A_129 : memref<128x64xf32, #tpu.memory_space<vmem>>) offsets(%dma_start3A_132 : memref<128xi32, #tpu.memory_space<vmem>>) semaphore(%arg14 : memref<!tpu.dma_semaphore, #tpu.memory_space<semaphore_mem>>)
      %dma_start3A_136 = arith.constant 2 : i32
      %dma_start3A_137 = arith.constant 256 : i32
      %dma_start3A_138 = arith.constant 0 : i32
      %dma_start3A_139 = tpu.memref_slice %arg12[%dma_start3A_137, %dma_start3A_138] : memref<512x64xf32, #tpu.memory_space<vmem>> -> memref<128x64xf32, #tpu.memory_space<vmem>>
      %dma_start3A_140 = arith.constant 0 : i32
      %dma_start3A_141 = tpu.memref_slice %arg10[%dma_start3A_136, %dma_start3A_140] : memref<4x128xi32, #tpu.memory_space<vmem>> -> memref<1x128xi32, #tpu.memory_space<vmem>>
      %dma_start3A_142 = tpu.memref_squeeze %dma_start3A_141 : memref<1x128xi32, #tpu.memory_space<vmem>> -> memref<128xi32, #tpu.memory_space<vmem>>
      %dma_start3A_143 = arith.constant 0 : i32
      %dma_start3A_144 = arith.constant 0 : i32
      %dma_start3A_145 = tpu.memref_slice %arg2[%dma_start3A_143, %dma_start3A_144] : memref<80000x64xf32, #tpu.memory_space<hbm>> -> memref<80000x64xf32, #tpu.memory_space<hbm>>
      tpu.enqueue_indirect_dma source(%dma_start3A_145 : memref<80000x64xf32, #tpu.memory_space<hbm>>) target(%dma_start3A_139 : memref<128x64xf32, #tpu.memory_space<vmem>>) offsets(%dma_start3A_142 : memref<128xi32, #tpu.memory_space<vmem>>) semaphore(%arg14 : memref<!tpu.dma_semaphore, #tpu.memory_space<semaphore_mem>>)
      %dma_start3A_146 = arith.constant 3 : i32
      %dma_start3A_147 = arith.constant 384 : i32
      %dma_start3A_148 = arith.constant 0 : i32
      %dma_start3A_149 = tpu.memref_slice %arg12[%dma_start3A_147, %dma_start3A_148] : memref<512x64xf32, #tpu.memory_space<vmem>> -> memref<128x64xf32, #tpu.memory_space<vmem>>
      %dma_start3A_150 = arith.constant 0 : i32
      %dma_start3A_151 = tpu.memref_slice %arg10[%dma_start3A_146, %dma_start3A_150] : memref<4x128xi32, #tpu.memory_space<vmem>> -> memref<1x128xi32, #tpu.memory_space<vmem>>
      %dma_start3A_152 = tpu.memref_squeeze %dma_start3A_151 : memref<1x128xi32, #tpu.memory_space<vmem>> -> memref<128xi32, #tpu.memory_space<vmem>>
      %dma_start3A_153 = arith.constant 0 : i32
      %dma_start3A_154 = arith.constant 0 : i32
      %dma_start3A_155 = tpu.memref_slice %arg2[%dma_start3A_153, %dma_start3A_154] : memref<80000x64xf32, #tpu.memory_space<hbm>> -> memref<80000x64xf32, #tpu.memory_space<hbm>>
      tpu.enqueue_indirect_dma source(%dma_start3A_155 : memref<80000x64xf32, #tpu.memory_space<hbm>>) target(%dma_start3A_149 : memref<128x64xf32, #tpu.memory_space<vmem>>) offsets(%dma_start3A_152 : memref<128xi32, #tpu.memory_space<vmem>>) semaphore(%arg14 : memref<!tpu.dma_semaphore, #tpu.memory_space<semaphore_mem>>)
      %dma_wait3A = arith.constant 0 : i32
      %dma_wait3A_156 = arith.constant 0 : i32
      %dma_wait3A_157 = arith.constant 0 : i32
      %dma_wait3A_158 = tpu.memref_slice %arg12[%dma_wait3A_156, %dma_wait3A_157] : memref<512x64xf32, #tpu.memory_space<vmem>> -> memref<128x64xf32, #tpu.memory_space<vmem>>
      %dma_wait3A_159 = arith.constant 0 : i32
      %dma_wait3A_160 = tpu.memref_slice %arg10[%dma_wait3A, %dma_wait3A_159] : memref<4x128xi32, #tpu.memory_space<vmem>> -> memref<1x128xi32, #tpu.memory_space<vmem>>
      %dma_wait3A_161 = tpu.memref_squeeze %dma_wait3A_160 : memref<1x128xi32, #tpu.memory_space<vmem>> -> memref<128xi32, #tpu.memory_space<vmem>>
      %dma_wait3A_162 = arith.constant 0 : i32
      %dma_wait3A_163 = arith.constant 0 : i32
      %dma_wait3A_164 = tpu.memref_slice %arg2[%dma_wait3A_162, %dma_wait3A_163] : memref<80000x64xf32, #tpu.memory_space<hbm>> -> memref<80000x64xf32, #tpu.memory_space<hbm>>
      tpu.wait_indirect_dma semaphore(%arg14 : memref<!tpu.dma_semaphore, #tpu.memory_space<semaphore_mem>>) src(%dma_wait3A_164 : memref<80000x64xf32, #tpu.memory_space<hbm>>) dst(%dma_wait3A_158 : memref<128x64xf32, #tpu.memory_space<vmem>>)
      %dma_wait3A_165 = arith.constant 1 : i32
      %dma_wait3A_166 = arith.constant 128 : i32
      %dma_wait3A_167 = arith.constant 0 : i32
      %dma_wait3A_168 = tpu.memref_slice %arg12[%dma_wait3A_166, %dma_wait3A_167] : memref<512x64xf32, #tpu.memory_space<vmem>> -> memref<128x64xf32, #tpu.memory_space<vmem>>
      %dma_wait3A_169 = arith.constant 0 : i32
      %dma_wait3A_170 = tpu.memref_slice %arg10[%dma_wait3A_165, %dma_wait3A_169] : memref<4x128xi32, #tpu.memory_space<vmem>> -> memref<1x128xi32, #tpu.memory_space<vmem>>
      %dma_wait3A_171 = tpu.memref_squeeze %dma_wait3A_170 : memref<1x128xi32, #tpu.memory_space<vmem>> -> memref<128xi32, #tpu.memory_space<vmem>>
      %dma_wait3A_172 = arith.constant 0 : i32
      %dma_wait3A_173 = arith.constant 0 : i32
      %dma_wait3A_174 = tpu.memref_slice %arg2[%dma_wait3A_172, %dma_wait3A_173] : memref<80000x64xf32, #tpu.memory_space<hbm>> -> memref<80000x64xf32, #tpu.memory_space<hbm>>
      tpu.wait_indirect_dma semaphore(%arg14 : memref<!tpu.dma_semaphore, #tpu.memory_space<semaphore_mem>>) src(%dma_wait3A_174 : memref<80000x64xf32, #tpu.memory_space<hbm>>) dst(%dma_wait3A_168 : memref<128x64xf32, #tpu.memory_space<vmem>>)
      %dma_wait3A_175 = arith.constant 2 : i32
      %dma_wait3A_176 = arith.constant 256 : i32
      %dma_wait3A_177 = arith.constant 0 : i32
      %dma_wait3A_178 = tpu.memref_slice %arg12[%dma_wait3A_176, %dma_wait3A_177] : memref<512x64xf32, #tpu.memory_space<vmem>> -> memref<128x64xf32, #tpu.memory_space<vmem>>
      %dma_wait3A_179 = arith.constant 0 : i32
      %dma_wait3A_180 = tpu.memref_slice %arg10[%dma_wait3A_175, %dma_wait3A_179] : memref<4x128xi32, #tpu.memory_space<vmem>> -> memref<1x128xi32, #tpu.memory_space<vmem>>
      %dma_wait3A_181 = tpu.memref_squeeze %dma_wait3A_180 : memref<1x128xi32, #tpu.memory_space<vmem>> -> memref<128xi32, #tpu.memory_space<vmem>>
      %dma_wait3A_182 = arith.constant 0 : i32
      %dma_wait3A_183 = arith.constant 0 : i32
      %dma_wait3A_184 = tpu.memref_slice %arg2[%dma_wait3A_182, %dma_wait3A_183] : memref<80000x64xf32, #tpu.memory_space<hbm>> -> memref<80000x64xf32, #tpu.memory_space<hbm>>
      tpu.wait_indirect_dma semaphore(%arg14 : memref<!tpu.dma_semaphore, #tpu.memory_space<semaphore_mem>>) src(%dma_wait3A_184 : memref<80000x64xf32, #tpu.memory_space<hbm>>) dst(%dma_wait3A_178 : memref<128x64xf32, #tpu.memory_space<vmem>>)
      %dma_wait3A_185 = arith.constant 3 : i32
      %dma_wait3A_186 = arith.constant 384 : i32
      %dma_wait3A_187 = arith.constant 0 : i32
      %dma_wait3A_188 = tpu.memref_slice %arg12[%dma_wait3A_186, %dma_wait3A_187] : memref<512x64xf32, #tpu.memory_space<vmem>> -> memref<128x64xf32, #tpu.memory_space<vmem>>
      %dma_wait3A_189 = arith.constant 0 : i32
      %dma_wait3A_190 = tpu.memref_slice %arg10[%dma_wait3A_185, %dma_wait3A_189] : memref<4x128xi32, #tpu.memory_space<vmem>> -> memref<1x128xi32, #tpu.memory_space<vmem>>
      %dma_wait3A_191 = tpu.memref_squeeze %dma_wait3A_190 : memref<1x128xi32, #tpu.memory_space<vmem>> -> memref<128xi32, #tpu.memory_space<vmem>>
      %dma_wait3A_192 = arith.constant 0 : i32
      %dma_wait3A_193 = arith.constant 0 : i32
      %dma_wait3A_194 = tpu.memref_slice %arg2[%dma_wait3A_192, %dma_wait3A_193] : memref<80000x64xf32, #tpu.memory_space<hbm>> -> memref<80000x64xf32, #tpu.memory_space<hbm>>
      tpu.wait_indirect_dma semaphore(%arg14 : memref<!tpu.dma_semaphore, #tpu.memory_space<semaphore_mem>>) src(%dma_wait3A_194 : memref<80000x64xf32, #tpu.memory_space<hbm>>) dst(%dma_wait3A_188 : memref<128x64xf32, #tpu.memory_space<vmem>>)
      %scan3A_195 = arith.constant 0 : i32
      %scan3A_196 = arith.constant 512 : i32
      %scan3A_197 = arith.addi %scan3A_195, %scan3A_196 : i32
      %scan3A_198 = arith.constant 1 : i32
      scf.for %scan3A_203 = %scan3A_195 to %scan3A_197 step %scan3A_198  : i32 {
        %mul3A_204 = arith.constant 1 : i32
        %mul3A_205 = arith.muli %scan3A_203, %mul3A_204 : i32
        %add3A_206 = arith.constant 0 : i32
        %add3A_207 = arith.addi %add3A_206, %mul3A_205 : i32
        %get3A = arith.index_cast %add3A_207 : i32 to index
        %get3A_208 = arith.constant 0 : index
        %get3A_209 = tpu.vector_load %arg11[%get3A, %get3A_208] {strides = array<i32>} : memref<512x16xf32, #tpu.memory_space<vmem>>, vector<1x16xf32>,
        %get3A_210 = vector.shape_cast %get3A_209 : vector<1x16xf32> to vector<16xf32>
        %mul3A_211 = arith.constant 1 : i32
        %mul3A_212 = arith.muli %add3A_3, %mul3A_211 : i32
        %add3A_213 = arith.constant 0 : i32
        %add3A_214 = arith.addi %mul3A_212, %add3A_213 : i32
        %broadcast_in_dim3A = vector.broadcast %add3A_214 : i32 to vector<16x1xi32>
        %gather3A = vector.shape_cast %broadcast_in_dim3A : vector<16x1xi32> to vector<16xi32>
        %gather3A_215 = tpu.dynamic_gather %get3A_210[%gather3A] in [0] : vector<16xf32>, vector<16xi32> -> vector<16xf32>
        %get3A_216 = arith.index_cast %add3A_207 : i32 to index
        %get3A_217 = arith.constant 0 : index
        %get3A_218 = tpu.vector_load %arg12[%get3A_216, %get3A_217] {strides = array<i32>} : memref<512x64xf32, #tpu.memory_space<vmem>>, vector<1x16xf32>,
        %get3A_219 = vector.shape_cast %get3A_218 : vector<1x16xf32> to vector<16xf32>
        %mul3A_220 = arith.mulf %get3A_219, %gather3A_215 : vector<16xf32>
        %swap3A = arith.index_cast %add3A_207 : i32 to index
        %swap3A_221 = arith.constant 0 : index
        %swap3A_222 = tpu.vector_load %arg12[%swap3A, %swap3A_221] {strides = array<i32>} : memref<512x64xf32, #tpu.memory_space<vmem>>, vector<1x16xf32>,
        %swap3A_223 = vector.shape_cast %swap3A_222 : vector<1x16xf32> to vector<16xf32>
        %swap3A_224 = vector.shape_cast %mul3A_220 : vector<16xf32> to vector<1x16xf32>
        tpu.vector_store %arg12[%swap3A, %swap3A_221], %swap3A_224 {strides = array<i32>} : memref<512x64xf32, #tpu.memory_space<vmem>>, vector<1x16xf32>,
        %get3A_225 = arith.index_cast %add3A_207 : i32 to index
        %get3A_226 = arith.constant 16 : index
        %get3A_227 = tpu.vector_load %arg12[%get3A_225, %get3A_226] {strides = array<i32>} : memref<512x64xf32, #tpu.memory_space<vmem>>, vector<1x16xf32>,
        %get3A_228 = vector.shape_cast %get3A_227 : vector<1x16xf32> to vector<16xf32>
        %mul3A_229 = arith.mulf %get3A_228, %gather3A_215 : vector<16xf32>
        %swap3A_230 = arith.index_cast %add3A_207 : i32 to index
        %swap3A_231 = arith.constant 16 : index
        %swap3A_232 = tpu.vector_load %arg12[%swap3A_230, %swap3A_231] {strides = array<i32>} : memref<512x64xf32, #tpu.memory_space<vmem>>, vector<1x16xf32>,
        %swap3A_233 = vector.shape_cast %swap3A_232 : vector<1x16xf32> to vector<16xf32>
        %swap3A_234 = vector.shape_cast %mul3A_229 : vector<16xf32> to vector<1x16xf32>
        tpu.vector_store %arg12[%swap3A_230, %swap3A_231], %swap3A_234 {strides = array<i32>} : memref<512x64xf32, #tpu.memory_space<vmem>>, vector<1x16xf32>,
        %get3A_235 = arith.index_cast %add3A_207 : i32 to index
        %get3A_236 = arith.constant 32 : index
        %get3A_237 = tpu.vector_load %arg12[%get3A_235, %get3A_236] {strides = array<i32>} : memref<512x64xf32, #tpu.memory_space<vmem>>, vector<1x16xf32>,
        %get3A_238 = vector.shape_cast %get3A_237 : vector<1x16xf32> to vector<16xf32>
        %mul3A_239 = arith.mulf %get3A_238, %gather3A_215 : vector<16xf32>
        %swap3A_240 = arith.index_cast %add3A_207 : i32 to index
        %swap3A_241 = arith.constant 32 : index
        %swap3A_242 = tpu.vector_load %arg12[%swap3A_240, %swap3A_241] {strides = array<i32>} : memref<512x64xf32, #tpu.memory_space<vmem>>, vector<1x16xf32>,
        %swap3A_243 = vector.shape_cast %swap3A_242 : vector<1x16xf32> to vector<16xf32>
        %swap3A_244 = vector.shape_cast %mul3A_239 : vector<16xf32> to vector<1x16xf32>
        tpu.vector_store %arg12[%swap3A_240, %swap3A_241], %swap3A_244 {strides = array<i32>} : memref<512x64xf32, #tpu.memory_space<vmem>>, vector<1x16xf32>,
        %get3A_245 = arith.index_cast %add3A_207 : i32 to index
        %get3A_246 = arith.constant 48 : index
        %get3A_247 = tpu.vector_load %arg12[%get3A_245, %get3A_246] {strides = array<i32>} : memref<512x64xf32, #tpu.memory_space<vmem>>, vector<1x16xf32>,
        %get3A_248 = vector.shape_cast %get3A_247 : vector<1x16xf32> to vector<16xf32>
        %mul3A_249 = arith.mulf %get3A_248, %gather3A_215 : vector<16xf32>
        %swap3A_250 = arith.index_cast %add3A_207 : i32 to index
        %swap3A_251 = arith.constant 48 : index
        %swap3A_252 = tpu.vector_load %arg12[%swap3A_250, %swap3A_251] {strides = array<i32>} : memref<512x64xf32, #tpu.memory_space<vmem>>, vector<1x16xf32>,
        %swap3A_253 = vector.shape_cast %swap3A_252 : vector<1x16xf32> to vector<16xf32>
        %swap3A_254 = vector.shape_cast %mul3A_249 : vector<16xf32> to vector<1x16xf32>
        tpu.vector_store %arg12[%swap3A_250, %swap3A_251], %swap3A_254 {strides = array<i32>} : memref<512x64xf32, #tpu.memory_space<vmem>>, vector<1x16xf32>,
      }
      %scan3A_199 = arith.constant 512 : i32
      %run_scoped3A = arith.constant 0 : i32
      "tpu.region"() ({
        %run_scoped3A_203 = tpu.sem_alloc : memref<!tpu.dma_semaphore, #tpu.memory_space<semaphore_mem>>
        %dma_start3A_204 = arith.constant 0 : i32
        %dma_start3A_205 = arith.constant 0 : i32
        %dma_start3A_206 = tpu.memref_slice %arg12[%dma_start3A_204, %dma_start3A_205] : memref<512x64xf32, #tpu.memory_space<vmem>> -> memref<128x64xf32, #tpu.memory_space<vmem>>
        %dma_start3A_207 = arith.constant 0 : i32
        %dma_start3A_208 = tpu.memref_slice %arg9[%run_scoped3A, %dma_start3A_207] : memref<4x128xi32, #tpu.memory_space<vmem>> -> memref<1x128xi32, #tpu.memory_space<vmem>>
        %dma_start3A_209 = tpu.memref_squeeze %dma_start3A_208 : memref<1x128xi32, #tpu.memory_space<vmem>> -> memref<128xi32, #tpu.memory_space<vmem>>
        %dma_start3A_210 = arith.constant 0 : i32
        %dma_start3A_211 = arith.constant 0 : i32
        %dma_start3A_212 = tpu.memref_slice %arg13[%dma_start3A_210, %dma_start3A_211] : memref<10016x64xf32, #tpu.memory_space<vmem_shared>> -> memref<10016x64xf32, #tpu.memory_space<vmem_shared>>
        tpu.enqueue_indirect_dma source(%dma_start3A_206 : memref<128x64xf32, #tpu.memory_space<vmem>>) target(%dma_start3A_212 : memref<10016x64xf32, #tpu.memory_space<vmem_shared>>) offsets(%dma_start3A_209 : memref<128xi32, #tpu.memory_space<vmem>>) semaphore(%run_scoped3A_203 : memref<!tpu.dma_semaphore, #tpu.memory_space<semaphore_mem>>) {add = true}
        %dma_wait3A_213 = arith.constant 0 : i32
        %dma_wait3A_214 = arith.constant 0 : i32
        %dma_wait3A_215 = tpu.memref_slice %arg12[%dma_wait3A_213, %dma_wait3A_214] : memref<512x64xf32, #tpu.memory_space<vmem>> -> memref<128x64xf32, #tpu.memory_space<vmem>>
        %dma_wait3A_216 = arith.constant 0 : i32
        %dma_wait3A_217 = tpu.memref_slice %arg9[%run_scoped3A, %dma_wait3A_216] : memref<4x128xi32, #tpu.memory_space<vmem>> -> memref<1x128xi32, #tpu.memory_space<vmem>>
        %dma_wait3A_218 = tpu.memref_squeeze %dma_wait3A_217 : memref<1x128xi32, #tpu.memory_space<vmem>> -> memref<128xi32, #tpu.memory_space<vmem>>
        %dma_wait3A_219 = arith.constant 0 : i32
        %dma_wait3A_220 = arith.constant 0 : i32
        %dma_wait3A_221 = tpu.memref_slice %arg13[%dma_wait3A_219, %dma_wait3A_220] : memref<10016x64xf32, #tpu.memory_space<vmem_shared>> -> memref<10016x64xf32, #tpu.memory_space<vmem_shared>>
        tpu.wait_indirect_dma semaphore(%run_scoped3A_203 : memref<!tpu.dma_semaphore, #tpu.memory_space<semaphore_mem>>) src(%dma_wait3A_215 : memref<128x64xf32, #tpu.memory_space<vmem>>) dst(%dma_wait3A_221 : memref<10016x64xf32, #tpu.memory_space<vmem_shared>>)
        tpu.yield
      }) : () -> ()
      %run_scoped3A_200 = arith.constant 1 : i32
      "tpu.region"() ({
        %run_scoped3A_203 = tpu.sem_alloc : memref<!tpu.dma_semaphore, #tpu.memory_space<semaphore_mem>>
        %dma_start3A_204 = arith.constant 128 : i32
        %dma_start3A_205 = arith.constant 0 : i32
        %dma_start3A_206 = tpu.memref_slice %arg12[%dma_start3A_204, %dma_start3A_205] : memref<512x64xf32, #tpu.memory_space<vmem>> -> memref<128x64xf32, #tpu.memory_space<vmem>>
        %dma_start3A_207 = arith.constant 0 : i32
        %dma_start3A_208 = tpu.memref_slice %arg9[%run_scoped3A_200, %dma_start3A_207] : memref<4x128xi32, #tpu.memory_space<vmem>> -> memref<1x128xi32, #tpu.memory_space<vmem>>
        %dma_start3A_209 = tpu.memref_squeeze %dma_start3A_208 : memref<1x128xi32, #tpu.memory_space<vmem>> -> memref<128xi32, #tpu.memory_space<vmem>>
        %dma_start3A_210 = arith.constant 0 : i32
        %dma_start3A_211 = arith.constant 0 : i32
        %dma_start3A_212 = tpu.memref_slice %arg13[%dma_start3A_210, %dma_start3A_211] : memref<10016x64xf32, #tpu.memory_space<vmem_shared>> -> memref<10016x64xf32, #tpu.memory_space<vmem_shared>>
        tpu.enqueue_indirect_dma source(%dma_start3A_206 : memref<128x64xf32, #tpu.memory_space<vmem>>) target(%dma_start3A_212 : memref<10016x64xf32, #tpu.memory_space<vmem_shared>>) offsets(%dma_start3A_209 : memref<128xi32, #tpu.memory_space<vmem>>) semaphore(%run_scoped3A_203 : memref<!tpu.dma_semaphore, #tpu.memory_space<semaphore_mem>>) {add = true}
        %dma_wait3A_213 = arith.constant 128 : i32
        %dma_wait3A_214 = arith.constant 0 : i32
        %dma_wait3A_215 = tpu.memref_slice %arg12[%dma_wait3A_213, %dma_wait3A_214] : memref<512x64xf32, #tpu.memory_space<vmem>> -> memref<128x64xf32, #tpu.memory_space<vmem>>
        %dma_wait3A_216 = arith.constant 0 : i32
        %dma_wait3A_217 = tpu.memref_slice %arg9[%run_scoped3A_200, %dma_wait3A_216] : memref<4x128xi32, #tpu.memory_space<vmem>> -> memref<1x128xi32, #tpu.memory_space<vmem>>
        %dma_wait3A_218 = tpu.memref_squeeze %dma_wait3A_217 : memref<1x128xi32, #tpu.memory_space<vmem>> -> memref<128xi32, #tpu.memory_space<vmem>>
        %dma_wait3A_219 = arith.constant 0 : i32
        %dma_wait3A_220 = arith.constant 0 : i32
        %dma_wait3A_221 = tpu.memref_slice %arg13[%dma_wait3A_219, %dma_wait3A_220] : memref<10016x64xf32, #tpu.memory_space<vmem_shared>> -> memref<10016x64xf32, #tpu.memory_space<vmem_shared>>
        tpu.wait_indirect_dma semaphore(%run_scoped3A_203 : memref<!tpu.dma_semaphore, #tpu.memory_space<semaphore_mem>>) src(%dma_wait3A_215 : memref<128x64xf32, #tpu.memory_space<vmem>>) dst(%dma_wait3A_221 : memref<10016x64xf32, #tpu.memory_space<vmem_shared>>)
        tpu.yield
      }) : () -> ()
      %run_scoped3A_201 = arith.constant 2 : i32
      "tpu.region"() ({
        %run_scoped3A_203 = tpu.sem_alloc : memref<!tpu.dma_semaphore, #tpu.memory_space<semaphore_mem>>
        %dma_start3A_204 = arith.constant 256 : i32
        %dma_start3A_205 = arith.constant 0 : i32
        %dma_start3A_206 = tpu.memref_slice %arg12[%dma_start3A_204, %dma_start3A_205] : memref<512x64xf32, #tpu.memory_space<vmem>> -> memref<128x64xf32, #tpu.memory_space<vmem>>
        %dma_start3A_207 = arith.constant 0 : i32
        %dma_start3A_208 = tpu.memref_slice %arg9[%run_scoped3A_201, %dma_start3A_207] : memref<4x128xi32, #tpu.memory_space<vmem>> -> memref<1x128xi32, #tpu.memory_space<vmem>>
        %dma_start3A_209 = tpu.memref_squeeze %dma_start3A_208 : memref<1x128xi32, #tpu.memory_space<vmem>> -> memref<128xi32, #tpu.memory_space<vmem>>
        %dma_start3A_210 = arith.constant 0 : i32
        %dma_start3A_211 = arith.constant 0 : i32
        %dma_start3A_212 = tpu.memref_slice %arg13[%dma_start3A_210, %dma_start3A_211] : memref<10016x64xf32, #tpu.memory_space<vmem_shared>> -> memref<10016x64xf32, #tpu.memory_space<vmem_shared>>
        tpu.enqueue_indirect_dma source(%dma_start3A_206 : memref<128x64xf32, #tpu.memory_space<vmem>>) target(%dma_start3A_212 : memref<10016x64xf32, #tpu.memory_space<vmem_shared>>) offsets(%dma_start3A_209 : memref<128xi32, #tpu.memory_space<vmem>>) semaphore(%run_scoped3A_203 : memref<!tpu.dma_semaphore, #tpu.memory_space<semaphore_mem>>) {add = true}
        %dma_wait3A_213 = arith.constant 256 : i32
        %dma_wait3A_214 = arith.constant 0 : i32
        %dma_wait3A_215 = tpu.memref_slice %arg12[%dma_wait3A_213, %dma_wait3A_214] : memref<512x64xf32, #tpu.memory_space<vmem>> -> memref<128x64xf32, #tpu.memory_space<vmem>>
        %dma_wait3A_216 = arith.constant 0 : i32
        %dma_wait3A_217 = tpu.memref_slice %arg9[%run_scoped3A_201, %dma_wait3A_216] : memref<4x128xi32, #tpu.memory_space<vmem>> -> memref<1x128xi32, #tpu.memory_space<vmem>>
        %dma_wait3A_218 = tpu.memref_squeeze %dma_wait3A_217 : memref<1x128xi32, #tpu.memory_space<vmem>> -> memref<128xi32, #tpu.memory_space<vmem>>
        %dma_wait3A_219 = arith.constant 0 : i32
        %dma_wait3A_220 = arith.constant 0 : i32
        %dma_wait3A_221 = tpu.memref_slice %arg13[%dma_wait3A_219, %dma_wait3A_220] : memref<10016x64xf32, #tpu.memory_space<vmem_shared>> -> memref<10016x64xf32, #tpu.memory_space<vmem_shared>>
        tpu.wait_indirect_dma semaphore(%run_scoped3A_203 : memref<!tpu.dma_semaphore, #tpu.memory_space<semaphore_mem>>) src(%dma_wait3A_215 : memref<128x64xf32, #tpu.memory_space<vmem>>) dst(%dma_wait3A_221 : memref<10016x64xf32, #tpu.memory_space<vmem_shared>>)
        tpu.yield
      }) : () -> ()
      %run_scoped3A_202 = arith.constant 3 : i32
      "tpu.region"() ({
        %run_scoped3A_203 = tpu.sem_alloc : memref<!tpu.dma_semaphore, #tpu.memory_space<semaphore_mem>>
        %dma_start3A_204 = arith.constant 384 : i32
        %dma_start3A_205 = arith.constant 0 : i32
        %dma_start3A_206 = tpu.memref_slice %arg12[%dma_start3A_204, %dma_start3A_205] : memref<512x64xf32, #tpu.memory_space<vmem>> -> memref<128x64xf32, #tpu.memory_space<vmem>>
        %dma_start3A_207 = arith.constant 0 : i32
        %dma_start3A_208 = tpu.memref_slice %arg9[%run_scoped3A_202, %dma_start3A_207] : memref<4x128xi32, #tpu.memory_space<vmem>> -> memref<1x128xi32, #tpu.memory_space<vmem>>
        %dma_start3A_209 = tpu.memref_squeeze %dma_start3A_208 : memref<1x128xi32, #tpu.memory_space<vmem>> -> memref<128xi32, #tpu.memory_space<vmem>>
        %dma_start3A_210 = arith.constant 0 : i32
        %dma_start3A_211 = arith.constant 0 : i32
        %dma_start3A_212 = tpu.memref_slice %arg13[%dma_start3A_210, %dma_start3A_211] : memref<10016x64xf32, #tpu.memory_space<vmem_shared>> -> memref<10016x64xf32, #tpu.memory_space<vmem_shared>>
        tpu.enqueue_indirect_dma source(%dma_start3A_206 : memref<128x64xf32, #tpu.memory_space<vmem>>) target(%dma_start3A_212 : memref<10016x64xf32, #tpu.memory_space<vmem_shared>>) offsets(%dma_start3A_209 : memref<128xi32, #tpu.memory_space<vmem>>) semaphore(%run_scoped3A_203 : memref<!tpu.dma_semaphore, #tpu.memory_space<semaphore_mem>>) {add = true}
        %dma_wait3A_213 = arith.constant 384 : i32
        %dma_wait3A_214 = arith.constant 0 : i32
        %dma_wait3A_215 = tpu.memref_slice %arg12[%dma_wait3A_213, %dma_wait3A_214] : memref<512x64xf32, #tpu.memory_space<vmem>> -> memref<128x64xf32, #tpu.memory_space<vmem>>
        %dma_wait3A_216 = arith.constant 0 : i32
        %dma_wait3A_217 = tpu.memref_slice %arg9[%run_scoped3A_202, %dma_wait3A_216] : memref<4x128xi32, #tpu.memory_space<vmem>> -> memref<1x128xi32, #tpu.memory_space<vmem>>
        %dma_wait3A_218 = tpu.memref_squeeze %dma_wait3A_217 : memref<1x128xi32, #tpu.memory_space<vmem>> -> memref<128xi32, #tpu.memory_space<vmem>>
        %dma_wait3A_219 = arith.constant 0 : i32
        %dma_wait3A_220 = arith.constant 0 : i32
        %dma_wait3A_221 = tpu.memref_slice %arg13[%dma_wait3A_219, %dma_wait3A_220] : memref<10016x64xf32, #tpu.memory_space<vmem_shared>> -> memref<10016x64xf32, #tpu.memory_space<vmem_shared>>
        tpu.wait_indirect_dma semaphore(%run_scoped3A_203 : memref<!tpu.dma_semaphore, #tpu.memory_space<semaphore_mem>>) src(%dma_wait3A_215 : memref<128x64xf32, #tpu.memory_space<vmem>>) dst(%dma_wait3A_221 : memref<10016x64xf32, #tpu.memory_space<vmem_shared>>)
        tpu.yield
      }) : () -> ()
    }
    %scan3A_11 = arith.constant 40 : i32
    %barrier3A_12 = arith.constant 0 : index
    tpu.barrier barrier_id(%barrier3A_12)
    %mul3A_13 = arith.constant 625 : i32
    %mul3A_14 = arith.muli %arg1, %mul3A_13 : i32
    %mul3A_15 = arith.constant 10000 : i32
    %mul3A_16 = arith.muli %add3A_3, %mul3A_15 : i32
    %mul3A_17 = arith.constant 625 : i32
    %mul3A_18 = arith.muli %arg1, %mul3A_17 : i32
    %add3A_19 = arith.addi %mul3A_16, %mul3A_18 : i32
    "tpu.region"() ({
      %run_scoped3A = tpu.sem_alloc : memref<!tpu.dma_semaphore, #tpu.memory_space<semaphore_mem>>
      %dma_start3A = arith.constant 0 : i32
      %dma_start3A_90 = tpu.memref_slice %arg7[%add3A_19, %dma_start3A] : memref<80000x64xf32, #tpu.memory_space<hbm>> -> memref<625x64xf32, #tpu.memory_space<hbm>>
      %dma_start3A_91 = arith.constant 0 : i32
      %dma_start3A_92 = tpu.memref_slice %arg13[%mul3A_14, %dma_start3A_91] : memref<10016x64xf32, #tpu.memory_space<vmem_shared>> -> memref<625x64xf32, #tpu.memory_space<vmem_shared>>
      tpu.enqueue_dma source(%dma_start3A_92 : memref<625x64xf32, #tpu.memory_space<vmem_shared>>) target(%dma_start3A_90 : memref<625x64xf32, #tpu.memory_space<hbm>>) target_semaphore(%run_scoped3A : memref<!tpu.dma_semaphore, #tpu.memory_space<semaphore_mem>>)
      %dma_wait3A = arith.constant 0 : i32
      %dma_wait3A_93 = tpu.memref_slice %arg7[%add3A_19, %dma_wait3A] : memref<80000x64xf32, #tpu.memory_space<hbm>> -> memref<625x64xf32, #tpu.memory_space<hbm>>
      %dma_wait3A_94 = arith.constant 0 : i32
      %dma_wait3A_95 = tpu.memref_slice %arg13[%mul3A_14, %dma_wait3A_94] : memref<10016x64xf32, #tpu.memory_space<vmem_shared>> -> memref<625x64xf32, #tpu.memory_space<vmem_shared>>
      tpu.wait_dma2 semaphore(%run_scoped3A : memref<!tpu.dma_semaphore, #tpu.memory_space<semaphore_mem>>) src(%dma_wait3A_95 : memref<625x64xf32, #tpu.memory_space<vmem_shared>>) dst(%dma_wait3A_93 : memref<625x64xf32, #tpu.memory_space<hbm>>)
      tpu.yield
    }) : () -> ()
    %barrier3A_20 = arith.constant 0 : index
    tpu.barrier barrier_id(%barrier3A_20)
    %mul3A_21 = arith.constant 4 : i32
    %mul3A_22 = arith.muli %arg0, %mul3A_21 : i32
    %add3A_23 = arith.constant 1 : i32
    %add3A_24 = arith.addi %mul3A_22, %add3A_23 : i32
    %mul3A_25 = arith.constant 626 : i32
    %mul3A_26 = arith.muli %arg1, %mul3A_25 : i32
    %mul3A_27 = arith.constant 626 : i32
    %mul3A_28 = arith.muli %arg1, %mul3A_27 : i32
    "tpu.region"() ({
      %run_scoped3A = tpu.sem_alloc : memref<!tpu.dma_semaphore, #tpu.memory_space<semaphore_mem>>
      %dma_start3A = arith.constant 0 : i32
      %dma_start3A_90 = tpu.memref_slice %arg13[%mul3A_28, %dma_start3A] : memref<10016x64xf32, #tpu.memory_space<vmem_shared>> -> memref<626x64xf32, #tpu.memory_space<vmem_shared>>
      %dma_start3A_91 = arith.constant 0 : i32
      %dma_start3A_92 = tpu.memref_slice %arg6[%mul3A_26, %dma_start3A_91] : memref<10016x64xf32, #tpu.memory_space<hbm>> -> memref<626x64xf32, #tpu.memory_space<hbm>>
      tpu.enqueue_dma source(%dma_start3A_92 : memref<626x64xf32, #tpu.memory_space<hbm>>) target(%dma_start3A_90 : memref<626x64xf32, #tpu.memory_space<vmem_shared>>) target_semaphore(%run_scoped3A : memref<!tpu.dma_semaphore, #tpu.memory_space<semaphore_mem>>)
      %dma_wait3A = arith.constant 0 : i32
      %dma_wait3A_93 = tpu.memref_slice %arg13[%mul3A_28, %dma_wait3A] : memref<10016x64xf32, #tpu.memory_space<vmem_shared>> -> memref<626x64xf32, #tpu.memory_space<vmem_shared>>
      %dma_wait3A_94 = arith.constant 0 : i32
      %dma_wait3A_95 = tpu.memref_slice %arg6[%mul3A_26, %dma_wait3A_94] : memref<10016x64xf32, #tpu.memory_space<hbm>> -> memref<626x64xf32, #tpu.memory_space<hbm>>
      tpu.wait_dma2 semaphore(%run_scoped3A : memref<!tpu.dma_semaphore, #tpu.memory_space<semaphore_mem>>) src(%dma_wait3A_95 : memref<626x64xf32, #tpu.memory_space<hbm>>) dst(%dma_wait3A_93 : memref<626x64xf32, #tpu.memory_space<vmem_shared>>)
      tpu.yield
    }) : () -> ()
    %barrier3A_29 = arith.constant 0 : index
    tpu.barrier barrier_id(%barrier3A_29)
    %scan3A_30 = arith.constant 0 : i32
    %scan3A_31 = arith.constant 40 : i32
    %scan3A_32 = arith.addi %scan3A_30, %scan3A_31 : i32
    %scan3A_33 = arith.constant 1 : i32
    scf.for %scan3A_90 = %scan3A_30 to %scan3A_32 step %scan3A_33  : i32 {
      %mul3A_91 = arith.constant 512 : i32
      %mul3A_92 = arith.muli %scan3A_90, %mul3A_91 : i32
      %add3A_93 = arith.constant 0 : i32
      %add3A_94 = arith.addi %add3A_93, %mul3A_92 : i32
      %add3A_95 = arith.addi %mul3A_0, %add3A_94 : i32
      %jit3A = arith.constant 128 : i32
      %div3A = arith.divsi %add3A_95, %jit3A : i32
      %sign3A = arith.constant 0 : i32
      %sign3A_96 = arith.cmpi sgt, %add3A_95, %sign3A : i32
      %sign3A_97 = arith.extui %sign3A_96 : i1 to i32
      %sign3A_98 = arith.constant 0 : i32
      %sign3A_99 = arith.cmpi slt, %add3A_95, %sign3A_98 : i32
      %sign3A_100 = arith.extui %sign3A_99 : i1 to i32
      %sign3A_101 = arith.subi %sign3A_97, %sign3A_100 : i32
      %sign3A_102 = arith.constant 0 : i32
      %sign3A_103 = arith.cmpi sgt, %jit3A, %sign3A_102 : i32
      %sign3A_104 = arith.extui %sign3A_103 : i1 to i32
      %sign3A_105 = arith.constant 0 : i32
      %sign3A_106 = arith.cmpi slt, %jit3A, %sign3A_105 : i32
      %sign3A_107 = arith.extui %sign3A_106 : i1 to i32
      %sign3A_108 = arith.subi %sign3A_104, %sign3A_107 : i32
      %ne3A = arith.cmpi ne, %sign3A_101, %sign3A_108 : i32
      %rem3A = arith.remsi %add3A_95, %jit3A : i32
      %ne3A_109 = arith.constant 0 : i32
      %ne3A_110 = arith.cmpi ne, %rem3A, %ne3A_109 : i32
      %and3A = arith.andi %ne3A, %ne3A_110 : i1
      %sub3A = arith.constant 1 : i32
      %sub3A_111 = arith.subi %div3A, %sub3A : i32
      %select_n3A = arith.select %and3A, %sub3A_111, %div3A : i32
      "tpu.region"() ({
        %run_scoped3A_203 = tpu.sem_alloc : memref<!tpu.dma_semaphore, #tpu.memory_space<semaphore_mem>>
        %dma_start3A_204 = arith.constant 0 : i32
        %dma_start3A_205 = tpu.memref_slice %arg3[%select_n3A, %dma_start3A_204] : memref<2560x128xi32, #tpu.memory_space<hbm>> -> memref<4x128xi32, #tpu.memory_space<hbm>>
        %dma_start3A_206 = arith.constant 0 : i32
        %dma_start3A_207 = tpu.memref_slice %arg3[%select_n3A, %dma_start3A_206] : memref<2560x128xi32, #tpu.memory_space<hbm>> -> memref<4x128xi32, #tpu.memory_space<hbm>>
        tpu.enqueue_dma source(%dma_start3A_207 : memref<4x128xi32, #tpu.memory_space<hbm>>) target(%arg8 : memref<4x128xi32, #tpu.memory_space<vmem>>) target_semaphore(%run_scoped3A_203 : memref<!tpu.dma_semaphore, #tpu.memory_space<semaphore_mem>>)
        %dma_wait3A_208 = arith.constant 0 : i32
        %dma_wait3A_209 = tpu.memref_slice %arg3[%select_n3A, %dma_wait3A_208] : memref<2560x128xi32, #tpu.memory_space<hbm>> -> memref<4x128xi32, #tpu.memory_space<hbm>>
        %dma_wait3A_210 = arith.constant 0 : i32
        %dma_wait3A_211 = tpu.memref_slice %arg3[%select_n3A, %dma_wait3A_210] : memref<2560x128xi32, #tpu.memory_space<hbm>> -> memref<4x128xi32, #tpu.memory_space<hbm>>
        tpu.wait_dma2 semaphore(%run_scoped3A_203 : memref<!tpu.dma_semaphore, #tpu.memory_space<semaphore_mem>>) src(%dma_wait3A_211 : memref<4x128xi32, #tpu.memory_space<hbm>>) dst(%arg8 : memref<4x128xi32, #tpu.memory_space<vmem>>)
        tpu.yield
      }) : () -> ()
      "tpu.region"() ({
        %run_scoped3A_203 = tpu.sem_alloc : memref<!tpu.dma_semaphore, #tpu.memory_space<semaphore_mem>>
        %dma_start3A_204 = arith.constant 0 : i32
        %dma_start3A_205 = tpu.memref_slice %arg4[%select_n3A, %dma_start3A_204] : memref<2560x128xi32, #tpu.memory_space<hbm>> -> memref<4x128xi32, #tpu.memory_space<hbm>>
        %dma_start3A_206 = arith.constant 0 : i32
        %dma_start3A_207 = tpu.memref_slice %arg4[%select_n3A, %dma_start3A_206] : memref<2560x128xi32, #tpu.memory_space<hbm>> -> memref<4x128xi32, #tpu.memory_space<hbm>>
        tpu.enqueue_dma source(%dma_start3A_207 : memref<4x128xi32, #tpu.memory_space<hbm>>) target(%arg9 : memref<4x128xi32, #tpu.memory_space<vmem>>) target_semaphore(%run_scoped3A_203 : memref<!tpu.dma_semaphore, #tpu.memory_space<semaphore_mem>>)
        %dma_wait3A_208 = arith.constant 0 : i32
        %dma_wait3A_209 = tpu.memref_slice %arg4[%select_n3A, %dma_wait3A_208] : memref<2560x128xi32, #tpu.memory_space<hbm>> -> memref<4x128xi32, #tpu.memory_space<hbm>>
        %dma_wait3A_210 = arith.constant 0 : i32
        %dma_wait3A_211 = tpu.memref_slice %arg4[%select_n3A, %dma_wait3A_210] : memref<2560x128xi32, #tpu.memory_space<hbm>> -> memref<4x128xi32, #tpu.memory_space<hbm>>
        tpu.wait_dma2 semaphore(%run_scoped3A_203 : memref<!tpu.dma_semaphore, #tpu.memory_space<semaphore_mem>>) src(%dma_wait3A_211 : memref<4x128xi32, #tpu.memory_space<hbm>>) dst(%arg9 : memref<4x128xi32, #tpu.memory_space<vmem>>)
        tpu.yield
      }) : () -> ()
      "tpu.region"() ({
        %run_scoped3A_203 = tpu.sem_alloc : memref<!tpu.dma_semaphore, #tpu.memory_space<semaphore_mem>>
        %dma_start3A_204 = arith.constant 0 : i32
        %dma_start3A_205 = tpu.memref_slice %arg5[%add3A_95, %dma_start3A_204] : memref<327680x16xf32, #tpu.memory_space<hbm>> -> memref<512x16xf32, #tpu.memory_space<hbm>>
        %dma_start3A_206 = arith.constant 0 : i32
        %dma_start3A_207 = tpu.memref_slice %arg5[%add3A_95, %dma_start3A_206] : memref<327680x16xf32, #tpu.memory_space<hbm>> -> memref<512x16xf32, #tpu.memory_space<hbm>>
        tpu.enqueue_dma source(%dma_start3A_207 : memref<512x16xf32, #tpu.memory_space<hbm>>) target(%arg11 : memref<512x16xf32, #tpu.memory_space<vmem>>) target_semaphore(%run_scoped3A_203 : memref<!tpu.dma_semaphore, #tpu.memory_space<semaphore_mem>>)
        %dma_wait3A_208 = arith.constant 0 : i32
        %dma_wait3A_209 = tpu.memref_slice %arg5[%add3A_95, %dma_wait3A_208] : memref<327680x16xf32, #tpu.memory_space<hbm>> -> memref<512x16xf32, #tpu.memory_space<hbm>>
        %dma_wait3A_210 = arith.constant 0 : i32
        %dma_wait3A_211 = tpu.memref_slice %arg5[%add3A_95, %dma_wait3A_210] : memref<327680x16xf32, #tpu.memory_space<hbm>> -> memref<512x16xf32, #tpu.memory_space<hbm>>
        tpu.wait_dma2 semaphore(%run_scoped3A_203 : memref<!tpu.dma_semaphore, #tpu.memory_space<semaphore_mem>>) src(%dma_wait3A_211 : memref<512x16xf32, #tpu.memory_space<hbm>>) dst(%arg11 : memref<512x16xf32, #tpu.memory_space<vmem>>)
        tpu.yield
      }) : () -> ()
      %scan3A_112 = arith.constant 0 : i32
      %scan3A_113 = arith.constant 4 : i32
      %scan3A_114 = arith.addi %scan3A_112, %scan3A_113 : i32
      %scan3A_115 = arith.constant 1 : i32
      scf.for %scan3A_203 = %scan3A_112 to %scan3A_114 step %scan3A_115  : i32 {
        %mul3A_204 = arith.constant 1 : i32
        %mul3A_205 = arith.muli %scan3A_203, %mul3A_204 : i32
        %add3A_206 = arith.constant 0 : i32
        %add3A_207 = arith.addi %add3A_206, %mul3A_205 : i32
        %scan3A_208 = arith.constant 0 : i32
        %scan3A_209 = arith.constant 8 : i32
        %scan3A_210 = arith.addi %scan3A_208, %scan3A_209 : i32
        %scan3A_211 = arith.constant 1 : i32
        scf.for %scan3A_213 = %scan3A_208 to %scan3A_210 step %scan3A_211  : i32 {
          %mul3A_214 = arith.constant 16 : i32
          %mul3A_215 = arith.muli %scan3A_213, %mul3A_214 : i32
          %add3A_216 = arith.constant 0 : i32
          %add3A_217 = arith.addi %add3A_216, %mul3A_215 : i32
          %get3A = arith.index_cast %add3A_207 : i32 to index
          %get3A_218 = arith.index_cast %add3A_217 : i32 to index
          %get3A_219 = tpu.vector_load %arg8[%get3A, %get3A_218] {strides = array<i32>} : memref<4x128xi32, #tpu.memory_space<vmem>>, vector<1x16xi32>,
          %get3A_220 = vector.shape_cast %get3A_219 : vector<1x16xi32> to vector<16xi32>
          %mul3A_221 = arith.constant 8 : i32
          %mul3A_222 = vector.broadcast %mul3A_221 : i32 to vector<16xi32>
          %mul3A_223 = arith.muli %get3A_220, %mul3A_222 : vector<16xi32>
          %add3A_224 = vector.broadcast %add3A_24 : i32 to vector<16xi32>
          %add3A_225 = arith.addi %mul3A_223, %add3A_224 : vector<16xi32>
          %swap3A = arith.index_cast %add3A_207 : i32 to index
          %swap3A_226 = arith.index_cast %add3A_217 : i32 to index
          %swap3A_227 = tpu.vector_load %arg10[%swap3A, %swap3A_226] {strides = array<i32>} : memref<4x128xi32, #tpu.memory_space<vmem>>, vector<1x16xi32>,
          %swap3A_228 = vector.shape_cast %swap3A_227 : vector<1x16xi32> to vector<16xi32>
          %swap3A_229 = vector.shape_cast %add3A_225 : vector<16xi32> to vector<1x16xi32>
          tpu.vector_store %arg10[%swap3A, %swap3A_226], %swap3A_229 {strides = array<i32>} : memref<4x128xi32, #tpu.memory_space<vmem>>, vector<1x16xi32>,
        }
        %scan3A_212 = arith.constant 8 : i32
      }
      %scan3A_116 = arith.constant 4 : i32
      %dma_start3A = arith.constant 0 : i32
      %dma_start3A_117 = arith.constant 0 : i32
      %dma_start3A_118 = arith.constant 0 : i32
      %dma_start3A_119 = tpu.memref_slice %arg12[%dma_start3A_117, %dma_start3A_118] : memref<512x64xf32, #tpu.memory_space<vmem>> -> memref<128x64xf32, #tpu.memory_space<vmem>>
      %dma_start3A_120 = arith.constant 0 : i32
      %dma_start3A_121 = tpu.memref_slice %arg10[%dma_start3A, %dma_start3A_120] : memref<4x128xi32, #tpu.memory_space<vmem>> -> memref<1x128xi32, #tpu.memory_space<vmem>>
      %dma_start3A_122 = tpu.memref_squeeze %dma_start3A_121 : memref<1x128xi32, #tpu.memory_space<vmem>> -> memref<128xi32, #tpu.memory_space<vmem>>
      %dma_start3A_123 = arith.constant 0 : i32
      %dma_start3A_124 = arith.constant 0 : i32
      %dma_start3A_125 = tpu.memref_slice %arg2[%dma_start3A_123, %dma_start3A_124] : memref<80000x64xf32, #tpu.memory_space<hbm>> -> memref<80000x64xf32, #tpu.memory_space<hbm>>
      tpu.enqueue_indirect_dma source(%dma_start3A_125 : memref<80000x64xf32, #tpu.memory_space<hbm>>) target(%dma_start3A_119 : memref<128x64xf32, #tpu.memory_space<vmem>>) offsets(%dma_start3A_122 : memref<128xi32, #tpu.memory_space<vmem>>) semaphore(%arg14 : memref<!tpu.dma_semaphore, #tpu.memory_space<semaphore_mem>>)
      %dma_start3A_126 = arith.constant 1 : i32
      %dma_start3A_127 = arith.constant 128 : i32
      %dma_start3A_128 = arith.constant 0 : i32
      %dma_start3A_129 = tpu.memref_slice %arg12[%dma_start3A_127, %dma_start3A_128] : memref<512x64xf32, #tpu.memory_space<vmem>> -> memref<128x64xf32, #tpu.memory_space<vmem>>
      %dma_start3A_130 = arith.constant 0 : i32
      %dma_start3A_131 = tpu.memref_slice %arg10[%dma_start3A_126, %dma_start3A_130] : memref<4x128xi32, #tpu.memory_space<vmem>> -> memref<1x128xi32, #tpu.memory_space<vmem>>
      %dma_start3A_132 = tpu.memref_squeeze %dma_start3A_131 : memref<1x128xi32, #tpu.memory_space<vmem>> -> memref<128xi32, #tpu.memory_space<vmem>>
      %dma_start3A_133 = arith.constant 0 : i32
      %dma_start3A_134 = arith.constant 0 : i32
      %dma_start3A_135 = tpu.memref_slice %arg2[%dma_start3A_133, %dma_start3A_134] : memref<80000x64xf32, #tpu.memory_space<hbm>> -> memref<80000x64xf32, #tpu.memory_space<hbm>>
      tpu.enqueue_indirect_dma source(%dma_start3A_135 : memref<80000x64xf32, #tpu.memory_space<hbm>>) target(%dma_start3A_129 : memref<128x64xf32, #tpu.memory_space<vmem>>) offsets(%dma_start3A_132 : memref<128xi32, #tpu.memory_space<vmem>>) semaphore(%arg14 : memref<!tpu.dma_semaphore, #tpu.memory_space<semaphore_mem>>)
      %dma_start3A_136 = arith.constant 2 : i32
      %dma_start3A_137 = arith.constant 256 : i32
      %dma_start3A_138 = arith.constant 0 : i32
      %dma_start3A_139 = tpu.memref_slice %arg12[%dma_start3A_137, %dma_start3A_138] : memref<512x64xf32, #tpu.memory_space<vmem>> -> memref<128x64xf32, #tpu.memory_space<vmem>>
      %dma_start3A_140 = arith.constant 0 : i32
      %dma_start3A_141 = tpu.memref_slice %arg10[%dma_start3A_136, %dma_start3A_140] : memref<4x128xi32, #tpu.memory_space<vmem>> -> memref<1x128xi32, #tpu.memory_space<vmem>>
      %dma_start3A_142 = tpu.memref_squeeze %dma_start3A_141 : memref<1x128xi32, #tpu.memory_space<vmem>> -> memref<128xi32, #tpu.memory_space<vmem>>
      %dma_start3A_143 = arith.constant 0 : i32
      %dma_start3A_144 = arith.constant 0 : i32
      %dma_start3A_145 = tpu.memref_slice %arg2[%dma_start3A_143, %dma_start3A_144] : memref<80000x64xf32, #tpu.memory_space<hbm>> -> memref<80000x64xf32, #tpu.memory_space<hbm>>
      tpu.enqueue_indirect_dma source(%dma_start3A_145 : memref<80000x64xf32, #tpu.memory_space<hbm>>) target(%dma_start3A_139 : memref<128x64xf32, #tpu.memory_space<vmem>>) offsets(%dma_start3A_142 : memref<128xi32, #tpu.memory_space<vmem>>) semaphore(%arg14 : memref<!tpu.dma_semaphore, #tpu.memory_space<semaphore_mem>>)
      %dma_start3A_146 = arith.constant 3 : i32
      %dma_start3A_147 = arith.constant 384 : i32
      %dma_start3A_148 = arith.constant 0 : i32
      %dma_start3A_149 = tpu.memref_slice %arg12[%dma_start3A_147, %dma_start3A_148] : memref<512x64xf32, #tpu.memory_space<vmem>> -> memref<128x64xf32, #tpu.memory_space<vmem>>
      %dma_start3A_150 = arith.constant 0 : i32
      %dma_start3A_151 = tpu.memref_slice %arg10[%dma_start3A_146, %dma_start3A_150] : memref<4x128xi32, #tpu.memory_space<vmem>> -> memref<1x128xi32, #tpu.memory_space<vmem>>
      %dma_start3A_152 = tpu.memref_squeeze %dma_start3A_151 : memref<1x128xi32, #tpu.memory_space<vmem>> -> memref<128xi32, #tpu.memory_space<vmem>>
      %dma_start3A_153 = arith.constant 0 : i32
      %dma_start3A_154 = arith.constant 0 : i32
      %dma_start3A_155 = tpu.memref_slice %arg2[%dma_start3A_153, %dma_start3A_154] : memref<80000x64xf32, #tpu.memory_space<hbm>> -> memref<80000x64xf32, #tpu.memory_space<hbm>>
      tpu.enqueue_indirect_dma source(%dma_start3A_155 : memref<80000x64xf32, #tpu.memory_space<hbm>>) target(%dma_start3A_149 : memref<128x64xf32, #tpu.memory_space<vmem>>) offsets(%dma_start3A_152 : memref<128xi32, #tpu.memory_space<vmem>>) semaphore(%arg14 : memref<!tpu.dma_semaphore, #tpu.memory_space<semaphore_mem>>)
      %dma_wait3A = arith.constant 0 : i32
      %dma_wait3A_156 = arith.constant 0 : i32
      %dma_wait3A_157 = arith.constant 0 : i32
      %dma_wait3A_158 = tpu.memref_slice %arg12[%dma_wait3A_156, %dma_wait3A_157] : memref<512x64xf32, #tpu.memory_space<vmem>> -> memref<128x64xf32, #tpu.memory_space<vmem>>
      %dma_wait3A_159 = arith.constant 0 : i32
      %dma_wait3A_160 = tpu.memref_slice %arg10[%dma_wait3A, %dma_wait3A_159] : memref<4x128xi32, #tpu.memory_space<vmem>> -> memref<1x128xi32, #tpu.memory_space<vmem>>
      %dma_wait3A_161 = tpu.memref_squeeze %dma_wait3A_160 : memref<1x128xi32, #tpu.memory_space<vmem>> -> memref<128xi32, #tpu.memory_space<vmem>>
      %dma_wait3A_162 = arith.constant 0 : i32
      %dma_wait3A_163 = arith.constant 0 : i32
      %dma_wait3A_164 = tpu.memref_slice %arg2[%dma_wait3A_162, %dma_wait3A_163] : memref<80000x64xf32, #tpu.memory_space<hbm>> -> memref<80000x64xf32, #tpu.memory_space<hbm>>
      tpu.wait_indirect_dma semaphore(%arg14 : memref<!tpu.dma_semaphore, #tpu.memory_space<semaphore_mem>>) src(%dma_wait3A_164 : memref<80000x64xf32, #tpu.memory_space<hbm>>) dst(%dma_wait3A_158 : memref<128x64xf32, #tpu.memory_space<vmem>>)
      %dma_wait3A_165 = arith.constant 1 : i32
      %dma_wait3A_166 = arith.constant 128 : i32
      %dma_wait3A_167 = arith.constant 0 : i32
      %dma_wait3A_168 = tpu.memref_slice %arg12[%dma_wait3A_166, %dma_wait3A_167] : memref<512x64xf32, #tpu.memory_space<vmem>> -> memref<128x64xf32, #tpu.memory_space<vmem>>
      %dma_wait3A_169 = arith.constant 0 : i32
      %dma_wait3A_170 = tpu.memref_slice %arg10[%dma_wait3A_165, %dma_wait3A_169] : memref<4x128xi32, #tpu.memory_space<vmem>> -> memref<1x128xi32, #tpu.memory_space<vmem>>
      %dma_wait3A_171 = tpu.memref_squeeze %dma_wait3A_170 : memref<1x128xi32, #tpu.memory_space<vmem>> -> memref<128xi32, #tpu.memory_space<vmem>>
      %dma_wait3A_172 = arith.constant 0 : i32
      %dma_wait3A_173 = arith.constant 0 : i32
      %dma_wait3A_174 = tpu.memref_slice %arg2[%dma_wait3A_172, %dma_wait3A_173] : memref<80000x64xf32, #tpu.memory_space<hbm>> -> memref<80000x64xf32, #tpu.memory_space<hbm>>
      tpu.wait_indirect_dma semaphore(%arg14 : memref<!tpu.dma_semaphore, #tpu.memory_space<semaphore_mem>>) src(%dma_wait3A_174 : memref<80000x64xf32, #tpu.memory_space<hbm>>) dst(%dma_wait3A_168 : memref<128x64xf32, #tpu.memory_space<vmem>>)
      %dma_wait3A_175 = arith.constant 2 : i32
      %dma_wait3A_176 = arith.constant 256 : i32
      %dma_wait3A_177 = arith.constant 0 : i32
      %dma_wait3A_178 = tpu.memref_slice %arg12[%dma_wait3A_176, %dma_wait3A_177] : memref<512x64xf32, #tpu.memory_space<vmem>> -> memref<128x64xf32, #tpu.memory_space<vmem>>
      %dma_wait3A_179 = arith.constant 0 : i32
      %dma_wait3A_180 = tpu.memref_slice %arg10[%dma_wait3A_175, %dma_wait3A_179] : memref<4x128xi32, #tpu.memory_space<vmem>> -> memref<1x128xi32, #tpu.memory_space<vmem>>
      %dma_wait3A_181 = tpu.memref_squeeze %dma_wait3A_180 : memref<1x128xi32, #tpu.memory_space<vmem>> -> memref<128xi32, #tpu.memory_space<vmem>>
      %dma_wait3A_182 = arith.constant 0 : i32
      %dma_wait3A_183 = arith.constant 0 : i32
      %dma_wait3A_184 = tpu.memref_slice %arg2[%dma_wait3A_182, %dma_wait3A_183] : memref<80000x64xf32, #tpu.memory_space<hbm>> -> memref<80000x64xf32, #tpu.memory_space<hbm>>
      tpu.wait_indirect_dma semaphore(%arg14 : memref<!tpu.dma_semaphore, #tpu.memory_space<semaphore_mem>>) src(%dma_wait3A_184 : memref<80000x64xf32, #tpu.memory_space<hbm>>) dst(%dma_wait3A_178 : memref<128x64xf32, #tpu.memory_space<vmem>>)
      %dma_wait3A_185 = arith.constant 3 : i32
      %dma_wait3A_186 = arith.constant 384 : i32
      %dma_wait3A_187 = arith.constant 0 : i32
      %dma_wait3A_188 = tpu.memref_slice %arg12[%dma_wait3A_186, %dma_wait3A_187] : memref<512x64xf32, #tpu.memory_space<vmem>> -> memref<128x64xf32, #tpu.memory_space<vmem>>
      %dma_wait3A_189 = arith.constant 0 : i32
      %dma_wait3A_190 = tpu.memref_slice %arg10[%dma_wait3A_185, %dma_wait3A_189] : memref<4x128xi32, #tpu.memory_space<vmem>> -> memref<1x128xi32, #tpu.memory_space<vmem>>
      %dma_wait3A_191 = tpu.memref_squeeze %dma_wait3A_190 : memref<1x128xi32, #tpu.memory_space<vmem>> -> memref<128xi32, #tpu.memory_space<vmem>>
      %dma_wait3A_192 = arith.constant 0 : i32
      %dma_wait3A_193 = arith.constant 0 : i32
      %dma_wait3A_194 = tpu.memref_slice %arg2[%dma_wait3A_192, %dma_wait3A_193] : memref<80000x64xf32, #tpu.memory_space<hbm>> -> memref<80000x64xf32, #tpu.memory_space<hbm>>
      tpu.wait_indirect_dma semaphore(%arg14 : memref<!tpu.dma_semaphore, #tpu.memory_space<semaphore_mem>>) src(%dma_wait3A_194 : memref<80000x64xf32, #tpu.memory_space<hbm>>) dst(%dma_wait3A_188 : memref<128x64xf32, #tpu.memory_space<vmem>>)
      %scan3A_195 = arith.constant 0 : i32
      %scan3A_196 = arith.constant 512 : i32
      %scan3A_197 = arith.addi %scan3A_195, %scan3A_196 : i32
      %scan3A_198 = arith.constant 1 : i32
      scf.for %scan3A_203 = %scan3A_195 to %scan3A_197 step %scan3A_198  : i32 {
        %mul3A_204 = arith.constant 1 : i32
        %mul3A_205 = arith.muli %scan3A_203, %mul3A_204 : i32
        %add3A_206 = arith.constant 0 : i32
        %add3A_207 = arith.addi %add3A_206, %mul3A_205 : i32
        %get3A = arith.index_cast %add3A_207 : i32 to index
        %get3A_208 = arith.constant 0 : index
        %get3A_209 = tpu.vector_load %arg11[%get3A, %get3A_208] {strides = array<i32>} : memref<512x16xf32, #tpu.memory_space<vmem>>, vector<1x16xf32>,
        %get3A_210 = vector.shape_cast %get3A_209 : vector<1x16xf32> to vector<16xf32>
        %mul3A_211 = arith.constant 1 : i32
        %mul3A_212 = arith.muli %add3A_24, %mul3A_211 : i32
        %add3A_213 = arith.constant 0 : i32
        %add3A_214 = arith.addi %mul3A_212, %add3A_213 : i32
        %broadcast_in_dim3A = vector.broadcast %add3A_214 : i32 to vector<16x1xi32>
        %gather3A = vector.shape_cast %broadcast_in_dim3A : vector<16x1xi32> to vector<16xi32>
        %gather3A_215 = tpu.dynamic_gather %get3A_210[%gather3A] in [0] : vector<16xf32>, vector<16xi32> -> vector<16xf32>
        %get3A_216 = arith.index_cast %add3A_207 : i32 to index
        %get3A_217 = arith.constant 0 : index
        %get3A_218 = tpu.vector_load %arg12[%get3A_216, %get3A_217] {strides = array<i32>} : memref<512x64xf32, #tpu.memory_space<vmem>>, vector<1x16xf32>,
        %get3A_219 = vector.shape_cast %get3A_218 : vector<1x16xf32> to vector<16xf32>
        %mul3A_220 = arith.mulf %get3A_219, %gather3A_215 : vector<16xf32>
        %swap3A = arith.index_cast %add3A_207 : i32 to index
        %swap3A_221 = arith.constant 0 : index
        %swap3A_222 = tpu.vector_load %arg12[%swap3A, %swap3A_221] {strides = array<i32>} : memref<512x64xf32, #tpu.memory_space<vmem>>, vector<1x16xf32>,
        %swap3A_223 = vector.shape_cast %swap3A_222 : vector<1x16xf32> to vector<16xf32>
        %swap3A_224 = vector.shape_cast %mul3A_220 : vector<16xf32> to vector<1x16xf32>
        tpu.vector_store %arg12[%swap3A, %swap3A_221], %swap3A_224 {strides = array<i32>} : memref<512x64xf32, #tpu.memory_space<vmem>>, vector<1x16xf32>,
        %get3A_225 = arith.index_cast %add3A_207 : i32 to index
        %get3A_226 = arith.constant 16 : index
        %get3A_227 = tpu.vector_load %arg12[%get3A_225, %get3A_226] {strides = array<i32>} : memref<512x64xf32, #tpu.memory_space<vmem>>, vector<1x16xf32>,
        %get3A_228 = vector.shape_cast %get3A_227 : vector<1x16xf32> to vector<16xf32>
        %mul3A_229 = arith.mulf %get3A_228, %gather3A_215 : vector<16xf32>
        %swap3A_230 = arith.index_cast %add3A_207 : i32 to index
        %swap3A_231 = arith.constant 16 : index
        %swap3A_232 = tpu.vector_load %arg12[%swap3A_230, %swap3A_231] {strides = array<i32>} : memref<512x64xf32, #tpu.memory_space<vmem>>, vector<1x16xf32>,
        %swap3A_233 = vector.shape_cast %swap3A_232 : vector<1x16xf32> to vector<16xf32>
        %swap3A_234 = vector.shape_cast %mul3A_229 : vector<16xf32> to vector<1x16xf32>
        tpu.vector_store %arg12[%swap3A_230, %swap3A_231], %swap3A_234 {strides = array<i32>} : memref<512x64xf32, #tpu.memory_space<vmem>>, vector<1x16xf32>,
        %get3A_235 = arith.index_cast %add3A_207 : i32 to index
        %get3A_236 = arith.constant 32 : index
        %get3A_237 = tpu.vector_load %arg12[%get3A_235, %get3A_236] {strides = array<i32>} : memref<512x64xf32, #tpu.memory_space<vmem>>, vector<1x16xf32>,
        %get3A_238 = vector.shape_cast %get3A_237 : vector<1x16xf32> to vector<16xf32>
        %mul3A_239 = arith.mulf %get3A_238, %gather3A_215 : vector<16xf32>
        %swap3A_240 = arith.index_cast %add3A_207 : i32 to index
        %swap3A_241 = arith.constant 32 : index
        %swap3A_242 = tpu.vector_load %arg12[%swap3A_240, %swap3A_241] {strides = array<i32>} : memref<512x64xf32, #tpu.memory_space<vmem>>, vector<1x16xf32>,
        %swap3A_243 = vector.shape_cast %swap3A_242 : vector<1x16xf32> to vector<16xf32>
        %swap3A_244 = vector.shape_cast %mul3A_239 : vector<16xf32> to vector<1x16xf32>
        tpu.vector_store %arg12[%swap3A_240, %swap3A_241], %swap3A_244 {strides = array<i32>} : memref<512x64xf32, #tpu.memory_space<vmem>>, vector<1x16xf32>,
        %get3A_245 = arith.index_cast %add3A_207 : i32 to index
        %get3A_246 = arith.constant 48 : index
        %get3A_247 = tpu.vector_load %arg12[%get3A_245, %get3A_246] {strides = array<i32>} : memref<512x64xf32, #tpu.memory_space<vmem>>, vector<1x16xf32>,
        %get3A_248 = vector.shape_cast %get3A_247 : vector<1x16xf32> to vector<16xf32>
        %mul3A_249 = arith.mulf %get3A_248, %gather3A_215 : vector<16xf32>
        %swap3A_250 = arith.index_cast %add3A_207 : i32 to index
        %swap3A_251 = arith.constant 48 : index
        %swap3A_252 = tpu.vector_load %arg12[%swap3A_250, %swap3A_251] {strides = array<i32>} : memref<512x64xf32, #tpu.memory_space<vmem>>, vector<1x16xf32>,
        %swap3A_253 = vector.shape_cast %swap3A_252 : vector<1x16xf32> to vector<16xf32>
        %swap3A_254 = vector.shape_cast %mul3A_249 : vector<16xf32> to vector<1x16xf32>
        tpu.vector_store %arg12[%swap3A_250, %swap3A_251], %swap3A_254 {strides = array<i32>} : memref<512x64xf32, #tpu.memory_space<vmem>>, vector<1x16xf32>,
      }
      %scan3A_199 = arith.constant 512 : i32
      %run_scoped3A = arith.constant 0 : i32
      "tpu.region"() ({
        %run_scoped3A_203 = tpu.sem_alloc : memref<!tpu.dma_semaphore, #tpu.memory_space<semaphore_mem>>
        %dma_start3A_204 = arith.constant 0 : i32
        %dma_start3A_205 = arith.constant 0 : i32
        %dma_start3A_206 = tpu.memref_slice %arg12[%dma_start3A_204, %dma_start3A_205] : memref<512x64xf32, #tpu.memory_space<vmem>> -> memref<128x64xf32, #tpu.memory_space<vmem>>
        %dma_start3A_207 = arith.constant 0 : i32
        %dma_start3A_208 = tpu.memref_slice %arg9[%run_scoped3A, %dma_start3A_207] : memref<4x128xi32, #tpu.memory_space<vmem>> -> memref<1x128xi32, #tpu.memory_space<vmem>>
        %dma_start3A_209 = tpu.memref_squeeze %dma_start3A_208 : memref<1x128xi32, #tpu.memory_space<vmem>> -> memref<128xi32, #tpu.memory_space<vmem>>
        %dma_start3A_210 = arith.constant 0 : i32
        %dma_start3A_211 = arith.constant 0 : i32
        %dma_start3A_212 = tpu.memref_slice %arg13[%dma_start3A_210, %dma_start3A_211] : memref<10016x64xf32, #tpu.memory_space<vmem_shared>> -> memref<10016x64xf32, #tpu.memory_space<vmem_shared>>
        tpu.enqueue_indirect_dma source(%dma_start3A_206 : memref<128x64xf32, #tpu.memory_space<vmem>>) target(%dma_start3A_212 : memref<10016x64xf32, #tpu.memory_space<vmem_shared>>) offsets(%dma_start3A_209 : memref<128xi32, #tpu.memory_space<vmem>>) semaphore(%run_scoped3A_203 : memref<!tpu.dma_semaphore, #tpu.memory_space<semaphore_mem>>) {add = true}
        %dma_wait3A_213 = arith.constant 0 : i32
        %dma_wait3A_214 = arith.constant 0 : i32
        %dma_wait3A_215 = tpu.memref_slice %arg12[%dma_wait3A_213, %dma_wait3A_214] : memref<512x64xf32, #tpu.memory_space<vmem>> -> memref<128x64xf32, #tpu.memory_space<vmem>>
        %dma_wait3A_216 = arith.constant 0 : i32
        %dma_wait3A_217 = tpu.memref_slice %arg9[%run_scoped3A, %dma_wait3A_216] : memref<4x128xi32, #tpu.memory_space<vmem>> -> memref<1x128xi32, #tpu.memory_space<vmem>>
        %dma_wait3A_218 = tpu.memref_squeeze %dma_wait3A_217 : memref<1x128xi32, #tpu.memory_space<vmem>> -> memref<128xi32, #tpu.memory_space<vmem>>
        %dma_wait3A_219 = arith.constant 0 : i32
        %dma_wait3A_220 = arith.constant 0 : i32
        %dma_wait3A_221 = tpu.memref_slice %arg13[%dma_wait3A_219, %dma_wait3A_220] : memref<10016x64xf32, #tpu.memory_space<vmem_shared>> -> memref<10016x64xf32, #tpu.memory_space<vmem_shared>>
        tpu.wait_indirect_dma semaphore(%run_scoped3A_203 : memref<!tpu.dma_semaphore, #tpu.memory_space<semaphore_mem>>) src(%dma_wait3A_215 : memref<128x64xf32, #tpu.memory_space<vmem>>) dst(%dma_wait3A_221 : memref<10016x64xf32, #tpu.memory_space<vmem_shared>>)
        tpu.yield
      }) : () -> ()
      %run_scoped3A_200 = arith.constant 1 : i32
      "tpu.region"() ({
        %run_scoped3A_203 = tpu.sem_alloc : memref<!tpu.dma_semaphore, #tpu.memory_space<semaphore_mem>>
        %dma_start3A_204 = arith.constant 128 : i32
        %dma_start3A_205 = arith.constant 0 : i32
        %dma_start3A_206 = tpu.memref_slice %arg12[%dma_start3A_204, %dma_start3A_205] : memref<512x64xf32, #tpu.memory_space<vmem>> -> memref<128x64xf32, #tpu.memory_space<vmem>>
        %dma_start3A_207 = arith.constant 0 : i32
        %dma_start3A_208 = tpu.memref_slice %arg9[%run_scoped3A_200, %dma_start3A_207] : memref<4x128xi32, #tpu.memory_space<vmem>> -> memref<1x128xi32, #tpu.memory_space<vmem>>
        %dma_start3A_209 = tpu.memref_squeeze %dma_start3A_208 : memref<1x128xi32, #tpu.memory_space<vmem>> -> memref<128xi32, #tpu.memory_space<vmem>>
        %dma_start3A_210 = arith.constant 0 : i32
        %dma_start3A_211 = arith.constant 0 : i32
        %dma_start3A_212 = tpu.memref_slice %arg13[%dma_start3A_210, %dma_start3A_211] : memref<10016x64xf32, #tpu.memory_space<vmem_shared>> -> memref<10016x64xf32, #tpu.memory_space<vmem_shared>>
        tpu.enqueue_indirect_dma source(%dma_start3A_206 : memref<128x64xf32, #tpu.memory_space<vmem>>) target(%dma_start3A_212 : memref<10016x64xf32, #tpu.memory_space<vmem_shared>>) offsets(%dma_start3A_209 : memref<128xi32, #tpu.memory_space<vmem>>) semaphore(%run_scoped3A_203 : memref<!tpu.dma_semaphore, #tpu.memory_space<semaphore_mem>>) {add = true}
        %dma_wait3A_213 = arith.constant 128 : i32
        %dma_wait3A_214 = arith.constant 0 : i32
        %dma_wait3A_215 = tpu.memref_slice %arg12[%dma_wait3A_213, %dma_wait3A_214] : memref<512x64xf32, #tpu.memory_space<vmem>> -> memref<128x64xf32, #tpu.memory_space<vmem>>
        %dma_wait3A_216 = arith.constant 0 : i32
        %dma_wait3A_217 = tpu.memref_slice %arg9[%run_scoped3A_200, %dma_wait3A_216] : memref<4x128xi32, #tpu.memory_space<vmem>> -> memref<1x128xi32, #tpu.memory_space<vmem>>
        %dma_wait3A_218 = tpu.memref_squeeze %dma_wait3A_217 : memref<1x128xi32, #tpu.memory_space<vmem>> -> memref<128xi32, #tpu.memory_space<vmem>>
        %dma_wait3A_219 = arith.constant 0 : i32
        %dma_wait3A_220 = arith.constant 0 : i32
        %dma_wait3A_221 = tpu.memref_slice %arg13[%dma_wait3A_219, %dma_wait3A_220] : memref<10016x64xf32, #tpu.memory_space<vmem_shared>> -> memref<10016x64xf32, #tpu.memory_space<vmem_shared>>
        tpu.wait_indirect_dma semaphore(%run_scoped3A_203 : memref<!tpu.dma_semaphore, #tpu.memory_space<semaphore_mem>>) src(%dma_wait3A_215 : memref<128x64xf32, #tpu.memory_space<vmem>>) dst(%dma_wait3A_221 : memref<10016x64xf32, #tpu.memory_space<vmem_shared>>)
        tpu.yield
      }) : () -> ()
      %run_scoped3A_201 = arith.constant 2 : i32
      "tpu.region"() ({
        %run_scoped3A_203 = tpu.sem_alloc : memref<!tpu.dma_semaphore, #tpu.memory_space<semaphore_mem>>
        %dma_start3A_204 = arith.constant 256 : i32
        %dma_start3A_205 = arith.constant 0 : i32
        %dma_start3A_206 = tpu.memref_slice %arg12[%dma_start3A_204, %dma_start3A_205] : memref<512x64xf32, #tpu.memory_space<vmem>> -> memref<128x64xf32, #tpu.memory_space<vmem>>
        %dma_start3A_207 = arith.constant 0 : i32
        %dma_start3A_208 = tpu.memref_slice %arg9[%run_scoped3A_201, %dma_start3A_207] : memref<4x128xi32, #tpu.memory_space<vmem>> -> memref<1x128xi32, #tpu.memory_space<vmem>>
        %dma_start3A_209 = tpu.memref_squeeze %dma_start3A_208 : memref<1x128xi32, #tpu.memory_space<vmem>> -> memref<128xi32, #tpu.memory_space<vmem>>
        %dma_start3A_210 = arith.constant 0 : i32
        %dma_start3A_211 = arith.constant 0 : i32
        %dma_start3A_212 = tpu.memref_slice %arg13[%dma_start3A_210, %dma_start3A_211] : memref<10016x64xf32, #tpu.memory_space<vmem_shared>> -> memref<10016x64xf32, #tpu.memory_space<vmem_shared>>
        tpu.enqueue_indirect_dma source(%dma_start3A_206 : memref<128x64xf32, #tpu.memory_space<vmem>>) target(%dma_start3A_212 : memref<10016x64xf32, #tpu.memory_space<vmem_shared>>) offsets(%dma_start3A_209 : memref<128xi32, #tpu.memory_space<vmem>>) semaphore(%run_scoped3A_203 : memref<!tpu.dma_semaphore, #tpu.memory_space<semaphore_mem>>) {add = true}
        %dma_wait3A_213 = arith.constant 256 : i32
        %dma_wait3A_214 = arith.constant 0 : i32
        %dma_wait3A_215 = tpu.memref_slice %arg12[%dma_wait3A_213, %dma_wait3A_214] : memref<512x64xf32, #tpu.memory_space<vmem>> -> memref<128x64xf32, #tpu.memory_space<vmem>>
        %dma_wait3A_216 = arith.constant 0 : i32
        %dma_wait3A_217 = tpu.memref_slice %arg9[%run_scoped3A_201, %dma_wait3A_216] : memref<4x128xi32, #tpu.memory_space<vmem>> -> memref<1x128xi32, #tpu.memory_space<vmem>>
        %dma_wait3A_218 = tpu.memref_squeeze %dma_wait3A_217 : memref<1x128xi32, #tpu.memory_space<vmem>> -> memref<128xi32, #tpu.memory_space<vmem>>
        %dma_wait3A_219 = arith.constant 0 : i32
        %dma_wait3A_220 = arith.constant 0 : i32
        %dma_wait3A_221 = tpu.memref_slice %arg13[%dma_wait3A_219, %dma_wait3A_220] : memref<10016x64xf32, #tpu.memory_space<vmem_shared>> -> memref<10016x64xf32, #tpu.memory_space<vmem_shared>>
        tpu.wait_indirect_dma semaphore(%run_scoped3A_203 : memref<!tpu.dma_semaphore, #tpu.memory_space<semaphore_mem>>) src(%dma_wait3A_215 : memref<128x64xf32, #tpu.memory_space<vmem>>) dst(%dma_wait3A_221 : memref<10016x64xf32, #tpu.memory_space<vmem_shared>>)
        tpu.yield
      }) : () -> ()
      %run_scoped3A_202 = arith.constant 3 : i32
      "tpu.region"() ({
        %run_scoped3A_203 = tpu.sem_alloc : memref<!tpu.dma_semaphore, #tpu.memory_space<semaphore_mem>>
        %dma_start3A_204 = arith.constant 384 : i32
        %dma_start3A_205 = arith.constant 0 : i32
        %dma_start3A_206 = tpu.memref_slice %arg12[%dma_start3A_204, %dma_start3A_205] : memref<512x64xf32, #tpu.memory_space<vmem>> -> memref<128x64xf32, #tpu.memory_space<vmem>>
        %dma_start3A_207 = arith.constant 0 : i32
        %dma_start3A_208 = tpu.memref_slice %arg9[%run_scoped3A_202, %dma_start3A_207] : memref<4x128xi32, #tpu.memory_space<vmem>> -> memref<1x128xi32, #tpu.memory_space<vmem>>
        %dma_start3A_209 = tpu.memref_squeeze %dma_start3A_208 : memref<1x128xi32, #tpu.memory_space<vmem>> -> memref<128xi32, #tpu.memory_space<vmem>>
        %dma_start3A_210 = arith.constant 0 : i32
        %dma_start3A_211 = arith.constant 0 : i32
        %dma_start3A_212 = tpu.memref_slice %arg13[%dma_start3A_210, %dma_start3A_211] : memref<10016x64xf32, #tpu.memory_space<vmem_shared>> -> memref<10016x64xf32, #tpu.memory_space<vmem_shared>>
        tpu.enqueue_indirect_dma source(%dma_start3A_206 : memref<128x64xf32, #tpu.memory_space<vmem>>) target(%dma_start3A_212 : memref<10016x64xf32, #tpu.memory_space<vmem_shared>>) offsets(%dma_start3A_209 : memref<128xi32, #tpu.memory_space<vmem>>) semaphore(%run_scoped3A_203 : memref<!tpu.dma_semaphore, #tpu.memory_space<semaphore_mem>>) {add = true}
        %dma_wait3A_213 = arith.constant 384 : i32
        %dma_wait3A_214 = arith.constant 0 : i32
        %dma_wait3A_215 = tpu.memref_slice %arg12[%dma_wait3A_213, %dma_wait3A_214] : memref<512x64xf32, #tpu.memory_space<vmem>> -> memref<128x64xf32, #tpu.memory_space<vmem>>
        %dma_wait3A_216 = arith.constant 0 : i32
        %dma_wait3A_217 = tpu.memref_slice %arg9[%run_scoped3A_202, %dma_wait3A_216] : memref<4x128xi32, #tpu.memory_space<vmem>> -> memref<1x128xi32, #tpu.memory_space<vmem>>
        %dma_wait3A_218 = tpu.memref_squeeze %dma_wait3A_217 : memref<1x128xi32, #tpu.memory_space<vmem>> -> memref<128xi32, #tpu.memory_space<vmem>>
        %dma_wait3A_219 = arith.constant 0 : i32
        %dma_wait3A_220 = arith.constant 0 : i32
        %dma_wait3A_221 = tpu.memref_slice %arg13[%dma_wait3A_219, %dma_wait3A_220] : memref<10016x64xf32, #tpu.memory_space<vmem_shared>> -> memref<10016x64xf32, #tpu.memory_space<vmem_shared>>
        tpu.wait_indirect_dma semaphore(%run_scoped3A_203 : memref<!tpu.dma_semaphore, #tpu.memory_space<semaphore_mem>>) src(%dma_wait3A_215 : memref<128x64xf32, #tpu.memory_space<vmem>>) dst(%dma_wait3A_221 : memref<10016x64xf32, #tpu.memory_space<vmem_shared>>)
        tpu.yield
      }) : () -> ()
    }
    %scan3A_34 = arith.constant 40 : i32
    %barrier3A_35 = arith.constant 0 : index
    tpu.barrier barrier_id(%barrier3A_35)
    %mul3A_36 = arith.constant 625 : i32
    %mul3A_37 = arith.muli %arg1, %mul3A_36 : i32
    %mul3A_38 = arith.constant 10000 : i32
    %mul3A_39 = arith.muli %add3A_24, %mul3A_38 : i32
    %mul3A_40 = arith.constant 625 : i32
    %mul3A_41 = arith.muli %arg1, %mul3A_40 : i32
    %add3A_42 = arith.addi %mul3A_39, %mul3A_41 : i32
    "tpu.region"() ({
      %run_scoped3A = tpu.sem_alloc : memref<!tpu.dma_semaphore, #tpu.memory_space<semaphore_mem>>
      %dma_start3A = arith.constant 0 : i32
      %dma_start3A_90 = tpu.memref_slice %arg7[%add3A_42, %dma_start3A] : memref<80000x64xf32, #tpu.memory_space<hbm>> -> memref<625x64xf32, #tpu.memory_space<hbm>>
      %dma_start3A_91 = arith.constant 0 : i32
      %dma_start3A_92 = tpu.memref_slice %arg13[%mul3A_37, %dma_start3A_91] : memref<10016x64xf32, #tpu.memory_space<vmem_shared>> -> memref<625x64xf32, #tpu.memory_space<vmem_shared>>
      tpu.enqueue_dma source(%dma_start3A_92 : memref<625x64xf32, #tpu.memory_space<vmem_shared>>) target(%dma_start3A_90 : memref<625x64xf32, #tpu.memory_space<hbm>>) target_semaphore(%run_scoped3A : memref<!tpu.dma_semaphore, #tpu.memory_space<semaphore_mem>>)
      %dma_wait3A = arith.constant 0 : i32
      %dma_wait3A_93 = tpu.memref_slice %arg7[%add3A_42, %dma_wait3A] : memref<80000x64xf32, #tpu.memory_space<hbm>> -> memref<625x64xf32, #tpu.memory_space<hbm>>
      %dma_wait3A_94 = arith.constant 0 : i32
      %dma_wait3A_95 = tpu.memref_slice %arg13[%mul3A_37, %dma_wait3A_94] : memref<10016x64xf32, #tpu.memory_space<vmem_shared>> -> memref<625x64xf32, #tpu.memory_space<vmem_shared>>
      tpu.wait_dma2 semaphore(%run_scoped3A : memref<!tpu.dma_semaphore, #tpu.memory_space<semaphore_mem>>) src(%dma_wait3A_95 : memref<625x64xf32, #tpu.memory_space<vmem_shared>>) dst(%dma_wait3A_93 : memref<625x64xf32, #tpu.memory_space<hbm>>)
      tpu.yield
    }) : () -> ()
    %barrier3A_43 = arith.constant 0 : index
    tpu.barrier barrier_id(%barrier3A_43)
    %mul3A_44 = arith.constant 4 : i32
    %mul3A_45 = arith.muli %arg0, %mul3A_44 : i32
    %add3A_46 = arith.constant 2 : i32
    %add3A_47 = arith.addi %mul3A_45, %add3A_46 : i32
    %mul3A_48 = arith.constant 626 : i32
    %mul3A_49 = arith.muli %arg1, %mul3A_48 : i32
    %mul3A_50 = arith.constant 626 : i32
    %mul3A_51 = arith.muli %arg1, %mul3A_50 : i32
    "tpu.region"() ({
      %run_scoped3A = tpu.sem_alloc : memref<!tpu.dma_semaphore, #tpu.memory_space<semaphore_mem>>
      %dma_start3A = arith.constant 0 : i32
      %dma_start3A_90 = tpu.memref_slice %arg13[%mul3A_51, %dma_start3A] : memref<10016x64xf32, #tpu.memory_space<vmem_shared>> -> memref<626x64xf32, #tpu.memory_space<vmem_shared>>
      %dma_start3A_91 = arith.constant 0 : i32
      %dma_start3A_92 = tpu.memref_slice %arg6[%mul3A_49, %dma_start3A_91] : memref<10016x64xf32, #tpu.memory_space<hbm>> -> memref<626x64xf32, #tpu.memory_space<hbm>>
      tpu.enqueue_dma source(%dma_start3A_92 : memref<626x64xf32, #tpu.memory_space<hbm>>) target(%dma_start3A_90 : memref<626x64xf32, #tpu.memory_space<vmem_shared>>) target_semaphore(%run_scoped3A : memref<!tpu.dma_semaphore, #tpu.memory_space<semaphore_mem>>)
      %dma_wait3A = arith.constant 0 : i32
      %dma_wait3A_93 = tpu.memref_slice %arg13[%mul3A_51, %dma_wait3A] : memref<10016x64xf32, #tpu.memory_space<vmem_shared>> -> memref<626x64xf32, #tpu.memory_space<vmem_shared>>
      %dma_wait3A_94 = arith.constant 0 : i32
      %dma_wait3A_95 = tpu.memref_slice %arg6[%mul3A_49, %dma_wait3A_94] : memref<10016x64xf32, #tpu.memory_space<hbm>> -> memref<626x64xf32, #tpu.memory_space<hbm>>
      tpu.wait_dma2 semaphore(%run_scoped3A : memref<!tpu.dma_semaphore, #tpu.memory_space<semaphore_mem>>) src(%dma_wait3A_95 : memref<626x64xf32, #tpu.memory_space<hbm>>) dst(%dma_wait3A_93 : memref<626x64xf32, #tpu.memory_space<vmem_shared>>)
      tpu.yield
    }) : () -> ()
    %barrier3A_52 = arith.constant 0 : index
    tpu.barrier barrier_id(%barrier3A_52)
    %scan3A_53 = arith.constant 0 : i32
    %scan3A_54 = arith.constant 40 : i32
    %scan3A_55 = arith.addi %scan3A_53, %scan3A_54 : i32
    %scan3A_56 = arith.constant 1 : i32
    scf.for %scan3A_90 = %scan3A_53 to %scan3A_55 step %scan3A_56  : i32 {
      %mul3A_91 = arith.constant 512 : i32
      %mul3A_92 = arith.muli %scan3A_90, %mul3A_91 : i32
      %add3A_93 = arith.constant 0 : i32
      %add3A_94 = arith.addi %add3A_93, %mul3A_92 : i32
      %add3A_95 = arith.addi %mul3A_0, %add3A_94 : i32
      %jit3A = arith.constant 128 : i32
      %div3A = arith.divsi %add3A_95, %jit3A : i32
      %sign3A = arith.constant 0 : i32
      %sign3A_96 = arith.cmpi sgt, %add3A_95, %sign3A : i32
      %sign3A_97 = arith.extui %sign3A_96 : i1 to i32
      %sign3A_98 = arith.constant 0 : i32
      %sign3A_99 = arith.cmpi slt, %add3A_95, %sign3A_98 : i32
      %sign3A_100 = arith.extui %sign3A_99 : i1 to i32
      %sign3A_101 = arith.subi %sign3A_97, %sign3A_100 : i32
      %sign3A_102 = arith.constant 0 : i32
      %sign3A_103 = arith.cmpi sgt, %jit3A, %sign3A_102 : i32
      %sign3A_104 = arith.extui %sign3A_103 : i1 to i32
      %sign3A_105 = arith.constant 0 : i32
      %sign3A_106 = arith.cmpi slt, %jit3A, %sign3A_105 : i32
      %sign3A_107 = arith.extui %sign3A_106 : i1 to i32
      %sign3A_108 = arith.subi %sign3A_104, %sign3A_107 : i32
      %ne3A = arith.cmpi ne, %sign3A_101, %sign3A_108 : i32
      %rem3A = arith.remsi %add3A_95, %jit3A : i32
      %ne3A_109 = arith.constant 0 : i32
      %ne3A_110 = arith.cmpi ne, %rem3A, %ne3A_109 : i32
      %and3A = arith.andi %ne3A, %ne3A_110 : i1
      %sub3A = arith.constant 1 : i32
      %sub3A_111 = arith.subi %div3A, %sub3A : i32
      %select_n3A = arith.select %and3A, %sub3A_111, %div3A : i32
      "tpu.region"() ({
        %run_scoped3A_203 = tpu.sem_alloc : memref<!tpu.dma_semaphore, #tpu.memory_space<semaphore_mem>>
        %dma_start3A_204 = arith.constant 0 : i32
        %dma_start3A_205 = tpu.memref_slice %arg3[%select_n3A, %dma_start3A_204] : memref<2560x128xi32, #tpu.memory_space<hbm>> -> memref<4x128xi32, #tpu.memory_space<hbm>>
        %dma_start3A_206 = arith.constant 0 : i32
        %dma_start3A_207 = tpu.memref_slice %arg3[%select_n3A, %dma_start3A_206] : memref<2560x128xi32, #tpu.memory_space<hbm>> -> memref<4x128xi32, #tpu.memory_space<hbm>>
        tpu.enqueue_dma source(%dma_start3A_207 : memref<4x128xi32, #tpu.memory_space<hbm>>) target(%arg8 : memref<4x128xi32, #tpu.memory_space<vmem>>) target_semaphore(%run_scoped3A_203 : memref<!tpu.dma_semaphore, #tpu.memory_space<semaphore_mem>>)
        %dma_wait3A_208 = arith.constant 0 : i32
        %dma_wait3A_209 = tpu.memref_slice %arg3[%select_n3A, %dma_wait3A_208] : memref<2560x128xi32, #tpu.memory_space<hbm>> -> memref<4x128xi32, #tpu.memory_space<hbm>>
        %dma_wait3A_210 = arith.constant 0 : i32
        %dma_wait3A_211 = tpu.memref_slice %arg3[%select_n3A, %dma_wait3A_210] : memref<2560x128xi32, #tpu.memory_space<hbm>> -> memref<4x128xi32, #tpu.memory_space<hbm>>
        tpu.wait_dma2 semaphore(%run_scoped3A_203 : memref<!tpu.dma_semaphore, #tpu.memory_space<semaphore_mem>>) src(%dma_wait3A_211 : memref<4x128xi32, #tpu.memory_space<hbm>>) dst(%arg8 : memref<4x128xi32, #tpu.memory_space<vmem>>)
        tpu.yield
      }) : () -> ()
      "tpu.region"() ({
        %run_scoped3A_203 = tpu.sem_alloc : memref<!tpu.dma_semaphore, #tpu.memory_space<semaphore_mem>>
        %dma_start3A_204 = arith.constant 0 : i32
        %dma_start3A_205 = tpu.memref_slice %arg4[%select_n3A, %dma_start3A_204] : memref<2560x128xi32, #tpu.memory_space<hbm>> -> memref<4x128xi32, #tpu.memory_space<hbm>>
        %dma_start3A_206 = arith.constant 0 : i32
        %dma_start3A_207 = tpu.memref_slice %arg4[%select_n3A, %dma_start3A_206] : memref<2560x128xi32, #tpu.memory_space<hbm>> -> memref<4x128xi32, #tpu.memory_space<hbm>>
        tpu.enqueue_dma source(%dma_start3A_207 : memref<4x128xi32, #tpu.memory_space<hbm>>) target(%arg9 : memref<4x128xi32, #tpu.memory_space<vmem>>) target_semaphore(%run_scoped3A_203 : memref<!tpu.dma_semaphore, #tpu.memory_space<semaphore_mem>>)
        %dma_wait3A_208 = arith.constant 0 : i32
        %dma_wait3A_209 = tpu.memref_slice %arg4[%select_n3A, %dma_wait3A_208] : memref<2560x128xi32, #tpu.memory_space<hbm>> -> memref<4x128xi32, #tpu.memory_space<hbm>>
        %dma_wait3A_210 = arith.constant 0 : i32
        %dma_wait3A_211 = tpu.memref_slice %arg4[%select_n3A, %dma_wait3A_210] : memref<2560x128xi32, #tpu.memory_space<hbm>> -> memref<4x128xi32, #tpu.memory_space<hbm>>
        tpu.wait_dma2 semaphore(%run_scoped3A_203 : memref<!tpu.dma_semaphore, #tpu.memory_space<semaphore_mem>>) src(%dma_wait3A_211 : memref<4x128xi32, #tpu.memory_space<hbm>>) dst(%arg9 : memref<4x128xi32, #tpu.memory_space<vmem>>)
        tpu.yield
      }) : () -> ()
      "tpu.region"() ({
        %run_scoped3A_203 = tpu.sem_alloc : memref<!tpu.dma_semaphore, #tpu.memory_space<semaphore_mem>>
        %dma_start3A_204 = arith.constant 0 : i32
        %dma_start3A_205 = tpu.memref_slice %arg5[%add3A_95, %dma_start3A_204] : memref<327680x16xf32, #tpu.memory_space<hbm>> -> memref<512x16xf32, #tpu.memory_space<hbm>>
        %dma_start3A_206 = arith.constant 0 : i32
        %dma_start3A_207 = tpu.memref_slice %arg5[%add3A_95, %dma_start3A_206] : memref<327680x16xf32, #tpu.memory_space<hbm>> -> memref<512x16xf32, #tpu.memory_space<hbm>>
        tpu.enqueue_dma source(%dma_start3A_207 : memref<512x16xf32, #tpu.memory_space<hbm>>) target(%arg11 : memref<512x16xf32, #tpu.memory_space<vmem>>) target_semaphore(%run_scoped3A_203 : memref<!tpu.dma_semaphore, #tpu.memory_space<semaphore_mem>>)
        %dma_wait3A_208 = arith.constant 0 : i32
        %dma_wait3A_209 = tpu.memref_slice %arg5[%add3A_95, %dma_wait3A_208] : memref<327680x16xf32, #tpu.memory_space<hbm>> -> memref<512x16xf32, #tpu.memory_space<hbm>>
        %dma_wait3A_210 = arith.constant 0 : i32
        %dma_wait3A_211 = tpu.memref_slice %arg5[%add3A_95, %dma_wait3A_210] : memref<327680x16xf32, #tpu.memory_space<hbm>> -> memref<512x16xf32, #tpu.memory_space<hbm>>
        tpu.wait_dma2 semaphore(%run_scoped3A_203 : memref<!tpu.dma_semaphore, #tpu.memory_space<semaphore_mem>>) src(%dma_wait3A_211 : memref<512x16xf32, #tpu.memory_space<hbm>>) dst(%arg11 : memref<512x16xf32, #tpu.memory_space<vmem>>)
        tpu.yield
      }) : () -> ()
      %scan3A_112 = arith.constant 0 : i32
      %scan3A_113 = arith.constant 4 : i32
      %scan3A_114 = arith.addi %scan3A_112, %scan3A_113 : i32
      %scan3A_115 = arith.constant 1 : i32
      scf.for %scan3A_203 = %scan3A_112 to %scan3A_114 step %scan3A_115  : i32 {
        %mul3A_204 = arith.constant 1 : i32
        %mul3A_205 = arith.muli %scan3A_203, %mul3A_204 : i32
        %add3A_206 = arith.constant 0 : i32
        %add3A_207 = arith.addi %add3A_206, %mul3A_205 : i32
        %scan3A_208 = arith.constant 0 : i32
        %scan3A_209 = arith.constant 8 : i32
        %scan3A_210 = arith.addi %scan3A_208, %scan3A_209 : i32
        %scan3A_211 = arith.constant 1 : i32
        scf.for %scan3A_213 = %scan3A_208 to %scan3A_210 step %scan3A_211  : i32 {
          %mul3A_214 = arith.constant 16 : i32
          %mul3A_215 = arith.muli %scan3A_213, %mul3A_214 : i32
          %add3A_216 = arith.constant 0 : i32
          %add3A_217 = arith.addi %add3A_216, %mul3A_215 : i32
          %get3A = arith.index_cast %add3A_207 : i32 to index
          %get3A_218 = arith.index_cast %add3A_217 : i32 to index
          %get3A_219 = tpu.vector_load %arg8[%get3A, %get3A_218] {strides = array<i32>} : memref<4x128xi32, #tpu.memory_space<vmem>>, vector<1x16xi32>,
          %get3A_220 = vector.shape_cast %get3A_219 : vector<1x16xi32> to vector<16xi32>
          %mul3A_221 = arith.constant 8 : i32
          %mul3A_222 = vector.broadcast %mul3A_221 : i32 to vector<16xi32>
          %mul3A_223 = arith.muli %get3A_220, %mul3A_222 : vector<16xi32>
          %add3A_224 = vector.broadcast %add3A_47 : i32 to vector<16xi32>
          %add3A_225 = arith.addi %mul3A_223, %add3A_224 : vector<16xi32>
          %swap3A = arith.index_cast %add3A_207 : i32 to index
          %swap3A_226 = arith.index_cast %add3A_217 : i32 to index
          %swap3A_227 = tpu.vector_load %arg10[%swap3A, %swap3A_226] {strides = array<i32>} : memref<4x128xi32, #tpu.memory_space<vmem>>, vector<1x16xi32>,
          %swap3A_228 = vector.shape_cast %swap3A_227 : vector<1x16xi32> to vector<16xi32>
          %swap3A_229 = vector.shape_cast %add3A_225 : vector<16xi32> to vector<1x16xi32>
          tpu.vector_store %arg10[%swap3A, %swap3A_226], %swap3A_229 {strides = array<i32>} : memref<4x128xi32, #tpu.memory_space<vmem>>, vector<1x16xi32>,
        }
        %scan3A_212 = arith.constant 8 : i32
      }
      %scan3A_116 = arith.constant 4 : i32
      %dma_start3A = arith.constant 0 : i32
      %dma_start3A_117 = arith.constant 0 : i32
      %dma_start3A_118 = arith.constant 0 : i32
      %dma_start3A_119 = tpu.memref_slice %arg12[%dma_start3A_117, %dma_start3A_118] : memref<512x64xf32, #tpu.memory_space<vmem>> -> memref<128x64xf32, #tpu.memory_space<vmem>>
      %dma_start3A_120 = arith.constant 0 : i32
      %dma_start3A_121 = tpu.memref_slice %arg10[%dma_start3A, %dma_start3A_120] : memref<4x128xi32, #tpu.memory_space<vmem>> -> memref<1x128xi32, #tpu.memory_space<vmem>>
      %dma_start3A_122 = tpu.memref_squeeze %dma_start3A_121 : memref<1x128xi32, #tpu.memory_space<vmem>> -> memref<128xi32, #tpu.memory_space<vmem>>
      %dma_start3A_123 = arith.constant 0 : i32
      %dma_start3A_124 = arith.constant 0 : i32
      %dma_start3A_125 = tpu.memref_slice %arg2[%dma_start3A_123, %dma_start3A_124] : memref<80000x64xf32, #tpu.memory_space<hbm>> -> memref<80000x64xf32, #tpu.memory_space<hbm>>
      tpu.enqueue_indirect_dma source(%dma_start3A_125 : memref<80000x64xf32, #tpu.memory_space<hbm>>) target(%dma_start3A_119 : memref<128x64xf32, #tpu.memory_space<vmem>>) offsets(%dma_start3A_122 : memref<128xi32, #tpu.memory_space<vmem>>) semaphore(%arg14 : memref<!tpu.dma_semaphore, #tpu.memory_space<semaphore_mem>>)
      %dma_start3A_126 = arith.constant 1 : i32
      %dma_start3A_127 = arith.constant 128 : i32
      %dma_start3A_128 = arith.constant 0 : i32
      %dma_start3A_129 = tpu.memref_slice %arg12[%dma_start3A_127, %dma_start3A_128] : memref<512x64xf32, #tpu.memory_space<vmem>> -> memref<128x64xf32, #tpu.memory_space<vmem>>
      %dma_start3A_130 = arith.constant 0 : i32
      %dma_start3A_131 = tpu.memref_slice %arg10[%dma_start3A_126, %dma_start3A_130] : memref<4x128xi32, #tpu.memory_space<vmem>> -> memref<1x128xi32, #tpu.memory_space<vmem>>
      %dma_start3A_132 = tpu.memref_squeeze %dma_start3A_131 : memref<1x128xi32, #tpu.memory_space<vmem>> -> memref<128xi32, #tpu.memory_space<vmem>>
      %dma_start3A_133 = arith.constant 0 : i32
      %dma_start3A_134 = arith.constant 0 : i32
      %dma_start3A_135 = tpu.memref_slice %arg2[%dma_start3A_133, %dma_start3A_134] : memref<80000x64xf32, #tpu.memory_space<hbm>> -> memref<80000x64xf32, #tpu.memory_space<hbm>>
      tpu.enqueue_indirect_dma source(%dma_start3A_135 : memref<80000x64xf32, #tpu.memory_space<hbm>>) target(%dma_start3A_129 : memref<128x64xf32, #tpu.memory_space<vmem>>) offsets(%dma_start3A_132 : memref<128xi32, #tpu.memory_space<vmem>>) semaphore(%arg14 : memref<!tpu.dma_semaphore, #tpu.memory_space<semaphore_mem>>)
      %dma_start3A_136 = arith.constant 2 : i32
      %dma_start3A_137 = arith.constant 256 : i32
      %dma_start3A_138 = arith.constant 0 : i32
      %dma_start3A_139 = tpu.memref_slice %arg12[%dma_start3A_137, %dma_start3A_138] : memref<512x64xf32, #tpu.memory_space<vmem>> -> memref<128x64xf32, #tpu.memory_space<vmem>>
      %dma_start3A_140 = arith.constant 0 : i32
      %dma_start3A_141 = tpu.memref_slice %arg10[%dma_start3A_136, %dma_start3A_140] : memref<4x128xi32, #tpu.memory_space<vmem>> -> memref<1x128xi32, #tpu.memory_space<vmem>>
      %dma_start3A_142 = tpu.memref_squeeze %dma_start3A_141 : memref<1x128xi32, #tpu.memory_space<vmem>> -> memref<128xi32, #tpu.memory_space<vmem>>
      %dma_start3A_143 = arith.constant 0 : i32
      %dma_start3A_144 = arith.constant 0 : i32
      %dma_start3A_145 = tpu.memref_slice %arg2[%dma_start3A_143, %dma_start3A_144] : memref<80000x64xf32, #tpu.memory_space<hbm>> -> memref<80000x64xf32, #tpu.memory_space<hbm>>
      tpu.enqueue_indirect_dma source(%dma_start3A_145 : memref<80000x64xf32, #tpu.memory_space<hbm>>) target(%dma_start3A_139 : memref<128x64xf32, #tpu.memory_space<vmem>>) offsets(%dma_start3A_142 : memref<128xi32, #tpu.memory_space<vmem>>) semaphore(%arg14 : memref<!tpu.dma_semaphore, #tpu.memory_space<semaphore_mem>>)
      %dma_start3A_146 = arith.constant 3 : i32
      %dma_start3A_147 = arith.constant 384 : i32
      %dma_start3A_148 = arith.constant 0 : i32
      %dma_start3A_149 = tpu.memref_slice %arg12[%dma_start3A_147, %dma_start3A_148] : memref<512x64xf32, #tpu.memory_space<vmem>> -> memref<128x64xf32, #tpu.memory_space<vmem>>
      %dma_start3A_150 = arith.constant 0 : i32
      %dma_start3A_151 = tpu.memref_slice %arg10[%dma_start3A_146, %dma_start3A_150] : memref<4x128xi32, #tpu.memory_space<vmem>> -> memref<1x128xi32, #tpu.memory_space<vmem>>
      %dma_start3A_152 = tpu.memref_squeeze %dma_start3A_151 : memref<1x128xi32, #tpu.memory_space<vmem>> -> memref<128xi32, #tpu.memory_space<vmem>>
      %dma_start3A_153 = arith.constant 0 : i32
      %dma_start3A_154 = arith.constant 0 : i32
      %dma_start3A_155 = tpu.memref_slice %arg2[%dma_start3A_153, %dma_start3A_154] : memref<80000x64xf32, #tpu.memory_space<hbm>> -> memref<80000x64xf32, #tpu.memory_space<hbm>>
      tpu.enqueue_indirect_dma source(%dma_start3A_155 : memref<80000x64xf32, #tpu.memory_space<hbm>>) target(%dma_start3A_149 : memref<128x64xf32, #tpu.memory_space<vmem>>) offsets(%dma_start3A_152 : memref<128xi32, #tpu.memory_space<vmem>>) semaphore(%arg14 : memref<!tpu.dma_semaphore, #tpu.memory_space<semaphore_mem>>)
      %dma_wait3A = arith.constant 0 : i32
      %dma_wait3A_156 = arith.constant 0 : i32
      %dma_wait3A_157 = arith.constant 0 : i32
      %dma_wait3A_158 = tpu.memref_slice %arg12[%dma_wait3A_156, %dma_wait3A_157] : memref<512x64xf32, #tpu.memory_space<vmem>> -> memref<128x64xf32, #tpu.memory_space<vmem>>
      %dma_wait3A_159 = arith.constant 0 : i32
      %dma_wait3A_160 = tpu.memref_slice %arg10[%dma_wait3A, %dma_wait3A_159] : memref<4x128xi32, #tpu.memory_space<vmem>> -> memref<1x128xi32, #tpu.memory_space<vmem>>
      %dma_wait3A_161 = tpu.memref_squeeze %dma_wait3A_160 : memref<1x128xi32, #tpu.memory_space<vmem>> -> memref<128xi32, #tpu.memory_space<vmem>>
      %dma_wait3A_162 = arith.constant 0 : i32
      %dma_wait3A_163 = arith.constant 0 : i32
      %dma_wait3A_164 = tpu.memref_slice %arg2[%dma_wait3A_162, %dma_wait3A_163] : memref<80000x64xf32, #tpu.memory_space<hbm>> -> memref<80000x64xf32, #tpu.memory_space<hbm>>
      tpu.wait_indirect_dma semaphore(%arg14 : memref<!tpu.dma_semaphore, #tpu.memory_space<semaphore_mem>>) src(%dma_wait3A_164 : memref<80000x64xf32, #tpu.memory_space<hbm>>) dst(%dma_wait3A_158 : memref<128x64xf32, #tpu.memory_space<vmem>>)
      %dma_wait3A_165 = arith.constant 1 : i32
      %dma_wait3A_166 = arith.constant 128 : i32
      %dma_wait3A_167 = arith.constant 0 : i32
      %dma_wait3A_168 = tpu.memref_slice %arg12[%dma_wait3A_166, %dma_wait3A_167] : memref<512x64xf32, #tpu.memory_space<vmem>> -> memref<128x64xf32, #tpu.memory_space<vmem>>
      %dma_wait3A_169 = arith.constant 0 : i32
      %dma_wait3A_170 = tpu.memref_slice %arg10[%dma_wait3A_165, %dma_wait3A_169] : memref<4x128xi32, #tpu.memory_space<vmem>> -> memref<1x128xi32, #tpu.memory_space<vmem>>
      %dma_wait3A_171 = tpu.memref_squeeze %dma_wait3A_170 : memref<1x128xi32, #tpu.memory_space<vmem>> -> memref<128xi32, #tpu.memory_space<vmem>>
      %dma_wait3A_172 = arith.constant 0 : i32
      %dma_wait3A_173 = arith.constant 0 : i32
      %dma_wait3A_174 = tpu.memref_slice %arg2[%dma_wait3A_172, %dma_wait3A_173] : memref<80000x64xf32, #tpu.memory_space<hbm>> -> memref<80000x64xf32, #tpu.memory_space<hbm>>
      tpu.wait_indirect_dma semaphore(%arg14 : memref<!tpu.dma_semaphore, #tpu.memory_space<semaphore_mem>>) src(%dma_wait3A_174 : memref<80000x64xf32, #tpu.memory_space<hbm>>) dst(%dma_wait3A_168 : memref<128x64xf32, #tpu.memory_space<vmem>>)
      %dma_wait3A_175 = arith.constant 2 : i32
      %dma_wait3A_176 = arith.constant 256 : i32
      %dma_wait3A_177 = arith.constant 0 : i32
      %dma_wait3A_178 = tpu.memref_slice %arg12[%dma_wait3A_176, %dma_wait3A_177] : memref<512x64xf32, #tpu.memory_space<vmem>> -> memref<128x64xf32, #tpu.memory_space<vmem>>
      %dma_wait3A_179 = arith.constant 0 : i32
      %dma_wait3A_180 = tpu.memref_slice %arg10[%dma_wait3A_175, %dma_wait3A_179] : memref<4x128xi32, #tpu.memory_space<vmem>> -> memref<1x128xi32, #tpu.memory_space<vmem>>
      %dma_wait3A_181 = tpu.memref_squeeze %dma_wait3A_180 : memref<1x128xi32, #tpu.memory_space<vmem>> -> memref<128xi32, #tpu.memory_space<vmem>>
      %dma_wait3A_182 = arith.constant 0 : i32
      %dma_wait3A_183 = arith.constant 0 : i32
      %dma_wait3A_184 = tpu.memref_slice %arg2[%dma_wait3A_182, %dma_wait3A_183] : memref<80000x64xf32, #tpu.memory_space<hbm>> -> memref<80000x64xf32, #tpu.memory_space<hbm>>
      tpu.wait_indirect_dma semaphore(%arg14 : memref<!tpu.dma_semaphore, #tpu.memory_space<semaphore_mem>>) src(%dma_wait3A_184 : memref<80000x64xf32, #tpu.memory_space<hbm>>) dst(%dma_wait3A_178 : memref<128x64xf32, #tpu.memory_space<vmem>>)
      %dma_wait3A_185 = arith.constant 3 : i32
      %dma_wait3A_186 = arith.constant 384 : i32
      %dma_wait3A_187 = arith.constant 0 : i32
      %dma_wait3A_188 = tpu.memref_slice %arg12[%dma_wait3A_186, %dma_wait3A_187] : memref<512x64xf32, #tpu.memory_space<vmem>> -> memref<128x64xf32, #tpu.memory_space<vmem>>
      %dma_wait3A_189 = arith.constant 0 : i32
      %dma_wait3A_190 = tpu.memref_slice %arg10[%dma_wait3A_185, %dma_wait3A_189] : memref<4x128xi32, #tpu.memory_space<vmem>> -> memref<1x128xi32, #tpu.memory_space<vmem>>
      %dma_wait3A_191 = tpu.memref_squeeze %dma_wait3A_190 : memref<1x128xi32, #tpu.memory_space<vmem>> -> memref<128xi32, #tpu.memory_space<vmem>>
      %dma_wait3A_192 = arith.constant 0 : i32
      %dma_wait3A_193 = arith.constant 0 : i32
      %dma_wait3A_194 = tpu.memref_slice %arg2[%dma_wait3A_192, %dma_wait3A_193] : memref<80000x64xf32, #tpu.memory_space<hbm>> -> memref<80000x64xf32, #tpu.memory_space<hbm>>
      tpu.wait_indirect_dma semaphore(%arg14 : memref<!tpu.dma_semaphore, #tpu.memory_space<semaphore_mem>>) src(%dma_wait3A_194 : memref<80000x64xf32, #tpu.memory_space<hbm>>) dst(%dma_wait3A_188 : memref<128x64xf32, #tpu.memory_space<vmem>>)
      %scan3A_195 = arith.constant 0 : i32
      %scan3A_196 = arith.constant 512 : i32
      %scan3A_197 = arith.addi %scan3A_195, %scan3A_196 : i32
      %scan3A_198 = arith.constant 1 : i32
      scf.for %scan3A_203 = %scan3A_195 to %scan3A_197 step %scan3A_198  : i32 {
        %mul3A_204 = arith.constant 1 : i32
        %mul3A_205 = arith.muli %scan3A_203, %mul3A_204 : i32
        %add3A_206 = arith.constant 0 : i32
        %add3A_207 = arith.addi %add3A_206, %mul3A_205 : i32
        %get3A = arith.index_cast %add3A_207 : i32 to index
        %get3A_208 = arith.constant 0 : index
        %get3A_209 = tpu.vector_load %arg11[%get3A, %get3A_208] {strides = array<i32>} : memref<512x16xf32, #tpu.memory_space<vmem>>, vector<1x16xf32>,
        %get3A_210 = vector.shape_cast %get3A_209 : vector<1x16xf32> to vector<16xf32>
        %mul3A_211 = arith.constant 1 : i32
        %mul3A_212 = arith.muli %add3A_47, %mul3A_211 : i32
        %add3A_213 = arith.constant 0 : i32
        %add3A_214 = arith.addi %mul3A_212, %add3A_213 : i32
        %broadcast_in_dim3A = vector.broadcast %add3A_214 : i32 to vector<16x1xi32>
        %gather3A = vector.shape_cast %broadcast_in_dim3A : vector<16x1xi32> to vector<16xi32>
        %gather3A_215 = tpu.dynamic_gather %get3A_210[%gather3A] in [0] : vector<16xf32>, vector<16xi32> -> vector<16xf32>
        %get3A_216 = arith.index_cast %add3A_207 : i32 to index
        %get3A_217 = arith.constant 0 : index
        %get3A_218 = tpu.vector_load %arg12[%get3A_216, %get3A_217] {strides = array<i32>} : memref<512x64xf32, #tpu.memory_space<vmem>>, vector<1x16xf32>,
        %get3A_219 = vector.shape_cast %get3A_218 : vector<1x16xf32> to vector<16xf32>
        %mul3A_220 = arith.mulf %get3A_219, %gather3A_215 : vector<16xf32>
        %swap3A = arith.index_cast %add3A_207 : i32 to index
        %swap3A_221 = arith.constant 0 : index
        %swap3A_222 = tpu.vector_load %arg12[%swap3A, %swap3A_221] {strides = array<i32>} : memref<512x64xf32, #tpu.memory_space<vmem>>, vector<1x16xf32>,
        %swap3A_223 = vector.shape_cast %swap3A_222 : vector<1x16xf32> to vector<16xf32>
        %swap3A_224 = vector.shape_cast %mul3A_220 : vector<16xf32> to vector<1x16xf32>
        tpu.vector_store %arg12[%swap3A, %swap3A_221], %swap3A_224 {strides = array<i32>} : memref<512x64xf32, #tpu.memory_space<vmem>>, vector<1x16xf32>,
        %get3A_225 = arith.index_cast %add3A_207 : i32 to index
        %get3A_226 = arith.constant 16 : index
        %get3A_227 = tpu.vector_load %arg12[%get3A_225, %get3A_226] {strides = array<i32>} : memref<512x64xf32, #tpu.memory_space<vmem>>, vector<1x16xf32>,
        %get3A_228 = vector.shape_cast %get3A_227 : vector<1x16xf32> to vector<16xf32>
        %mul3A_229 = arith.mulf %get3A_228, %gather3A_215 : vector<16xf32>
        %swap3A_230 = arith.index_cast %add3A_207 : i32 to index
        %swap3A_231 = arith.constant 16 : index
        %swap3A_232 = tpu.vector_load %arg12[%swap3A_230, %swap3A_231] {strides = array<i32>} : memref<512x64xf32, #tpu.memory_space<vmem>>, vector<1x16xf32>,
        %swap3A_233 = vector.shape_cast %swap3A_232 : vector<1x16xf32> to vector<16xf32>
        %swap3A_234 = vector.shape_cast %mul3A_229 : vector<16xf32> to vector<1x16xf32>
        tpu.vector_store %arg12[%swap3A_230, %swap3A_231], %swap3A_234 {strides = array<i32>} : memref<512x64xf32, #tpu.memory_space<vmem>>, vector<1x16xf32>,
        %get3A_235 = arith.index_cast %add3A_207 : i32 to index
        %get3A_236 = arith.constant 32 : index
        %get3A_237 = tpu.vector_load %arg12[%get3A_235, %get3A_236] {strides = array<i32>} : memref<512x64xf32, #tpu.memory_space<vmem>>, vector<1x16xf32>,
        %get3A_238 = vector.shape_cast %get3A_237 : vector<1x16xf32> to vector<16xf32>
        %mul3A_239 = arith.mulf %get3A_238, %gather3A_215 : vector<16xf32>
        %swap3A_240 = arith.index_cast %add3A_207 : i32 to index
        %swap3A_241 = arith.constant 32 : index
        %swap3A_242 = tpu.vector_load %arg12[%swap3A_240, %swap3A_241] {strides = array<i32>} : memref<512x64xf32, #tpu.memory_space<vmem>>, vector<1x16xf32>,
        %swap3A_243 = vector.shape_cast %swap3A_242 : vector<1x16xf32> to vector<16xf32>
        %swap3A_244 = vector.shape_cast %mul3A_239 : vector<16xf32> to vector<1x16xf32>
        tpu.vector_store %arg12[%swap3A_240, %swap3A_241], %swap3A_244 {strides = array<i32>} : memref<512x64xf32, #tpu.memory_space<vmem>>, vector<1x16xf32>,
        %get3A_245 = arith.index_cast %add3A_207 : i32 to index
        %get3A_246 = arith.constant 48 : index
        %get3A_247 = tpu.vector_load %arg12[%get3A_245, %get3A_246] {strides = array<i32>} : memref<512x64xf32, #tpu.memory_space<vmem>>, vector<1x16xf32>,
        %get3A_248 = vector.shape_cast %get3A_247 : vector<1x16xf32> to vector<16xf32>
        %mul3A_249 = arith.mulf %get3A_248, %gather3A_215 : vector<16xf32>
        %swap3A_250 = arith.index_cast %add3A_207 : i32 to index
        %swap3A_251 = arith.constant 48 : index
        %swap3A_252 = tpu.vector_load %arg12[%swap3A_250, %swap3A_251] {strides = array<i32>} : memref<512x64xf32, #tpu.memory_space<vmem>>, vector<1x16xf32>,
        %swap3A_253 = vector.shape_cast %swap3A_252 : vector<1x16xf32> to vector<16xf32>
        %swap3A_254 = vector.shape_cast %mul3A_249 : vector<16xf32> to vector<1x16xf32>
        tpu.vector_store %arg12[%swap3A_250, %swap3A_251], %swap3A_254 {strides = array<i32>} : memref<512x64xf32, #tpu.memory_space<vmem>>, vector<1x16xf32>,
      }
      %scan3A_199 = arith.constant 512 : i32
      %run_scoped3A = arith.constant 0 : i32
      "tpu.region"() ({
        %run_scoped3A_203 = tpu.sem_alloc : memref<!tpu.dma_semaphore, #tpu.memory_space<semaphore_mem>>
        %dma_start3A_204 = arith.constant 0 : i32
        %dma_start3A_205 = arith.constant 0 : i32
        %dma_start3A_206 = tpu.memref_slice %arg12[%dma_start3A_204, %dma_start3A_205] : memref<512x64xf32, #tpu.memory_space<vmem>> -> memref<128x64xf32, #tpu.memory_space<vmem>>
        %dma_start3A_207 = arith.constant 0 : i32
        %dma_start3A_208 = tpu.memref_slice %arg9[%run_scoped3A, %dma_start3A_207] : memref<4x128xi32, #tpu.memory_space<vmem>> -> memref<1x128xi32, #tpu.memory_space<vmem>>
        %dma_start3A_209 = tpu.memref_squeeze %dma_start3A_208 : memref<1x128xi32, #tpu.memory_space<vmem>> -> memref<128xi32, #tpu.memory_space<vmem>>
        %dma_start3A_210 = arith.constant 0 : i32
        %dma_start3A_211 = arith.constant 0 : i32
        %dma_start3A_212 = tpu.memref_slice %arg13[%dma_start3A_210, %dma_start3A_211] : memref<10016x64xf32, #tpu.memory_space<vmem_shared>> -> memref<10016x64xf32, #tpu.memory_space<vmem_shared>>
        tpu.enqueue_indirect_dma source(%dma_start3A_206 : memref<128x64xf32, #tpu.memory_space<vmem>>) target(%dma_start3A_212 : memref<10016x64xf32, #tpu.memory_space<vmem_shared>>) offsets(%dma_start3A_209 : memref<128xi32, #tpu.memory_space<vmem>>) semaphore(%run_scoped3A_203 : memref<!tpu.dma_semaphore, #tpu.memory_space<semaphore_mem>>) {add = true}
        %dma_wait3A_213 = arith.constant 0 : i32
        %dma_wait3A_214 = arith.constant 0 : i32
        %dma_wait3A_215 = tpu.memref_slice %arg12[%dma_wait3A_213, %dma_wait3A_214] : memref<512x64xf32, #tpu.memory_space<vmem>> -> memref<128x64xf32, #tpu.memory_space<vmem>>
        %dma_wait3A_216 = arith.constant 0 : i32
        %dma_wait3A_217 = tpu.memref_slice %arg9[%run_scoped3A, %dma_wait3A_216] : memref<4x128xi32, #tpu.memory_space<vmem>> -> memref<1x128xi32, #tpu.memory_space<vmem>>
        %dma_wait3A_218 = tpu.memref_squeeze %dma_wait3A_217 : memref<1x128xi32, #tpu.memory_space<vmem>> -> memref<128xi32, #tpu.memory_space<vmem>>
        %dma_wait3A_219 = arith.constant 0 : i32
        %dma_wait3A_220 = arith.constant 0 : i32
        %dma_wait3A_221 = tpu.memref_slice %arg13[%dma_wait3A_219, %dma_wait3A_220] : memref<10016x64xf32, #tpu.memory_space<vmem_shared>> -> memref<10016x64xf32, #tpu.memory_space<vmem_shared>>
        tpu.wait_indirect_dma semaphore(%run_scoped3A_203 : memref<!tpu.dma_semaphore, #tpu.memory_space<semaphore_mem>>) src(%dma_wait3A_215 : memref<128x64xf32, #tpu.memory_space<vmem>>) dst(%dma_wait3A_221 : memref<10016x64xf32, #tpu.memory_space<vmem_shared>>)
        tpu.yield
      }) : () -> ()
      %run_scoped3A_200 = arith.constant 1 : i32
      "tpu.region"() ({
        %run_scoped3A_203 = tpu.sem_alloc : memref<!tpu.dma_semaphore, #tpu.memory_space<semaphore_mem>>
        %dma_start3A_204 = arith.constant 128 : i32
        %dma_start3A_205 = arith.constant 0 : i32
        %dma_start3A_206 = tpu.memref_slice %arg12[%dma_start3A_204, %dma_start3A_205] : memref<512x64xf32, #tpu.memory_space<vmem>> -> memref<128x64xf32, #tpu.memory_space<vmem>>
        %dma_start3A_207 = arith.constant 0 : i32
        %dma_start3A_208 = tpu.memref_slice %arg9[%run_scoped3A_200, %dma_start3A_207] : memref<4x128xi32, #tpu.memory_space<vmem>> -> memref<1x128xi32, #tpu.memory_space<vmem>>
        %dma_start3A_209 = tpu.memref_squeeze %dma_start3A_208 : memref<1x128xi32, #tpu.memory_space<vmem>> -> memref<128xi32, #tpu.memory_space<vmem>>
        %dma_start3A_210 = arith.constant 0 : i32
        %dma_start3A_211 = arith.constant 0 : i32
        %dma_start3A_212 = tpu.memref_slice %arg13[%dma_start3A_210, %dma_start3A_211] : memref<10016x64xf32, #tpu.memory_space<vmem_shared>> -> memref<10016x64xf32, #tpu.memory_space<vmem_shared>>
        tpu.enqueue_indirect_dma source(%dma_start3A_206 : memref<128x64xf32, #tpu.memory_space<vmem>>) target(%dma_start3A_212 : memref<10016x64xf32, #tpu.memory_space<vmem_shared>>) offsets(%dma_start3A_209 : memref<128xi32, #tpu.memory_space<vmem>>) semaphore(%run_scoped3A_203 : memref<!tpu.dma_semaphore, #tpu.memory_space<semaphore_mem>>) {add = true}
        %dma_wait3A_213 = arith.constant 128 : i32
        %dma_wait3A_214 = arith.constant 0 : i32
        %dma_wait3A_215 = tpu.memref_slice %arg12[%dma_wait3A_213, %dma_wait3A_214] : memref<512x64xf32, #tpu.memory_space<vmem>> -> memref<128x64xf32, #tpu.memory_space<vmem>>
        %dma_wait3A_216 = arith.constant 0 : i32
        %dma_wait3A_217 = tpu.memref_slice %arg9[%run_scoped3A_200, %dma_wait3A_216] : memref<4x128xi32, #tpu.memory_space<vmem>> -> memref<1x128xi32, #tpu.memory_space<vmem>>
        %dma_wait3A_218 = tpu.memref_squeeze %dma_wait3A_217 : memref<1x128xi32, #tpu.memory_space<vmem>> -> memref<128xi32, #tpu.memory_space<vmem>>
        %dma_wait3A_219 = arith.constant 0 : i32
        %dma_wait3A_220 = arith.constant 0 : i32
        %dma_wait3A_221 = tpu.memref_slice %arg13[%dma_wait3A_219, %dma_wait3A_220] : memref<10016x64xf32, #tpu.memory_space<vmem_shared>> -> memref<10016x64xf32, #tpu.memory_space<vmem_shared>>
        tpu.wait_indirect_dma semaphore(%run_scoped3A_203 : memref<!tpu.dma_semaphore, #tpu.memory_space<semaphore_mem>>) src(%dma_wait3A_215 : memref<128x64xf32, #tpu.memory_space<vmem>>) dst(%dma_wait3A_221 : memref<10016x64xf32, #tpu.memory_space<vmem_shared>>)
        tpu.yield
      }) : () -> ()
      %run_scoped3A_201 = arith.constant 2 : i32
      "tpu.region"() ({
        %run_scoped3A_203 = tpu.sem_alloc : memref<!tpu.dma_semaphore, #tpu.memory_space<semaphore_mem>>
        %dma_start3A_204 = arith.constant 256 : i32
        %dma_start3A_205 = arith.constant 0 : i32
        %dma_start3A_206 = tpu.memref_slice %arg12[%dma_start3A_204, %dma_start3A_205] : memref<512x64xf32, #tpu.memory_space<vmem>> -> memref<128x64xf32, #tpu.memory_space<vmem>>
        %dma_start3A_207 = arith.constant 0 : i32
        %dma_start3A_208 = tpu.memref_slice %arg9[%run_scoped3A_201, %dma_start3A_207] : memref<4x128xi32, #tpu.memory_space<vmem>> -> memref<1x128xi32, #tpu.memory_space<vmem>>
        %dma_start3A_209 = tpu.memref_squeeze %dma_start3A_208 : memref<1x128xi32, #tpu.memory_space<vmem>> -> memref<128xi32, #tpu.memory_space<vmem>>
        %dma_start3A_210 = arith.constant 0 : i32
        %dma_start3A_211 = arith.constant 0 : i32
        %dma_start3A_212 = tpu.memref_slice %arg13[%dma_start3A_210, %dma_start3A_211] : memref<10016x64xf32, #tpu.memory_space<vmem_shared>> -> memref<10016x64xf32, #tpu.memory_space<vmem_shared>>
        tpu.enqueue_indirect_dma source(%dma_start3A_206 : memref<128x64xf32, #tpu.memory_space<vmem>>) target(%dma_start3A_212 : memref<10016x64xf32, #tpu.memory_space<vmem_shared>>) offsets(%dma_start3A_209 : memref<128xi32, #tpu.memory_space<vmem>>) semaphore(%run_scoped3A_203 : memref<!tpu.dma_semaphore, #tpu.memory_space<semaphore_mem>>) {add = true}
        %dma_wait3A_213 = arith.constant 256 : i32
        %dma_wait3A_214 = arith.constant 0 : i32
        %dma_wait3A_215 = tpu.memref_slice %arg12[%dma_wait3A_213, %dma_wait3A_214] : memref<512x64xf32, #tpu.memory_space<vmem>> -> memref<128x64xf32, #tpu.memory_space<vmem>>
        %dma_wait3A_216 = arith.constant 0 : i32
        %dma_wait3A_217 = tpu.memref_slice %arg9[%run_scoped3A_201, %dma_wait3A_216] : memref<4x128xi32, #tpu.memory_space<vmem>> -> memref<1x128xi32, #tpu.memory_space<vmem>>
        %dma_wait3A_218 = tpu.memref_squeeze %dma_wait3A_217 : memref<1x128xi32, #tpu.memory_space<vmem>> -> memref<128xi32, #tpu.memory_space<vmem>>
        %dma_wait3A_219 = arith.constant 0 : i32
        %dma_wait3A_220 = arith.constant 0 : i32
        %dma_wait3A_221 = tpu.memref_slice %arg13[%dma_wait3A_219, %dma_wait3A_220] : memref<10016x64xf32, #tpu.memory_space<vmem_shared>> -> memref<10016x64xf32, #tpu.memory_space<vmem_shared>>
        tpu.wait_indirect_dma semaphore(%run_scoped3A_203 : memref<!tpu.dma_semaphore, #tpu.memory_space<semaphore_mem>>) src(%dma_wait3A_215 : memref<128x64xf32, #tpu.memory_space<vmem>>) dst(%dma_wait3A_221 : memref<10016x64xf32, #tpu.memory_space<vmem_shared>>)
        tpu.yield
      }) : () -> ()
      %run_scoped3A_202 = arith.constant 3 : i32
      "tpu.region"() ({
        %run_scoped3A_203 = tpu.sem_alloc : memref<!tpu.dma_semaphore, #tpu.memory_space<semaphore_mem>>
        %dma_start3A_204 = arith.constant 384 : i32
        %dma_start3A_205 = arith.constant 0 : i32
        %dma_start3A_206 = tpu.memref_slice %arg12[%dma_start3A_204, %dma_start3A_205] : memref<512x64xf32, #tpu.memory_space<vmem>> -> memref<128x64xf32, #tpu.memory_space<vmem>>
        %dma_start3A_207 = arith.constant 0 : i32
        %dma_start3A_208 = tpu.memref_slice %arg9[%run_scoped3A_202, %dma_start3A_207] : memref<4x128xi32, #tpu.memory_space<vmem>> -> memref<1x128xi32, #tpu.memory_space<vmem>>
        %dma_start3A_209 = tpu.memref_squeeze %dma_start3A_208 : memref<1x128xi32, #tpu.memory_space<vmem>> -> memref<128xi32, #tpu.memory_space<vmem>>
        %dma_start3A_210 = arith.constant 0 : i32
        %dma_start3A_211 = arith.constant 0 : i32
        %dma_start3A_212 = tpu.memref_slice %arg13[%dma_start3A_210, %dma_start3A_211] : memref<10016x64xf32, #tpu.memory_space<vmem_shared>> -> memref<10016x64xf32, #tpu.memory_space<vmem_shared>>
        tpu.enqueue_indirect_dma source(%dma_start3A_206 : memref<128x64xf32, #tpu.memory_space<vmem>>) target(%dma_start3A_212 : memref<10016x64xf32, #tpu.memory_space<vmem_shared>>) offsets(%dma_start3A_209 : memref<128xi32, #tpu.memory_space<vmem>>) semaphore(%run_scoped3A_203 : memref<!tpu.dma_semaphore, #tpu.memory_space<semaphore_mem>>) {add = true}
        %dma_wait3A_213 = arith.constant 384 : i32
        %dma_wait3A_214 = arith.constant 0 : i32
        %dma_wait3A_215 = tpu.memref_slice %arg12[%dma_wait3A_213, %dma_wait3A_214] : memref<512x64xf32, #tpu.memory_space<vmem>> -> memref<128x64xf32, #tpu.memory_space<vmem>>
        %dma_wait3A_216 = arith.constant 0 : i32
        %dma_wait3A_217 = tpu.memref_slice %arg9[%run_scoped3A_202, %dma_wait3A_216] : memref<4x128xi32, #tpu.memory_space<vmem>> -> memref<1x128xi32, #tpu.memory_space<vmem>>
        %dma_wait3A_218 = tpu.memref_squeeze %dma_wait3A_217 : memref<1x128xi32, #tpu.memory_space<vmem>> -> memref<128xi32, #tpu.memory_space<vmem>>
        %dma_wait3A_219 = arith.constant 0 : i32
        %dma_wait3A_220 = arith.constant 0 : i32
        %dma_wait3A_221 = tpu.memref_slice %arg13[%dma_wait3A_219, %dma_wait3A_220] : memref<10016x64xf32, #tpu.memory_space<vmem_shared>> -> memref<10016x64xf32, #tpu.memory_space<vmem_shared>>
        tpu.wait_indirect_dma semaphore(%run_scoped3A_203 : memref<!tpu.dma_semaphore, #tpu.memory_space<semaphore_mem>>) src(%dma_wait3A_215 : memref<128x64xf32, #tpu.memory_space<vmem>>) dst(%dma_wait3A_221 : memref<10016x64xf32, #tpu.memory_space<vmem_shared>>)
        tpu.yield
      }) : () -> ()
    }
    %scan3A_57 = arith.constant 40 : i32
    %barrier3A_58 = arith.constant 0 : index
    tpu.barrier barrier_id(%barrier3A_58)
    %mul3A_59 = arith.constant 625 : i32
    %mul3A_60 = arith.muli %arg1, %mul3A_59 : i32
    %mul3A_61 = arith.constant 10000 : i32
    %mul3A_62 = arith.muli %add3A_47, %mul3A_61 : i32
    %mul3A_63 = arith.constant 625 : i32
    %mul3A_64 = arith.muli %arg1, %mul3A_63 : i32
    %add3A_65 = arith.addi %mul3A_62, %mul3A_64 : i32
    "tpu.region"() ({
      %run_scoped3A = tpu.sem_alloc : memref<!tpu.dma_semaphore, #tpu.memory_space<semaphore_mem>>
      %dma_start3A = arith.constant 0 : i32
      %dma_start3A_90 = tpu.memref_slice %arg7[%add3A_65, %dma_start3A] : memref<80000x64xf32, #tpu.memory_space<hbm>> -> memref<625x64xf32, #tpu.memory_space<hbm>>
      %dma_start3A_91 = arith.constant 0 : i32
      %dma_start3A_92 = tpu.memref_slice %arg13[%mul3A_60, %dma_start3A_91] : memref<10016x64xf32, #tpu.memory_space<vmem_shared>> -> memref<625x64xf32, #tpu.memory_space<vmem_shared>>
      tpu.enqueue_dma source(%dma_start3A_92 : memref<625x64xf32, #tpu.memory_space<vmem_shared>>) target(%dma_start3A_90 : memref<625x64xf32, #tpu.memory_space<hbm>>) target_semaphore(%run_scoped3A : memref<!tpu.dma_semaphore, #tpu.memory_space<semaphore_mem>>)
      %dma_wait3A = arith.constant 0 : i32
      %dma_wait3A_93 = tpu.memref_slice %arg7[%add3A_65, %dma_wait3A] : memref<80000x64xf32, #tpu.memory_space<hbm>> -> memref<625x64xf32, #tpu.memory_space<hbm>>
      %dma_wait3A_94 = arith.constant 0 : i32
      %dma_wait3A_95 = tpu.memref_slice %arg13[%mul3A_60, %dma_wait3A_94] : memref<10016x64xf32, #tpu.memory_space<vmem_shared>> -> memref<625x64xf32, #tpu.memory_space<vmem_shared>>
      tpu.wait_dma2 semaphore(%run_scoped3A : memref<!tpu.dma_semaphore, #tpu.memory_space<semaphore_mem>>) src(%dma_wait3A_95 : memref<625x64xf32, #tpu.memory_space<vmem_shared>>) dst(%dma_wait3A_93 : memref<625x64xf32, #tpu.memory_space<hbm>>)
      tpu.yield
    }) : () -> ()
    %barrier3A_66 = arith.constant 0 : index
    tpu.barrier barrier_id(%barrier3A_66)
    %mul3A_67 = arith.constant 4 : i32
    %mul3A_68 = arith.muli %arg0, %mul3A_67 : i32
    %add3A_69 = arith.constant 3 : i32
    %add3A_70 = arith.addi %mul3A_68, %add3A_69 : i32
    %mul3A_71 = arith.constant 626 : i32
    %mul3A_72 = arith.muli %arg1, %mul3A_71 : i32
    %mul3A_73 = arith.constant 626 : i32
    %mul3A_74 = arith.muli %arg1, %mul3A_73 : i32
    "tpu.region"() ({
      %run_scoped3A = tpu.sem_alloc : memref<!tpu.dma_semaphore, #tpu.memory_space<semaphore_mem>>
      %dma_start3A = arith.constant 0 : i32
      %dma_start3A_90 = tpu.memref_slice %arg13[%mul3A_74, %dma_start3A] : memref<10016x64xf32, #tpu.memory_space<vmem_shared>> -> memref<626x64xf32, #tpu.memory_space<vmem_shared>>
      %dma_start3A_91 = arith.constant 0 : i32
      %dma_start3A_92 = tpu.memref_slice %arg6[%mul3A_72, %dma_start3A_91] : memref<10016x64xf32, #tpu.memory_space<hbm>> -> memref<626x64xf32, #tpu.memory_space<hbm>>
      tpu.enqueue_dma source(%dma_start3A_92 : memref<626x64xf32, #tpu.memory_space<hbm>>) target(%dma_start3A_90 : memref<626x64xf32, #tpu.memory_space<vmem_shared>>) target_semaphore(%run_scoped3A : memref<!tpu.dma_semaphore, #tpu.memory_space<semaphore_mem>>)
      %dma_wait3A = arith.constant 0 : i32
      %dma_wait3A_93 = tpu.memref_slice %arg13[%mul3A_74, %dma_wait3A] : memref<10016x64xf32, #tpu.memory_space<vmem_shared>> -> memref<626x64xf32, #tpu.memory_space<vmem_shared>>
      %dma_wait3A_94 = arith.constant 0 : i32
      %dma_wait3A_95 = tpu.memref_slice %arg6[%mul3A_72, %dma_wait3A_94] : memref<10016x64xf32, #tpu.memory_space<hbm>> -> memref<626x64xf32, #tpu.memory_space<hbm>>
      tpu.wait_dma2 semaphore(%run_scoped3A : memref<!tpu.dma_semaphore, #tpu.memory_space<semaphore_mem>>) src(%dma_wait3A_95 : memref<626x64xf32, #tpu.memory_space<hbm>>) dst(%dma_wait3A_93 : memref<626x64xf32, #tpu.memory_space<vmem_shared>>)
      tpu.yield
    }) : () -> ()
    %barrier3A_75 = arith.constant 0 : index
    tpu.barrier barrier_id(%barrier3A_75)
    %scan3A_76 = arith.constant 0 : i32
    %scan3A_77 = arith.constant 40 : i32
    %scan3A_78 = arith.addi %scan3A_76, %scan3A_77 : i32
    %scan3A_79 = arith.constant 1 : i32
    scf.for %scan3A_90 = %scan3A_76 to %scan3A_78 step %scan3A_79  : i32 {
      %mul3A_91 = arith.constant 512 : i32
      %mul3A_92 = arith.muli %scan3A_90, %mul3A_91 : i32
      %add3A_93 = arith.constant 0 : i32
      %add3A_94 = arith.addi %add3A_93, %mul3A_92 : i32
      %add3A_95 = arith.addi %mul3A_0, %add3A_94 : i32
      %jit3A = arith.constant 128 : i32
      %div3A = arith.divsi %add3A_95, %jit3A : i32
      %sign3A = arith.constant 0 : i32
      %sign3A_96 = arith.cmpi sgt, %add3A_95, %sign3A : i32
      %sign3A_97 = arith.extui %sign3A_96 : i1 to i32
      %sign3A_98 = arith.constant 0 : i32
      %sign3A_99 = arith.cmpi slt, %add3A_95, %sign3A_98 : i32
      %sign3A_100 = arith.extui %sign3A_99 : i1 to i32
      %sign3A_101 = arith.subi %sign3A_97, %sign3A_100 : i32
      %sign3A_102 = arith.constant 0 : i32
      %sign3A_103 = arith.cmpi sgt, %jit3A, %sign3A_102 : i32
      %sign3A_104 = arith.extui %sign3A_103 : i1 to i32
      %sign3A_105 = arith.constant 0 : i32
      %sign3A_106 = arith.cmpi slt, %jit3A, %sign3A_105 : i32
      %sign3A_107 = arith.extui %sign3A_106 : i1 to i32
      %sign3A_108 = arith.subi %sign3A_104, %sign3A_107 : i32
      %ne3A = arith.cmpi ne, %sign3A_101, %sign3A_108 : i32
      %rem3A = arith.remsi %add3A_95, %jit3A : i32
      %ne3A_109 = arith.constant 0 : i32
      %ne3A_110 = arith.cmpi ne, %rem3A, %ne3A_109 : i32
      %and3A = arith.andi %ne3A, %ne3A_110 : i1
      %sub3A = arith.constant 1 : i32
      %sub3A_111 = arith.subi %div3A, %sub3A : i32
      %select_n3A = arith.select %and3A, %sub3A_111, %div3A : i32
      "tpu.region"() ({
        %run_scoped3A_203 = tpu.sem_alloc : memref<!tpu.dma_semaphore, #tpu.memory_space<semaphore_mem>>
        %dma_start3A_204 = arith.constant 0 : i32
        %dma_start3A_205 = tpu.memref_slice %arg3[%select_n3A, %dma_start3A_204] : memref<2560x128xi32, #tpu.memory_space<hbm>> -> memref<4x128xi32, #tpu.memory_space<hbm>>
        %dma_start3A_206 = arith.constant 0 : i32
        %dma_start3A_207 = tpu.memref_slice %arg3[%select_n3A, %dma_start3A_206] : memref<2560x128xi32, #tpu.memory_space<hbm>> -> memref<4x128xi32, #tpu.memory_space<hbm>>
        tpu.enqueue_dma source(%dma_start3A_207 : memref<4x128xi32, #tpu.memory_space<hbm>>) target(%arg8 : memref<4x128xi32, #tpu.memory_space<vmem>>) target_semaphore(%run_scoped3A_203 : memref<!tpu.dma_semaphore, #tpu.memory_space<semaphore_mem>>)
        %dma_wait3A_208 = arith.constant 0 : i32
        %dma_wait3A_209 = tpu.memref_slice %arg3[%select_n3A, %dma_wait3A_208] : memref<2560x128xi32, #tpu.memory_space<hbm>> -> memref<4x128xi32, #tpu.memory_space<hbm>>
        %dma_wait3A_210 = arith.constant 0 : i32
        %dma_wait3A_211 = tpu.memref_slice %arg3[%select_n3A, %dma_wait3A_210] : memref<2560x128xi32, #tpu.memory_space<hbm>> -> memref<4x128xi32, #tpu.memory_space<hbm>>
        tpu.wait_dma2 semaphore(%run_scoped3A_203 : memref<!tpu.dma_semaphore, #tpu.memory_space<semaphore_mem>>) src(%dma_wait3A_211 : memref<4x128xi32, #tpu.memory_space<hbm>>) dst(%arg8 : memref<4x128xi32, #tpu.memory_space<vmem>>)
        tpu.yield
      }) : () -> ()
      "tpu.region"() ({
        %run_scoped3A_203 = tpu.sem_alloc : memref<!tpu.dma_semaphore, #tpu.memory_space<semaphore_mem>>
        %dma_start3A_204 = arith.constant 0 : i32
        %dma_start3A_205 = tpu.memref_slice %arg4[%select_n3A, %dma_start3A_204] : memref<2560x128xi32, #tpu.memory_space<hbm>> -> memref<4x128xi32, #tpu.memory_space<hbm>>
        %dma_start3A_206 = arith.constant 0 : i32
        %dma_start3A_207 = tpu.memref_slice %arg4[%select_n3A, %dma_start3A_206] : memref<2560x128xi32, #tpu.memory_space<hbm>> -> memref<4x128xi32, #tpu.memory_space<hbm>>
        tpu.enqueue_dma source(%dma_start3A_207 : memref<4x128xi32, #tpu.memory_space<hbm>>) target(%arg9 : memref<4x128xi32, #tpu.memory_space<vmem>>) target_semaphore(%run_scoped3A_203 : memref<!tpu.dma_semaphore, #tpu.memory_space<semaphore_mem>>)
        %dma_wait3A_208 = arith.constant 0 : i32
        %dma_wait3A_209 = tpu.memref_slice %arg4[%select_n3A, %dma_wait3A_208] : memref<2560x128xi32, #tpu.memory_space<hbm>> -> memref<4x128xi32, #tpu.memory_space<hbm>>
        %dma_wait3A_210 = arith.constant 0 : i32
        %dma_wait3A_211 = tpu.memref_slice %arg4[%select_n3A, %dma_wait3A_210] : memref<2560x128xi32, #tpu.memory_space<hbm>> -> memref<4x128xi32, #tpu.memory_space<hbm>>
        tpu.wait_dma2 semaphore(%run_scoped3A_203 : memref<!tpu.dma_semaphore, #tpu.memory_space<semaphore_mem>>) src(%dma_wait3A_211 : memref<4x128xi32, #tpu.memory_space<hbm>>) dst(%arg9 : memref<4x128xi32, #tpu.memory_space<vmem>>)
        tpu.yield
      }) : () -> ()
      "tpu.region"() ({
        %run_scoped3A_203 = tpu.sem_alloc : memref<!tpu.dma_semaphore, #tpu.memory_space<semaphore_mem>>
        %dma_start3A_204 = arith.constant 0 : i32
        %dma_start3A_205 = tpu.memref_slice %arg5[%add3A_95, %dma_start3A_204] : memref<327680x16xf32, #tpu.memory_space<hbm>> -> memref<512x16xf32, #tpu.memory_space<hbm>>
        %dma_start3A_206 = arith.constant 0 : i32
        %dma_start3A_207 = tpu.memref_slice %arg5[%add3A_95, %dma_start3A_206] : memref<327680x16xf32, #tpu.memory_space<hbm>> -> memref<512x16xf32, #tpu.memory_space<hbm>>
        tpu.enqueue_dma source(%dma_start3A_207 : memref<512x16xf32, #tpu.memory_space<hbm>>) target(%arg11 : memref<512x16xf32, #tpu.memory_space<vmem>>) target_semaphore(%run_scoped3A_203 : memref<!tpu.dma_semaphore, #tpu.memory_space<semaphore_mem>>)
        %dma_wait3A_208 = arith.constant 0 : i32
        %dma_wait3A_209 = tpu.memref_slice %arg5[%add3A_95, %dma_wait3A_208] : memref<327680x16xf32, #tpu.memory_space<hbm>> -> memref<512x16xf32, #tpu.memory_space<hbm>>
        %dma_wait3A_210 = arith.constant 0 : i32
        %dma_wait3A_211 = tpu.memref_slice %arg5[%add3A_95, %dma_wait3A_210] : memref<327680x16xf32, #tpu.memory_space<hbm>> -> memref<512x16xf32, #tpu.memory_space<hbm>>
        tpu.wait_dma2 semaphore(%run_scoped3A_203 : memref<!tpu.dma_semaphore, #tpu.memory_space<semaphore_mem>>) src(%dma_wait3A_211 : memref<512x16xf32, #tpu.memory_space<hbm>>) dst(%arg11 : memref<512x16xf32, #tpu.memory_space<vmem>>)
        tpu.yield
      }) : () -> ()
      %scan3A_112 = arith.constant 0 : i32
      %scan3A_113 = arith.constant 4 : i32
      %scan3A_114 = arith.addi %scan3A_112, %scan3A_113 : i32
      %scan3A_115 = arith.constant 1 : i32
      scf.for %scan3A_203 = %scan3A_112 to %scan3A_114 step %scan3A_115  : i32 {
        %mul3A_204 = arith.constant 1 : i32
        %mul3A_205 = arith.muli %scan3A_203, %mul3A_204 : i32
        %add3A_206 = arith.constant 0 : i32
        %add3A_207 = arith.addi %add3A_206, %mul3A_205 : i32
        %scan3A_208 = arith.constant 0 : i32
        %scan3A_209 = arith.constant 8 : i32
        %scan3A_210 = arith.addi %scan3A_208, %scan3A_209 : i32
        %scan3A_211 = arith.constant 1 : i32
        scf.for %scan3A_213 = %scan3A_208 to %scan3A_210 step %scan3A_211  : i32 {
          %mul3A_214 = arith.constant 16 : i32
          %mul3A_215 = arith.muli %scan3A_213, %mul3A_214 : i32
          %add3A_216 = arith.constant 0 : i32
          %add3A_217 = arith.addi %add3A_216, %mul3A_215 : i32
          %get3A = arith.index_cast %add3A_207 : i32 to index
          %get3A_218 = arith.index_cast %add3A_217 : i32 to index
          %get3A_219 = tpu.vector_load %arg8[%get3A, %get3A_218] {strides = array<i32>} : memref<4x128xi32, #tpu.memory_space<vmem>>, vector<1x16xi32>,
          %get3A_220 = vector.shape_cast %get3A_219 : vector<1x16xi32> to vector<16xi32>
          %mul3A_221 = arith.constant 8 : i32
          %mul3A_222 = vector.broadcast %mul3A_221 : i32 to vector<16xi32>
          %mul3A_223 = arith.muli %get3A_220, %mul3A_222 : vector<16xi32>
          %add3A_224 = vector.broadcast %add3A_70 : i32 to vector<16xi32>
          %add3A_225 = arith.addi %mul3A_223, %add3A_224 : vector<16xi32>
          %swap3A = arith.index_cast %add3A_207 : i32 to index
          %swap3A_226 = arith.index_cast %add3A_217 : i32 to index
          %swap3A_227 = tpu.vector_load %arg10[%swap3A, %swap3A_226] {strides = array<i32>} : memref<4x128xi32, #tpu.memory_space<vmem>>, vector<1x16xi32>,
          %swap3A_228 = vector.shape_cast %swap3A_227 : vector<1x16xi32> to vector<16xi32>
          %swap3A_229 = vector.shape_cast %add3A_225 : vector<16xi32> to vector<1x16xi32>
          tpu.vector_store %arg10[%swap3A, %swap3A_226], %swap3A_229 {strides = array<i32>} : memref<4x128xi32, #tpu.memory_space<vmem>>, vector<1x16xi32>,
        }
        %scan3A_212 = arith.constant 8 : i32
      }
      %scan3A_116 = arith.constant 4 : i32
      %dma_start3A = arith.constant 0 : i32
      %dma_start3A_117 = arith.constant 0 : i32
      %dma_start3A_118 = arith.constant 0 : i32
      %dma_start3A_119 = tpu.memref_slice %arg12[%dma_start3A_117, %dma_start3A_118] : memref<512x64xf32, #tpu.memory_space<vmem>> -> memref<128x64xf32, #tpu.memory_space<vmem>>
      %dma_start3A_120 = arith.constant 0 : i32
      %dma_start3A_121 = tpu.memref_slice %arg10[%dma_start3A, %dma_start3A_120] : memref<4x128xi32, #tpu.memory_space<vmem>> -> memref<1x128xi32, #tpu.memory_space<vmem>>
      %dma_start3A_122 = tpu.memref_squeeze %dma_start3A_121 : memref<1x128xi32, #tpu.memory_space<vmem>> -> memref<128xi32, #tpu.memory_space<vmem>>
      %dma_start3A_123 = arith.constant 0 : i32
      %dma_start3A_124 = arith.constant 0 : i32
      %dma_start3A_125 = tpu.memref_slice %arg2[%dma_start3A_123, %dma_start3A_124] : memref<80000x64xf32, #tpu.memory_space<hbm>> -> memref<80000x64xf32, #tpu.memory_space<hbm>>
      tpu.enqueue_indirect_dma source(%dma_start3A_125 : memref<80000x64xf32, #tpu.memory_space<hbm>>) target(%dma_start3A_119 : memref<128x64xf32, #tpu.memory_space<vmem>>) offsets(%dma_start3A_122 : memref<128xi32, #tpu.memory_space<vmem>>) semaphore(%arg14 : memref<!tpu.dma_semaphore, #tpu.memory_space<semaphore_mem>>)
      %dma_start3A_126 = arith.constant 1 : i32
      %dma_start3A_127 = arith.constant 128 : i32
      %dma_start3A_128 = arith.constant 0 : i32
      %dma_start3A_129 = tpu.memref_slice %arg12[%dma_start3A_127, %dma_start3A_128] : memref<512x64xf32, #tpu.memory_space<vmem>> -> memref<128x64xf32, #tpu.memory_space<vmem>>
      %dma_start3A_130 = arith.constant 0 : i32
      %dma_start3A_131 = tpu.memref_slice %arg10[%dma_start3A_126, %dma_start3A_130] : memref<4x128xi32, #tpu.memory_space<vmem>> -> memref<1x128xi32, #tpu.memory_space<vmem>>
      %dma_start3A_132 = tpu.memref_squeeze %dma_start3A_131 : memref<1x128xi32, #tpu.memory_space<vmem>> -> memref<128xi32, #tpu.memory_space<vmem>>
      %dma_start3A_133 = arith.constant 0 : i32
      %dma_start3A_134 = arith.constant 0 : i32
      %dma_start3A_135 = tpu.memref_slice %arg2[%dma_start3A_133, %dma_start3A_134] : memref<80000x64xf32, #tpu.memory_space<hbm>> -> memref<80000x64xf32, #tpu.memory_space<hbm>>
      tpu.enqueue_indirect_dma source(%dma_start3A_135 : memref<80000x64xf32, #tpu.memory_space<hbm>>) target(%dma_start3A_129 : memref<128x64xf32, #tpu.memory_space<vmem>>) offsets(%dma_start3A_132 : memref<128xi32, #tpu.memory_space<vmem>>) semaphore(%arg14 : memref<!tpu.dma_semaphore, #tpu.memory_space<semaphore_mem>>)
      %dma_start3A_136 = arith.constant 2 : i32
      %dma_start3A_137 = arith.constant 256 : i32
      %dma_start3A_138 = arith.constant 0 : i32
      %dma_start3A_139 = tpu.memref_slice %arg12[%dma_start3A_137, %dma_start3A_138] : memref<512x64xf32, #tpu.memory_space<vmem>> -> memref<128x64xf32, #tpu.memory_space<vmem>>
      %dma_start3A_140 = arith.constant 0 : i32
      %dma_start3A_141 = tpu.memref_slice %arg10[%dma_start3A_136, %dma_start3A_140] : memref<4x128xi32, #tpu.memory_space<vmem>> -> memref<1x128xi32, #tpu.memory_space<vmem>>
      %dma_start3A_142 = tpu.memref_squeeze %dma_start3A_141 : memref<1x128xi32, #tpu.memory_space<vmem>> -> memref<128xi32, #tpu.memory_space<vmem>>
      %dma_start3A_143 = arith.constant 0 : i32
      %dma_start3A_144 = arith.constant 0 : i32
      %dma_start3A_145 = tpu.memref_slice %arg2[%dma_start3A_143, %dma_start3A_144] : memref<80000x64xf32, #tpu.memory_space<hbm>> -> memref<80000x64xf32, #tpu.memory_space<hbm>>
      tpu.enqueue_indirect_dma source(%dma_start3A_145 : memref<80000x64xf32, #tpu.memory_space<hbm>>) target(%dma_start3A_139 : memref<128x64xf32, #tpu.memory_space<vmem>>) offsets(%dma_start3A_142 : memref<128xi32, #tpu.memory_space<vmem>>) semaphore(%arg14 : memref<!tpu.dma_semaphore, #tpu.memory_space<semaphore_mem>>)
      %dma_start3A_146 = arith.constant 3 : i32
      %dma_start3A_147 = arith.constant 384 : i32
      %dma_start3A_148 = arith.constant 0 : i32
      %dma_start3A_149 = tpu.memref_slice %arg12[%dma_start3A_147, %dma_start3A_148] : memref<512x64xf32, #tpu.memory_space<vmem>> -> memref<128x64xf32, #tpu.memory_space<vmem>>
      %dma_start3A_150 = arith.constant 0 : i32
      %dma_start3A_151 = tpu.memref_slice %arg10[%dma_start3A_146, %dma_start3A_150] : memref<4x128xi32, #tpu.memory_space<vmem>> -> memref<1x128xi32, #tpu.memory_space<vmem>>
      %dma_start3A_152 = tpu.memref_squeeze %dma_start3A_151 : memref<1x128xi32, #tpu.memory_space<vmem>> -> memref<128xi32, #tpu.memory_space<vmem>>
      %dma_start3A_153 = arith.constant 0 : i32
      %dma_start3A_154 = arith.constant 0 : i32
      %dma_start3A_155 = tpu.memref_slice %arg2[%dma_start3A_153, %dma_start3A_154] : memref<80000x64xf32, #tpu.memory_space<hbm>> -> memref<80000x64xf32, #tpu.memory_space<hbm>>
      tpu.enqueue_indirect_dma source(%dma_start3A_155 : memref<80000x64xf32, #tpu.memory_space<hbm>>) target(%dma_start3A_149 : memref<128x64xf32, #tpu.memory_space<vmem>>) offsets(%dma_start3A_152 : memref<128xi32, #tpu.memory_space<vmem>>) semaphore(%arg14 : memref<!tpu.dma_semaphore, #tpu.memory_space<semaphore_mem>>)
      %dma_wait3A = arith.constant 0 : i32
      %dma_wait3A_156 = arith.constant 0 : i32
      %dma_wait3A_157 = arith.constant 0 : i32
      %dma_wait3A_158 = tpu.memref_slice %arg12[%dma_wait3A_156, %dma_wait3A_157] : memref<512x64xf32, #tpu.memory_space<vmem>> -> memref<128x64xf32, #tpu.memory_space<vmem>>
      %dma_wait3A_159 = arith.constant 0 : i32
      %dma_wait3A_160 = tpu.memref_slice %arg10[%dma_wait3A, %dma_wait3A_159] : memref<4x128xi32, #tpu.memory_space<vmem>> -> memref<1x128xi32, #tpu.memory_space<vmem>>
      %dma_wait3A_161 = tpu.memref_squeeze %dma_wait3A_160 : memref<1x128xi32, #tpu.memory_space<vmem>> -> memref<128xi32, #tpu.memory_space<vmem>>
      %dma_wait3A_162 = arith.constant 0 : i32
      %dma_wait3A_163 = arith.constant 0 : i32
      %dma_wait3A_164 = tpu.memref_slice %arg2[%dma_wait3A_162, %dma_wait3A_163] : memref<80000x64xf32, #tpu.memory_space<hbm>> -> memref<80000x64xf32, #tpu.memory_space<hbm>>
      tpu.wait_indirect_dma semaphore(%arg14 : memref<!tpu.dma_semaphore, #tpu.memory_space<semaphore_mem>>) src(%dma_wait3A_164 : memref<80000x64xf32, #tpu.memory_space<hbm>>) dst(%dma_wait3A_158 : memref<128x64xf32, #tpu.memory_space<vmem>>)
      %dma_wait3A_165 = arith.constant 1 : i32
      %dma_wait3A_166 = arith.constant 128 : i32
      %dma_wait3A_167 = arith.constant 0 : i32
      %dma_wait3A_168 = tpu.memref_slice %arg12[%dma_wait3A_166, %dma_wait3A_167] : memref<512x64xf32, #tpu.memory_space<vmem>> -> memref<128x64xf32, #tpu.memory_space<vmem>>
      %dma_wait3A_169 = arith.constant 0 : i32
      %dma_wait3A_170 = tpu.memref_slice %arg10[%dma_wait3A_165, %dma_wait3A_169] : memref<4x128xi32, #tpu.memory_space<vmem>> -> memref<1x128xi32, #tpu.memory_space<vmem>>
      %dma_wait3A_171 = tpu.memref_squeeze %dma_wait3A_170 : memref<1x128xi32, #tpu.memory_space<vmem>> -> memref<128xi32, #tpu.memory_space<vmem>>
      %dma_wait3A_172 = arith.constant 0 : i32
      %dma_wait3A_173 = arith.constant 0 : i32
      %dma_wait3A_174 = tpu.memref_slice %arg2[%dma_wait3A_172, %dma_wait3A_173] : memref<80000x64xf32, #tpu.memory_space<hbm>> -> memref<80000x64xf32, #tpu.memory_space<hbm>>
      tpu.wait_indirect_dma semaphore(%arg14 : memref<!tpu.dma_semaphore, #tpu.memory_space<semaphore_mem>>) src(%dma_wait3A_174 : memref<80000x64xf32, #tpu.memory_space<hbm>>) dst(%dma_wait3A_168 : memref<128x64xf32, #tpu.memory_space<vmem>>)
      %dma_wait3A_175 = arith.constant 2 : i32
      %dma_wait3A_176 = arith.constant 256 : i32
      %dma_wait3A_177 = arith.constant 0 : i32
      %dma_wait3A_178 = tpu.memref_slice %arg12[%dma_wait3A_176, %dma_wait3A_177] : memref<512x64xf32, #tpu.memory_space<vmem>> -> memref<128x64xf32, #tpu.memory_space<vmem>>
      %dma_wait3A_179 = arith.constant 0 : i32
      %dma_wait3A_180 = tpu.memref_slice %arg10[%dma_wait3A_175, %dma_wait3A_179] : memref<4x128xi32, #tpu.memory_space<vmem>> -> memref<1x128xi32, #tpu.memory_space<vmem>>
      %dma_wait3A_181 = tpu.memref_squeeze %dma_wait3A_180 : memref<1x128xi32, #tpu.memory_space<vmem>> -> memref<128xi32, #tpu.memory_space<vmem>>
      %dma_wait3A_182 = arith.constant 0 : i32
      %dma_wait3A_183 = arith.constant 0 : i32
      %dma_wait3A_184 = tpu.memref_slice %arg2[%dma_wait3A_182, %dma_wait3A_183] : memref<80000x64xf32, #tpu.memory_space<hbm>> -> memref<80000x64xf32, #tpu.memory_space<hbm>>
      tpu.wait_indirect_dma semaphore(%arg14 : memref<!tpu.dma_semaphore, #tpu.memory_space<semaphore_mem>>) src(%dma_wait3A_184 : memref<80000x64xf32, #tpu.memory_space<hbm>>) dst(%dma_wait3A_178 : memref<128x64xf32, #tpu.memory_space<vmem>>)
      %dma_wait3A_185 = arith.constant 3 : i32
      %dma_wait3A_186 = arith.constant 384 : i32
      %dma_wait3A_187 = arith.constant 0 : i32
      %dma_wait3A_188 = tpu.memref_slice %arg12[%dma_wait3A_186, %dma_wait3A_187] : memref<512x64xf32, #tpu.memory_space<vmem>> -> memref<128x64xf32, #tpu.memory_space<vmem>>
      %dma_wait3A_189 = arith.constant 0 : i32
      %dma_wait3A_190 = tpu.memref_slice %arg10[%dma_wait3A_185, %dma_wait3A_189] : memref<4x128xi32, #tpu.memory_space<vmem>> -> memref<1x128xi32, #tpu.memory_space<vmem>>
      %dma_wait3A_191 = tpu.memref_squeeze %dma_wait3A_190 : memref<1x128xi32, #tpu.memory_space<vmem>> -> memref<128xi32, #tpu.memory_space<vmem>>
      %dma_wait3A_192 = arith.constant 0 : i32
      %dma_wait3A_193 = arith.constant 0 : i32
      %dma_wait3A_194 = tpu.memref_slice %arg2[%dma_wait3A_192, %dma_wait3A_193] : memref<80000x64xf32, #tpu.memory_space<hbm>> -> memref<80000x64xf32, #tpu.memory_space<hbm>>
      tpu.wait_indirect_dma semaphore(%arg14 : memref<!tpu.dma_semaphore, #tpu.memory_space<semaphore_mem>>) src(%dma_wait3A_194 : memref<80000x64xf32, #tpu.memory_space<hbm>>) dst(%dma_wait3A_188 : memref<128x64xf32, #tpu.memory_space<vmem>>)
      %scan3A_195 = arith.constant 0 : i32
      %scan3A_196 = arith.constant 512 : i32
      %scan3A_197 = arith.addi %scan3A_195, %scan3A_196 : i32
      %scan3A_198 = arith.constant 1 : i32
      scf.for %scan3A_203 = %scan3A_195 to %scan3A_197 step %scan3A_198  : i32 {
        %mul3A_204 = arith.constant 1 : i32
        %mul3A_205 = arith.muli %scan3A_203, %mul3A_204 : i32
        %add3A_206 = arith.constant 0 : i32
        %add3A_207 = arith.addi %add3A_206, %mul3A_205 : i32
        %get3A = arith.index_cast %add3A_207 : i32 to index
        %get3A_208 = arith.constant 0 : index
        %get3A_209 = tpu.vector_load %arg11[%get3A, %get3A_208] {strides = array<i32>} : memref<512x16xf32, #tpu.memory_space<vmem>>, vector<1x16xf32>,
        %get3A_210 = vector.shape_cast %get3A_209 : vector<1x16xf32> to vector<16xf32>
        %mul3A_211 = arith.constant 1 : i32
        %mul3A_212 = arith.muli %add3A_70, %mul3A_211 : i32
        %add3A_213 = arith.constant 0 : i32
        %add3A_214 = arith.addi %mul3A_212, %add3A_213 : i32
        %broadcast_in_dim3A = vector.broadcast %add3A_214 : i32 to vector<16x1xi32>
        %gather3A = vector.shape_cast %broadcast_in_dim3A : vector<16x1xi32> to vector<16xi32>
        %gather3A_215 = tpu.dynamic_gather %get3A_210[%gather3A] in [0] : vector<16xf32>, vector<16xi32> -> vector<16xf32>
        %get3A_216 = arith.index_cast %add3A_207 : i32 to index
        %get3A_217 = arith.constant 0 : index
        %get3A_218 = tpu.vector_load %arg12[%get3A_216, %get3A_217] {strides = array<i32>} : memref<512x64xf32, #tpu.memory_space<vmem>>, vector<1x16xf32>,
        %get3A_219 = vector.shape_cast %get3A_218 : vector<1x16xf32> to vector<16xf32>
        %mul3A_220 = arith.mulf %get3A_219, %gather3A_215 : vector<16xf32>
        %swap3A = arith.index_cast %add3A_207 : i32 to index
        %swap3A_221 = arith.constant 0 : index
        %swap3A_222 = tpu.vector_load %arg12[%swap3A, %swap3A_221] {strides = array<i32>} : memref<512x64xf32, #tpu.memory_space<vmem>>, vector<1x16xf32>,
        %swap3A_223 = vector.shape_cast %swap3A_222 : vector<1x16xf32> to vector<16xf32>
        %swap3A_224 = vector.shape_cast %mul3A_220 : vector<16xf32> to vector<1x16xf32>
        tpu.vector_store %arg12[%swap3A, %swap3A_221], %swap3A_224 {strides = array<i32>} : memref<512x64xf32, #tpu.memory_space<vmem>>, vector<1x16xf32>,
        %get3A_225 = arith.index_cast %add3A_207 : i32 to index
        %get3A_226 = arith.constant 16 : index
        %get3A_227 = tpu.vector_load %arg12[%get3A_225, %get3A_226] {strides = array<i32>} : memref<512x64xf32, #tpu.memory_space<vmem>>, vector<1x16xf32>,
        %get3A_228 = vector.shape_cast %get3A_227 : vector<1x16xf32> to vector<16xf32>
        %mul3A_229 = arith.mulf %get3A_228, %gather3A_215 : vector<16xf32>
        %swap3A_230 = arith.index_cast %add3A_207 : i32 to index
        %swap3A_231 = arith.constant 16 : index
        %swap3A_232 = tpu.vector_load %arg12[%swap3A_230, %swap3A_231] {strides = array<i32>} : memref<512x64xf32, #tpu.memory_space<vmem>>, vector<1x16xf32>,
        %swap3A_233 = vector.shape_cast %swap3A_232 : vector<1x16xf32> to vector<16xf32>
        %swap3A_234 = vector.shape_cast %mul3A_229 : vector<16xf32> to vector<1x16xf32>
        tpu.vector_store %arg12[%swap3A_230, %swap3A_231], %swap3A_234 {strides = array<i32>} : memref<512x64xf32, #tpu.memory_space<vmem>>, vector<1x16xf32>,
        %get3A_235 = arith.index_cast %add3A_207 : i32 to index
        %get3A_236 = arith.constant 32 : index
        %get3A_237 = tpu.vector_load %arg12[%get3A_235, %get3A_236] {strides = array<i32>} : memref<512x64xf32, #tpu.memory_space<vmem>>, vector<1x16xf32>,
        %get3A_238 = vector.shape_cast %get3A_237 : vector<1x16xf32> to vector<16xf32>
        %mul3A_239 = arith.mulf %get3A_238, %gather3A_215 : vector<16xf32>
        %swap3A_240 = arith.index_cast %add3A_207 : i32 to index
        %swap3A_241 = arith.constant 32 : index
        %swap3A_242 = tpu.vector_load %arg12[%swap3A_240, %swap3A_241] {strides = array<i32>} : memref<512x64xf32, #tpu.memory_space<vmem>>, vector<1x16xf32>,
        %swap3A_243 = vector.shape_cast %swap3A_242 : vector<1x16xf32> to vector<16xf32>
        %swap3A_244 = vector.shape_cast %mul3A_239 : vector<16xf32> to vector<1x16xf32>
        tpu.vector_store %arg12[%swap3A_240, %swap3A_241], %swap3A_244 {strides = array<i32>} : memref<512x64xf32, #tpu.memory_space<vmem>>, vector<1x16xf32>,
        %get3A_245 = arith.index_cast %add3A_207 : i32 to index
        %get3A_246 = arith.constant 48 : index
        %get3A_247 = tpu.vector_load %arg12[%get3A_245, %get3A_246] {strides = array<i32>} : memref<512x64xf32, #tpu.memory_space<vmem>>, vector<1x16xf32>,
        %get3A_248 = vector.shape_cast %get3A_247 : vector<1x16xf32> to vector<16xf32>
        %mul3A_249 = arith.mulf %get3A_248, %gather3A_215 : vector<16xf32>
        %swap3A_250 = arith.index_cast %add3A_207 : i32 to index
        %swap3A_251 = arith.constant 48 : index
        %swap3A_252 = tpu.vector_load %arg12[%swap3A_250, %swap3A_251] {strides = array<i32>} : memref<512x64xf32, #tpu.memory_space<vmem>>, vector<1x16xf32>,
        %swap3A_253 = vector.shape_cast %swap3A_252 : vector<1x16xf32> to vector<16xf32>
        %swap3A_254 = vector.shape_cast %mul3A_249 : vector<16xf32> to vector<1x16xf32>
        tpu.vector_store %arg12[%swap3A_250, %swap3A_251], %swap3A_254 {strides = array<i32>} : memref<512x64xf32, #tpu.memory_space<vmem>>, vector<1x16xf32>,
      }
      %scan3A_199 = arith.constant 512 : i32
      %run_scoped3A = arith.constant 0 : i32
      "tpu.region"() ({
        %run_scoped3A_203 = tpu.sem_alloc : memref<!tpu.dma_semaphore, #tpu.memory_space<semaphore_mem>>
        %dma_start3A_204 = arith.constant 0 : i32
        %dma_start3A_205 = arith.constant 0 : i32
        %dma_start3A_206 = tpu.memref_slice %arg12[%dma_start3A_204, %dma_start3A_205] : memref<512x64xf32, #tpu.memory_space<vmem>> -> memref<128x64xf32, #tpu.memory_space<vmem>>
        %dma_start3A_207 = arith.constant 0 : i32
        %dma_start3A_208 = tpu.memref_slice %arg9[%run_scoped3A, %dma_start3A_207] : memref<4x128xi32, #tpu.memory_space<vmem>> -> memref<1x128xi32, #tpu.memory_space<vmem>>
        %dma_start3A_209 = tpu.memref_squeeze %dma_start3A_208 : memref<1x128xi32, #tpu.memory_space<vmem>> -> memref<128xi32, #tpu.memory_space<vmem>>
        %dma_start3A_210 = arith.constant 0 : i32
        %dma_start3A_211 = arith.constant 0 : i32
        %dma_start3A_212 = tpu.memref_slice %arg13[%dma_start3A_210, %dma_start3A_211] : memref<10016x64xf32, #tpu.memory_space<vmem_shared>> -> memref<10016x64xf32, #tpu.memory_space<vmem_shared>>
        tpu.enqueue_indirect_dma source(%dma_start3A_206 : memref<128x64xf32, #tpu.memory_space<vmem>>) target(%dma_start3A_212 : memref<10016x64xf32, #tpu.memory_space<vmem_shared>>) offsets(%dma_start3A_209 : memref<128xi32, #tpu.memory_space<vmem>>) semaphore(%run_scoped3A_203 : memref<!tpu.dma_semaphore, #tpu.memory_space<semaphore_mem>>) {add = true}
        %dma_wait3A_213 = arith.constant 0 : i32
        %dma_wait3A_214 = arith.constant 0 : i32
        %dma_wait3A_215 = tpu.memref_slice %arg12[%dma_wait3A_213, %dma_wait3A_214] : memref<512x64xf32, #tpu.memory_space<vmem>> -> memref<128x64xf32, #tpu.memory_space<vmem>>
        %dma_wait3A_216 = arith.constant 0 : i32
        %dma_wait3A_217 = tpu.memref_slice %arg9[%run_scoped3A, %dma_wait3A_216] : memref<4x128xi32, #tpu.memory_space<vmem>> -> memref<1x128xi32, #tpu.memory_space<vmem>>
        %dma_wait3A_218 = tpu.memref_squeeze %dma_wait3A_217 : memref<1x128xi32, #tpu.memory_space<vmem>> -> memref<128xi32, #tpu.memory_space<vmem>>
        %dma_wait3A_219 = arith.constant 0 : i32
        %dma_wait3A_220 = arith.constant 0 : i32
        %dma_wait3A_221 = tpu.memref_slice %arg13[%dma_wait3A_219, %dma_wait3A_220] : memref<10016x64xf32, #tpu.memory_space<vmem_shared>> -> memref<10016x64xf32, #tpu.memory_space<vmem_shared>>
        tpu.wait_indirect_dma semaphore(%run_scoped3A_203 : memref<!tpu.dma_semaphore, #tpu.memory_space<semaphore_mem>>) src(%dma_wait3A_215 : memref<128x64xf32, #tpu.memory_space<vmem>>) dst(%dma_wait3A_221 : memref<10016x64xf32, #tpu.memory_space<vmem_shared>>)
        tpu.yield
      }) : () -> ()
      %run_scoped3A_200 = arith.constant 1 : i32
      "tpu.region"() ({
        %run_scoped3A_203 = tpu.sem_alloc : memref<!tpu.dma_semaphore, #tpu.memory_space<semaphore_mem>>
        %dma_start3A_204 = arith.constant 128 : i32
        %dma_start3A_205 = arith.constant 0 : i32
        %dma_start3A_206 = tpu.memref_slice %arg12[%dma_start3A_204, %dma_start3A_205] : memref<512x64xf32, #tpu.memory_space<vmem>> -> memref<128x64xf32, #tpu.memory_space<vmem>>
        %dma_start3A_207 = arith.constant 0 : i32
        %dma_start3A_208 = tpu.memref_slice %arg9[%run_scoped3A_200, %dma_start3A_207] : memref<4x128xi32, #tpu.memory_space<vmem>> -> memref<1x128xi32, #tpu.memory_space<vmem>>
        %dma_start3A_209 = tpu.memref_squeeze %dma_start3A_208 : memref<1x128xi32, #tpu.memory_space<vmem>> -> memref<128xi32, #tpu.memory_space<vmem>>
        %dma_start3A_210 = arith.constant 0 : i32
        %dma_start3A_211 = arith.constant 0 : i32
        %dma_start3A_212 = tpu.memref_slice %arg13[%dma_start3A_210, %dma_start3A_211] : memref<10016x64xf32, #tpu.memory_space<vmem_shared>> -> memref<10016x64xf32, #tpu.memory_space<vmem_shared>>
        tpu.enqueue_indirect_dma source(%dma_start3A_206 : memref<128x64xf32, #tpu.memory_space<vmem>>) target(%dma_start3A_212 : memref<10016x64xf32, #tpu.memory_space<vmem_shared>>) offsets(%dma_start3A_209 : memref<128xi32, #tpu.memory_space<vmem>>) semaphore(%run_scoped3A_203 : memref<!tpu.dma_semaphore, #tpu.memory_space<semaphore_mem>>) {add = true}
        %dma_wait3A_213 = arith.constant 128 : i32
        %dma_wait3A_214 = arith.constant 0 : i32
        %dma_wait3A_215 = tpu.memref_slice %arg12[%dma_wait3A_213, %dma_wait3A_214] : memref<512x64xf32, #tpu.memory_space<vmem>> -> memref<128x64xf32, #tpu.memory_space<vmem>>
        %dma_wait3A_216 = arith.constant 0 : i32
        %dma_wait3A_217 = tpu.memref_slice %arg9[%run_scoped3A_200, %dma_wait3A_216] : memref<4x128xi32, #tpu.memory_space<vmem>> -> memref<1x128xi32, #tpu.memory_space<vmem>>
        %dma_wait3A_218 = tpu.memref_squeeze %dma_wait3A_217 : memref<1x128xi32, #tpu.memory_space<vmem>> -> memref<128xi32, #tpu.memory_space<vmem>>
        %dma_wait3A_219 = arith.constant 0 : i32
        %dma_wait3A_220 = arith.constant 0 : i32
        %dma_wait3A_221 = tpu.memref_slice %arg13[%dma_wait3A_219, %dma_wait3A_220] : memref<10016x64xf32, #tpu.memory_space<vmem_shared>> -> memref<10016x64xf32, #tpu.memory_space<vmem_shared>>
        tpu.wait_indirect_dma semaphore(%run_scoped3A_203 : memref<!tpu.dma_semaphore, #tpu.memory_space<semaphore_mem>>) src(%dma_wait3A_215 : memref<128x64xf32, #tpu.memory_space<vmem>>) dst(%dma_wait3A_221 : memref<10016x64xf32, #tpu.memory_space<vmem_shared>>)
        tpu.yield
      }) : () -> ()
      %run_scoped3A_201 = arith.constant 2 : i32
      "tpu.region"() ({
        %run_scoped3A_203 = tpu.sem_alloc : memref<!tpu.dma_semaphore, #tpu.memory_space<semaphore_mem>>
        %dma_start3A_204 = arith.constant 256 : i32
        %dma_start3A_205 = arith.constant 0 : i32
        %dma_start3A_206 = tpu.memref_slice %arg12[%dma_start3A_204, %dma_start3A_205] : memref<512x64xf32, #tpu.memory_space<vmem>> -> memref<128x64xf32, #tpu.memory_space<vmem>>
        %dma_start3A_207 = arith.constant 0 : i32
        %dma_start3A_208 = tpu.memref_slice %arg9[%run_scoped3A_201, %dma_start3A_207] : memref<4x128xi32, #tpu.memory_space<vmem>> -> memref<1x128xi32, #tpu.memory_space<vmem>>
        %dma_start3A_209 = tpu.memref_squeeze %dma_start3A_208 : memref<1x128xi32, #tpu.memory_space<vmem>> -> memref<128xi32, #tpu.memory_space<vmem>>
        %dma_start3A_210 = arith.constant 0 : i32
        %dma_start3A_211 = arith.constant 0 : i32
        %dma_start3A_212 = tpu.memref_slice %arg13[%dma_start3A_210, %dma_start3A_211] : memref<10016x64xf32, #tpu.memory_space<vmem_shared>> -> memref<10016x64xf32, #tpu.memory_space<vmem_shared>>
        tpu.enqueue_indirect_dma source(%dma_start3A_206 : memref<128x64xf32, #tpu.memory_space<vmem>>) target(%dma_start3A_212 : memref<10016x64xf32, #tpu.memory_space<vmem_shared>>) offsets(%dma_start3A_209 : memref<128xi32, #tpu.memory_space<vmem>>) semaphore(%run_scoped3A_203 : memref<!tpu.dma_semaphore, #tpu.memory_space<semaphore_mem>>) {add = true}
        %dma_wait3A_213 = arith.constant 256 : i32
        %dma_wait3A_214 = arith.constant 0 : i32
        %dma_wait3A_215 = tpu.memref_slice %arg12[%dma_wait3A_213, %dma_wait3A_214] : memref<512x64xf32, #tpu.memory_space<vmem>> -> memref<128x64xf32, #tpu.memory_space<vmem>>
        %dma_wait3A_216 = arith.constant 0 : i32
        %dma_wait3A_217 = tpu.memref_slice %arg9[%run_scoped3A_201, %dma_wait3A_216] : memref<4x128xi32, #tpu.memory_space<vmem>> -> memref<1x128xi32, #tpu.memory_space<vmem>>
        %dma_wait3A_218 = tpu.memref_squeeze %dma_wait3A_217 : memref<1x128xi32, #tpu.memory_space<vmem>> -> memref<128xi32, #tpu.memory_space<vmem>>
        %dma_wait3A_219 = arith.constant 0 : i32
        %dma_wait3A_220 = arith.constant 0 : i32
        %dma_wait3A_221 = tpu.memref_slice %arg13[%dma_wait3A_219, %dma_wait3A_220] : memref<10016x64xf32, #tpu.memory_space<vmem_shared>> -> memref<10016x64xf32, #tpu.memory_space<vmem_shared>>
        tpu.wait_indirect_dma semaphore(%run_scoped3A_203 : memref<!tpu.dma_semaphore, #tpu.memory_space<semaphore_mem>>) src(%dma_wait3A_215 : memref<128x64xf32, #tpu.memory_space<vmem>>) dst(%dma_wait3A_221 : memref<10016x64xf32, #tpu.memory_space<vmem_shared>>)
        tpu.yield
      }) : () -> ()
      %run_scoped3A_202 = arith.constant 3 : i32
      "tpu.region"() ({
        %run_scoped3A_203 = tpu.sem_alloc : memref<!tpu.dma_semaphore, #tpu.memory_space<semaphore_mem>>
        %dma_start3A_204 = arith.constant 384 : i32
        %dma_start3A_205 = arith.constant 0 : i32
        %dma_start3A_206 = tpu.memref_slice %arg12[%dma_start3A_204, %dma_start3A_205] : memref<512x64xf32, #tpu.memory_space<vmem>> -> memref<128x64xf32, #tpu.memory_space<vmem>>
        %dma_start3A_207 = arith.constant 0 : i32
        %dma_start3A_208 = tpu.memref_slice %arg9[%run_scoped3A_202, %dma_start3A_207] : memref<4x128xi32, #tpu.memory_space<vmem>> -> memref<1x128xi32, #tpu.memory_space<vmem>>
        %dma_start3A_209 = tpu.memref_squeeze %dma_start3A_208 : memref<1x128xi32, #tpu.memory_space<vmem>> -> memref<128xi32, #tpu.memory_space<vmem>>
        %dma_start3A_210 = arith.constant 0 : i32
        %dma_start3A_211 = arith.constant 0 : i32
        %dma_start3A_212 = tpu.memref_slice %arg13[%dma_start3A_210, %dma_start3A_211] : memref<10016x64xf32, #tpu.memory_space<vmem_shared>> -> memref<10016x64xf32, #tpu.memory_space<vmem_shared>>
        tpu.enqueue_indirect_dma source(%dma_start3A_206 : memref<128x64xf32, #tpu.memory_space<vmem>>) target(%dma_start3A_212 : memref<10016x64xf32, #tpu.memory_space<vmem_shared>>) offsets(%dma_start3A_209 : memref<128xi32, #tpu.memory_space<vmem>>) semaphore(%run_scoped3A_203 : memref<!tpu.dma_semaphore, #tpu.memory_space<semaphore_mem>>) {add = true}
        %dma_wait3A_213 = arith.constant 384 : i32
        %dma_wait3A_214 = arith.constant 0 : i32
        %dma_wait3A_215 = tpu.memref_slice %arg12[%dma_wait3A_213, %dma_wait3A_214] : memref<512x64xf32, #tpu.memory_space<vmem>> -> memref<128x64xf32, #tpu.memory_space<vmem>>
        %dma_wait3A_216 = arith.constant 0 : i32
        %dma_wait3A_217 = tpu.memref_slice %arg9[%run_scoped3A_202, %dma_wait3A_216] : memref<4x128xi32, #tpu.memory_space<vmem>> -> memref<1x128xi32, #tpu.memory_space<vmem>>
        %dma_wait3A_218 = tpu.memref_squeeze %dma_wait3A_217 : memref<1x128xi32, #tpu.memory_space<vmem>> -> memref<128xi32, #tpu.memory_space<vmem>>
        %dma_wait3A_219 = arith.constant 0 : i32
        %dma_wait3A_220 = arith.constant 0 : i32
        %dma_wait3A_221 = tpu.memref_slice %arg13[%dma_wait3A_219, %dma_wait3A_220] : memref<10016x64xf32, #tpu.memory_space<vmem_shared>> -> memref<10016x64xf32, #tpu.memory_space<vmem_shared>>
        tpu.wait_indirect_dma semaphore(%run_scoped3A_203 : memref<!tpu.dma_semaphore, #tpu.memory_space<semaphore_mem>>) src(%dma_wait3A_215 : memref<128x64xf32, #tpu.memory_space<vmem>>) dst(%dma_wait3A_221 : memref<10016x64xf32, #tpu.memory_space<vmem_shared>>)
        tpu.yield
      }) : () -> ()
    }
    %scan3A_80 = arith.constant 40 : i32
    %barrier3A_81 = arith.constant 0 : index
    tpu.barrier barrier_id(%barrier3A_81)
    %mul3A_82 = arith.constant 625 : i32
    %mul3A_83 = arith.muli %arg1, %mul3A_82 : i32
    %mul3A_84 = arith.constant 10000 : i32
    %mul3A_85 = arith.muli %add3A_70, %mul3A_84 : i32
    %mul3A_86 = arith.constant 625 : i32
    %mul3A_87 = arith.muli %arg1, %mul3A_86 : i32
    %add3A_88 = arith.addi %mul3A_85, %mul3A_87 : i32
    "tpu.region"() ({
      %run_scoped3A = tpu.sem_alloc : memref<!tpu.dma_semaphore, #tpu.memory_space<semaphore_mem>>
      %dma_start3A = arith.constant 0 : i32
      %dma_start3A_90 = tpu.memref_slice %arg7[%add3A_88, %dma_start3A] : memref<80000x64xf32, #tpu.memory_space<hbm>> -> memref<625x64xf32, #tpu.memory_space<hbm>>
      %dma_start3A_91 = arith.constant 0 : i32
      %dma_start3A_92 = tpu.memref_slice %arg13[%mul3A_83, %dma_start3A_91] : memref<10016x64xf32, #tpu.memory_space<vmem_shared>> -> memref<625x64xf32, #tpu.memory_space<vmem_shared>>
      tpu.enqueue_dma source(%dma_start3A_92 : memref<625x64xf32, #tpu.memory_space<vmem_shared>>) target(%dma_start3A_90 : memref<625x64xf32, #tpu.memory_space<hbm>>) target_semaphore(%run_scoped3A : memref<!tpu.dma_semaphore, #tpu.memory_space<semaphore_mem>>)
      %dma_wait3A = arith.constant 0 : i32
      %dma_wait3A_93 = tpu.memref_slice %arg7[%add3A_88, %dma_wait3A] : memref<80000x64xf32, #tpu.memory_space<hbm>> -> memref<625x64xf32, #tpu.memory_space<hbm>>
      %dma_wait3A_94 = arith.constant 0 : i32
      %dma_wait3A_95 = tpu.memref_slice %arg13[%mul3A_83, %dma_wait3A_94] : memref<10016x64xf32, #tpu.memory_space<vmem_shared>> -> memref<625x64xf32, #tpu.memory_space<vmem_shared>>
      tpu.wait_dma2 semaphore(%run_scoped3A : memref<!tpu.dma_semaphore, #tpu.memory_space<semaphore_mem>>) src(%dma_wait3A_95 : memref<625x64xf32, #tpu.memory_space<vmem_shared>>) dst(%dma_wait3A_93 : memref<625x64xf32, #tpu.memory_space<hbm>>)
      tpu.yield
    }) : () -> ()
    %barrier3A_89 = arith.constant 0 : index
    tpu.barrier barrier_id(%barrier3A_89)
    return
  }
}

module attributes {stable_mosaic.version = 14 : i64} {
  func.func @body(%arg0: i32, %arg1: memref<1000x128xf32, #tpu.memory_space<vmem>>, %arg2: memref<128x512xf32, #tpu.memory_space<vmem>>, %arg3: memref<512x16xf32, #tpu.memory_space<vmem>>, %arg4: memref<512x16xf32, #tpu.memory_space<vmem>>, %arg5: memref<1000x512xf32, #tpu.memory_space<vmem>>, %arg6: memref<1000x16xf32, #tpu.memory_space<vmem>>, %arg7: memref<1000x16xf32, #tpu.memory_space<vmem>>) attributes {dimension_semantics = [#tpu.dimension_semantics<arbitrary>], iteration_bounds = array<i64: 10>, scalar_prefetch = 0 : i64, scratch_operands = 0 : i64, tpu.core_type = #tpu.core_type<tc>, window_params = [{transform_indices = @transform_0, window_bounds = array<i64: 1000, 128>}, {pipeline_mode = #tpu.pipeline_mode<synchronous>, transform_indices = @transform_1, window_bounds = array<i64: 128, 512>}, {pipeline_mode = #tpu.pipeline_mode<synchronous>, transform_indices = @transform_2, window_bounds = array<i64: 512, 16>}, {pipeline_mode = #tpu.pipeline_mode<synchronous>, transform_indices = @transform_3, window_bounds = array<i64: 512, 16>}, {transform_indices = @transform_4, window_bounds = array<i64: 1000, 512>}, {transform_indices = @transform_5, window_bounds = array<i64: 1000, 16>}, {transform_indices = @transform_6, window_bounds = array<i64: 1000, 16>}]} {
    %get3A = arith.constant 0 : index
    %get3A_0 = arith.constant 0 : index
    %get3A_1 = vector.load %arg1[%get3A, %get3A_0] : memref<1000x128xf32, #tpu.memory_space<vmem>>, vector<1000x128xf32>
    %get3A_2 = arith.constant 0 : index
    %get3A_3 = arith.constant 0 : index
    %get3A_4 = vector.load %arg2[%get3A_2, %get3A_3] : memref<128x512xf32, #tpu.memory_space<vmem>>, vector<128x512xf32>
    %dot_general3A = arith.constant dense<0.000000e+00> : vector<1000x512xf32>
    %dot_general3A_5 = tpu.matmul %get3A_1, %get3A_4, %dot_general3A {dimension_numbers = #tpu.dot_dimension_numbers<[1], [0], [0], [1], [0, 0, 1, 1], [], []>, transpose_lhs_hint = false} : vector<1000x128xf32>, vector<128x512xf32>, vector<1000x512xf32> -> vector<1000x512xf32>
    %swap3A = arith.constant 0 : index
    %swap3A_6 = arith.constant 0 : index
    %swap3A_7 = vector.load %arg5[%swap3A, %swap3A_6] : memref<1000x512xf32, #tpu.memory_space<vmem>>, vector<1000x512xf32>
    tpu.vector_store %arg5[%swap3A, %swap3A_6], %dot_general3A_5 {strides = array<i32>} : memref<1000x512xf32, #tpu.memory_space<vmem>>, vector<1000x512xf32>,
    %get3A_8 = arith.constant 0 : index
    %get3A_9 = arith.constant 0 : index
    %get3A_10 = vector.load %arg3[%get3A_8, %get3A_9] : memref<512x16xf32, #tpu.memory_space<vmem>>, vector<512x16xf32>
    %dot_general3A_11 = arith.constant dense<0.000000e+00> : vector<1000x16xf32>
    %dot_general3A_12 = tpu.matmul %dot_general3A_5, %get3A_10, %dot_general3A_11 {dimension_numbers = #tpu.dot_dimension_numbers<[1], [0], [0], [1], [0, 0, 1, 1], [], []>, transpose_lhs_hint = false} : vector<1000x512xf32>, vector<512x16xf32>, vector<1000x16xf32> -> vector<1000x16xf32>
    %swap3A_13 = arith.constant 0 : index
    %swap3A_14 = arith.constant 0 : index
    %swap3A_15 = vector.load %arg6[%swap3A_13, %swap3A_14] : memref<1000x16xf32, #tpu.memory_space<vmem>>, vector<1000x16xf32>
    tpu.vector_store %arg6[%swap3A_13, %swap3A_14], %dot_general3A_12 {strides = array<i32>} : memref<1000x16xf32, #tpu.memory_space<vmem>>, vector<1000x16xf32>,
    %get3A_16 = arith.constant 0 : index
    %get3A_17 = arith.constant 0 : index
    %get3A_18 = vector.load %arg4[%get3A_16, %get3A_17] : memref<512x16xf32, #tpu.memory_space<vmem>>, vector<512x16xf32>
    %dot_general3A_19 = arith.constant dense<0.000000e+00> : vector<1000x16xf32>
    %dot_general3A_20 = tpu.matmul %dot_general3A_5, %get3A_18, %dot_general3A_19 {dimension_numbers = #tpu.dot_dimension_numbers<[1], [0], [0], [1], [0, 0, 1, 1], [], []>, transpose_lhs_hint = false} : vector<1000x512xf32>, vector<512x16xf32>, vector<1000x16xf32> -> vector<1000x16xf32>
    %swap3A_21 = arith.constant 0 : index
    %swap3A_22 = arith.constant 0 : index
    %swap3A_23 = vector.load %arg7[%swap3A_21, %swap3A_22] : memref<1000x16xf32, #tpu.memory_space<vmem>>, vector<1000x16xf32>
    tpu.vector_store %arg7[%swap3A_21, %swap3A_22], %dot_general3A_20 {strides = array<i32>} : memref<1000x16xf32, #tpu.memory_space<vmem>>, vector<1000x16xf32>,
    return
  }
  func.func @transform_0(%arg0: i32) -> (i32, i32) {
    %c0_i32 = arith.constant 0 : i32
    %c0_i32_0 = arith.constant 0 : i32
    return %arg0, %c0_i32 : i32, i32
  }
  func.func @transform_1(%arg0: i32) -> (i32, i32) {
    %c0_i32 = arith.constant 0 : i32
    %c0_i32_0 = arith.constant 0 : i32
    %c0_i32_1 = arith.constant 0 : i32
    return %c0_i32, %c0_i32_0 : i32, i32
  }
  func.func @transform_2(%arg0: i32) -> (i32, i32) {
    %c0_i32 = arith.constant 0 : i32
    %c0_i32_0 = arith.constant 0 : i32
    %c0_i32_1 = arith.constant 0 : i32
    return %c0_i32, %c0_i32_0 : i32, i32
  }
  func.func @transform_3(%arg0: i32) -> (i32, i32) {
    %c0_i32 = arith.constant 0 : i32
    %c0_i32_0 = arith.constant 0 : i32
    %c0_i32_1 = arith.constant 0 : i32
    return %c0_i32, %c0_i32_0 : i32, i32
  }
  func.func @transform_4(%arg0: i32) -> (i32, i32) {
    %c0_i32 = arith.constant 0 : i32
    %c0_i32_0 = arith.constant 0 : i32
    return %arg0, %c0_i32 : i32, i32
  }
  func.func @transform_5(%arg0: i32) -> (i32, i32) {
    %c0_i32 = arith.constant 0 : i32
    %c0_i32_0 = arith.constant 0 : i32
    return %arg0, %c0_i32 : i32, i32
  }
  func.func @transform_6(%arg0: i32) -> (i32, i32) {
    %c0_i32 = arith.constant 0 : i32
    %c0_i32_0 = arith.constant 0 : i32
    return %arg0, %c0_i32 : i32, i32
  }
}

module attributes {stable_mosaic.version = 14 : i64} {
  func.func @body(%arg0: i32, %arg1: i32, %arg2: memref<2x1000x64xf32, #tpu.memory_space<vmem>>, %arg3: memref<1000x16xf32, #tpu.memory_space<vmem>>, %arg4: memref<1000x16xf32, #tpu.memory_space<vmem>>, %arg5: memref<1000x128xf32, #tpu.memory_space<vmem>>, %arg6: memref<1000x16xf32, #tpu.memory_space<vmem>>, %arg7: memref<1000x16xf32, #tpu.memory_space<vmem>>, %arg8: memref<1x128xf32, #tpu.memory_space<vmem>>, %arg9: memref<1x16x128xf32, #tpu.memory_space<vmem>>, %arg10: memref<1000x128xf32, #tpu.memory_space<vmem>>) attributes {dimension_semantics = [#tpu.dimension_semantics<arbitrary>, #tpu.dimension_semantics<arbitrary>], iteration_bounds = array<i64: 10, 4>, scalar_prefetch = 0 : i64, scratch_operands = 0 : i64, tpu.core_type = #tpu.core_type<tc>, window_params = [{transform_indices = @transform_0, window_bounds = array<i64: 2, 1000, 64>}, {transform_indices = @transform_1, window_bounds = array<i64: 1000, 16>}, {transform_indices = @transform_2, window_bounds = array<i64: 1000, 16>}, {transform_indices = @transform_3, window_bounds = array<i64: 1000, 128>}, {transform_indices = @transform_4, window_bounds = array<i64: 1000, 16>}, {transform_indices = @transform_5, window_bounds = array<i64: 1000, 16>}, {transform_indices = @transform_6, window_bounds = array<i64: 1, 128>}, {transform_indices = @transform_7, window_bounds = array<i64: 1, 16, 128>}, {transform_indices = @transform_8, window_bounds = array<i64: 1000, 128>}]} {
    %get3A = arith.constant 0 : index
    %get3A_0 = arith.constant 0 : index
    %get3A_1 = arith.constant 0 : index
    %get3A_2 = vector.load %arg2[%get3A, %get3A_0, %get3A_1] : memref<2x1000x64xf32, #tpu.memory_space<vmem>>, vector<1x1000x64xf32>
    %get3A_3 = vector.shape_cast %get3A_2 : vector<1x1000x64xf32> to vector<1000x64xf32>
    %get3A_4 = arith.constant 1 : index
    %get3A_5 = arith.constant 0 : index
    %get3A_6 = arith.constant 0 : index
    %get3A_7 = vector.load %arg2[%get3A_4, %get3A_5, %get3A_6] : memref<2x1000x64xf32, #tpu.memory_space<vmem>>, vector<1x1000x64xf32>
    %get3A_8 = vector.shape_cast %get3A_7 : vector<1x1000x64xf32> to vector<1000x64xf32>
    %concatenate3A = tpu.concatenate %get3A_3, %get3A_8 in 1 : vector<1000x64xf32>, vector<1000x64xf32> -> vector<1000x128xf32>
    %get3A_9 = arith.constant 0 : index
    %get3A_10 = arith.constant 0 : index
    %get3A_11 = vector.load %arg6[%get3A_9, %get3A_10] : memref<1000x16xf32, #tpu.memory_space<vmem>>, vector<1000x16xf32>
    %get3A_12 = arith.constant 0 : index
    %get3A_13 = arith.constant 0 : index
    %get3A_14 = vector.load %arg7[%get3A_12, %get3A_13] : memref<1000x16xf32, #tpu.memory_space<vmem>>, vector<1000x16xf32>
    %add3A = arith.addf %get3A_11, %get3A_14 : vector<1000x16xf32>
    %ge3A = arith.constant 0.000000e+00 : f32
    %ge3A_15 = vector.broadcast %ge3A : f32 to vector<1000x16xf32>
    %ge3A_16 = arith.cmpf oge, %add3A, %ge3A_15 : vector<1000x16xf32>
    %mul3A = arith.constant 2.000000e-01 : f32
    %mul3A_17 = vector.broadcast %mul3A : f32 to vector<1000x16xf32>
    %mul3A_18 = arith.mulf %add3A, %mul3A_17 : vector<1000x16xf32>
    %select_n3A = arith.select %ge3A_16, %add3A, %mul3A_18 : vector<1000x16xi1>, vector<1000x16xf32>
    %exp3A = math.exp %select_n3A : vector<1000x16xf32>
    %get3A_19 = arith.constant 0 : index
    %get3A_20 = arith.constant 0 : index
    %get3A_21 = arith.constant 0 : index
    %get3A_22 = vector.load %arg9[%get3A_19, %get3A_20, %get3A_21] : memref<1x16x128xf32, #tpu.memory_space<vmem>>, vector<1x16x128xf32>
    %get3A_23 = vector.shape_cast %get3A_22 : vector<1x16x128xf32> to vector<16x128xf32>
    %get3A_24 = arith.constant 0 : index
    %get3A_25 = arith.constant 0 : index
    %get3A_26 = vector.load %arg3[%get3A_24, %get3A_25] : memref<1000x16xf32, #tpu.memory_space<vmem>>, vector<1000x16xf32>
    %get3A_27 = arith.constant 0 : index
    %get3A_28 = arith.constant 0 : index
    %get3A_29 = vector.load %arg4[%get3A_27, %get3A_28] : memref<1000x16xf32, #tpu.memory_space<vmem>>, vector<1000x16xf32>
    %add3A_30 = arith.addf %get3A_26, %get3A_29 : vector<1000x16xf32>
    %add3A_31 = arith.addf %add3A_30, %exp3A : vector<1000x16xf32>
    %dot_general3A = arith.constant dense<0.000000e+00> : vector<1000x128xf32>
    %dot_general3A_32 = tpu.matmul %add3A_31, %get3A_23, %dot_general3A {dimension_numbers = #tpu.dot_dimension_numbers<[1], [0], [0], [1], [0, 0, 1, 1], [], []>, transpose_lhs_hint = false} : vector<1000x16xf32>, vector<16x128xf32>, vector<1000x128xf32> -> vector<1000x128xf32>
    %dot_general3A_33 = arith.constant dense<0.000000e+00> : vector<1000x128xf32>
    %dot_general3A_34 = tpu.matmul %exp3A, %get3A_23, %dot_general3A_33 {dimension_numbers = #tpu.dot_dimension_numbers<[1], [0], [0], [1], [0, 0, 1, 1], [], []>, transpose_lhs_hint = false} : vector<1000x16xf32>, vector<16x128xf32>, vector<1000x128xf32> -> vector<1000x128xf32>
    %get3A_35 = arith.constant 0 : index
    %get3A_36 = arith.constant 0 : index
    %get3A_37 = vector.load %arg5[%get3A_35, %get3A_36] : memref<1000x128xf32, #tpu.memory_space<vmem>>, vector<1000x128xf32>
    %mul3A_38 = arith.mulf %dot_general3A_34, %get3A_37 : vector<1000x128xf32>
    %add3A_39 = arith.addf %concatenate3A, %mul3A_38 : vector<1000x128xf32>
    %div3A = arith.divf %add3A_39, %dot_general3A_32 : vector<1000x128xf32>
    %get3A_40 = arith.constant 0 : index
    %get3A_41 = arith.constant 0 : index
    %get3A_42 = vector.load %arg8[%get3A_40, %get3A_41] : memref<1x128xf32, #tpu.memory_space<vmem>>, vector<1x128xf32>
    %add3A_43 = vector.broadcast %get3A_42 : vector<1x128xf32> to vector<1000x128xf32>
    %add3A_44 = arith.addf %div3A, %add3A_43 : vector<1000x128xf32>
    %gt3A = arith.constant 0.000000e+00 : f32
    %gt3A_45 = vector.broadcast %gt3A : f32 to vector<1000x128xf32>
    %gt3A_46 = arith.cmpf ogt, %add3A_44, %gt3A_45 : vector<1000x128xf32>
    %exp3A_47 = math.exp %add3A_44 : vector<1000x128xf32>
    %sub3A = arith.constant 1.000000e+00 : f32
    %sub3A_48 = vector.broadcast %sub3A : f32 to vector<1000x128xf32>
    %sub3A_49 = arith.subf %exp3A_47, %sub3A_48 : vector<1000x128xf32>
    %select_n3A_50 = arith.select %gt3A_46, %add3A_44, %sub3A_49 : vector<1000x128xi1>, vector<1000x128xf32>
    %swap3A = arith.constant 0 : index
    %swap3A_51 = arith.constant 0 : index
    %swap3A_52 = vector.load %arg10[%swap3A, %swap3A_51] : memref<1000x128xf32, #tpu.memory_space<vmem>>, vector<1000x128xf32>
    tpu.vector_store %arg10[%swap3A, %swap3A_51], %select_n3A_50 {strides = array<i32>} : memref<1000x128xf32, #tpu.memory_space<vmem>>, vector<1000x128xf32>,
    return
  }
  func.func @transform_0(%arg0: i32, %arg1: i32) -> (i32, i32, i32) {
    %c0_i32 = arith.constant 0 : i32
    %c0_i32_0 = arith.constant 0 : i32
    return %arg1, %arg0, %c0_i32 : i32, i32, i32
  }
  func.func @transform_1(%arg0: i32, %arg1: i32) -> (i32, i32) {
    %c0_i32 = arith.constant 0 : i32
    %c0_i32_0 = arith.constant 0 : i32
    return %arg0, %c0_i32 : i32, i32
  }
  func.func @transform_2(%arg0: i32, %arg1: i32) -> (i32, i32) {
    %c0_i32 = arith.constant 0 : i32
    %c0_i32_0 = arith.constant 0 : i32
    return %arg0, %c0_i32 : i32, i32
  }
  func.func @transform_3(%arg0: i32, %arg1: i32) -> (i32, i32) {
    %c0_i32 = arith.constant 0 : i32
    return %arg0, %arg1 : i32, i32
  }
  func.func @transform_4(%arg0: i32, %arg1: i32) -> (i32, i32) {
    %c0_i32 = arith.constant 0 : i32
    %c0_i32_0 = arith.constant 0 : i32
    return %arg0, %c0_i32 : i32, i32
  }
  func.func @transform_5(%arg0: i32, %arg1: i32) -> (i32, i32) {
    %c0_i32 = arith.constant 0 : i32
    %c0_i32_0 = arith.constant 0 : i32
    return %arg0, %c0_i32 : i32, i32
  }
  func.func @transform_6(%arg0: i32, %arg1: i32) -> (i32, i32) {
    %c0_i32 = arith.constant 0 : i32
    %c0_i32_0 = arith.constant 0 : i32
    return %c0_i32, %arg1 : i32, i32
  }
  func.func @transform_7(%arg0: i32, %arg1: i32) -> (i32, i32, i32) {
    %c0_i32 = arith.constant 0 : i32
    %c0_i32_0 = arith.constant 0 : i32
    %c0_i32_1 = arith.constant 0 : i32
    return %arg1, %c0_i32, %c0_i32_0 : i32, i32, i32
  }
  func.func @transform_8(%arg0: i32, %arg1: i32) -> (i32, i32) {
    %c0_i32 = arith.constant 0 : i32
    return %arg0, %arg1 : i32, i32
  }
}

module attributes {stable_mosaic.version = 14 : i64} {
  func.func @body(%arg0: i32, %arg1: memref<1000x512xf32, #tpu.memory_space<vmem>>, %arg2: memref<512x128xf32, #tpu.memory_space<vmem>>, %arg3: memref<128x16xf32, #tpu.memory_space<vmem>>, %arg4: memref<128x16xf32, #tpu.memory_space<vmem>>, %arg5: memref<1000x128xf32, #tpu.memory_space<vmem>>, %arg6: memref<1000x16xf32, #tpu.memory_space<vmem>>, %arg7: memref<1000x16xf32, #tpu.memory_space<vmem>>) attributes {dimension_semantics = [#tpu.dimension_semantics<arbitrary>], iteration_bounds = array<i64: 10>, scalar_prefetch = 0 : i64, scratch_operands = 0 : i64, tpu.core_type = #tpu.core_type<tc>, window_params = [{transform_indices = @transform_0, window_bounds = array<i64: 1000, 512>}, {pipeline_mode = #tpu.pipeline_mode<synchronous>, transform_indices = @transform_1, window_bounds = array<i64: 512, 128>}, {pipeline_mode = #tpu.pipeline_mode<synchronous>, transform_indices = @transform_2, window_bounds = array<i64: 128, 16>}, {pipeline_mode = #tpu.pipeline_mode<synchronous>, transform_indices = @transform_3, window_bounds = array<i64: 128, 16>}, {transform_indices = @transform_4, window_bounds = array<i64: 1000, 128>}, {transform_indices = @transform_5, window_bounds = array<i64: 1000, 16>}, {transform_indices = @transform_6, window_bounds = array<i64: 1000, 16>}]} {
    %get3A = arith.constant 0 : index
    %get3A_0 = arith.constant 0 : index
    %get3A_1 = vector.load %arg1[%get3A, %get3A_0] : memref<1000x512xf32, #tpu.memory_space<vmem>>, vector<1000x512xf32>
    %get3A_2 = arith.constant 0 : index
    %get3A_3 = arith.constant 0 : index
    %get3A_4 = vector.load %arg2[%get3A_2, %get3A_3] : memref<512x128xf32, #tpu.memory_space<vmem>>, vector<512x128xf32>
    %dot_general3A = arith.constant dense<0.000000e+00> : vector<1000x128xf32>
    %dot_general3A_5 = tpu.matmul %get3A_1, %get3A_4, %dot_general3A {dimension_numbers = #tpu.dot_dimension_numbers<[1], [0], [0], [1], [0, 0, 1, 1], [], []>, transpose_lhs_hint = false} : vector<1000x512xf32>, vector<512x128xf32>, vector<1000x128xf32> -> vector<1000x128xf32>
    %swap3A = arith.constant 0 : index
    %swap3A_6 = arith.constant 0 : index
    %swap3A_7 = vector.load %arg5[%swap3A, %swap3A_6] : memref<1000x128xf32, #tpu.memory_space<vmem>>, vector<1000x128xf32>
    tpu.vector_store %arg5[%swap3A, %swap3A_6], %dot_general3A_5 {strides = array<i32>} : memref<1000x128xf32, #tpu.memory_space<vmem>>, vector<1000x128xf32>,
    %get3A_8 = arith.constant 0 : index
    %get3A_9 = arith.constant 0 : index
    %get3A_10 = vector.load %arg3[%get3A_8, %get3A_9] : memref<128x16xf32, #tpu.memory_space<vmem>>, vector<128x16xf32>
    %dot_general3A_11 = arith.constant dense<0.000000e+00> : vector<1000x16xf32>
    %dot_general3A_12 = tpu.matmul %dot_general3A_5, %get3A_10, %dot_general3A_11 {dimension_numbers = #tpu.dot_dimension_numbers<[1], [0], [0], [1], [0, 0, 1, 1], [], []>, transpose_lhs_hint = false} : vector<1000x128xf32>, vector<128x16xf32>, vector<1000x16xf32> -> vector<1000x16xf32>
    %swap3A_13 = arith.constant 0 : index
    %swap3A_14 = arith.constant 0 : index
    %swap3A_15 = vector.load %arg6[%swap3A_13, %swap3A_14] : memref<1000x16xf32, #tpu.memory_space<vmem>>, vector<1000x16xf32>
    tpu.vector_store %arg6[%swap3A_13, %swap3A_14], %dot_general3A_12 {strides = array<i32>} : memref<1000x16xf32, #tpu.memory_space<vmem>>, vector<1000x16xf32>,
    %get3A_16 = arith.constant 0 : index
    %get3A_17 = arith.constant 0 : index
    %get3A_18 = vector.load %arg4[%get3A_16, %get3A_17] : memref<128x16xf32, #tpu.memory_space<vmem>>, vector<128x16xf32>
    %dot_general3A_19 = arith.constant dense<0.000000e+00> : vector<1000x16xf32>
    %dot_general3A_20 = tpu.matmul %dot_general3A_5, %get3A_18, %dot_general3A_19 {dimension_numbers = #tpu.dot_dimension_numbers<[1], [0], [0], [1], [0, 0, 1, 1], [], []>, transpose_lhs_hint = false} : vector<1000x128xf32>, vector<128x16xf32>, vector<1000x16xf32> -> vector<1000x16xf32>
    %swap3A_21 = arith.constant 0 : index
    %swap3A_22 = arith.constant 0 : index
    %swap3A_23 = vector.load %arg7[%swap3A_21, %swap3A_22] : memref<1000x16xf32, #tpu.memory_space<vmem>>, vector<1000x16xf32>
    tpu.vector_store %arg7[%swap3A_21, %swap3A_22], %dot_general3A_20 {strides = array<i32>} : memref<1000x16xf32, #tpu.memory_space<vmem>>, vector<1000x16xf32>,
    return
  }
  func.func @transform_0(%arg0: i32) -> (i32, i32) {
    %c0_i32 = arith.constant 0 : i32
    %c0_i32_0 = arith.constant 0 : i32
    return %arg0, %c0_i32 : i32, i32
  }
  func.func @transform_1(%arg0: i32) -> (i32, i32) {
    %c0_i32 = arith.constant 0 : i32
    %c0_i32_0 = arith.constant 0 : i32
    %c0_i32_1 = arith.constant 0 : i32
    return %c0_i32, %c0_i32_0 : i32, i32
  }
  func.func @transform_2(%arg0: i32) -> (i32, i32) {
    %c0_i32 = arith.constant 0 : i32
    %c0_i32_0 = arith.constant 0 : i32
    %c0_i32_1 = arith.constant 0 : i32
    return %c0_i32, %c0_i32_0 : i32, i32
  }
  func.func @transform_3(%arg0: i32) -> (i32, i32) {
    %c0_i32 = arith.constant 0 : i32
    %c0_i32_0 = arith.constant 0 : i32
    %c0_i32_1 = arith.constant 0 : i32
    return %c0_i32, %c0_i32_0 : i32, i32
  }
  func.func @transform_4(%arg0: i32) -> (i32, i32) {
    %c0_i32 = arith.constant 0 : i32
    %c0_i32_0 = arith.constant 0 : i32
    return %arg0, %c0_i32 : i32, i32
  }
  func.func @transform_5(%arg0: i32) -> (i32, i32) {
    %c0_i32 = arith.constant 0 : i32
    %c0_i32_0 = arith.constant 0 : i32
    return %arg0, %c0_i32 : i32, i32
  }
  func.func @transform_6(%arg0: i32) -> (i32, i32) {
    %c0_i32 = arith.constant 0 : i32
    %c0_i32_0 = arith.constant 0 : i32
    return %arg0, %c0_i32 : i32, i32
  }
}

module attributes {stable_mosaic.version = 14 : i64} {
  func.func @body(%arg0: i32, %arg1: i32, %arg2: memref<2x1000x64xf32, #tpu.memory_space<vmem>>, %arg3: memref<1000x16xf32, #tpu.memory_space<vmem>>, %arg4: memref<1000x16xf32, #tpu.memory_space<vmem>>, %arg5: memref<1000x128xf32, #tpu.memory_space<vmem>>, %arg6: memref<1000x16xf32, #tpu.memory_space<vmem>>, %arg7: memref<1000x16xf32, #tpu.memory_space<vmem>>, %arg8: memref<1x128xf32, #tpu.memory_space<vmem>>, %arg9: memref<1x16x128xf32, #tpu.memory_space<vmem>>, %arg10: memref<1000x128xf32, #tpu.memory_space<vmem>>) attributes {dimension_semantics = [#tpu.dimension_semantics<arbitrary>, #tpu.dimension_semantics<arbitrary>], iteration_bounds = array<i64: 10, 1>, scalar_prefetch = 0 : i64, scratch_operands = 0 : i64, tpu.core_type = #tpu.core_type<tc>, window_params = [{transform_indices = @transform_0, window_bounds = array<i64: 2, 1000, 64>}, {transform_indices = @transform_1, window_bounds = array<i64: 1000, 16>}, {transform_indices = @transform_2, window_bounds = array<i64: 1000, 16>}, {transform_indices = @transform_3, window_bounds = array<i64: 1000, 128>}, {transform_indices = @transform_4, window_bounds = array<i64: 1000, 16>}, {transform_indices = @transform_5, window_bounds = array<i64: 1000, 16>}, {transform_indices = @transform_6, window_bounds = array<i64: 1, 128>}, {transform_indices = @transform_7, window_bounds = array<i64: 1, 16, 128>}, {transform_indices = @transform_8, window_bounds = array<i64: 1000, 128>}]} {
    %get3A = arith.constant 0 : index
    %get3A_0 = arith.constant 0 : index
    %get3A_1 = arith.constant 0 : index
    %get3A_2 = vector.load %arg2[%get3A, %get3A_0, %get3A_1] : memref<2x1000x64xf32, #tpu.memory_space<vmem>>, vector<1x1000x64xf32>
    %get3A_3 = vector.shape_cast %get3A_2 : vector<1x1000x64xf32> to vector<1000x64xf32>
    %get3A_4 = arith.constant 1 : index
    %get3A_5 = arith.constant 0 : index
    %get3A_6 = arith.constant 0 : index
    %get3A_7 = vector.load %arg2[%get3A_4, %get3A_5, %get3A_6] : memref<2x1000x64xf32, #tpu.memory_space<vmem>>, vector<1x1000x64xf32>
    %get3A_8 = vector.shape_cast %get3A_7 : vector<1x1000x64xf32> to vector<1000x64xf32>
    %concatenate3A = tpu.concatenate %get3A_3, %get3A_8 in 1 : vector<1000x64xf32>, vector<1000x64xf32> -> vector<1000x128xf32>
    %get3A_9 = arith.constant 0 : index
    %get3A_10 = arith.constant 0 : index
    %get3A_11 = vector.load %arg6[%get3A_9, %get3A_10] : memref<1000x16xf32, #tpu.memory_space<vmem>>, vector<1000x16xf32>
    %get3A_12 = arith.constant 0 : index
    %get3A_13 = arith.constant 0 : index
    %get3A_14 = vector.load %arg7[%get3A_12, %get3A_13] : memref<1000x16xf32, #tpu.memory_space<vmem>>, vector<1000x16xf32>
    %add3A = arith.addf %get3A_11, %get3A_14 : vector<1000x16xf32>
    %ge3A = arith.constant 0.000000e+00 : f32
    %ge3A_15 = vector.broadcast %ge3A : f32 to vector<1000x16xf32>
    %ge3A_16 = arith.cmpf oge, %add3A, %ge3A_15 : vector<1000x16xf32>
    %mul3A = arith.constant 2.000000e-01 : f32
    %mul3A_17 = vector.broadcast %mul3A : f32 to vector<1000x16xf32>
    %mul3A_18 = arith.mulf %add3A, %mul3A_17 : vector<1000x16xf32>
    %select_n3A = arith.select %ge3A_16, %add3A, %mul3A_18 : vector<1000x16xi1>, vector<1000x16xf32>
    %exp3A = math.exp %select_n3A : vector<1000x16xf32>
    %get3A_19 = arith.constant 0 : index
    %get3A_20 = arith.constant 0 : index
    %get3A_21 = arith.constant 0 : index
    %get3A_22 = vector.load %arg9[%get3A_19, %get3A_20, %get3A_21] : memref<1x16x128xf32, #tpu.memory_space<vmem>>, vector<1x16x128xf32>
    %get3A_23 = vector.shape_cast %get3A_22 : vector<1x16x128xf32> to vector<16x128xf32>
    %get3A_24 = arith.constant 0 : index
    %get3A_25 = arith.constant 0 : index
    %get3A_26 = vector.load %arg3[%get3A_24, %get3A_25] : memref<1000x16xf32, #tpu.memory_space<vmem>>, vector<1000x16xf32>
    %get3A_27 = arith.constant 0 : index
    %get3A_28 = arith.constant 0 : index
    %get3A_29 = vector.load %arg4[%get3A_27, %get3A_28] : memref<1000x16xf32, #tpu.memory_space<vmem>>, vector<1000x16xf32>
    %add3A_30 = arith.addf %get3A_26, %get3A_29 : vector<1000x16xf32>
    %add3A_31 = arith.addf %add3A_30, %exp3A : vector<1000x16xf32>
    %dot_general3A = arith.constant dense<0.000000e+00> : vector<1000x128xf32>
    %dot_general3A_32 = tpu.matmul %add3A_31, %get3A_23, %dot_general3A {dimension_numbers = #tpu.dot_dimension_numbers<[1], [0], [0], [1], [0, 0, 1, 1], [], []>, transpose_lhs_hint = false} : vector<1000x16xf32>, vector<16x128xf32>, vector<1000x128xf32> -> vector<1000x128xf32>
    %dot_general3A_33 = arith.constant dense<0.000000e+00> : vector<1000x128xf32>
    %dot_general3A_34 = tpu.matmul %exp3A, %get3A_23, %dot_general3A_33 {dimension_numbers = #tpu.dot_dimension_numbers<[1], [0], [0], [1], [0, 0, 1, 1], [], []>, transpose_lhs_hint = false} : vector<1000x16xf32>, vector<16x128xf32>, vector<1000x128xf32> -> vector<1000x128xf32>
    %get3A_35 = arith.constant 0 : index
    %get3A_36 = arith.constant 0 : index
    %get3A_37 = vector.load %arg5[%get3A_35, %get3A_36] : memref<1000x128xf32, #tpu.memory_space<vmem>>, vector<1000x128xf32>
    %mul3A_38 = arith.mulf %dot_general3A_34, %get3A_37 : vector<1000x128xf32>
    %add3A_39 = arith.addf %concatenate3A, %mul3A_38 : vector<1000x128xf32>
    %div3A = arith.divf %add3A_39, %dot_general3A_32 : vector<1000x128xf32>
    %get3A_40 = arith.constant 0 : index
    %get3A_41 = arith.constant 0 : index
    %get3A_42 = vector.load %arg8[%get3A_40, %get3A_41] : memref<1x128xf32, #tpu.memory_space<vmem>>, vector<1x128xf32>
    %add3A_43 = vector.broadcast %get3A_42 : vector<1x128xf32> to vector<1000x128xf32>
    %add3A_44 = arith.addf %div3A, %add3A_43 : vector<1000x128xf32>
    %swap3A = arith.constant 0 : index
    %swap3A_45 = arith.constant 0 : index
    %swap3A_46 = vector.load %arg10[%swap3A, %swap3A_45] : memref<1000x128xf32, #tpu.memory_space<vmem>>, vector<1000x128xf32>
    tpu.vector_store %arg10[%swap3A, %swap3A_45], %add3A_44 {strides = array<i32>} : memref<1000x128xf32, #tpu.memory_space<vmem>>, vector<1000x128xf32>,
    return
  }
  func.func @transform_0(%arg0: i32, %arg1: i32) -> (i32, i32, i32) {
    %c0_i32 = arith.constant 0 : i32
    %c0_i32_0 = arith.constant 0 : i32
    return %arg1, %arg0, %c0_i32 : i32, i32, i32
  }
  func.func @transform_1(%arg0: i32, %arg1: i32) -> (i32, i32) {
    %c0_i32 = arith.constant 0 : i32
    %c0_i32_0 = arith.constant 0 : i32
    return %arg0, %c0_i32 : i32, i32
  }
  func.func @transform_2(%arg0: i32, %arg1: i32) -> (i32, i32) {
    %c0_i32 = arith.constant 0 : i32
    %c0_i32_0 = arith.constant 0 : i32
    return %arg0, %c0_i32 : i32, i32
  }
  func.func @transform_3(%arg0: i32, %arg1: i32) -> (i32, i32) {
    %c0_i32 = arith.constant 0 : i32
    return %arg0, %arg1 : i32, i32
  }
  func.func @transform_4(%arg0: i32, %arg1: i32) -> (i32, i32) {
    %c0_i32 = arith.constant 0 : i32
    %c0_i32_0 = arith.constant 0 : i32
    return %arg0, %c0_i32 : i32, i32
  }
  func.func @transform_5(%arg0: i32, %arg1: i32) -> (i32, i32) {
    %c0_i32 = arith.constant 0 : i32
    %c0_i32_0 = arith.constant 0 : i32
    return %arg0, %c0_i32 : i32, i32
  }
  func.func @transform_6(%arg0: i32, %arg1: i32) -> (i32, i32) {
    %c0_i32 = arith.constant 0 : i32
    %c0_i32_0 = arith.constant 0 : i32
    return %c0_i32, %arg1 : i32, i32
  }
  func.func @transform_7(%arg0: i32, %arg1: i32) -> (i32, i32, i32) {
    %c0_i32 = arith.constant 0 : i32
    %c0_i32_0 = arith.constant 0 : i32
    %c0_i32_1 = arith.constant 0 : i32
    return %arg1, %c0_i32, %c0_i32_0 : i32, i32, i32
  }
  func.func @transform_8(%arg0: i32, %arg1: i32) -> (i32, i32) {
    %c0_i32 = arith.constant 0 : i32
    return %arg0, %arg1 : i32, i32
  }
}

</mosaic_0001>

<sc_bundles>
// kernel: kernel.10.cloned.1.call-start
scs
__scs_entry_jumppad:
0x0: {  	(pc) =	sbr.rel $0x88, $3  }
0x1: {  	(tag) =	ssettag $0x0;
	lr =	simm.s32 $0x1  }
0x2: {  	[smem:$0x3F97] =	sst lr;
	_ =	strace $0xD0000000  }
0x3: {  	_ = 	snop  }
0x4: {  	_ = 	snop  }
0x5: {  	_ = 	snop  }
0x6: {  	_ = 	snop  }
0x7: {  	_ = 	snop  }
__scs_overlays_trampoline_lowered:
0x8: {  	[smem:$0x3FA6] =	sst s0  }
0x9: {  	[smem:$0x3FA7] =	sst s1  }
0xa: {  	[smem:$0x3FA8] =	sst s2  }
0xb: {  	[smem:$0x3FA9] =	sst s3  }
0xc: {  	[smem:$0x3FAA] =	sst s4  }
0xd: {  	[smem:$0x3FAB] =	sst s5  }
0xe: {  	[smem:$0x3FAC] =	sst s6  }
0xf: {  	[smem:$0x3FAD] =	sst s7  }
0x10: {  	[smem:$0x3FAE] =	sst s8  }
0x11: {  	[smem:$0x3FAF] =	sst s9;
	s0 =	simm.s32 @!p0 $0x0  }
0x12: {  	s1 =	sld [smem:$0x3F95];
	s0 =	simm.s32 @p0 $0x1  }
0x13: {  	[smem:$0x3FB0] =	sst s0;
	s0 =	simm.s32 @!p1 $0x0  }
0x14: {  	s2 =	sld [smem:$0x3F94];
	s0 =	simm.s32 @p1 $0x1  }
0x15: {  	[smem:$0x3FB1] =	sst s0;
	s0 =	simm.s32 @!p2 $0x0  }
0x16: {  	s3 =	sld [smem:$0x3FDB];
	s0 =	simm.s32 @p2 $0x1  }
0x17: {  	s4 =	simm.s32 $0x1BF5;
	[smem:$0x3FB3] =	sst s0  }
0x18: {  	s0 =	sld [smem:$0x3F96];
	_ =	swait.ge [sflag:s4], $0x0  }
0x19: {  	s7 =	sld [smem:$0x3F97]  }
0x1a: {  	s8 =	sadd.s32 $0xFFFFE003, lr  }
0x1b: {  	s9 =	sadd.s32 $0xFFFFFEF7, lr;
	s5 =	simm.s32 $0xFFFFFFFF;
	p2 =	slt.u32 s8, $0xFFFFF086  }
0x1c: {  	p1 =	slt.u32 s9, $0xF7A;
	s5 =	simm.s32 @!p2 $0x0  }
0x1d: {  	s5 =	simm.s32 @p1 $0x1;
	p0 =	seq.s32 s7, s2  }
0x1e: {  	s7 =	smul.u32 @!p0 $0xF7A, s2;
	p2 =	seq.s32 @!p0 s5, $0x0  }
0x1f: {  	s9 =	smul.u32 $0xF7A, s1;
	s8 =	simm.s32 @!p0 $0x1BF5;
	p2 =	por !p2, p0  }
0x20: {  	[sflag:s8] =	ssyncset.s32 @!p0 $0xFFFFF086;
	s6 =	sadd.s32 @!p0 s3, s7;
	s7 =	simm.s32 @!p0 $0x108  }
0x21: {  	s3 =	sadd.s32 s3, s9;
	s6 =	sadd.s32 @!p0 $0x88, s6;
	s7 =	simm.s32 @p2 $0x1082  }
0x22: {  	[simem:s7], [sflag:s8] =	dma.local @!p0 [hbm:s6], $0xF7A  }
0x23: {  	s9 =	sor.u32 $0xD0000000, s2;
	s6 =	simm.s32 $0x108;
	_ =	swait.ge @!p0 [sflag:s8], $0x0  }
0x24: {  	s3 =	sadd.s32 $0x88, s3;
	s6 =	simm.s32 @!p1 $0x1082;
	[sflag:s4] =	ssyncset.s32 $0xFFFFF086  }
0x25: {  	[simem:s6], [sflag:s4] =	dma.local [hbm:s3], $0xF7A  }
0x26: {  	[smem:$0x3F97] =	sst s1;
	(tag) =	ssettag s2;
	_ =	strace s9  }
0x27: {  	s1 =	sld [smem:$0x3FA7]  }
0x28: {  	s2 =	sld [smem:$0x3FA8]  }
0x29: {  	s4 =	sld [smem:$0x3FAA]  }
0x2a: {  	p0 =	seq.s32 s5, $0x0;
	s5 =	sld [smem:$0x3FAB]  }
0x2b: {  	s6 =	sld [smem:$0x3FAC]  }
0x2c: {  	s7 =	sld [smem:$0x3FAD]  }
0x2d: {  	s3 =	simm.s32 $0x108;
	s8 =	sld [smem:$0x3FAE]  }
0x2e: {  	s3 =	simm.s32 @!p0 $0x1082;
	s9 =	sld [smem:$0x3FAF]  }
0x2f: {  	lr =	sadd.s32 s0, s3;
	s0 =	sld [smem:$0x3FA6]  }
0x30: {  	s3 =	sld [smem:$0x3FA9]  }
0x31: {  	[smem:$0x3FB2] =	sst s10  }
0x32: {  	s10 =	sld [smem:$0x3FB0];
	_ =	sdelay $0x3  }
0x33: {  	p0 =	seq.s32 s10, $0x1;
	s10 =	sld [smem:$0x3FB2];
	_ =	sdelay $0x3  }
0x34: {  	[smem:$0x3FB2] =	sst s10  }
0x35: {  	s10 =	sld [smem:$0x3FB1];
	_ =	sdelay $0x3  }
0x36: {  	p1 =	seq.s32 s10, $0x1;
	s10 =	sld [smem:$0x3FB2];
	_ =	sdelay $0x3  }
0x37: {  	[smem:$0x3FB2] =	sst s10  }
0x38: {  	s10 =	sld [smem:$0x3FB3]  }
0x39: {  	_ = 	snop;
	(pc) =	sbr.ind lr, $3  }
0x3a: {  	_ = 	snop  }
0x3b: {  	_ = 	snop  }
0x3c: {  	p2 =	seq.s32 s10, $0x1;
	s10 =	sld [smem:$0x3FB2]  }
0x3d: {  	_ =	shalt  }
0x3e: {  	_ =	shalt  }
0x3f: {  	_ =	shalt  }
0x40: {  	_ =	shalt  }
0x41: {  	_ =	shalt  }
0x42: {  	_ =	shalt  }
0x43: {  	_ =	shalt  }
0x44: {  	_ =	shalt  }
0x45: {  	_ =	shalt  }
0x46: {  	_ =	shalt  }
0x47: {  	_ =	shalt  }
0x48: {  	_ =	shalt  }
0x49: {  	_ =	shalt  }
0x4a: {  	_ =	shalt  }
0x4b: {  	_ =	shalt  }
0x4c: {  	_ =	shalt  }
0x4d: {  	_ =	shalt  }
0x4e: {  	_ =	shalt  }
0x4f: {  	_ =	shalt  }
0x50: {  	_ =	shalt  }
0x51: {  	_ =	shalt  }
0x52: {  	_ =	shalt  }
0x53: {  	_ =	shalt  }
0x54: {  	_ =	shalt  }
0x55: {  	_ =	shalt  }
0x56: {  	_ =	shalt  }
0x57: {  	_ =	shalt  }
0x58: {  	_ =	shalt  }
0x59: {  	_ =	shalt  }
0x5a: {  	_ =	shalt  }
0x5b: {  	_ =	shalt  }
0x5c: {  	_ =	shalt  }
0x5d: {  	_ =	shalt  }
0x5e: {  	_ =	shalt  }
0x5f: {  	_ =	shalt  }
0x60: {  	_ =	shalt  }
0x61: {  	_ =	shalt  }
0x62: {  	_ =	shalt  }
0x63: {  	_ =	shalt  }
0x64: {  	_ =	shalt  }
0x65: {  	_ =	shalt  }
0x66: {  	_ =	shalt  }
0x67: {  	_ =	shalt  }
0x68: {  	_ =	shalt  }
0x69: {  	_ =	shalt  }
0x6a: {  	_ =	shalt  }
0x6b: {  	_ =	shalt  }
0x6c: {  	_ =	shalt  }
0x6d: {  	_ =	shalt  }
0x6e: {  	_ =	shalt  }
0x6f: {  	_ =	shalt  }
0x70: {  	_ =	shalt  }
0x71: {  	_ =	shalt  }
0x72: {  	_ =	shalt  }
0x73: {  	_ =	shalt  }
0x74: {  	_ =	shalt  }
0x75: {  	_ =	shalt  }
0x76: {  	_ =	shalt  }
0x77: {  	_ =	shalt  }
0x78: {  	_ =	shalt  }
0x79: {  	_ =	shalt  }
0x7a: {  	_ =	shalt  }
0x7b: {  	_ =	shalt  }
0x7c: {  	_ =	shalt  }
0x7d: {  	_ =	shalt  }
0x7e: {  	_ =	shalt  }
0x7f: {  	_ =	shalt  }
0x80: {  	_ =	shalt  }
0x81: {  	_ =	shalt  }
0x82: {  	_ =	shalt  }
0x83: {  	_ =	shalt  }
0x84: {  	_ =	shalt  }
0x85: {  	_ =	shalt  }
0x86: {  	_ =	shalt  }
0x87: {  	_ =	shalt  }
.Lfunc_end0:
.L_simem_size_0:
called_computation_lowered:
.L_overlay_start_0:
0x88: {  	s2 =	sld [smem:$0x3FD9]  }
0x89: {  	s3 =	sld [smem:$0x3FFE];
	_ =	sdelay $0x1  }
0x8a: {  	s1 =	srdreg.scid  }
0x8b: {  	s0 =	sand.u32 $0x1, s1  }
0x8c: {  	s17 =	sshll.u32 s0, $0xA;
	s2 =	sadd.s32 s3, s2  }
0x8d: {  	s2 =	sadd.s32 s2, s17  }
0x8e: {  	[smem:$0x3FBE] =	sst s2  }
0x8f: {  	_ = 	snop  }
0x90: {  	s2 =	sld [smem:$0x3FD0];
	(tm) =	ssettm $0x1  }
0x91: {  	s18 =	sld [smem:$0x3FFB];
	_ =	sdelay $0x3  }
0x92: {  	_ =	strace s18  }
0x93: {  	s3 =	sld [smem:$0x3FFC];
	_ =	sdelay $0x3  }
0x94: {  	_ =	strace s3  }
0x95: {  	s3 =	sld [smem:$0x3FFD];
	_ =	sdelay $0x3  }
0x96: {  	_ =	strace s3  }
0x97: {  	_ =	strace $0x8FFFFFFF  }
0x98: {  	s19 =	sld [smem:$0x3FDB];
	_ =	sdelay $0x1  }
0x99: {  	s4 =	simm.s32 $_scs_section_size  }
0x9a: {  	s5 =	simm.s32 $_size__tile_overlayer_lowered;
	s6 =	simm.s32 $_tile_overlayer_lowered  }
0x9b: {  	s22 =	simm.s32 $0x1BFF;
	s21 =	sshll.u32 s6, $0x1;
	s3 =	sadd.s32 s4, s19  }
0x9c: {  	s7 =	simm.s32 $0x0;
	s20 =	sshll.u32 s5, $0x1;
	s5 =	sadd.s32 s21, s3  }
0x9d: {  	[timem:s7], [sflag:s22] =	dma.local [hbm:s5], s20  }
0x9e: {  	_ =	swait.ge [sflag:s22], s20  }
0x9f: {  	s4 =	ssub.s32 $0x0, s20;
	[sflag:s22] =	ssyncset.done $0x0  }
0xa0: {  	[sflag:s22] =	ssyncadd.s32 s4;
	_ =	sdelay $0x1  }
0xa1: {  	s23 =	simm.s32 $0x1B8B  }
0xa2: {  	_ =	swait.ge [sflag:s23], $0x1  }
0xa3: {  	[sflag:s23] =	ssyncset.done $0x0  }
0xa4: {  	s25 =	simm.s32 $0x1B8E;
	s24 =	sld [smem:$0x3FFE];
	[sflag:s23] =	ssyncadd.s32 $0xFFFFFFFF  }
0xa5: {  	s26 =	simm.s32 $execute0_lowered;
	[smem:$0x3FD2] =	sst s25  }
0xa6: {  	s5 =	sshll.u32 s26, $0x1;
	_ =	strace $0x80000046;
	[dreg:$0x1] =	wrdreg $0xFFFFFFFF  }
0xa7: {  	s28 =	simm.s32 $_size_execute0_lowered;
	s3 =	sadd.s32 s3, s5;
	[dreg:$0x0] =	wrdreg $0x0  }
0xa8: {  	s5 =	sshll.u32 s28, $0x1;
	[dreg:$0x2] =	wrdreg s3  }
0xa9: {  	[dreg:$0x3] =	wrdreg s5  }
0xaa: {  	[dreg:$0x4] =	wrdreg $0xC0  }
0xab: {  	_ =	task [dreg:s7], $0x5FFFF  }
0xac: {  	[dreg:$0x1] =	wrdreg $0xFFFFFFFF  }
0xad: {  	[dreg:$0x0] =	wrdreg $0x60  }
0xae: {  	[dreg:$0x2] =	wrdreg s24  }
0xaf: {  	[dreg:$0x3] =	wrdreg s2  }
0xb0: {  	[dreg:$0x4] =	wrdreg $0xC8000  }
0xb1: {  	[dreg:$0x5] =	wrdreg $0x9  }
0xb2: {  	_ =	task.clear_ibuf [dreg:s7], $0x6FFFF;
	_ =	strace $0x90000046  }
0xb3: {  	s29 =	simm.s32 $0x9;
	_ =	strace $0x80000048  }
0xb4: {  	_ =	swait.ge [sflag:s29], $0x1  }
0xb5: {  	[sflag:s29] =	ssyncadd.s32 $0xFFFFFFFF  }
0xb6: {  	_ =	strace $0x90000048  }
0xb7: {  	_ =	sfence  }
0xb8: {  	s30 =	sld [smem:$0x0];
	_ =	sdelay $0x2  }
0xb9: {  	s31 =	sshll.u32 s1, $0xD;
	s1 =	sshrl.u32 s1, $0x2  }
0xba: {  	s3 =	sand.u32 $0x4000, s31;
	s1 =	sadd.s32 s1, s30  }
0xbb: {  	s0 =	sor.u32 s3, s0;
	s1 =	sshll.u32 s1, $0x11  }
0xbc: {  	s0 =	sor.u32 s1, s0  }
0xbd: {  	s0 =	sadd.s32 $0x8F2B, s0  }
0xbe: {  	[sflag:s0] =	ssyncadd.remote.s32 $0x1  }
0xbf: {  	_ =	sfence.sel $0xFFFF  }
0xc0: {  	[dreg:$0x0] =	wrdreg $0xFFFFFFFF;
	(pc) =	sbr.abs _section_cstart, $3  }
0xc1: {  	[dreg:$0x1] =	wrdreg $0xFFFFFFFF  }
0xc2: {  	_ =	task.clear_ibuf [dreg:s7], $0x2FFFF;
	_ =	strace $0x9FFFFFFF  }
0xc3: {  	(tm) =	ssettm $0x7FFFFFFF  }
tec
execute0_lowered:
.L_overlay_start_1:
0x0: {  	(tag) =	ssettag $0x1  }
0x1: {  	s0 =	rddreg [dreg:$0x0]  }
0x2: {  	s1 =	rddreg [dreg:$0x1]  }
0x3: {  	s2 =	rddreg [dreg:$0x2]  }
0x4: {  	s3 =	simm.s32 $0x0;
	s15 =	stileid.u32;
	s7 =	srdreg.scid  }
0x5: {  	s16 =	simm.s32 $0x400;
	s17 =	simm.s32 $0x80;
	s31 =	simm.s32 $0x580  }
0x6: {  	s28 =	simm.s32 $0x780;
	s30 =	simm.s32 $0x1;
	s18 =	simm.s32 $0xB800  }
0x7: {  	s19 =	simm.s32 $0xC000;
	[smem:$0x7FF] =	sst s3;
	s20 =	smul.u32 $0x2720, s15  }
0x8: {  	s4 =	sadd.s32 $0xB2C00, s0;
	s5 =	sadd.s32 $0xA8C00, s0;
	s6 =	sadd.s32 $0xA3C00, s0  }
0x9: {  	s9 =	sand.u32 $0x1, s7;
	s7 =	sadd.s32 $0x9EC00, s0;
	s13 =	smul.u32 $0x4E2, s15  }
0xa: {  	s22 =	sshll.u32 s15, $0x6;
	s14 =	smul.u32 $0x9C40, s15;
	_ =	strace $0x80000047  }
0xb: {  	s11 =	ssub.s32 $0x2, s9;
	s12 =	smul.u32 $0x4E20, s9;
	s9 =	sshll.u32 s9, $0x4  }
0xc: {  	s22 =	sor.u32 $0x1C03, s22;
	s8 =	sshrl.u32 s20, $0x3;
	s21 =	sshrl.u32 s11, $0x1  }
0xd: {  	s3 =	sadd.s32 s20, s2;
	s9 =	sor.u32 s15, s9;
	s24 =	sshrl.u32 s14, $0x2  }
0xe: {  	s15 =	simm.s32 $0x3;
	s20 =	simm.s32 $0x700;
	[dreg:$0x5] =	wrdreg s22  }
0xf: {  	s10 =	sadd.s32 s8, s0;
	s8 =	sadd.s32 $0xC1C00, s0;
	s0 =	ssub.s32 s11, s21  }
0x10: {  	s11 =	smul.u32 $0x2800, s9;
	s23 =	sadd.s32 s13, s12;
	s26 =	sshrl.u32 s3, $0x3  }
0x11: {  	s25 =	sadd.s32 s24, s2;
	s10 =	sadd.s32 $0xBCC00, s10;
	[dreg:$0x8] =	wrdreg s26  }
0x12: {  	s21 =	simm.s32 $0x480;
	s1 =	sadd.s32 s1, s23;
	[dreg:$0x4] =	wrdreg s10  }
0x13: {  	s12 =	simm.s32 $0x600;
	s0 =	smax.u32 s0, $0x1;
	[dreg:$0x6] =	wrdreg s1  }
0x14: {  	s3 =	simm.s32 $0xB000;
	s29 =	sshrl.u32 s25, $0x3;
	[dreg:$0x7] =	wrdreg s0  }
0x15: {  	s13 =	simm.s32 $0x0;
	s26 =	simm.s32 $0x500;
	[dreg:$0x9] =	wrdreg s29  }
0x16: {  	s10 =	simm.s32 $0x680;
	s0 =	simm.s32 $0x2;
	s1 =	simm.s32 $0x8800  }
.LBB2_1:
0x17: {  	[dreg:$0xa] =	wrdreg s13  }
0x18: {  	s9 =	rddreg [dreg:$0x4]  }
0x19: {  	s29 =	rddreg [dreg:$0x8]  }
0x1a: {  	[spmem:s29], [sflag:s22] =	dma.local [hbm:s9], $0x4E4  }
0x1b: {  	_ =	swait.ge [sflag:s15], $0x4E4  }
0x1c: {  	[sflag:s15] =	ssyncset.done $0x0  }
0x1d: {  	[sflag:s15] =	ssyncadd.s32 $0xFFFFFB1C  }
0x1e: {  	s22 =	simm.s32 $0x0;
	[bflag:$0x0] =	sbarrier.arrive $0xFFFF  }
.LBB2_2:
0x1f: {  	s9 =	sshll.u32 s22, $0xA  }
0x20: {  	s23 =	sadd.s32 s11, s9  }
0x21: {  	s9 =	sshrl.u32 s23, $0x3  }
0x22: {  	s14 =	simm.s32 $0x0;
	s13 =	sadd.s32 s4, s9  }
0x23: {  	[tilespmem:s14], [sflag:$0x3] =	stream.linear.gather [hbm4b:s13+s14], $0x400, $0x38;
	[tilespmem:$0xEF20] =	vst v63  }
0x24: {  	_ =	swait.ge [sflag:s15], $0x400  }
0x25: {  	[sflag:s15] =	ssyncset.done $0x0  }
0x26: {  	s9 =	sadd.s32 s5, s9;
	[sflag:s15] =	ssyncadd.s32 $0xFFFFFC00  }
0x27: {  	[tilespmem:s16], [sflag:$0x3] =	stream.linear.gather [hbm4b:s9+s14], $0x400, $0x38;
	[tilespmem:$0xEF20] =	vst v63  }
0x28: {  	_ =	swait.ge [sflag:s15], $0x400  }
0x29: {  	[sflag:s15] =	ssyncset.done $0x0  }
0x2a: {  	s24 =	simm.s32 $0x800;
	[sflag:s15] =	ssyncadd.s32 $0xFFFFFC00  }
0x2b: {  	[tilespmem:s24], [sflag:$0x1] =	stream.indirect.gather [hbm4b:s6+s17], $0x10, s14, s17, $0xb8;
	[tilespmem:$0xEF20] =	vst v63  }
0x2c: {  	s25 =	simm.s32 $0x4800  }
0x2d: {  	[tilespmem:s25], [sflag:$0x2] =	stream.indirect.gather [hbm4b:s7+s17], $0x10, s16, s17, $0xb8;
	[tilespmem:$0xEF20] =	vst v63  }
0x2e: {  	s13 =	simm.s32 $0x1000  }
0x2f: {  	[tilespmem:s13], [sflag:$0x1] =	stream.indirect.gather [hbm4b:s6+s17], $0x10, s17, s17, $0xb8;
	[tilespmem:$0xEF20] =	vst v63  }
0x30: {  	s14 =	simm.s32 $0x5000  }
0x31: {  	[tilespmem:s14], [sflag:$0x2] =	stream.indirect.gather [hbm4b:s7+s17], $0x10, s21, s17, $0xb8;
	[tilespmem:$0xEF20] =	vst v63  }
0x32: {  	s24 =	simm.s32 $0x100;
	s25 =	simm.s32 $0x1800  }
0x33: {  	[tilespmem:s25], [sflag:$0x1] =	stream.indirect.gather [hbm4b:s6+s17], $0x10, s24, s17, $0xb8;
	[tilespmem:$0xEF20] =	vst v63  }
0x34: {  	s14 =	simm.s32 $0x5800  }
0x35: {  	[tilespmem:s14], [sflag:$0x2] =	stream.indirect.gather [hbm4b:s7+s17], $0x10, s26, s17, $0xb8;
	[tilespmem:$0xEF20] =	vst v63  }
0x36: {  	s24 =	simm.s32 $0x180;
	s25 =	simm.s32 $0x2000  }
0x37: {  	[tilespmem:s25], [sflag:$0x1] =	stream.indirect.gather [hbm4b:s6+s17], $0x10, s24, s17, $0xb8;
	[tilespmem:$0xEF20] =	vst v63  }
0x38: {  	s14 =	simm.s32 $0x6000  }
0x39: {  	[tilespmem:s14], [sflag:$0x2] =	stream.indirect.gather [hbm4b:s7+s17], $0x10, s31, s17, $0xb8;
	[tilespmem:$0xEF20] =	vst v63  }
0x3a: {  	s24 =	simm.s32 $0x200;
	s25 =	simm.s32 $0x2800  }
0x3b: {  	[tilespmem:s25], [sflag:$0x1] =	stream.indirect.gather [hbm4b:s6+s17], $0x10, s24, s17, $0xb8;
	[tilespmem:$0xEF20] =	vst v63  }
0x3c: {  	s14 =	simm.s32 $0x6800  }
0x3d: {  	[tilespmem:s14], [sflag:$0x2] =	stream.indirect.gather [hbm4b:s7+s17], $0x10, s12, s17, $0xb8;
	[tilespmem:$0xEF20] =	vst v63  }
0x3e: {  	s24 =	simm.s32 $0x280;
	s25 =	simm.s32 $0x3000  }
0x3f: {  	[tilespmem:s25], [sflag:$0x1] =	stream.indirect.gather [hbm4b:s6+s17], $0x10, s24, s17, $0xb8;
	[tilespmem:$0xEF20] =	vst v63  }
0x40: {  	s14 =	simm.s32 $0x7000  }
0x41: {  	[tilespmem:s14], [sflag:$0x2] =	stream.indirect.gather [hbm4b:s7+s17], $0x10, s10, s17, $0xb8;
	[tilespmem:$0xEF20] =	vst v63  }
0x42: {  	s24 =	simm.s32 $0x300;
	s25 =	simm.s32 $0x3800  }
0x43: {  	[tilespmem:s25], [sflag:$0x1] =	stream.indirect.gather [hbm4b:s6+s17], $0x10, s24, s17, $0xb8;
	[tilespmem:$0xEF20] =	vst v63  }
0x44: {  	s13 =	simm.s32 $0x7800  }
0x45: {  	[tilespmem:s13], [sflag:$0x2] =	stream.indirect.gather [hbm4b:s7+s17], $0x10, s20, s17, $0xb8;
	[tilespmem:$0xEF20] =	vst v63  }
0x46: {  	s14 =	simm.s32 $0x380;
	s24 =	simm.s32 $0x4000  }
0x47: {  	[tilespmem:s24], [sflag:$0x1] =	stream.indirect.gather [hbm4b:s6+s17], $0x10, s14, s17, $0xb8;
	[tilespmem:$0xEF20] =	vst v63  }
0x48: {  	s25 =	simm.s32 $0x8000  }
0x49: {  	[tilespmem:s25], [sflag:$0x2] =	stream.indirect.gather [hbm4b:s7+s17], $0x10, s28, s17, $0xb8;
	[tilespmem:$0xEF20] =	vst v63  }
0x4a: {  	_ =	swait.ge [sflag:s30], $0x800  }
0x4b: {  	[sflag:s30] =	ssyncset.done $0x0  }
0x4c: {  	[sflag:s30] =	ssyncadd.s32 $0xFFFFF800  }
0x4d: {  	_ =	swait.ge [sflag:s0], $0x800  }
0x4e: {  	[sflag:s0] =	ssyncset.done $0x0  }
0x4f: {  	[sflag:s0] =	ssyncadd.s32 $0xFFFFF800  }
0x50: {  	_ =	swait.ge [sflag:s30], $0x800  }
0x51: {  	[sflag:s30] =	ssyncset.done $0x0  }
0x52: {  	[sflag:s30] =	ssyncadd.s32 $0xFFFFF800  }
0x53: {  	_ =	swait.ge [sflag:s0], $0x800  }
0x54: {  	[sflag:s0] =	ssyncset.done $0x0  }
0x55: {  	[sflag:s0] =	ssyncadd.s32 $0xFFFFF800  }
0x56: {  	_ =	swait.ge [sflag:s30], $0x800  }
0x57: {  	[sflag:s30] =	ssyncset.done $0x0  }
0x58: {  	[sflag:s30] =	ssyncadd.s32 $0xFFFFF800  }
0x59: {  	_ =	swait.ge [sflag:s0], $0x800  }
0x5a: {  	[sflag:s0] =	ssyncset.done $0x0  }
0x5b: {  	[sflag:s0] =	ssyncadd.s32 $0xFFFFF800  }
0x5c: {  	_ =	swait.ge [sflag:s30], $0x800  }
0x5d: {  	[sflag:s30] =	ssyncset.done $0x0  }
0x5e: {  	[sflag:s30] =	ssyncadd.s32 $0xFFFFF800  }
0x5f: {  	_ =	swait.ge [sflag:s0], $0x800  }
0x60: {  	[sflag:s0] =	ssyncset.done $0x0  }
0x61: {  	[sflag:s0] =	ssyncadd.s32 $0xFFFFF800  }
0x62: {  	_ =	swait.ge [sflag:s30], $0x800  }
0x63: {  	[sflag:s30] =	ssyncset.done $0x0  }
0x64: {  	[sflag:s30] =	ssyncadd.s32 $0xFFFFF800  }
0x65: {  	_ =	swait.ge [sflag:s0], $0x800  }
0x66: {  	[sflag:s0] =	ssyncset.done $0x0  }
0x67: {  	[sflag:s0] =	ssyncadd.s32 $0xFFFFF800  }
0x68: {  	_ =	swait.ge [sflag:s30], $0x800  }
0x69: {  	[sflag:s30] =	ssyncset.done $0x0  }
0x6a: {  	[sflag:s30] =	ssyncadd.s32 $0xFFFFF800  }
0x6b: {  	_ =	swait.ge [sflag:s0], $0x800  }
0x6c: {  	[sflag:s0] =	ssyncset.done $0x0  }
0x6d: {  	[sflag:s0] =	ssyncadd.s32 $0xFFFFF800  }
0x6e: {  	_ =	swait.ge [sflag:s30], $0x800  }
0x6f: {  	[sflag:s30] =	ssyncset.done $0x0  }
0x70: {  	[sflag:s30] =	ssyncadd.s32 $0xFFFFF800  }
0x71: {  	_ =	swait.ge [sflag:s0], $0x800  }
0x72: {  	[sflag:s0] =	ssyncset.done $0x0  }
0x73: {  	[sflag:s0] =	ssyncadd.s32 $0xFFFFF800  }
0x74: {  	_ =	swait.ge [sflag:s30], $0x800  }
0x75: {  	[sflag:s30] =	ssyncset.done $0x0  }
0x76: {  	[sflag:s30] =	ssyncadd.s32 $0xFFFFF800  }
0x77: {  	_ =	swait.ge [sflag:s0], $0x800  }
0x78: {  	[sflag:s0] =	ssyncset.done $0x0  }
0x79: {  	s24 =	simm.s32 $0x0;
	[sflag:s0] =	ssyncadd.s32 $0xFFFFF800  }
0x7a: {  	v0 =	vld [tilespmem:s24+$0x800]  }
0x7b: {  	v1 =	vld [tilespmem:s24+$0x4800];
	_ =	sdelay $0x4  }
0x7c: {  	v0 =	vadd.f32 v1, v0;
	_ =	sdelay $0x1  }
0x7d: {  	s29 =	simm.s32 $0x10;
	v1 =	vmul.f32 $2.000000030e-01, v0  }
0x7e: {  	v2 =	vld [tilespmem:s29+$0x800];
	vm0 =	vge.f32 v0, $0.0e+00  }
0x7f: {  	v3 =	vld [tilespmem:s29+$0x4800];
	v0 =	vsel vm0, v0, v1  }
0x80: {  	s13 =	simm.s32 $0x20;
	v0 =	vmul.f32 $1.442695020e+00, v0  }
0x81: {  	v1 =	vld [tilespmem:s13+$0x800]  }
0x82: {  	(erf) = vpow2.f32 v0;
	v0 =	vld [tilespmem:s13+$0x4800];
	_ =	sdelay $0x1  }
0x83: {  	v2 =	vadd.f32 v3, v2;
	_ =	sdelay $0x1  }
0x84: {  	v3 =	vmul.f32 $2.000000030e-01, v2  }
0x85: {  	vm14 =	vge.f32 v2, $0.0e+00;
	v4 =	vadd.f32 v0, v1  }
0x86: {  	v0 =	vsel vm14, v2, v3  }
0x87: {  	s9 =	simm.s32 $0x30;
	v1 =	vmul.f32 $1.442695020e+00, v0;
	v2 =	vmul.f32 $2.000000030e-01, v4  }
0x88: {  	v0 =	vld [tilespmem:s9+$0x800]  }
0x89: {  	(erf) = vpow2.f32 v1;
	v1 =	vld [tilespmem:s9+$0x4800]  }
0x8a: {  	vm15 =	vge.f32 v4, $0.0e+00  }
0x8b: {  	s14 =	simm.s32 $0x100;
	v3 =	vsel vm15, v4, v2;
	v2 =	vpop (erf)  }
.LBB2_3:
0x8c: {  	s25 =	sshra.s32 s14, $0x2  }
0x8d: {  	v3 =	vmul.f32 $1.442695020e+00, v3;
	[tilespmem:s24+$0x8800] =	vst v2;
	s24 =	smov.u32 s29;
	s29 =	smov.u32 s13;
	p0 =	sne.s32 s14, $0xFFC0  }
.Ltmp0:
0x8e: {  	s14 =	sadd.s32 $0x40, s14;
	v2 =	vadd.f32 v1, v0;
	v0 =	vld [tilespmem:s25+$0x800];
	(pc) =	sbr.rel @p0 .LBB2_3-.Ltmp0, $4  }
0x8f: {  	s13 =	smov.u32 s9;
	s9 =	smov.u32 s25;
	v1 =	vld [tilespmem:s25+$0x4800];
	(erf) = vpow2.f32 v3  }
0x90: {  	v3 =	vmul.f32 $2.000000030e-01, v2  }
0x91: {  	vm0 =	vge.f32 v2, $0.0e+00  }
0x92: {  	v3 =	vsel vm0, v2, v3;
	v2 =	vpop (erf)  }
0x93: {  	_ = 	snop  }
0x94: {  	v0 =	vadd.f32 v1, v0;
	_ =	sdelay $0x1  }
0x95: {  	v1 =	vmul.f32 $2.000000030e-01, v0  }
0x96: {  	vm0 =	vge.f32 v0, $0.0e+00  }
0x97: {  	v60 =	vmul.f32 $1.442695020e+00, v3;
	v0 =	vsel vm0, v0, v1  }
0x98: {  	v0 =	vmul.f32 $1.442695020e+00, v0  }
0x99: {  	(erf) = vpow2.f32 v60  }
0x9a: {  	(erf) = vpow2.f32 v0;
	_ =	sdelay $0x6  }
0x9b: {  	[tilespmem:s24+$0x8800] =	vst v2;
	v61 =	vpop (erf)  }
0x9c: {  	[tilespmem:s29+$0x8800] =	vst v61;
	v62 =	vpop (erf)  }
0x9d: {  	s29 =	sshll.u32 s23, $0x1;
	[tilespmem:s13+$0x8800] =	vst v62;
	v63 =	vpop (erf)  }
0x9e: {  	s14 =	simm.s32 $0x0;
	s13 =	sadd.s32 s8, s29;
	[tilespmem:s9+$0x8800] =	vst v63  }
0x9f: {  	[hbm4b:s13+s14] =	stream.linear.scatter [tilespmem:s1], [sflag:$0x3], $0x4000, $0x38;
	[tilespmem:$0xEF20] =	vst v63  }
0xa0: {  	_ =	swait.ge [sflag:s15], $0x4000  }
0xa1: {  	[sflag:s15] =	ssyncset.done $0x0  }
0xa2: {  	[sflag:s15] =	ssyncadd.s32 $0xFFFFC000  }
0xa3: {  	[spmem:s2] =	stream.indirect.scatter.add.f32 [tilespmem:s1], [sflag:$0x3], $0x10, s16, s17, $0xb8;
	[tilespmem:$0xEF20] =	vst v63  }
0xa4: {  	_ =	swait.ge [sflag:s15], $0x800  }
0xa5: {  	[sflag:s15] =	ssyncset.done $0x0  }
0xa6: {  	s23 =	simm.s32 $0x9000;
	[sflag:s15] =	ssyncadd.s32 $0xFFFFF800  }
0xa7: {  	[spmem:s2] =	stream.indirect.scatter.add.f32 [tilespmem:s23], [sflag:$0x3], $0x10, s21, s17, $0xb8;
	[tilespmem:$0xEF20] =	vst v63  }
0xa8: {  	_ =	swait.ge [sflag:s15], $0x800  }
0xa9: {  	[sflag:s15] =	ssyncset.done $0x0  }
0xaa: {  	s24 =	simm.s32 $0x9800;
	[sflag:s15] =	ssyncadd.s32 $0xFFFFF800  }
0xab: {  	[spmem:s2] =	stream.indirect.scatter.add.f32 [tilespmem:s24], [sflag:$0x3], $0x10, s26, s17, $0xb8;
	[tilespmem:$0xEF20] =	vst v63  }
0xac: {  	_ =	swait.ge [sflag:s15], $0x800  }
0xad: {  	[sflag:s15] =	ssyncset.done $0x0  }
0xae: {  	s25 =	simm.s32 $0xA000;
	[sflag:s15] =	ssyncadd.s32 $0xFFFFF800  }
0xaf: {  	[spmem:s2] =	stream.indirect.scatter.add.f32 [tilespmem:s25], [sflag:$0x3], $0x10, s31, s17, $0xb8;
	[tilespmem:$0xEF20] =	vst v63  }
0xb0: {  	_ =	swait.ge [sflag:s15], $0x800  }
0xb1: {  	[sflag:s15] =	ssyncset.done $0x0  }
0xb2: {  	s29 =	simm.s32 $0xA800;
	[sflag:s15] =	ssyncadd.s32 $0xFFFFF800  }
0xb3: {  	[spmem:s2] =	stream.indirect.scatter.add.f32 [tilespmem:s29], [sflag:$0x3], $0x10, s12, s17, $0xb8;
	[tilespmem:$0xEF20] =	vst v63  }
0xb4: {  	_ =	swait.ge [sflag:s15], $0x800  }
0xb5: {  	[sflag:s15] =	ssyncset.done $0x0  }
0xb6: {  	[sflag:s15] =	ssyncadd.s32 $0xFFFFF800  }
0xb7: {  	[spmem:s2] =	stream.indirect.scatter.add.f32 [tilespmem:s3], [sflag:$0x3], $0x10, s10, s17, $0xb8;
	[tilespmem:$0xEF20] =	vst v63  }
0xb8: {  	_ =	swait.ge [sflag:s15], $0x800  }
0xb9: {  	[sflag:s15] =	ssyncset.done $0x0  }
0xba: {  	[sflag:s15] =	ssyncadd.s32 $0xFFFFF800  }
0xbb: {  	[spmem:s2] =	stream.indirect.scatter.add.f32 [tilespmem:s18], [sflag:$0x3], $0x10, s20, s17, $0xb8;
	[tilespmem:$0xEF20] =	vst v63  }
0xbc: {  	s22 =	sadd.s32 $0x1, s22;
	_ =	swait.ge [sflag:s15], $0x800  }
0xbd: {  	p0 =	sne.s32 s22, $0xA;
	[sflag:s15] =	ssyncset.done $0x0  }
.Ltmp1:
0xbe: {  	[sflag:s15] =	ssyncadd.s32 $0xFFFFF800;
	(pc) =	sbr.rel @p0 .LBB2_2-.Ltmp1, $4  }
0xbf: {  	[spmem:s2] =	stream.indirect.scatter.add.f32 [tilespmem:s19], [sflag:$0x3], $0x10, s28, s17, $0xb8;
	[tilespmem:$0xEF20] =	vst v63  }
0xc0: {  	_ =	swait.ge [sflag:s15], $0x800  }
0xc1: {  	[sflag:s15] =	ssyncset.done $0x0  }
0xc2: {  	[sflag:s15] =	ssyncadd.s32 $0xFFFFF800  }
0xc3: {  	[bflag:$0x0] =	sbarrier.arrive $0xFFFF  }
0xc4: {  	s22 =	rddreg [dreg:$0x5]  }
0xc5: {  	s9 =	rddreg [dreg:$0x6]  }
0xc6: {  	s13 =	rddreg [dreg:$0x9]  }
0xc7: {  	[hbm:s9], [sflag:s22] =	dma.local [spmem:s13], $0x4E2  }
0xc8: {  	_ =	swait.ge [sflag:s15], $0x4E2  }
0xc9: {  	s25 =	rddreg [dreg:$0xa]  }
0xca: {  	s29 =	rddreg [dreg:$0x7];
	s13 =	sadd.s32 $0x1, s25  }
0xcb: {  	p0 =	sne.s32 s13, s29  }
.Ltmp2:
0xcc: {  	_ = 	snop;
	(pc) =	sbr.rel @p0 .LBB2_1-.Ltmp2, $3  }
0xcd: {  	_ =	sdelay $0x1  }
0xce: {  	[sflag:s15] =	ssyncset.done $0x0  }
0xcf: {  	[sflag:s15] =	ssyncadd.s32 $0xFFFFFB1E  }
0xd0: {  	_ =	sfence.sel $0x180000  }
0xd1: {  	[bflag:$0x0] =	sbarrier.arrive $0xFFFF  }
0xd2: {  	_ =	strace $0x90000047  }
0xd3: {  	s0 =	stileid.u32;
	[bflag:$0x2] =	sbarrier.arrive $0xFFFF  }
0xd4: {  	p0 =	sne.s32 s0, $0x0;
	s0 =	rddreg [dreg:$0x3]  }
0xd5: {  	s0 =	sadd.s32 @!p0 $0x100000, s0  }
0xd6: {  	[sflag:s0] =	ssyncadd.tile.s32 @!p0 $0x1;
	_ =	shalt  }
.Lfunc_end2:
_tile_overlayer_lowered:
.L_overlay_start_2:
0xd7: {  	(tag) =	ssettag $0x2  }
0xd8: {  	s0 =	rddreg [dreg:$0x0];
	s2 =	stileid.u32  }
0xd9: {  	s1 =	rddreg [dreg:$0x1];
	p0 =	sne.s32 s2, $0x0  }
0xda: {  	s3 =	rddreg [dreg:$0x2];
	[bflag:$0x3] =	sbarrier.arrive $0xFFFF;
	s2 =	simm.s32 @!p0 $0x1C03  }
0xdb: {  	[timem:s3], [sflag:s2] =	dma.local @!p0 [hbm:s0], s1  }
0xdc: {  	s0 =	simm.s32 @!p0 $0x3  }
0xdd: {  	_ =	swait.ge @!p0 [sflag:s0], s1  }
0xde: {  	s1 =	ssub.s32 @!p0 $0x0, s1;
	[sflag:s0] =	ssyncset.done @!p0 $0x0  }
0xdf: {  	[sflag:s0] =	ssyncadd.s32 @!p0 s1  }
0xe0: {  	[bflag:$0x3] =	sbarrier.arrive $0xFFFF  }
0xe1: {  	_ =	shalt  }

// kernel: kernel.13.cloned.1.call-start
scs
__scs_entry_jumppad:
0x0: {  	(pc) =	sbr.rel $0x88, $3  }
0x1: {  	(tag) =	ssettag $0x0;
	lr =	simm.s32 $0x1  }
0x2: {  	[smem:$0x3F97] =	sst lr;
	_ =	strace $0xD0000000  }
0x3: {  	_ = 	snop  }
0x4: {  	_ = 	snop  }
0x5: {  	_ = 	snop  }
0x6: {  	_ = 	snop  }
0x7: {  	_ = 	snop  }
__scs_overlays_trampoline_lowered:
0x8: {  	[smem:$0x3FA6] =	sst s0  }
0x9: {  	[smem:$0x3FA7] =	sst s1  }
0xa: {  	[smem:$0x3FA8] =	sst s2  }
0xb: {  	[smem:$0x3FA9] =	sst s3  }
0xc: {  	[smem:$0x3FAA] =	sst s4  }
0xd: {  	[smem:$0x3FAB] =	sst s5  }
0xe: {  	[smem:$0x3FAC] =	sst s6  }
0xf: {  	[smem:$0x3FAD] =	sst s7  }
0x10: {  	[smem:$0x3FAE] =	sst s8  }
0x11: {  	[smem:$0x3FAF] =	sst s9;
	s0 =	simm.s32 @!p0 $0x0  }
0x12: {  	s1 =	sld [smem:$0x3F95];
	s0 =	simm.s32 @p0 $0x1  }
0x13: {  	[smem:$0x3FB0] =	sst s0;
	s0 =	simm.s32 @!p1 $0x0  }
0x14: {  	s2 =	sld [smem:$0x3F94];
	s0 =	simm.s32 @p1 $0x1  }
0x15: {  	[smem:$0x3FB1] =	sst s0;
	s0 =	simm.s32 @!p2 $0x0  }
0x16: {  	s3 =	sld [smem:$0x3FDB];
	s0 =	simm.s32 @p2 $0x1  }
0x17: {  	s4 =	simm.s32 $0x1BF5;
	[smem:$0x3FB3] =	sst s0  }
0x18: {  	s0 =	sld [smem:$0x3F96];
	_ =	swait.ge [sflag:s4], $0x0  }
0x19: {  	s7 =	sld [smem:$0x3F97]  }
0x1a: {  	s8 =	sadd.s32 $0xFFFFE003, lr  }
0x1b: {  	s9 =	sadd.s32 $0xFFFFFEF7, lr;
	s5 =	simm.s32 $0xFFFFFFFF;
	p2 =	slt.u32 s8, $0xFFFFF086  }
0x1c: {  	p1 =	slt.u32 s9, $0xF7A;
	s5 =	simm.s32 @!p2 $0x0  }
0x1d: {  	s5 =	simm.s32 @p1 $0x1;
	p0 =	seq.s32 s7, s2  }
0x1e: {  	s7 =	smul.u32 @!p0 $0xF7A, s2;
	p2 =	seq.s32 @!p0 s5, $0x0  }
0x1f: {  	s9 =	smul.u32 $0xF7A, s1;
	s8 =	simm.s32 @!p0 $0x1BF5;
	p2 =	por !p2, p0  }
0x20: {  	[sflag:s8] =	ssyncset.s32 @!p0 $0xFFFFF086;
	s6 =	sadd.s32 @!p0 s3, s7;
	s7 =	simm.s32 @!p0 $0x108  }
0x21: {  	s3 =	sadd.s32 s3, s9;
	s6 =	sadd.s32 @!p0 $0x88, s6;
	s7 =	simm.s32 @p2 $0x1082  }
0x22: {  	[simem:s7], [sflag:s8] =	dma.local @!p0 [hbm:s6], $0xF7A  }
0x23: {  	s9 =	sor.u32 $0xD0000000, s2;
	s6 =	simm.s32 $0x108;
	_ =	swait.ge @!p0 [sflag:s8], $0x0  }
0x24: {  	s3 =	sadd.s32 $0x88, s3;
	s6 =	simm.s32 @!p1 $0x1082;
	[sflag:s4] =	ssyncset.s32 $0xFFFFF086  }
0x25: {  	[simem:s6], [sflag:s4] =	dma.local [hbm:s3], $0xF7A  }
0x26: {  	[smem:$0x3F97] =	sst s1;
	(tag) =	ssettag s2;
	_ =	strace s9  }
0x27: {  	s1 =	sld [smem:$0x3FA7]  }
0x28: {  	s2 =	sld [smem:$0x3FA8]  }
0x29: {  	s4 =	sld [smem:$0x3FAA]  }
0x2a: {  	p0 =	seq.s32 s5, $0x0;
	s5 =	sld [smem:$0x3FAB]  }
0x2b: {  	s6 =	sld [smem:$0x3FAC]  }
0x2c: {  	s7 =	sld [smem:$0x3FAD]  }
0x2d: {  	s3 =	simm.s32 $0x108;
	s8 =	sld [smem:$0x3FAE]  }
0x2e: {  	s3 =	simm.s32 @!p0 $0x1082;
	s9 =	sld [smem:$0x3FAF]  }
0x2f: {  	lr =	sadd.s32 s0, s3;
	s0 =	sld [smem:$0x3FA6]  }
0x30: {  	s3 =	sld [smem:$0x3FA9]  }
0x31: {  	[smem:$0x3FB2] =	sst s10  }
0x32: {  	s10 =	sld [smem:$0x3FB0];
	_ =	sdelay $0x3  }
0x33: {  	p0 =	seq.s32 s10, $0x1;
	s10 =	sld [smem:$0x3FB2];
	_ =	sdelay $0x3  }
0x34: {  	[smem:$0x3FB2] =	sst s10  }
0x35: {  	s10 =	sld [smem:$0x3FB1];
	_ =	sdelay $0x3  }
0x36: {  	p1 =	seq.s32 s10, $0x1;
	s10 =	sld [smem:$0x3FB2];
	_ =	sdelay $0x3  }
0x37: {  	[smem:$0x3FB2] =	sst s10  }
0x38: {  	s10 =	sld [smem:$0x3FB3]  }
0x39: {  	_ = 	snop;
	(pc) =	sbr.ind lr, $3  }
0x3a: {  	_ = 	snop  }
0x3b: {  	_ = 	snop  }
0x3c: {  	p2 =	seq.s32 s10, $0x1;
	s10 =	sld [smem:$0x3FB2]  }
0x3d: {  	_ =	shalt  }
0x3e: {  	_ =	shalt  }
0x3f: {  	_ =	shalt  }
0x40: {  	_ =	shalt  }
0x41: {  	_ =	shalt  }
0x42: {  	_ =	shalt  }
0x43: {  	_ =	shalt  }
0x44: {  	_ =	shalt  }
0x45: {  	_ =	shalt  }
0x46: {  	_ =	shalt  }
0x47: {  	_ =	shalt  }
0x48: {  	_ =	shalt  }
0x49: {  	_ =	shalt  }
0x4a: {  	_ =	shalt  }
0x4b: {  	_ =	shalt  }
0x4c: {  	_ =	shalt  }
0x4d: {  	_ =	shalt  }
0x4e: {  	_ =	shalt  }
0x4f: {  	_ =	shalt  }
0x50: {  	_ =	shalt  }
0x51: {  	_ =	shalt  }
0x52: {  	_ =	shalt  }
0x53: {  	_ =	shalt  }
0x54: {  	_ =	shalt  }
0x55: {  	_ =	shalt  }
0x56: {  	_ =	shalt  }
0x57: {  	_ =	shalt  }
0x58: {  	_ =	shalt  }
0x59: {  	_ =	shalt  }
0x5a: {  	_ =	shalt  }
0x5b: {  	_ =	shalt  }
0x5c: {  	_ =	shalt  }
0x5d: {  	_ =	shalt  }
0x5e: {  	_ =	shalt  }
0x5f: {  	_ =	shalt  }
0x60: {  	_ =	shalt  }
0x61: {  	_ =	shalt  }
0x62: {  	_ =	shalt  }
0x63: {  	_ =	shalt  }
0x64: {  	_ =	shalt  }
0x65: {  	_ =	shalt  }
0x66: {  	_ =	shalt  }
0x67: {  	_ =	shalt  }
0x68: {  	_ =	shalt  }
0x69: {  	_ =	shalt  }
0x6a: {  	_ =	shalt  }
0x6b: {  	_ =	shalt  }
0x6c: {  	_ =	shalt  }
0x6d: {  	_ =	shalt  }
0x6e: {  	_ =	shalt  }
0x6f: {  	_ =	shalt  }
0x70: {  	_ =	shalt  }
0x71: {  	_ =	shalt  }
0x72: {  	_ =	shalt  }
0x73: {  	_ =	shalt  }
0x74: {  	_ =	shalt  }
0x75: {  	_ =	shalt  }
0x76: {  	_ =	shalt  }
0x77: {  	_ =	shalt  }
0x78: {  	_ =	shalt  }
0x79: {  	_ =	shalt  }
0x7a: {  	_ =	shalt  }
0x7b: {  	_ =	shalt  }
0x7c: {  	_ =	shalt  }
0x7d: {  	_ =	shalt  }
0x7e: {  	_ =	shalt  }
0x7f: {  	_ =	shalt  }
0x80: {  	_ =	shalt  }
0x81: {  	_ =	shalt  }
0x82: {  	_ =	shalt  }
0x83: {  	_ =	shalt  }
0x84: {  	_ =	shalt  }
0x85: {  	_ =	shalt  }
0x86: {  	_ =	shalt  }
0x87: {  	_ =	shalt  }
.Lfunc_end0:
.L_simem_size_0:
called_computation.1_lowered:
.L_overlay_start_0:
0x88: {  	s2 =	sld [smem:$0x3FD9]  }
0x89: {  	s3 =	sld [smem:$0x3FFE];
	_ =	sdelay $0x1  }
0x8a: {  	s1 =	srdreg.scid  }
0x8b: {  	s0 =	sand.u32 $0x1, s1  }
0x8c: {  	s16 =	sshll.u32 s0, $0xA;
	s2 =	sadd.s32 s3, s2  }
0x8d: {  	s2 =	sadd.s32 s2, s16  }
0x8e: {  	[smem:$0x3FBE] =	sst s2  }
0x8f: {  	_ = 	snop  }
0x90: {  	(tm) =	ssettm $0x1  }
0x91: {  	s17 =	sld [smem:$0x3FFB];
	_ =	sdelay $0x3  }
0x92: {  	_ =	strace s17  }
0x93: {  	s2 =	sld [smem:$0x3FFC];
	_ =	sdelay $0x3  }
0x94: {  	_ =	strace s2  }
0x95: {  	s2 =	sld [smem:$0x3FFD];
	_ =	sdelay $0x3  }
0x96: {  	_ =	strace s2  }
0x97: {  	_ =	strace $0x8FFFFFFF  }
0x98: {  	s18 =	sld [smem:$0x3FDB];
	_ =	sdelay $0x1  }
0x99: {  	s19 =	simm.s32 $_scs_section_size  }
0x9a: {  	s4 =	simm.s32 $_size__tile_overlayer_lowered;
	s5 =	simm.s32 $_tile_overlayer_lowered  }
0x9b: {  	s22 =	simm.s32 $0x1BFF;
	s21 =	sshll.u32 s5, $0x1;
	s2 =	sadd.s32 s19, s18  }
0x9c: {  	s6 =	simm.s32 $0x0;
	s20 =	sshll.u32 s4, $0x1;
	s4 =	sadd.s32 s21, s2  }
0x9d: {  	[timem:s6], [sflag:s22] =	dma.local [hbm:s4], s20  }
0x9e: {  	_ =	swait.ge [sflag:s22], s20  }
0x9f: {  	s3 =	ssub.s32 $0x0, s20;
	[sflag:s22] =	ssyncset.done $0x0  }
0xa0: {  	[sflag:s22] =	ssyncadd.s32 s3;
	_ =	sdelay $0x1  }
0xa1: {  	s23 =	simm.s32 $0x1B8B  }
0xa2: {  	_ =	swait.ge [sflag:s23], $0x1  }
0xa3: {  	[sflag:s23] =	ssyncset.done $0x0  }
0xa4: {  	s25 =	simm.s32 $0x1B8E;
	s24 =	sld [smem:$0x3FFE];
	[sflag:s23] =	ssyncadd.s32 $0xFFFFFFFF  }
0xa5: {  	s26 =	simm.s32 $execute0_lowered;
	[smem:$0x3FD2] =	sst s25  }
0xa6: {  	s4 =	sshll.u32 s26, $0x1;
	_ =	strace $0x80000049;
	[dreg:$0x1] =	wrdreg $0xFFFFFFFF  }
0xa7: {  	s28 =	simm.s32 $_size_execute0_lowered;
	s2 =	sadd.s32 s2, s4;
	[dreg:$0x0] =	wrdreg $0x0  }
0xa8: {  	s4 =	sshll.u32 s28, $0x1;
	[dreg:$0x2] =	wrdreg s2  }
0xa9: {  	[dreg:$0x3] =	wrdreg s4  }
0xaa: {  	[dreg:$0x4] =	wrdreg $0xC0  }
0xab: {  	_ =	task [dreg:s6], $0x5FFFF  }
0xac: {  	[dreg:$0x1] =	wrdreg $0xFFFFFFFF  }
0xad: {  	[dreg:$0x0] =	wrdreg $0x60  }
0xae: {  	[dreg:$0x2] =	wrdreg s24  }
0xaf: {  	[dreg:$0x3] =	wrdreg $0xA6000  }
0xb0: {  	[dreg:$0x4] =	wrdreg $0x9  }
0xb1: {  	_ =	task.clear_ibuf [dreg:s6], $0x5FFFF;
	_ =	strace $0x90000049  }
0xb2: {  	s29 =	simm.s32 $0x9;
	_ =	strace $0x8000004B  }
0xb3: {  	_ =	swait.ge [sflag:s29], $0x1  }
0xb4: {  	[sflag:s29] =	ssyncadd.s32 $0xFFFFFFFF  }
0xb5: {  	_ =	strace $0x9000004B  }
0xb6: {  	_ =	sfence  }
0xb7: {  	s30 =	sld [smem:$0x0];
	_ =	sdelay $0x2  }
0xb8: {  	s31 =	sshll.u32 s1, $0xD;
	s1 =	sshrl.u32 s1, $0x2  }
0xb9: {  	s3 =	sand.u32 $0x4000, s31;
	s1 =	sadd.s32 s1, s30  }
0xba: {  	s0 =	sor.u32 s3, s0;
	s1 =	sshll.u32 s1, $0x11  }
0xbb: {  	s0 =	sor.u32 s1, s0  }
0xbc: {  	s0 =	sadd.s32 $0x8F2B, s0  }
0xbd: {  	[sflag:s0] =	ssyncadd.remote.s32 $0x1  }
0xbe: {  	_ =	sfence.sel $0xFFFF  }
0xbf: {  	[dreg:$0x0] =	wrdreg $0xFFFFFFFF;
	(pc) =	sbr.abs _section_cstart, $3  }
0xc0: {  	[dreg:$0x1] =	wrdreg $0xFFFFFFFF  }
0xc1: {  	_ =	task.clear_ibuf [dreg:s6], $0x2FFFF;
	_ =	strace $0x9FFFFFFF  }
0xc2: {  	(tm) =	ssettm $0x7FFFFFFF  }
0xc3: {  	_ =	shalt  }
tec
execute0_lowered:
.L_overlay_start_1:
0x0: {  	(tag) =	ssettag $0x1  }
0x1: {  	s0 =	rddreg [dreg:$0x0]  }
0x2: {  	s1 =	rddreg [dreg:$0x1]  }
0x3: {  	s3 =	simm.s32 $0x0;
	s16 =	stileid.u32;
	s7 =	srdreg.scid  }
0x4: {  	s28 =	simm.s32 $0x6600;
	s29 =	simm.s32 $0x580;
	s30 =	simm.s32 $0x8600  }
0x5: {  	s31 =	simm.s32 $0x1;
	[smem:$0x7FF] =	sst s3;
	s4 =	sadd.s32 $0x161C00, s0  }
0x6: {  	s2 =	smul.u32 $0x9C80, s16;
	s5 =	sadd.s32 $0xB2C00, s0;
	s6 =	sadd.s32 $0xA8C00, s0  }
0x7: {  	s9 =	sand.u32 $0x1, s7;
	s7 =	sadd.s32 $0xC1C00, s0;
	s13 =	smul.u32 $0x271, s16  }
0x8: {  	s26 =	smul.u32 $0x27100, s16;
	_ =	strace $0x8000004A;
	s10 =	ssub.s32 $0x2, s9  }
0x9: {  	s14 =	sshll.u32 s9, $0x2;
	s24 =	smul.u32 $0x9C40, s9;
	s9 =	sshllo.u32 s9, $0x2  }
0xa: {  	s8 =	sshrl.u32 s2, $0x3;
	s12 =	sshrl.u32 s10, $0x1;
	s2 =	sadd.s32 s2, s1  }
0xb: {  	s15 =	sor.u32 $0x1, s14;
	s25 =	sor.u32 $0x2, s14;
	s20 =	smul.u32 $0x2710, s9  }
0xc: {  	s11 =	sadd.s32 s8, s0;
	s8 =	smul.u32 $0x5000, s16;
	s0 =	sadd.s32 $0x211A00, s0  }
0xd: {  	s12 =	ssub.s32 s10, s12;
	s16 =	sshll.u32 s16, $0x6;
	s17 =	smul.u32 $0x2710, s15  }
0xe: {  	s10 =	sadd.s32 s13, s24;
	s18 =	smul.u32 $0x2710, s25;
	v2 =	vmov s25;
	s25 =	simm.s32 $0x4600  }
0xf: {  	s11 =	sadd.s32 $0x1FE000, s11;
	s19 =	sshll.u32 s10, $0x3;
	s10 =	sor.u32 $0x1C02, s16  }
0x10: {  	s24 =	smax.u32 s12, $0x1;
	[dreg:$0x3] =	wrdreg s11;
	s11 =	sshrl.u32 s26, $0x2  }
0x11: {  	s19 =	sadd.s32 s0, s19;
	s21 =	sadd.s32 s13, s17;
	s22 =	sadd.s32 s13, s18  }
0x12: {  	s13 =	sadd.s32 s13, s20;
	[dreg:$0x9] =	wrdreg s24;
	s26 =	sshrl.u32 s2, $0x3  }
0x13: {  	s18 =	simm.s32 $0x2;
	s20 =	simm.s32 $0x600;
	s24 =	simm.s32 $0x480  }
0x14: {  	s2 =	simm.s32 $0x300;
	[dreg:$0x4] =	wrdreg s19;
	s11 =	sadd.s32 s11, s1  }
0x15: {  	s16 =	sshll.u32 s22, $0x3;
	s13 =	sshll.u32 s13, $0x3;
	[dreg:$0xa] =	wrdreg s26  }
0x16: {  	s19 =	simm.s32 $0x200;
	s22 =	simm.s32 $0x400;
	s26 =	simm.s32 $0x500  }
0x17: {  	[dreg:$0x5] =	wrdreg s11;
	s11 =	sshll.u32 s21, $0x3;
	s23 =	sadd.s32 s0, s16  }
0x18: {  	v0 =	vmov s14;
	v3 =	vmov s9;
	s21 =	simm.s32 $0x80;
	s11 =	sadd.s32 s0, s11;
	[dreg:$0x7] =	wrdreg s23  }
0x19: {  	v1 =	vmov s15;
	v4 =	vbroadcast v0, $0x0;
	v7 =	vbroadcast v3, $0x0;
	s0 =	sadd.s32 s0, s13;
	s23 =	simm.s32 $0x2600;
	[dreg:$0x6] =	wrdreg s11  }
0x1a: {  	v5 =	vbroadcast v1, $0x0;
	v6 =	vbroadcast v2, $0x0;
	[dreg:$0x8] =	wrdreg s0;
	s0 =	simm.s32 $0x280;
	s11 =	simm.s32 $0x380  }
.LBB2_1:
0x1b: {  	s9 =	rddreg [dreg:$0x3]  }
0x1c: {  	s12 =	rddreg [dreg:$0xa]  }
0x1d: {  	[spmem:s12], [sflag:s10] =	dma.local [hbm:s9], $0x1390  }
0x1e: {  	_ =	swait.ge [sflag:s18], $0x1390  }
0x1f: {  	[sflag:s18] =	ssyncset.done $0x0  }
0x20: {  	[sflag:s18] =	ssyncadd.s32 $0xFFFFEC70  }
0x21: {  	s12 =	simm.s32 $0x0;
	[bflag:$0x0] =	sbarrier.arrive $0xFFFF  }
.LBB2_2:
0x22: {  	s9 =	sshll.u32 s12, $0x9  }
0x23: {  	s9 =	sadd.s32 s8, s9  }
0x24: {  	s13 =	sshrl.u32 s9, $0x3  }
0x25: {  	s15 =	simm.s32 $0x0;
	s14 =	sadd.s32 s5, s13  }
0x26: {  	[tilespmem:s15], [sflag:$0x2] =	stream.linear.gather [hbm4b:s14+s15], $0x200, $0x38;
	[tilespmem:$0x14280] =	vst v63  }
0x27: {  	_ =	swait.ge [sflag:s18], $0x200  }
0x28: {  	[sflag:s18] =	ssyncset.done $0x0  }
0x29: {  	s13 =	sadd.s32 s6, s13;
	[sflag:s18] =	ssyncadd.s32 $0xFFFFFE00  }
0x2a: {  	[tilespmem:s19], [sflag:$0x2] =	stream.linear.gather [hbm4b:s13+s15], $0x200, $0x38;
	[tilespmem:$0x14280] =	vst v63  }
0x2b: {  	_ =	swait.ge [sflag:s18], $0x200  }
0x2c: {  	s9 =	sshll.u32 s9, $0x1;
	[sflag:s18] =	ssyncset.done $0x0  }
0x2d: {  	s9 =	sadd.s32 s7, s9;
	[sflag:s18] =	ssyncadd.s32 $0xFFFFFE00  }
0x2e: {  	[tilespmem:s20], [sflag:$0x2] =	stream.linear.gather [hbm4b:s9+s15], $0x2000, $0x38;
	[tilespmem:$0x14280] =	vst v63  }
0x2f: {  	_ =	swait.ge [sflag:s18], $0x2000  }
0x30: {  	[sflag:s18] =	ssyncset.done $0x0  }
0x31: {  	[sflag:s18] =	ssyncadd.s32 $0xFFFFE000  }
0x32: {  	v8 =	vld [tilespmem:$0x0]  }
0x33: {  	v9 =	vld [tilespmem:$0x10]  }
0x34: {  	v10 =	vld [tilespmem:$0x20]  }
0x35: {  	v11 =	vld [tilespmem:$0x30]  }
0x36: {  	v12 =	vld [tilespmem:$0x40]  }
0x37: {  	v13 =	vld [tilespmem:$0x50];
	v8 =	vshll.u32 v8, $0x3  }
0x38: {  	v14 =	vld [tilespmem:$0x60];
	v9 =	vshll.u32 v9, $0x3;
	v8 =	vor.u32 v0, v8  }
0x39: {  	[tilespmem:$0x400] =	vst v8;
	v8 =	vor.u32 v0, v9;
	v9 =	vshll.u32 v10, $0x3;
	v10 =	vld [tilespmem:$0x70]  }
0x3a: {  	[tilespmem:$0x410] =	vst v8;
	v8 =	vor.u32 v0, v9;
	v9 =	vshll.u32 v11, $0x3;
	v11 =	vld [tilespmem:$0x80]  }
0x3b: {  	v49 =	vld [tilespmem:$0x90];
	[tilespmem:$0x420] =	vst v8;
	v8 =	vor.u32 v0, v9;
	v9 =	vshll.u32 v12, $0x3  }
0x3c: {  	v50 =	vld [tilespmem:$0xA0];
	[tilespmem:$0x430] =	vst v8;
	v8 =	vor.u32 v0, v9;
	v9 =	vshll.u32 v13, $0x3  }
0x3d: {  	v51 =	vld [tilespmem:$0xB0];
	[tilespmem:$0x440] =	vst v8;
	v8 =	vor.u32 v0, v9;
	v9 =	vshll.u32 v14, $0x3  }
0x3e: {  	[tilespmem:$0x450] =	vst v8;
	v8 =	vor.u32 v0, v9;
	v9 =	vshll.u32 v10, $0x3;
	v10 =	vld [tilespmem:$0xC0]  }
0x3f: {  	[tilespmem:$0x460] =	vst v8;
	v8 =	vor.u32 v0, v9;
	v9 =	vshll.u32 v11, $0x3;
	v11 =	vld [tilespmem:$0xD0]  }
0x40: {  	v52 =	vld [tilespmem:$0xE0];
	[tilespmem:$0x470] =	vst v8;
	v8 =	vor.u32 v0, v9;
	v9 =	vshll.u32 v49, $0x3  }
0x41: {  	v53 =	vld [tilespmem:$0xF0];
	[tilespmem:$0x480] =	vst v8;
	v8 =	vor.u32 v0, v9;
	v9 =	vshll.u32 v50, $0x3  }
0x42: {  	v54 =	vld [tilespmem:$0x100];
	[tilespmem:$0x490] =	vst v8;
	v8 =	vor.u32 v0, v9;
	v9 =	vshll.u32 v51, $0x3  }
0x43: {  	[tilespmem:$0x4A0] =	vst v8;
	v8 =	vor.u32 v0, v9;
	v9 =	vshll.u32 v10, $0x3;
	v10 =	vld [tilespmem:$0x110]  }
0x44: {  	[tilespmem:$0x4B0] =	vst v8;
	v8 =	vor.u32 v0, v9;
	v9 =	vshll.u32 v11, $0x3;
	v11 =	vld [tilespmem:$0x120]  }
0x45: {  	v55 =	vld [tilespmem:$0x130];
	[tilespmem:$0x4C0] =	vst v8;
	v8 =	vor.u32 v0, v9;
	v9 =	vshll.u32 v52, $0x3  }
0x46: {  	v56 =	vld [tilespmem:$0x140];
	[tilespmem:$0x4D0] =	vst v8;
	v8 =	vor.u32 v0, v9;
	v9 =	vshll.u32 v53, $0x3  }
0x47: {  	v57 =	vld [tilespmem:$0x150];
	[tilespmem:$0x4E0] =	vst v8;
	v8 =	vor.u32 v0, v9;
	v9 =	vshll.u32 v54, $0x3  }
0x48: {  	[tilespmem:$0x4F0] =	vst v8;
	v8 =	vor.u32 v0, v9;
	v9 =	vshll.u32 v10, $0x3;
	v10 =	vld [tilespmem:$0x160]  }
0x49: {  	[tilespmem:$0x500] =	vst v8;
	v8 =	vor.u32 v0, v9;
	v9 =	vshll.u32 v11, $0x3;
	v11 =	vld [tilespmem:$0x170]  }
0x4a: {  	v58 =	vld [tilespmem:$0x180];
	[tilespmem:$0x510] =	vst v8;
	v8 =	vor.u32 v0, v9;
	v9 =	vshll.u32 v55, $0x3  }
0x4b: {  	v59 =	vld [tilespmem:$0x190];
	[tilespmem:$0x520] =	vst v8;
	v8 =	vor.u32 v0, v9;
	v9 =	vshll.u32 v56, $0x3  }
0x4c: {  	v60 =	vld [tilespmem:$0x1A0];
	[tilespmem:$0x530] =	vst v8;
	v8 =	vor.u32 v0, v9;
	v9 =	vshll.u32 v57, $0x3  }
0x4d: {  	[tilespmem:$0x540] =	vst v8;
	v8 =	vor.u32 v0, v9;
	v9 =	vshll.u32 v10, $0x3;
	v10 =	vld [tilespmem:$0x1B0]  }
0x4e: {  	[tilespmem:$0x550] =	vst v8;
	v8 =	vor.u32 v0, v9;
	v9 =	vshll.u32 v11, $0x3;
	v11 =	vld [tilespmem:$0x1C0]  }
0x4f: {  	v61 =	vld [tilespmem:$0x1D0];
	[tilespmem:$0x560] =	vst v8;
	v8 =	vor.u32 v0, v9;
	v9 =	vshll.u32 v58, $0x3  }
0x50: {  	v62 =	vld [tilespmem:$0x1E0];
	[tilespmem:$0x570] =	vst v8;
	v8 =	vor.u32 v0, v9;
	v9 =	vshll.u32 v59, $0x3  }
0x51: {  	v63 =	vld [tilespmem:$0x1F0];
	[tilespmem:$0x580] =	vst v8;
	v8 =	vor.u32 v0, v9;
	v9 =	vshll.u32 v60, $0x3  }
0x52: {  	[tilespmem:$0x590] =	vst v8;
	v8 =	vor.u32 v0, v9;
	v9 =	vshll.u32 v10, $0x3  }
0x53: {  	[tilespmem:$0x5A0] =	vst v8;
	v8 =	vor.u32 v0, v9;
	v9 =	vshll.u32 v11, $0x3  }
0x54: {  	[tilespmem:$0x5B0] =	vst v8;
	v8 =	vor.u32 v0, v9;
	v9 =	vshll.u32 v61, $0x3  }
0x55: {  	[tilespmem:$0x5C0] =	vst v8;
	v8 =	vor.u32 v0, v9;
	v9 =	vshll.u32 v62, $0x3  }
0x56: {  	[tilespmem:$0x5D0] =	vst v8;
	v8 =	vor.u32 v0, v9;
	v9 =	vshll.u32 v63, $0x3  }
0x57: {  	[tilespmem:$0x5E0] =	vst v8;
	v8 =	vor.u32 v0, v9  }
0x58: {  	[tilespmem:$0x5F0] =	vst v8  }
0x59: {  	[tilespmem:s23], [sflag:$0x1] =	stream.indirect.gather [hbm4b:s4+s21], $0x40, s22, s21, $0xb8;
	[tilespmem:$0x14280] =	vst v63  }
0x5a: {  	_ = 	snop  }
0x5b: {  	[tilespmem:s25], [sflag:$0x1] =	stream.indirect.gather [hbm4b:s4+s21], $0x40, s24, s21, $0xb8;
	[tilespmem:$0x14280] =	vst v63  }
0x5c: {  	_ = 	snop  }
0x5d: {  	[tilespmem:s28], [sflag:$0x1] =	stream.indirect.gather [hbm4b:s4+s21], $0x40, s26, s21, $0xb8;
	[tilespmem:$0x14280] =	vst v63  }
0x5e: {  	_ = 	snop  }
0x5f: {  	[tilespmem:s30], [sflag:$0x1] =	stream.indirect.gather [hbm4b:s4+s21], $0x40, s29, s21, $0xb8;
	[tilespmem:$0x14280] =	vst v63  }
0x60: {  	_ =	swait.ge [sflag:s31], $0x2000  }
0x61: {  	[sflag:s31] =	ssyncset.done $0x0  }
0x62: {  	[sflag:s31] =	ssyncadd.s32 $0xFFFFE000  }
0x63: {  	_ =	swait.ge [sflag:s31], $0x2000  }
0x64: {  	[sflag:s31] =	ssyncset.done $0x0  }
0x65: {  	[sflag:s31] =	ssyncadd.s32 $0xFFFFE000  }
0x66: {  	_ =	swait.ge [sflag:s31], $0x2000  }
0x67: {  	[sflag:s31] =	ssyncset.done $0x0  }
0x68: {  	[sflag:s31] =	ssyncadd.s32 $0xFFFFE000  }
0x69: {  	_ =	swait.ge [sflag:s31], $0x2000  }
0x6a: {  	[sflag:s31] =	ssyncset.done $0x0  }
0x6b: {  	s13 =	simm.s32 $0x2620;
	[sflag:s31] =	ssyncadd.s32 $0xFFFFE000  }
0x6c: {  	s14 =	simm.s32 $0x2620;
	s9 =	simm.s32 $0x0;
	s15 =	simm.s32 $0x40;
	v8 =	vld [tilespmem:s13+$0xFFFFFFF0]  }
.LBB2_3:
0x6d: {  	p0 =	sne.s32 s15, $0x7FC0;
	v9 =	vld [tilespmem:s9+$0x600]  }
0x6e: {  	v10 =	vld [tilespmem:s13+$0x10]  }
0x6f: {  	v11 =	vld [tilespmem:s13+$0xFFFFFFE0]  }
0x70: {  	v12 =	vld [tilespmem:s13+$0x0];
	_ =	sdelay $0x1  }
0x71: {  	v9 =	vperm.xlane v9, v4;
	_ =	sdelay $0x1  }
0x72: {  	v11 =	vmul.f32 v11, v9;
	v8 =	vmul.f32 v8, v9  }
.Ltmp0:
0x73: {  	v12 =	vmul.f32 v12, v9;
	v9 =	vmul.f32 v10, v9;
	(pc) =	sbr.rel @p0 .LBB2_3-.Ltmp0, $4  }
0x74: {  	[tilespmem:s13+$0xFFFFFFE0] =	vst v11  }
0x75: {  	[tilespmem:s13+$0xFFFFFFF0] =	vst v8  }
0x76: {  	s13 =	sadd.s32 $0x40, s13;
	[tilespmem:s14+$0x0] =	vst v12  }
0x77: {  	s9 =	sshra.s32 s15, $0x2;
	s15 =	sadd.s32 $0x40, s15;
	v8 =	vld [tilespmem:s13+$0xFFFFFFF0];
	[tilespmem:s14+$0x10] =	vst v9;
	s14 =	smov.u32 s13  }
0x78: {  	v9 =	vld [tilespmem:s9+$0x600];
	_ =	sdelay $0x1  }
0x79: {  	v10 =	vld [tilespmem:s13+$0xFFFFFFE0];
	_ =	sdelay $0x1  }
0x7a: {  	v11 =	vld [tilespmem:s13+$0x0]  }
0x7b: {  	v12 =	vld [tilespmem:s13+$0x10];
	v9 =	vperm.xlane v9, v4;
	_ =	sdelay $0x1  }
0x7c: {  	v10 =	vmul.f32 v10, v9  }
0x7d: {  	v8 =	vmul.f32 v8, v9  }
0x7e: {  	v11 =	vmul.f32 v11, v9;
	[tilespmem:s13+$0xFFFFFFE0] =	vst v10  }
0x7f: {  	v9 =	vmul.f32 v12, v9;
	[tilespmem:s13+$0xFFFFFFF0] =	vst v8  }
0x80: {  	[tilespmem:s14+$0x0] =	vst v11  }
0x81: {  	[tilespmem:s14+$0x10] =	vst v9  }
0x82: {  	[spmem:s1] =	stream.indirect.scatter.add.f32 [tilespmem:s23], [sflag:$0x2], $0x40, s19, s21, $0xb8;
	[tilespmem:$0x14280] =	vst v63  }
0x83: {  	_ =	swait.ge [sflag:s18], $0x2000  }
0x84: {  	[sflag:s18] =	ssyncset.done $0x0  }
0x85: {  	[sflag:s18] =	ssyncadd.s32 $0xFFFFE000  }
0x86: {  	[spmem:s1] =	stream.indirect.scatter.add.f32 [tilespmem:s25], [sflag:$0x2], $0x40, s0, s21, $0xb8;
	[tilespmem:$0x14280] =	vst v63  }
0x87: {  	_ =	swait.ge [sflag:s18], $0x2000  }
0x88: {  	[sflag:s18] =	ssyncset.done $0x0  }
0x89: {  	[sflag:s18] =	ssyncadd.s32 $0xFFFFE000  }
0x8a: {  	[spmem:s1] =	stream.indirect.scatter.add.f32 [tilespmem:s28], [sflag:$0x2], $0x40, s2, s21, $0xb8;
	[tilespmem:$0x14280] =	vst v63  }
0x8b: {  	s12 =	sadd.s32 $0x1, s12;
	_ =	swait.ge [sflag:s18], $0x2000  }
0x8c: {  	p0 =	sne.s32 s12, $0x28;
	[sflag:s18] =	ssyncset.done $0x0  }
.Ltmp1:
0x8d: {  	[sflag:s18] =	ssyncadd.s32 $0xFFFFE000;
	(pc) =	sbr.rel @p0 .LBB2_2-.Ltmp1, $4  }
0x8e: {  	[spmem:s1] =	stream.indirect.scatter.add.f32 [tilespmem:s30], [sflag:$0x2], $0x40, s11, s21, $0xb8;
	[tilespmem:$0x14280] =	vst v63  }
0x8f: {  	_ =	swait.ge [sflag:s18], $0x2000  }
0x90: {  	[sflag:s18] =	ssyncset.done $0x0  }
0x91: {  	[sflag:s18] =	ssyncadd.s32 $0xFFFFE000  }
0x92: {  	[bflag:$0x0] =	sbarrier.arrive $0xFFFF  }
0x93: {  	s9 =	rddreg [dreg:$0x5]  }
0x94: {  	s16 =	rddreg [dreg:$0x4];
	s12 =	sshrl.u32 s9, $0x3  }
0x95: {  	[hbm:s16], [sflag:s10] =	dma.local [spmem:s12], $0x1388  }
0x96: {  	_ =	swait.ge [sflag:s18], $0x1388  }
0x97: {  	[sflag:s18] =	ssyncset.done $0x0  }
0x98: {  	[sflag:s18] =	ssyncadd.s32 $0xFFFFEC78  }
0x99: {  	[bflag:$0x0] =	sbarrier.arrive $0xFFFF  }
0x9a: {  	s17 =	rddreg [dreg:$0x3]  }
0x9b: {  	s13 =	rddreg [dreg:$0xa]  }
0x9c: {  	[spmem:s13], [sflag:s10] =	dma.local [hbm:s17], $0x1390  }
0x9d: {  	_ =	swait.ge [sflag:s18], $0x1390  }
0x9e: {  	[sflag:s18] =	ssyncset.done $0x0  }
0x9f: {  	[sflag:s18] =	ssyncadd.s32 $0xFFFFEC70  }
0xa0: {  	s14 =	simm.s32 $0x0;
	s13 =	simm.s32 $0x0;
	[bflag:$0x0] =	sbarrier.arrive $0xFFFF  }
.LBB2_6:
0xa1: {  	s9 =	sshll.u32 s14, $0x9  }
0xa2: {  	s9 =	sadd.s32 s8, s9  }
0xa3: {  	s15 =	sshrl.u32 s9, $0x3  }
0xa4: {  	s16 =	sadd.s32 s5, s15  }
0xa5: {  	[tilespmem:s13], [sflag:$0x2] =	stream.linear.gather [hbm4b:s16+s13], $0x200, $0x38;
	[tilespmem:$0x14280] =	vst v63  }
0xa6: {  	_ =	swait.ge [sflag:s18], $0x200  }
0xa7: {  	[sflag:s18] =	ssyncset.done $0x0  }
0xa8: {  	s15 =	sadd.s32 s6, s15;
	[sflag:s18] =	ssyncadd.s32 $0xFFFFFE00  }
0xa9: {  	[tilespmem:s19], [sflag:$0x2] =	stream.linear.gather [hbm4b:s15+s13], $0x200, $0x38;
	[tilespmem:$0x14280] =	vst v63  }
0xaa: {  	_ =	swait.ge [sflag:s18], $0x200  }
0xab: {  	s9 =	sshll.u32 s9, $0x1;
	[sflag:s18] =	ssyncset.done $0x0  }
0xac: {  	s9 =	sadd.s32 s7, s9;
	[sflag:s18] =	ssyncadd.s32 $0xFFFFFE00  }
0xad: {  	[tilespmem:s20], [sflag:$0x2] =	stream.linear.gather [hbm4b:s9+s13], $0x2000, $0x38;
	[tilespmem:$0x14280] =	vst v63  }
0xae: {  	_ =	swait.ge [sflag:s18], $0x2000  }
0xaf: {  	[sflag:s18] =	ssyncset.done $0x0  }
0xb0: {  	[sflag:s18] =	ssyncadd.s32 $0xFFFFE000  }
0xb1: {  	v8 =	vld [tilespmem:$0x0]  }
0xb2: {  	v9 =	vld [tilespmem:$0x10]  }
0xb3: {  	v10 =	vld [tilespmem:$0x20]  }
0xb4: {  	v11 =	vld [tilespmem:$0x30]  }
0xb5: {  	v12 =	vld [tilespmem:$0x40]  }
0xb6: {  	v13 =	vld [tilespmem:$0x50];
	v8 =	vshll.u32 v8, $0x3  }
0xb7: {  	v14 =	vld [tilespmem:$0x60];
	v9 =	vshll.u32 v9, $0x3;
	v8 =	vor.u32 v1, v8  }
0xb8: {  	[tilespmem:$0x400] =	vst v8;
	v8 =	vor.u32 v1, v9;
	v9 =	vshll.u32 v10, $0x3;
	v10 =	vld [tilespmem:$0x70]  }
0xb9: {  	[tilespmem:$0x410] =	vst v8;
	v8 =	vor.u32 v1, v9;
	v9 =	vshll.u32 v11, $0x3;
	v11 =	vld [tilespmem:$0x80]  }
0xba: {  	v49 =	vld [tilespmem:$0x90];
	[tilespmem:$0x420] =	vst v8;
	v8 =	vor.u32 v1, v9;
	v9 =	vshll.u32 v12, $0x3  }
0xbb: {  	v50 =	vld [tilespmem:$0xA0];
	[tilespmem:$0x430] =	vst v8;
	v8 =	vor.u32 v1, v9;
	v9 =	vshll.u32 v13, $0x3  }
0xbc: {  	v51 =	vld [tilespmem:$0xB0];
	[tilespmem:$0x440] =	vst v8;
	v8 =	vor.u32 v1, v9;
	v9 =	vshll.u32 v14, $0x3  }
0xbd: {  	[tilespmem:$0x450] =	vst v8;
	v8 =	vor.u32 v1, v9;
	v9 =	vshll.u32 v10, $0x3;
	v10 =	vld [tilespmem:$0xC0]  }
0xbe: {  	[tilespmem:$0x460] =	vst v8;
	v8 =	vor.u32 v1, v9;
	v9 =	vshll.u32 v11, $0x3;
	v11 =	vld [tilespmem:$0xD0]  }
0xbf: {  	v52 =	vld [tilespmem:$0xE0];
	[tilespmem:$0x470] =	vst v8;
	v8 =	vor.u32 v1, v9;
	v9 =	vshll.u32 v49, $0x3  }
0xc0: {  	v53 =	vld [tilespmem:$0xF0];
	[tilespmem:$0x480] =	vst v8;
	v8 =	vor.u32 v1, v9;
	v9 =	vshll.u32 v50, $0x3  }
0xc1: {  	v54 =	vld [tilespmem:$0x100];
	[tilespmem:$0x490] =	vst v8;
	v8 =	vor.u32 v1, v9;
	v9 =	vshll.u32 v51, $0x3  }
0xc2: {  	[tilespmem:$0x4A0] =	vst v8;
	v8 =	vor.u32 v1, v9;
	v9 =	vshll.u32 v10, $0x3;
	v10 =	vld [tilespmem:$0x110]  }
0xc3: {  	[tilespmem:$0x4B0] =	vst v8;
	v8 =	vor.u32 v1, v9;
	v9 =	vshll.u32 v11, $0x3;
	v11 =	vld [tilespmem:$0x120]  }
0xc4: {  	v55 =	vld [tilespmem:$0x130];
	[tilespmem:$0x4C0] =	vst v8;
	v8 =	vor.u32 v1, v9;
	v9 =	vshll.u32 v52, $0x3  }
0xc5: {  	v56 =	vld [tilespmem:$0x140];
	[tilespmem:$0x4D0] =	vst v8;
	v8 =	vor.u32 v1, v9;
	v9 =	vshll.u32 v53, $0x3  }
0xc6: {  	v57 =	vld [tilespmem:$0x150];
	[tilespmem:$0x4E0] =	vst v8;
	v8 =	vor.u32 v1, v9;
	v9 =	vshll.u32 v54, $0x3  }
0xc7: {  	[tilespmem:$0x4F0] =	vst v8;
	v8 =	vor.u32 v1, v9;
	v9 =	vshll.u32 v10, $0x3;
	v10 =	vld [tilespmem:$0x160]  }
0xc8: {  	[tilespmem:$0x500] =	vst v8;
	v8 =	vor.u32 v1, v9;
	v9 =	vshll.u32 v11, $0x3;
	v11 =	vld [tilespmem:$0x170]  }
0xc9: {  	v58 =	vld [tilespmem:$0x180];
	[tilespmem:$0x510] =	vst v8;
	v8 =	vor.u32 v1, v9;
	v9 =	vshll.u32 v55, $0x3  }
0xca: {  	v59 =	vld [tilespmem:$0x190];
	[tilespmem:$0x520] =	vst v8;
	v8 =	vor.u32 v1, v9;
	v9 =	vshll.u32 v56, $0x3  }
0xcb: {  	v60 =	vld [tilespmem:$0x1A0];
	[tilespmem:$0x530] =	vst v8;
	v8 =	vor.u32 v1, v9;
	v9 =	vshll.u32 v57, $0x3  }
0xcc: {  	[tilespmem:$0x540] =	vst v8;
	v8 =	vor.u32 v1, v9;
	v9 =	vshll.u32 v10, $0x3;
	v10 =	vld [tilespmem:$0x1B0]  }
0xcd: {  	[tilespmem:$0x550] =	vst v8;
	v8 =	vor.u32 v1, v9;
	v9 =	vshll.u32 v11, $0x3;
	v11 =	vld [tilespmem:$0x1C0]  }
0xce: {  	v61 =	vld [tilespmem:$0x1D0];
	[tilespmem:$0x560] =	vst v8;
	v8 =	vor.u32 v1, v9;
	v9 =	vshll.u32 v58, $0x3  }
0xcf: {  	v62 =	vld [tilespmem:$0x1E0];
	[tilespmem:$0x570] =	vst v8;
	v8 =	vor.u32 v1, v9;
	v9 =	vshll.u32 v59, $0x3  }
0xd0: {  	v63 =	vld [tilespmem:$0x1F0];
	[tilespmem:$0x580] =	vst v8;
	v8 =	vor.u32 v1, v9;
	v9 =	vshll.u32 v60, $0x3  }
0xd1: {  	[tilespmem:$0x590] =	vst v8;
	v8 =	vor.u32 v1, v9;
	v9 =	vshll.u32 v10, $0x3  }
0xd2: {  	[tilespmem:$0x5A0] =	vst v8;
	v8 =	vor.u32 v1, v9;
	v9 =	vshll.u32 v11, $0x3  }
0xd3: {  	[tilespmem:$0x5B0] =	vst v8;
	v8 =	vor.u32 v1, v9;
	v9 =	vshll.u32 v61, $0x3  }
0xd4: {  	[tilespmem:$0x5C0] =	vst v8;
	v8 =	vor.u32 v1, v9;
	v9 =	vshll.u32 v62, $0x3  }
0xd5: {  	[tilespmem:$0x5D0] =	vst v8;
	v8 =	vor.u32 v1, v9;
	v9 =	vshll.u32 v63, $0x3  }
0xd6: {  	[tilespmem:$0x5E0] =	vst v8;
	v8 =	vor.u32 v1, v9  }
0xd7: {  	[tilespmem:$0x5F0] =	vst v8  }
0xd8: {  	[tilespmem:s23], [sflag:$0x1] =	stream.indirect.gather [hbm4b:s4+s21], $0x40, s22, s21, $0xb8;
	[tilespmem:$0x14280] =	vst v63  }
0xd9: {  	_ = 	snop  }
0xda: {  	[tilespmem:s25], [sflag:$0x1] =	stream.indirect.gather [hbm4b:s4+s21], $0x40, s24, s21, $0xb8;
	[tilespmem:$0x14280] =	vst v63  }
0xdb: {  	_ = 	snop  }
0xdc: {  	[tilespmem:s28], [sflag:$0x1] =	stream.indirect.gather [hbm4b:s4+s21], $0x40, s26, s21, $0xb8;
	[tilespmem:$0x14280] =	vst v63  }
0xdd: {  	_ = 	snop  }
0xde: {  	[tilespmem:s30], [sflag:$0x1] =	stream.indirect.gather [hbm4b:s4+s21], $0x40, s29, s21, $0xb8;
	[tilespmem:$0x14280] =	vst v63  }
0xdf: {  	_ =	swait.ge [sflag:s31], $0x2000  }
0xe0: {  	[sflag:s31] =	ssyncset.done $0x0  }
0xe1: {  	[sflag:s31] =	ssyncadd.s32 $0xFFFFE000  }
0xe2: {  	_ =	swait.ge [sflag:s31], $0x2000  }
0xe3: {  	[sflag:s31] =	ssyncset.done $0x0  }
0xe4: {  	[sflag:s31] =	ssyncadd.s32 $0xFFFFE000  }
0xe5: {  	_ =	swait.ge [sflag:s31], $0x2000  }
0xe6: {  	[sflag:s31] =	ssyncset.done $0x0  }
0xe7: {  	[sflag:s31] =	ssyncadd.s32 $0xFFFFE000  }
0xe8: {  	_ =	swait.ge [sflag:s31], $0x2000  }
0xe9: {  	[sflag:s31] =	ssyncset.done $0x0  }
0xea: {  	s15 =	simm.s32 $0x2620;
	[sflag:s31] =	ssyncadd.s32 $0xFFFFE000  }
0xeb: {  	s17 =	simm.s32 $0x0;
	s16 =	simm.s32 $0x2620;
	s9 =	simm.s32 $0x40;
	v8 =	vld [tilespmem:s15+$0xFFFFFFF0]  }
.LBB2_7:
0xec: {  	p0 =	sne.s32 s9, $0x7FC0;
	v9 =	vld [tilespmem:s17+$0x600]  }
0xed: {  	v10 =	vld [tilespmem:s15+$0x10]  }
0xee: {  	v11 =	vld [tilespmem:s15+$0xFFFFFFE0]  }
0xef: {  	v12 =	vld [tilespmem:s15+$0x0];
	_ =	sdelay $0x1  }
0xf0: {  	v9 =	vperm.xlane v9, v5;
	_ =	sdelay $0x1  }
0xf1: {  	v11 =	vmul.f32 v11, v9;
	v8 =	vmul.f32 v8, v9  }
.Ltmp2:
0xf2: {  	v12 =	vmul.f32 v12, v9;
	v9 =	vmul.f32 v10, v9;
	(pc) =	sbr.rel @p0 .LBB2_7-.Ltmp2, $4  }
0xf3: {  	[tilespmem:s15+$0xFFFFFFE0] =	vst v11  }
0xf4: {  	[tilespmem:s15+$0xFFFFFFF0] =	vst v8  }
0xf5: {  	s15 =	sadd.s32 $0x40, s15;
	[tilespmem:s16+$0x0] =	vst v12  }
0xf6: {  	s17 =	sshra.s32 s9, $0x2;
	s9 =	sadd.s32 $0x40, s9;
	v8 =	vld [tilespmem:s15+$0xFFFFFFF0];
	[tilespmem:s16+$0x10] =	vst v9;
	s16 =	smov.u32 s15  }
0xf7: {  	v9 =	vld [tilespmem:s17+$0x600];
	_ =	sdelay $0x1  }
0xf8: {  	v10 =	vld [tilespmem:s15+$0xFFFFFFE0];
	_ =	sdelay $0x1  }
0xf9: {  	v11 =	vld [tilespmem:s15+$0x0]  }
0xfa: {  	v12 =	vld [tilespmem:s15+$0x10];
	v9 =	vperm.xlane v9, v5;
	_ =	sdelay $0x1  }
0xfb: {  	v10 =	vmul.f32 v10, v9  }
0xfc: {  	v8 =	vmul.f32 v8, v9  }
0xfd: {  	v11 =	vmul.f32 v11, v9;
	[tilespmem:s15+$0xFFFFFFE0] =	vst v10  }
0xfe: {  	v9 =	vmul.f32 v12, v9;
	[tilespmem:s15+$0xFFFFFFF0] =	vst v8  }
0xff: {  	[tilespmem:s16+$0x0] =	vst v11  }
0x100: {  	[tilespmem:s16+$0x10] =	vst v9  }
0x101: {  	[spmem:s1] =	stream.indirect.scatter.add.f32 [tilespmem:s23], [sflag:$0x2], $0x40, s19, s21, $0xb8;
	[tilespmem:$0x14280] =	vst v63  }
0x102: {  	_ =	swait.ge [sflag:s18], $0x2000  }
0x103: {  	[sflag:s18] =	ssyncset.done $0x0  }
0x104: {  	[sflag:s18] =	ssyncadd.s32 $0xFFFFE000  }
0x105: {  	[spmem:s1] =	stream.indirect.scatter.add.f32 [tilespmem:s25], [sflag:$0x2], $0x40, s0, s21, $0xb8;
	[tilespmem:$0x14280] =	vst v63  }
0x106: {  	_ =	swait.ge [sflag:s18], $0x2000  }
0x107: {  	[sflag:s18] =	ssyncset.done $0x0  }
0x108: {  	[sflag:s18] =	ssyncadd.s32 $0xFFFFE000  }
0x109: {  	[spmem:s1] =	stream.indirect.scatter.add.f32 [tilespmem:s28], [sflag:$0x2], $0x40, s2, s21, $0xb8;
	[tilespmem:$0x14280] =	vst v63  }
0x10a: {  	s14 =	sadd.s32 $0x1, s14;
	_ =	swait.ge [sflag:s18], $0x2000  }
0x10b: {  	p0 =	sne.s32 s14, $0x28;
	[sflag:s18] =	ssyncset.done $0x0  }
.Ltmp3:
0x10c: {  	[sflag:s18] =	ssyncadd.s32 $0xFFFFE000;
	(pc) =	sbr.rel @p0 .LBB2_6-.Ltmp3, $4  }
0x10d: {  	[spmem:s1] =	stream.indirect.scatter.add.f32 [tilespmem:s30], [sflag:$0x2], $0x40, s11, s21, $0xb8;
	[tilespmem:$0x14280] =	vst v63  }
0x10e: {  	_ =	swait.ge [sflag:s18], $0x2000  }
0x10f: {  	[sflag:s18] =	ssyncset.done $0x0  }
0x110: {  	[sflag:s18] =	ssyncadd.s32 $0xFFFFE000  }
0x111: {  	[bflag:$0x0] =	sbarrier.arrive $0xFFFF  }
0x112: {  	s9 =	rddreg [dreg:$0x6]  }
0x113: {  	[hbm:s9], [sflag:s10] =	dma.local [spmem:s12], $0x1388  }
0x114: {  	_ =	swait.ge [sflag:s18], $0x1388  }
0x115: {  	[sflag:s18] =	ssyncset.done $0x0  }
0x116: {  	[sflag:s18] =	ssyncadd.s32 $0xFFFFEC78  }
0x117: {  	[bflag:$0x0] =	sbarrier.arrive $0xFFFF  }
0x118: {  	s17 =	rddreg [dreg:$0x3]  }
0x119: {  	s13 =	rddreg [dreg:$0xa]  }
0x11a: {  	[spmem:s13], [sflag:s10] =	dma.local [hbm:s17], $0x1390  }
0x11b: {  	_ =	swait.ge [sflag:s18], $0x1390  }
0x11c: {  	[sflag:s18] =	ssyncset.done $0x0  }
0x11d: {  	[sflag:s18] =	ssyncadd.s32 $0xFFFFEC70  }
0x11e: {  	s14 =	simm.s32 $0x0;
	s13 =	simm.s32 $0x0;
	[bflag:$0x0] =	sbarrier.arrive $0xFFFF  }
.LBB2_10:
0x11f: {  	s9 =	sshll.u32 s14, $0x9  }
0x120: {  	s9 =	sadd.s32 s8, s9  }
0x121: {  	s15 =	sshrl.u32 s9, $0x3  }
0x122: {  	s16 =	sadd.s32 s5, s15  }
0x123: {  	[tilespmem:s13], [sflag:$0x2] =	stream.linear.gather [hbm4b:s16+s13], $0x200, $0x38;
	[tilespmem:$0x14280] =	vst v63  }
0x124: {  	_ =	swait.ge [sflag:s18], $0x200  }
0x125: {  	[sflag:s18] =	ssyncset.done $0x0  }
0x126: {  	s15 =	sadd.s32 s6, s15;
	[sflag:s18] =	ssyncadd.s32 $0xFFFFFE00  }
0x127: {  	[tilespmem:s19], [sflag:$0x2] =	stream.linear.gather [hbm4b:s15+s13], $0x200, $0x38;
	[tilespmem:$0x14280] =	vst v63  }
0x128: {  	_ =	swait.ge [sflag:s18], $0x200  }
0x129: {  	s9 =	sshll.u32 s9, $0x1;
	[sflag:s18] =	ssyncset.done $0x0  }
0x12a: {  	s9 =	sadd.s32 s7, s9;
	[sflag:s18] =	ssyncadd.s32 $0xFFFFFE00  }
0x12b: {  	[tilespmem:s20], [sflag:$0x2] =	stream.linear.gather [hbm4b:s9+s13], $0x2000, $0x38;
	[tilespmem:$0x14280] =	vst v63  }
0x12c: {  	_ =	swait.ge [sflag:s18], $0x2000  }
0x12d: {  	[sflag:s18] =	ssyncset.done $0x0  }
0x12e: {  	[sflag:s18] =	ssyncadd.s32 $0xFFFFE000  }
0x12f: {  	v8 =	vld [tilespmem:$0x0]  }
0x130: {  	v9 =	vld [tilespmem:$0x10]  }
0x131: {  	v10 =	vld [tilespmem:$0x20]  }
0x132: {  	v11 =	vld [tilespmem:$0x30]  }
0x133: {  	v12 =	vld [tilespmem:$0x40]  }
0x134: {  	v13 =	vld [tilespmem:$0x50];
	v8 =	vshll.u32 v8, $0x3  }
0x135: {  	v14 =	vld [tilespmem:$0x60];
	v9 =	vshll.u32 v9, $0x3;
	v8 =	vor.u32 v2, v8  }
0x136: {  	[tilespmem:$0x400] =	vst v8;
	v8 =	vor.u32 v2, v9;
	v9 =	vshll.u32 v10, $0x3;
	v10 =	vld [tilespmem:$0x70]  }
0x137: {  	[tilespmem:$0x410] =	vst v8;
	v8 =	vor.u32 v2, v9;
	v9 =	vshll.u32 v11, $0x3;
	v11 =	vld [tilespmem:$0x80]  }
0x138: {  	v49 =	vld [tilespmem:$0x90];
	[tilespmem:$0x420] =	vst v8;
	v8 =	vor.u32 v2, v9;
	v9 =	vshll.u32 v12, $0x3  }
0x139: {  	v50 =	vld [tilespmem:$0xA0];
	[tilespmem:$0x430] =	vst v8;
	v8 =	vor.u32 v2, v9;
	v9 =	vshll.u32 v13, $0x3  }
0x13a: {  	v51 =	vld [tilespmem:$0xB0];
	[tilespmem:$0x440] =	vst v8;
	v8 =	vor.u32 v2, v9;
	v9 =	vshll.u32 v14, $0x3  }
0x13b: {  	[tilespmem:$0x450] =	vst v8;
	v8 =	vor.u32 v2, v9;
	v9 =	vshll.u32 v10, $0x3;
	v10 =	vld [tilespmem:$0xC0]  }
0x13c: {  	[tilespmem:$0x460] =	vst v8;
	v8 =	vor.u32 v2, v9;
	v9 =	vshll.u32 v11, $0x3;
	v11 =	vld [tilespmem:$0xD0]  }
0x13d: {  	v52 =	vld [tilespmem:$0xE0];
	[tilespmem:$0x470] =	vst v8;
	v8 =	vor.u32 v2, v9;
	v9 =	vshll.u32 v49, $0x3  }
0x13e: {  	v53 =	vld [tilespmem:$0xF0];
	[tilespmem:$0x480] =	vst v8;
	v8 =	vor.u32 v2, v9;
	v9 =	vshll.u32 v50, $0x3  }
0x13f: {  	v54 =	vld [tilespmem:$0x100];
	[tilespmem:$0x490] =	vst v8;
	v8 =	vor.u32 v2, v9;
	v9 =	vshll.u32 v51, $0x3  }
0x140: {  	[tilespmem:$0x4A0] =	vst v8;
	v8 =	vor.u32 v2, v9;
	v9 =	vshll.u32 v10, $0x3;
	v10 =	vld [tilespmem:$0x110]  }
0x141: {  	[tilespmem:$0x4B0] =	vst v8;
	v8 =	vor.u32 v2, v9;
	v9 =	vshll.u32 v11, $0x3;
	v11 =	vld [tilespmem:$0x120]  }
0x142: {  	v55 =	vld [tilespmem:$0x130];
	[tilespmem:$0x4C0] =	vst v8;
	v8 =	vor.u32 v2, v9;
	v9 =	vshll.u32 v52, $0x3  }
0x143: {  	v56 =	vld [tilespmem:$0x140];
	[tilespmem:$0x4D0] =	vst v8;
	v8 =	vor.u32 v2, v9;
	v9 =	vshll.u32 v53, $0x3  }
0x144: {  	v57 =	vld [tilespmem:$0x150];
	[tilespmem:$0x4E0] =	vst v8;
	v8 =	vor.u32 v2, v9;
	v9 =	vshll.u32 v54, $0x3  }
0x145: {  	[tilespmem:$0x4F0] =	vst v8;
	v8 =	vor.u32 v2, v9;
	v9 =	vshll.u32 v10, $0x3;
	v10 =	vld [tilespmem:$0x160]  }
0x146: {  	[tilespmem:$0x500] =	vst v8;
	v8 =	vor.u32 v2, v9;
	v9 =	vshll.u32 v11, $0x3;
	v11 =	vld [tilespmem:$0x170]  }
0x147: {  	v58 =	vld [tilespmem:$0x180];
	[tilespmem:$0x510] =	vst v8;
	v8 =	vor.u32 v2, v9;
	v9 =	vshll.u32 v55, $0x3  }
0x148: {  	v59 =	vld [tilespmem:$0x190];
	[tilespmem:$0x520] =	vst v8;
	v8 =	vor.u32 v2, v9;
	v9 =	vshll.u32 v56, $0x3  }
0x149: {  	v60 =	vld [tilespmem:$0x1A0];
	[tilespmem:$0x530] =	vst v8;
	v8 =	vor.u32 v2, v9;
	v9 =	vshll.u32 v57, $0x3  }
0x14a: {  	[tilespmem:$0x540] =	vst v8;
	v8 =	vor.u32 v2, v9;
	v9 =	vshll.u32 v10, $0x3;
	v10 =	vld [tilespmem:$0x1B0]  }
0x14b: {  	[tilespmem:$0x550] =	vst v8;
	v8 =	vor.u32 v2, v9;
	v9 =	vshll.u32 v11, $0x3;
	v11 =	vld [tilespmem:$0x1C0]  }
0x14c: {  	v61 =	vld [tilespmem:$0x1D0];
	[tilespmem:$0x560] =	vst v8;
	v8 =	vor.u32 v2, v9;
	v9 =	vshll.u32 v58, $0x3  }
0x14d: {  	v62 =	vld [tilespmem:$0x1E0];
	[tilespmem:$0x570] =	vst v8;
	v8 =	vor.u32 v2, v9;
	v9 =	vshll.u32 v59, $0x3  }
0x14e: {  	v63 =	vld [tilespmem:$0x1F0];
	[tilespmem:$0x580] =	vst v8;
	v8 =	vor.u32 v2, v9;
	v9 =	vshll.u32 v60, $0x3  }
0x14f: {  	[tilespmem:$0x590] =	vst v8;
	v8 =	vor.u32 v2, v9;
	v9 =	vshll.u32 v10, $0x3  }
0x150: {  	[tilespmem:$0x5A0] =	vst v8;
	v8 =	vor.u32 v2, v9;
	v9 =	vshll.u32 v11, $0x3  }
0x151: {  	[tilespmem:$0x5B0] =	vst v8;
	v8 =	vor.u32 v2, v9;
	v9 =	vshll.u32 v61, $0x3  }
0x152: {  	[tilespmem:$0x5C0] =	vst v8;
	v8 =	vor.u32 v2, v9;
	v9 =	vshll.u32 v62, $0x3  }
0x153: {  	[tilespmem:$0x5D0] =	vst v8;
	v8 =	vor.u32 v2, v9;
	v9 =	vshll.u32 v63, $0x3  }
0x154: {  	[tilespmem:$0x5E0] =	vst v8;
	v8 =	vor.u32 v2, v9  }
0x155: {  	[tilespmem:$0x5F0] =	vst v8  }
0x156: {  	[tilespmem:s23], [sflag:$0x1] =	stream.indirect.gather [hbm4b:s4+s21], $0x40, s22, s21, $0xb8;
	[tilespmem:$0x14280] =	vst v63  }
0x157: {  	_ = 	snop  }
0x158: {  	[tilespmem:s25], [sflag:$0x1] =	stream.indirect.gather [hbm4b:s4+s21], $0x40, s24, s21, $0xb8;
	[tilespmem:$0x14280] =	vst v63  }
0x159: {  	_ = 	snop  }
0x15a: {  	[tilespmem:s28], [sflag:$0x1] =	stream.indirect.gather [hbm4b:s4+s21], $0x40, s26, s21, $0xb8;
	[tilespmem:$0x14280] =	vst v63  }
0x15b: {  	_ = 	snop  }
0x15c: {  	[tilespmem:s30], [sflag:$0x1] =	stream.indirect.gather [hbm4b:s4+s21], $0x40, s29, s21, $0xb8;
	[tilespmem:$0x14280] =	vst v63  }
0x15d: {  	_ =	swait.ge [sflag:s31], $0x2000  }
0x15e: {  	[sflag:s31] =	ssyncset.done $0x0  }
0x15f: {  	[sflag:s31] =	ssyncadd.s32 $0xFFFFE000  }
0x160: {  	_ =	swait.ge [sflag:s31], $0x2000  }
0x161: {  	[sflag:s31] =	ssyncset.done $0x0  }
0x162: {  	[sflag:s31] =	ssyncadd.s32 $0xFFFFE000  }
0x163: {  	_ =	swait.ge [sflag:s31], $0x2000  }
0x164: {  	[sflag:s31] =	ssyncset.done $0x0  }
0x165: {  	[sflag:s31] =	ssyncadd.s32 $0xFFFFE000  }
0x166: {  	_ =	swait.ge [sflag:s31], $0x2000  }
0x167: {  	[sflag:s31] =	ssyncset.done $0x0  }
0x168: {  	s15 =	simm.s32 $0x2620;
	[sflag:s31] =	ssyncadd.s32 $0xFFFFE000  }
0x169: {  	s17 =	simm.s32 $0x0;
	s16 =	simm.s32 $0x2620;
	s9 =	simm.s32 $0x40;
	v8 =	vld [tilespmem:s15+$0xFFFFFFF0]  }
.LBB2_11:
0x16a: {  	p0 =	sne.s32 s9, $0x7FC0;
	v9 =	vld [tilespmem:s17+$0x600]  }
0x16b: {  	v10 =	vld [tilespmem:s15+$0x10]  }
0x16c: {  	v11 =	vld [tilespmem:s15+$0xFFFFFFE0]  }
0x16d: {  	v12 =	vld [tilespmem:s15+$0x0];
	_ =	sdelay $0x1  }
0x16e: {  	v9 =	vperm.xlane v9, v6;
	_ =	sdelay $0x1  }
0x16f: {  	v11 =	vmul.f32 v11, v9;
	v8 =	vmul.f32 v8, v9  }
.Ltmp4:
0x170: {  	v12 =	vmul.f32 v12, v9;
	v9 =	vmul.f32 v10, v9;
	(pc) =	sbr.rel @p0 .LBB2_11-.Ltmp4, $4  }
0x171: {  	[tilespmem:s15+$0xFFFFFFE0] =	vst v11  }
0x172: {  	[tilespmem:s15+$0xFFFFFFF0] =	vst v8  }
0x173: {  	s15 =	sadd.s32 $0x40, s15;
	[tilespmem:s16+$0x0] =	vst v12  }
0x174: {  	s17 =	sshra.s32 s9, $0x2;
	s9 =	sadd.s32 $0x40, s9;
	v8 =	vld [tilespmem:s15+$0xFFFFFFF0];
	[tilespmem:s16+$0x10] =	vst v9;
	s16 =	smov.u32 s15  }
0x175: {  	v9 =	vld [tilespmem:s17+$0x600];
	_ =	sdelay $0x1  }
0x176: {  	v10 =	vld [tilespmem:s15+$0xFFFFFFE0];
	_ =	sdelay $0x1  }
0x177: {  	v11 =	vld [tilespmem:s15+$0x0]  }
0x178: {  	v12 =	vld [tilespmem:s15+$0x10];
	v9 =	vperm.xlane v9, v6;
	_ =	sdelay $0x1  }
0x179: {  	v10 =	vmul.f32 v10, v9  }
0x17a: {  	v8 =	vmul.f32 v8, v9  }
0x17b: {  	v11 =	vmul.f32 v11, v9;
	[tilespmem:s15+$0xFFFFFFE0] =	vst v10  }
0x17c: {  	v9 =	vmul.f32 v12, v9;
	[tilespmem:s15+$0xFFFFFFF0] =	vst v8  }
0x17d: {  	[tilespmem:s16+$0x0] =	vst v11  }
0x17e: {  	[tilespmem:s16+$0x10] =	vst v9  }
0x17f: {  	[spmem:s1] =	stream.indirect.scatter.add.f32 [tilespmem:s23], [sflag:$0x2], $0x40, s19, s21, $0xb8;
	[tilespmem:$0x14280] =	vst v63  }
0x180: {  	_ =	swait.ge [sflag:s18], $0x2000  }
0x181: {  	[sflag:s18] =	ssyncset.done $0x0  }
0x182: {  	[sflag:s18] =	ssyncadd.s32 $0xFFFFE000  }
0x183: {  	[spmem:s1] =	stream.indirect.scatter.add.f32 [tilespmem:s25], [sflag:$0x2], $0x40, s0, s21, $0xb8;
	[tilespmem:$0x14280] =	vst v63  }
0x184: {  	_ =	swait.ge [sflag:s18], $0x2000  }
0x185: {  	[sflag:s18] =	ssyncset.done $0x0  }
0x186: {  	[sflag:s18] =	ssyncadd.s32 $0xFFFFE000  }
0x187: {  	[spmem:s1] =	stream.indirect.scatter.add.f32 [tilespmem:s28], [sflag:$0x2], $0x40, s2, s21, $0xb8;
	[tilespmem:$0x14280] =	vst v63  }
0x188: {  	s14 =	sadd.s32 $0x1, s14;
	_ =	swait.ge [sflag:s18], $0x2000  }
0x189: {  	p0 =	sne.s32 s14, $0x28;
	[sflag:s18] =	ssyncset.done $0x0  }
.Ltmp5:
0x18a: {  	[sflag:s18] =	ssyncadd.s32 $0xFFFFE000;
	(pc) =	sbr.rel @p0 .LBB2_10-.Ltmp5, $4  }
0x18b: {  	[spmem:s1] =	stream.indirect.scatter.add.f32 [tilespmem:s30], [sflag:$0x2], $0x40, s11, s21, $0xb8;
	[tilespmem:$0x14280] =	vst v63  }
0x18c: {  	_ =	swait.ge [sflag:s18], $0x2000  }
0x18d: {  	[sflag:s18] =	ssyncset.done $0x0  }
0x18e: {  	[sflag:s18] =	ssyncadd.s32 $0xFFFFE000  }
0x18f: {  	[bflag:$0x0] =	sbarrier.arrive $0xFFFF  }
0x190: {  	s9 =	rddreg [dreg:$0x7]  }
0x191: {  	[hbm:s9], [sflag:s10] =	dma.local [spmem:s12], $0x1388  }
0x192: {  	_ =	swait.ge [sflag:s18], $0x1388  }
0x193: {  	[sflag:s18] =	ssyncset.done $0x0  }
0x194: {  	[sflag:s18] =	ssyncadd.s32 $0xFFFFEC78  }
0x195: {  	[bflag:$0x0] =	sbarrier.arrive $0xFFFF  }
0x196: {  	s17 =	rddreg [dreg:$0x3]  }
0x197: {  	s13 =	rddreg [dreg:$0xa]  }
0x198: {  	[spmem:s13], [sflag:s10] =	dma.local [hbm:s17], $0x1390  }
0x199: {  	_ =	swait.ge [sflag:s18], $0x1390  }
0x19a: {  	[sflag:s18] =	ssyncset.done $0x0  }
0x19b: {  	[sflag:s18] =	ssyncadd.s32 $0xFFFFEC70  }
0x19c: {  	s14 =	simm.s32 $0x0;
	s13 =	simm.s32 $0x0;
	[bflag:$0x0] =	sbarrier.arrive $0xFFFF  }
.LBB2_14:
0x19d: {  	s9 =	sshll.u32 s14, $0x9  }
0x19e: {  	s9 =	sadd.s32 s8, s9  }
0x19f: {  	s15 =	sshrl.u32 s9, $0x3  }
0x1a0: {  	s16 =	sadd.s32 s5, s15  }
0x1a1: {  	[tilespmem:s13], [sflag:$0x2] =	stream.linear.gather [hbm4b:s16+s13], $0x200, $0x38;
	[tilespmem:$0x14280] =	vst v63  }
0x1a2: {  	_ =	swait.ge [sflag:s18], $0x200  }
0x1a3: {  	[sflag:s18] =	ssyncset.done $0x0  }
0x1a4: {  	s15 =	sadd.s32 s6, s15;
	[sflag:s18] =	ssyncadd.s32 $0xFFFFFE00  }
0x1a5: {  	[tilespmem:s19], [sflag:$0x2] =	stream.linear.gather [hbm4b:s15+s13], $0x200, $0x38;
	[tilespmem:$0x14280] =	vst v63  }
0x1a6: {  	_ =	swait.ge [sflag:s18], $0x200  }
0x1a7: {  	s9 =	sshll.u32 s9, $0x1;
	[sflag:s18] =	ssyncset.done $0x0  }
0x1a8: {  	s9 =	sadd.s32 s7, s9;
	[sflag:s18] =	ssyncadd.s32 $0xFFFFFE00  }
0x1a9: {  	[tilespmem:s20], [sflag:$0x2] =	stream.linear.gather [hbm4b:s9+s13], $0x2000, $0x38;
	[tilespmem:$0x14280] =	vst v63  }
0x1aa: {  	_ =	swait.ge [sflag:s18], $0x2000  }
0x1ab: {  	[sflag:s18] =	ssyncset.done $0x0  }
0x1ac: {  	[sflag:s18] =	ssyncadd.s32 $0xFFFFE000  }
0x1ad: {  	v8 =	vld [tilespmem:$0x0]  }
0x1ae: {  	v9 =	vld [tilespmem:$0x10]  }
0x1af: {  	v10 =	vld [tilespmem:$0x20]  }
0x1b0: {  	v11 =	vld [tilespmem:$0x30]  }
0x1b1: {  	v12 =	vld [tilespmem:$0x40]  }
0x1b2: {  	v13 =	vld [tilespmem:$0x50];
	v8 =	vshll.u32 v8, $0x3  }
0x1b3: {  	v14 =	vld [tilespmem:$0x60];
	v9 =	vshll.u32 v9, $0x3;
	v8 =	vor.u32 v3, v8  }
0x1b4: {  	[tilespmem:$0x400] =	vst v8;
	v8 =	vor.u32 v3, v9;
	v9 =	vshll.u32 v10, $0x3;
	v10 =	vld [tilespmem:$0x70]  }
0x1b5: {  	[tilespmem:$0x410] =	vst v8;
	v8 =	vor.u32 v3, v9;
	v9 =	vshll.u32 v11, $0x3;
	v11 =	vld [tilespmem:$0x80]  }
0x1b6: {  	v49 =	vld [tilespmem:$0x90];
	[tilespmem:$0x420] =	vst v8;
	v8 =	vor.u32 v3, v9;
	v9 =	vshll.u32 v12, $0x3  }
0x1b7: {  	v50 =	vld [tilespmem:$0xA0];
	[tilespmem:$0x430] =	vst v8;
	v8 =	vor.u32 v3, v9;
	v9 =	vshll.u32 v13, $0x3  }
0x1b8: {  	v51 =	vld [tilespmem:$0xB0];
	[tilespmem:$0x440] =	vst v8;
	v8 =	vor.u32 v3, v9;
	v9 =	vshll.u32 v14, $0x3  }
0x1b9: {  	[tilespmem:$0x450] =	vst v8;
	v8 =	vor.u32 v3, v9;
	v9 =	vshll.u32 v10, $0x3;
	v10 =	vld [tilespmem:$0xC0]  }
0x1ba: {  	[tilespmem:$0x460] =	vst v8;
	v8 =	vor.u32 v3, v9;
	v9 =	vshll.u32 v11, $0x3;
	v11 =	vld [tilespmem:$0xD0]  }
0x1bb: {  	v52 =	vld [tilespmem:$0xE0];
	[tilespmem:$0x470] =	vst v8;
	v8 =	vor.u32 v3, v9;
	v9 =	vshll.u32 v49, $0x3  }
0x1bc: {  	v53 =	vld [tilespmem:$0xF0];
	[tilespmem:$0x480] =	vst v8;
	v8 =	vor.u32 v3, v9;
	v9 =	vshll.u32 v50, $0x3  }
0x1bd: {  	v54 =	vld [tilespmem:$0x100];
	[tilespmem:$0x490] =	vst v8;
	v8 =	vor.u32 v3, v9;
	v9 =	vshll.u32 v51, $0x3  }
0x1be: {  	[tilespmem:$0x4A0] =	vst v8;
	v8 =	vor.u32 v3, v9;
	v9 =	vshll.u32 v10, $0x3;
	v10 =	vld [tilespmem:$0x110]  }
0x1bf: {  	[tilespmem:$0x4B0] =	vst v8;
	v8 =	vor.u32 v3, v9;
	v9 =	vshll.u32 v11, $0x3;
	v11 =	vld [tilespmem:$0x120]  }
0x1c0: {  	v55 =	vld [tilespmem:$0x130];
	[tilespmem:$0x4C0] =	vst v8;
	v8 =	vor.u32 v3, v9;
	v9 =	vshll.u32 v52, $0x3  }
0x1c1: {  	v56 =	vld [tilespmem:$0x140];
	[tilespmem:$0x4D0] =	vst v8;
	v8 =	vor.u32 v3, v9;
	v9 =	vshll.u32 v53, $0x3  }
0x1c2: {  	v57 =	vld [tilespmem:$0x150];
	[tilespmem:$0x4E0] =	vst v8;
	v8 =	vor.u32 v3, v9;
	v9 =	vshll.u32 v54, $0x3  }
0x1c3: {  	[tilespmem:$0x4F0] =	vst v8;
	v8 =	vor.u32 v3, v9;
	v9 =	vshll.u32 v10, $0x3;
	v10 =	vld [tilespmem:$0x160]  }
0x1c4: {  	[tilespmem:$0x500] =	vst v8;
	v8 =	vor.u32 v3, v9;
	v9 =	vshll.u32 v11, $0x3;
	v11 =	vld [tilespmem:$0x170]  }
0x1c5: {  	v58 =	vld [tilespmem:$0x180];
	[tilespmem:$0x510] =	vst v8;
	v8 =	vor.u32 v3, v9;
	v9 =	vshll.u32 v55, $0x3  }
0x1c6: {  	v59 =	vld [tilespmem:$0x190];
	[tilespmem:$0x520] =	vst v8;
	v8 =	vor.u32 v3, v9;
	v9 =	vshll.u32 v56, $0x3  }
0x1c7: {  	v60 =	vld [tilespmem:$0x1A0];
	[tilespmem:$0x530] =	vst v8;
	v8 =	vor.u32 v3, v9;
	v9 =	vshll.u32 v57, $0x3  }
0x1c8: {  	[tilespmem:$0x540] =	vst v8;
	v8 =	vor.u32 v3, v9;
	v9 =	vshll.u32 v10, $0x3;
	v10 =	vld [tilespmem:$0x1B0]  }
0x1c9: {  	[tilespmem:$0x550] =	vst v8;
	v8 =	vor.u32 v3, v9;
	v9 =	vshll.u32 v11, $0x3;
	v11 =	vld [tilespmem:$0x1C0]  }
0x1ca: {  	v61 =	vld [tilespmem:$0x1D0];
	[tilespmem:$0x560] =	vst v8;
	v8 =	vor.u32 v3, v9;
	v9 =	vshll.u32 v58, $0x3  }
0x1cb: {  	v62 =	vld [tilespmem:$0x1E0];
	[tilespmem:$0x570] =	vst v8;
	v8 =	vor.u32 v3, v9;
	v9 =	vshll.u32 v59, $0x3  }
0x1cc: {  	v63 =	vld [tilespmem:$0x1F0];
	[tilespmem:$0x580] =	vst v8;
	v8 =	vor.u32 v3, v9;
	v9 =	vshll.u32 v60, $0x3  }
0x1cd: {  	[tilespmem:$0x590] =	vst v8;
	v8 =	vor.u32 v3, v9;
	v9 =	vshll.u32 v10, $0x3  }
0x1ce: {  	[tilespmem:$0x5A0] =	vst v8;
	v8 =	vor.u32 v3, v9;
	v9 =	vshll.u32 v11, $0x3  }
0x1cf: {  	[tilespmem:$0x5B0] =	vst v8;
	v8 =	vor.u32 v3, v9;
	v9 =	vshll.u32 v61, $0x3  }
0x1d0: {  	[tilespmem:$0x5C0] =	vst v8;
	v8 =	vor.u32 v3, v9;
	v9 =	vshll.u32 v62, $0x3  }
0x1d1: {  	[tilespmem:$0x5D0] =	vst v8;
	v8 =	vor.u32 v3, v9;
	v9 =	vshll.u32 v63, $0x3  }
0x1d2: {  	[tilespmem:$0x5E0] =	vst v8;
	v8 =	vor.u32 v3, v9  }
0x1d3: {  	[tilespmem:$0x5F0] =	vst v8  }
0x1d4: {  	[tilespmem:s23], [sflag:$0x1] =	stream.indirect.gather [hbm4b:s4+s21], $0x40, s22, s21, $0xb8;
	[tilespmem:$0x14280] =	vst v63  }
0x1d5: {  	_ = 	snop  }
0x1d6: {  	[tilespmem:s25], [sflag:$0x1] =	stream.indirect.gather [hbm4b:s4+s21], $0x40, s24, s21, $0xb8;
	[tilespmem:$0x14280] =	vst v63  }
0x1d7: {  	_ = 	snop  }
0x1d8: {  	[tilespmem:s28], [sflag:$0x1] =	stream.indirect.gather [hbm4b:s4+s21], $0x40, s26, s21, $0xb8;
	[tilespmem:$0x14280] =	vst v63  }
0x1d9: {  	_ = 	snop  }
0x1da: {  	[tilespmem:s30], [sflag:$0x1] =	stream.indirect.gather [hbm4b:s4+s21], $0x40, s29, s21, $0xb8;
	[tilespmem:$0x14280] =	vst v63  }
0x1db: {  	_ =	swait.ge [sflag:s31], $0x2000  }
0x1dc: {  	[sflag:s31] =	ssyncset.done $0x0  }
0x1dd: {  	[sflag:s31] =	ssyncadd.s32 $0xFFFFE000  }
0x1de: {  	_ =	swait.ge [sflag:s31], $0x2000  }
0x1df: {  	[sflag:s31] =	ssyncset.done $0x0  }
0x1e0: {  	[sflag:s31] =	ssyncadd.s32 $0xFFFFE000  }
0x1e1: {  	_ =	swait.ge [sflag:s31], $0x2000  }
0x1e2: {  	[sflag:s31] =	ssyncset.done $0x0  }
0x1e3: {  	[sflag:s31] =	ssyncadd.s32 $0xFFFFE000  }
0x1e4: {  	_ =	swait.ge [sflag:s31], $0x2000  }
0x1e5: {  	[sflag:s31] =	ssyncset.done $0x0  }
0x1e6: {  	s15 =	simm.s32 $0x2620;
	[sflag:s31] =	ssyncadd.s32 $0xFFFFE000  }
0x1e7: {  	s17 =	simm.s32 $0x0;
	s16 =	simm.s32 $0x2620;
	s9 =	simm.s32 $0x40;
	v8 =	vld [tilespmem:s15+$0xFFFFFFF0]  }
.LBB2_15:
0x1e8: {  	p0 =	sne.s32 s9, $0x7FC0;
	v9 =	vld [tilespmem:s17+$0x600]  }
0x1e9: {  	v10 =	vld [tilespmem:s15+$0x10]  }
0x1ea: {  	v11 =	vld [tilespmem:s15+$0xFFFFFFE0]  }
0x1eb: {  	v12 =	vld [tilespmem:s15+$0x0];
	_ =	sdelay $0x1  }
0x1ec: {  	v9 =	vperm.xlane v9, v7;
	_ =	sdelay $0x1  }
0x1ed: {  	v11 =	vmul.f32 v11, v9;
	v8 =	vmul.f32 v8, v9  }
.Ltmp6:
0x1ee: {  	v12 =	vmul.f32 v12, v9;
	v9 =	vmul.f32 v10, v9;
	(pc) =	sbr.rel @p0 .LBB2_15-.Ltmp6, $4  }
0x1ef: {  	[tilespmem:s15+$0xFFFFFFE0] =	vst v11  }
0x1f0: {  	[tilespmem:s15+$0xFFFFFFF0] =	vst v8  }
0x1f1: {  	s15 =	sadd.s32 $0x40, s15;
	[tilespmem:s16+$0x0] =	vst v12  }
0x1f2: {  	s17 =	sshra.s32 s9, $0x2;
	s9 =	sadd.s32 $0x40, s9;
	v8 =	vld [tilespmem:s15+$0xFFFFFFF0];
	[tilespmem:s16+$0x10] =	vst v9;
	s16 =	smov.u32 s15  }
0x1f3: {  	v9 =	vld [tilespmem:s17+$0x600];
	_ =	sdelay $0x1  }
0x1f4: {  	v10 =	vld [tilespmem:s15+$0xFFFFFFE0];
	_ =	sdelay $0x1  }
0x1f5: {  	v11 =	vld [tilespmem:s15+$0x0]  }
0x1f6: {  	v12 =	vld [tilespmem:s15+$0x10];
	v9 =	vperm.xlane v9, v7;
	_ =	sdelay $0x1  }
0x1f7: {  	v10 =	vmul.f32 v10, v9  }
0x1f8: {  	v8 =	vmul.f32 v8, v9  }
0x1f9: {  	v11 =	vmul.f32 v11, v9;
	[tilespmem:s15+$0xFFFFFFE0] =	vst v10  }
0x1fa: {  	v9 =	vmul.f32 v12, v9;
	[tilespmem:s15+$0xFFFFFFF0] =	vst v8  }
0x1fb: {  	[tilespmem:s16+$0x0] =	vst v11  }
0x1fc: {  	[tilespmem:s16+$0x10] =	vst v9  }
0x1fd: {  	[spmem:s1] =	stream.indirect.scatter.add.f32 [tilespmem:s23], [sflag:$0x2], $0x40, s19, s21, $0xb8;
	[tilespmem:$0x14280] =	vst v63  }
0x1fe: {  	_ =	swait.ge [sflag:s18], $0x2000  }
0x1ff: {  	[sflag:s18] =	ssyncset.done $0x0  }
0x200: {  	[sflag:s18] =	ssyncadd.s32 $0xFFFFE000  }
0x201: {  	[spmem:s1] =	stream.indirect.scatter.add.f32 [tilespmem:s25], [sflag:$0x2], $0x40, s0, s21, $0xb8;
	[tilespmem:$0x14280] =	vst v63  }
0x202: {  	_ =	swait.ge [sflag:s18], $0x2000  }
0x203: {  	[sflag:s18] =	ssyncset.done $0x0  }
0x204: {  	[sflag:s18] =	ssyncadd.s32 $0xFFFFE000  }
0x205: {  	[spmem:s1] =	stream.indirect.scatter.add.f32 [tilespmem:s28], [sflag:$0x2], $0x40, s2, s21, $0xb8;
	[tilespmem:$0x14280] =	vst v63  }
0x206: {  	s14 =	sadd.s32 $0x1, s14;
	_ =	swait.ge [sflag:s18], $0x2000  }
0x207: {  	p0 =	sne.s32 s14, $0x28;
	[sflag:s18] =	ssyncset.done $0x0  }
.Ltmp7:
0x208: {  	[sflag:s18] =	ssyncadd.s32 $0xFFFFE000;
	(pc) =	sbr.rel @p0 .LBB2_14-.Ltmp7, $4  }
0x209: {  	[spmem:s1] =	stream.indirect.scatter.add.f32 [tilespmem:s30], [sflag:$0x2], $0x40, s11, s21, $0xb8;
	[tilespmem:$0x14280] =	vst v63  }
0x20a: {  	_ =	swait.ge [sflag:s18], $0x2000  }
0x20b: {  	[sflag:s18] =	ssyncset.done $0x0  }
0x20c: {  	[sflag:s18] =	ssyncadd.s32 $0xFFFFE000  }
0x20d: {  	[bflag:$0x0] =	sbarrier.arrive $0xFFFF  }
0x20e: {  	s9 =	rddreg [dreg:$0x8]  }
0x20f: {  	[hbm:s9], [sflag:s10] =	dma.local [spmem:s12], $0x1388  }
0x210: {  	_ =	swait.ge [sflag:s18], $0x1388  }
0x211: {  	s3 =	sadd.s32 $0x1, s3;
	s17 =	rddreg [dreg:$0x9]  }
0x212: {  	p0 =	sne.s32 s3, s17  }
.Ltmp8:
0x213: {  	_ = 	snop;
	(pc) =	sbr.rel @p0 .LBB2_1-.Ltmp8, $3  }
0x214: {  	[sflag:s18] =	ssyncset.done $0x0  }
0x215: {  	[sflag:s18] =	ssyncadd.s32 $0xFFFFEC78  }
0x216: {  	[bflag:$0x0] =	sbarrier.arrive $0xFFFF;
	_ =	sdelay $0x1  }
0x217: {  	_ =	sfence.sel $0x180000  }
0x218: {  	[bflag:$0x0] =	sbarrier.arrive $0xFFFF  }
0x219: {  	_ =	strace $0x9000004A  }
0x21a: {  	s0 =	stileid.u32;
	[bflag:$0x2] =	sbarrier.arrive $0xFFFF  }
0x21b: {  	p0 =	sne.s32 s0, $0x0;
	s0 =	rddreg [dreg:$0x2]  }
0x21c: {  	s0 =	sadd.s32 @!p0 $0x100000, s0  }
0x21d: {  	[sflag:s0] =	ssyncadd.tile.s32 @!p0 $0x1;
	_ =	shalt  }
.Lfunc_end2:
_tile_overlayer_lowered:
.L_overlay_start_2:
0x21e: {  	(tag) =	ssettag $0x2  }
0x21f: {  	s0 =	rddreg [dreg:$0x0];
	s2 =	stileid.u32  }
0x220: {  	s1 =	rddreg [dreg:$0x1];
	p0 =	sne.s32 s2, $0x0  }
0x221: {  	s3 =	rddreg [dreg:$0x2];
	[bflag:$0x3] =	sbarrier.arrive $0xFFFF;
	s2 =	simm.s32 @!p0 $0x1C02  }
0x222: {  	[timem:s3], [sflag:s2] =	dma.local @!p0 [hbm:s0], s1  }
0x223: {  	s0 =	simm.s32 @!p0 $0x2  }
0x224: {  	_ =	swait.ge @!p0 [sflag:s0], s1  }
0x225: {  	s1 =	ssub.s32 @!p0 $0x0, s1;
	[sflag:s0] =	ssyncset.done @!p0 $0x0  }
0x226: {  	[sflag:s0] =	ssyncadd.s32 @!p0 s1  }
0x227: {  	[bflag:$0x3] =	sbarrier.arrive $0xFFFF  }
0x228: {  	_ =	shalt  }

// kernel: kernel.16.cloned.1.call-start
scs
__scs_entry_jumppad:
0x0: {  	(pc) =	sbr.rel $0x88, $3  }
0x1: {  	(tag) =	ssettag $0x0;
	lr =	simm.s32 $0x1  }
0x2: {  	[smem:$0x3F97] =	sst lr;
	_ =	strace $0xD0000000  }
0x3: {  	_ = 	snop  }
0x4: {  	_ = 	snop  }
0x5: {  	_ = 	snop  }
0x6: {  	_ = 	snop  }
0x7: {  	_ = 	snop  }
__scs_overlays_trampoline_lowered:
0x8: {  	[smem:$0x3FA6] =	sst s0  }
0x9: {  	[smem:$0x3FA7] =	sst s1  }
0xa: {  	[smem:$0x3FA8] =	sst s2  }
0xb: {  	[smem:$0x3FA9] =	sst s3  }
0xc: {  	[smem:$0x3FAA] =	sst s4  }
0xd: {  	[smem:$0x3FAB] =	sst s5  }
0xe: {  	[smem:$0x3FAC] =	sst s6  }
0xf: {  	[smem:$0x3FAD] =	sst s7  }
0x10: {  	[smem:$0x3FAE] =	sst s8  }
0x11: {  	[smem:$0x3FAF] =	sst s9;
	s0 =	simm.s32 @!p0 $0x0  }
0x12: {  	s1 =	sld [smem:$0x3F95];
	s0 =	simm.s32 @p0 $0x1  }
0x13: {  	[smem:$0x3FB0] =	sst s0;
	s0 =	simm.s32 @!p1 $0x0  }
0x14: {  	s2 =	sld [smem:$0x3F94];
	s0 =	simm.s32 @p1 $0x1  }
0x15: {  	[smem:$0x3FB1] =	sst s0;
	s0 =	simm.s32 @!p2 $0x0  }
0x16: {  	s3 =	sld [smem:$0x3FDB];
	s0 =	simm.s32 @p2 $0x1  }
0x17: {  	s4 =	simm.s32 $0x1BF5;
	[smem:$0x3FB3] =	sst s0  }
0x18: {  	s0 =	sld [smem:$0x3F96];
	_ =	swait.ge [sflag:s4], $0x0  }
0x19: {  	s7 =	sld [smem:$0x3F97]  }
0x1a: {  	s8 =	sadd.s32 $0xFFFFE003, lr  }
0x1b: {  	s9 =	sadd.s32 $0xFFFFFEF7, lr;
	s5 =	simm.s32 $0xFFFFFFFF;
	p2 =	slt.u32 s8, $0xFFFFF086  }
0x1c: {  	p1 =	slt.u32 s9, $0xF7A;
	s5 =	simm.s32 @!p2 $0x0  }
0x1d: {  	s5 =	simm.s32 @p1 $0x1;
	p0 =	seq.s32 s7, s2  }
0x1e: {  	s7 =	smul.u32 @!p0 $0xF7A, s2;
	p2 =	seq.s32 @!p0 s5, $0x0  }
0x1f: {  	s9 =	smul.u32 $0xF7A, s1;
	s8 =	simm.s32 @!p0 $0x1BF5;
	p2 =	por !p2, p0  }
0x20: {  	[sflag:s8] =	ssyncset.s32 @!p0 $0xFFFFF086;
	s6 =	sadd.s32 @!p0 s3, s7;
	s7 =	simm.s32 @!p0 $0x108  }
0x21: {  	s3 =	sadd.s32 s3, s9;
	s6 =	sadd.s32 @!p0 $0x88, s6;
	s7 =	simm.s32 @p2 $0x1082  }
0x22: {  	[simem:s7], [sflag:s8] =	dma.local @!p0 [hbm:s6], $0xF7A  }
0x23: {  	s9 =	sor.u32 $0xD0000000, s2;
	s6 =	simm.s32 $0x108;
	_ =	swait.ge @!p0 [sflag:s8], $0x0  }
0x24: {  	s3 =	sadd.s32 $0x88, s3;
	s6 =	simm.s32 @!p1 $0x1082;
	[sflag:s4] =	ssyncset.s32 $0xFFFFF086  }
0x25: {  	[simem:s6], [sflag:s4] =	dma.local [hbm:s3], $0xF7A  }
0x26: {  	[smem:$0x3F97] =	sst s1;
	(tag) =	ssettag s2;
	_ =	strace s9  }
0x27: {  	s1 =	sld [smem:$0x3FA7]  }
0x28: {  	s2 =	sld [smem:$0x3FA8]  }
0x29: {  	s4 =	sld [smem:$0x3FAA]  }
0x2a: {  	p0 =	seq.s32 s5, $0x0;
	s5 =	sld [smem:$0x3FAB]  }
0x2b: {  	s6 =	sld [smem:$0x3FAC]  }
0x2c: {  	s7 =	sld [smem:$0x3FAD]  }
0x2d: {  	s3 =	simm.s32 $0x108;
	s8 =	sld [smem:$0x3FAE]  }
0x2e: {  	s3 =	simm.s32 @!p0 $0x1082;
	s9 =	sld [smem:$0x3FAF]  }
0x2f: {  	lr =	sadd.s32 s0, s3;
	s0 =	sld [smem:$0x3FA6]  }
0x30: {  	s3 =	sld [smem:$0x3FA9]  }
0x31: {  	[smem:$0x3FB2] =	sst s10  }
0x32: {  	s10 =	sld [smem:$0x3FB0];
	_ =	sdelay $0x3  }
0x33: {  	p0 =	seq.s32 s10, $0x1;
	s10 =	sld [smem:$0x3FB2];
	_ =	sdelay $0x3  }
0x34: {  	[smem:$0x3FB2] =	sst s10  }
0x35: {  	s10 =	sld [smem:$0x3FB1];
	_ =	sdelay $0x3  }
0x36: {  	p1 =	seq.s32 s10, $0x1;
	s10 =	sld [smem:$0x3FB2];
	_ =	sdelay $0x3  }
0x37: {  	[smem:$0x3FB2] =	sst s10  }
0x38: {  	s10 =	sld [smem:$0x3FB3]  }
0x39: {  	_ = 	snop;
	(pc) =	sbr.ind lr, $3  }
0x3a: {  	_ = 	snop  }
0x3b: {  	_ = 	snop  }
0x3c: {  	p2 =	seq.s32 s10, $0x1;
	s10 =	sld [smem:$0x3FB2]  }
0x3d: {  	_ =	shalt  }
0x3e: {  	_ =	shalt  }
0x3f: {  	_ =	shalt  }
0x40: {  	_ =	shalt  }
0x41: {  	_ =	shalt  }
0x42: {  	_ =	shalt  }
0x43: {  	_ =	shalt  }
0x44: {  	_ =	shalt  }
0x45: {  	_ =	shalt  }
0x46: {  	_ =	shalt  }
0x47: {  	_ =	shalt  }
0x48: {  	_ =	shalt  }
0x49: {  	_ =	shalt  }
0x4a: {  	_ =	shalt  }
0x4b: {  	_ =	shalt  }
0x4c: {  	_ =	shalt  }
0x4d: {  	_ =	shalt  }
0x4e: {  	_ =	shalt  }
0x4f: {  	_ =	shalt  }
0x50: {  	_ =	shalt  }
0x51: {  	_ =	shalt  }
0x52: {  	_ =	shalt  }
0x53: {  	_ =	shalt  }
0x54: {  	_ =	shalt  }
0x55: {  	_ =	shalt  }
0x56: {  	_ =	shalt  }
0x57: {  	_ =	shalt  }
0x58: {  	_ =	shalt  }
0x59: {  	_ =	shalt  }
0x5a: {  	_ =	shalt  }
0x5b: {  	_ =	shalt  }
0x5c: {  	_ =	shalt  }
0x5d: {  	_ =	shalt  }
0x5e: {  	_ =	shalt  }
0x5f: {  	_ =	shalt  }
0x60: {  	_ =	shalt  }
0x61: {  	_ =	shalt  }
0x62: {  	_ =	shalt  }
0x63: {  	_ =	shalt  }
0x64: {  	_ =	shalt  }
0x65: {  	_ =	shalt  }
0x66: {  	_ =	shalt  }
0x67: {  	_ =	shalt  }
0x68: {  	_ =	shalt  }
0x69: {  	_ =	shalt  }
0x6a: {  	_ =	shalt  }
0x6b: {  	_ =	shalt  }
0x6c: {  	_ =	shalt  }
0x6d: {  	_ =	shalt  }
0x6e: {  	_ =	shalt  }
0x6f: {  	_ =	shalt  }
0x70: {  	_ =	shalt  }
0x71: {  	_ =	shalt  }
0x72: {  	_ =	shalt  }
0x73: {  	_ =	shalt  }
0x74: {  	_ =	shalt  }
0x75: {  	_ =	shalt  }
0x76: {  	_ =	shalt  }
0x77: {  	_ =	shalt  }
0x78: {  	_ =	shalt  }
0x79: {  	_ =	shalt  }
0x7a: {  	_ =	shalt  }
0x7b: {  	_ =	shalt  }
0x7c: {  	_ =	shalt  }
0x7d: {  	_ =	shalt  }
0x7e: {  	_ =	shalt  }
0x7f: {  	_ =	shalt  }
0x80: {  	_ =	shalt  }
0x81: {  	_ =	shalt  }
0x82: {  	_ =	shalt  }
0x83: {  	_ =	shalt  }
0x84: {  	_ =	shalt  }
0x85: {  	_ =	shalt  }
0x86: {  	_ =	shalt  }
0x87: {  	_ =	shalt  }
.Lfunc_end0:
.L_simem_size_0:
called_computation.2_lowered:
.L_overlay_start_0:
0x88: {  	s2 =	sld [smem:$0x3FD9]  }
0x89: {  	s3 =	sld [smem:$0x3FFE];
	_ =	sdelay $0x1  }
0x8a: {  	s1 =	srdreg.scid  }
0x8b: {  	s0 =	sand.u32 $0x1, s1  }
0x8c: {  	s16 =	sshll.u32 s0, $0xA;
	s2 =	sadd.s32 s3, s2  }
0x8d: {  	s2 =	sadd.s32 s2, s16  }
0x8e: {  	[smem:$0x3FBE] =	sst s2  }
0x8f: {  	_ = 	snop  }
0x90: {  	(tm) =	ssettm $0x1  }
0x91: {  	s17 =	sld [smem:$0x3FFB];
	_ =	sdelay $0x3  }
0x92: {  	_ =	strace s17  }
0x93: {  	s2 =	sld [smem:$0x3FFC];
	_ =	sdelay $0x3  }
0x94: {  	_ =	strace s2  }
0x95: {  	s2 =	sld [smem:$0x3FFD];
	_ =	sdelay $0x3  }
0x96: {  	_ =	strace s2  }
0x97: {  	_ =	strace $0x8FFFFFFF  }
0x98: {  	s18 =	sld [smem:$0x3FDB];
	_ =	sdelay $0x1  }
0x99: {  	s19 =	simm.s32 $_scs_section_size  }
0x9a: {  	s4 =	simm.s32 $_size__tile_overlayer_lowered;
	s5 =	simm.s32 $_tile_overlayer_lowered  }
0x9b: {  	s22 =	simm.s32 $0x1BFF;
	s21 =	sshll.u32 s5, $0x1;
	s2 =	sadd.s32 s19, s18  }
0x9c: {  	s6 =	simm.s32 $0x0;
	s20 =	sshll.u32 s4, $0x1;
	s4 =	sadd.s32 s21, s2  }
0x9d: {  	[timem:s6], [sflag:s22] =	dma.local [hbm:s4], s20  }
0x9e: {  	_ =	swait.ge [sflag:s22], s20  }
0x9f: {  	s3 =	ssub.s32 $0x0, s20;
	[sflag:s22] =	ssyncset.done $0x0  }
0xa0: {  	[sflag:s22] =	ssyncadd.s32 s3;
	_ =	sdelay $0x1  }
0xa1: {  	s23 =	simm.s32 $0x1B8B  }
0xa2: {  	_ =	swait.ge [sflag:s23], $0x1  }
0xa3: {  	[sflag:s23] =	ssyncset.done $0x0  }
0xa4: {  	s25 =	simm.s32 $0x1B8E;
	s24 =	sld [smem:$0x3FFE];
	[sflag:s23] =	ssyncadd.s32 $0xFFFFFFFF  }
0xa5: {  	s26 =	simm.s32 $execute0_lowered;
	[smem:$0x3FD2] =	sst s25  }
0xa6: {  	s4 =	sshll.u32 s26, $0x1;
	_ =	strace $0x8000004C;
	[dreg:$0x1] =	wrdreg $0xFFFFFFFF  }
0xa7: {  	s28 =	simm.s32 $_size_execute0_lowered;
	s2 =	sadd.s32 s2, s4;
	[dreg:$0x0] =	wrdreg $0x0  }
0xa8: {  	s4 =	sshll.u32 s28, $0x1;
	[dreg:$0x2] =	wrdreg s2  }
0xa9: {  	[dreg:$0x3] =	wrdreg s4  }
0xaa: {  	[dreg:$0x4] =	wrdreg $0xC0  }
0xab: {  	_ =	task [dreg:s6], $0x5FFFF  }
0xac: {  	[dreg:$0x1] =	wrdreg $0xFFFFFFFF  }
0xad: {  	[dreg:$0x0] =	wrdreg $0x60  }
0xae: {  	[dreg:$0x2] =	wrdreg s24  }
0xaf: {  	[dreg:$0x3] =	wrdreg $0xC8000  }
0xb0: {  	[dreg:$0x4] =	wrdreg $0x9  }
0xb1: {  	_ =	task.clear_ibuf [dreg:s6], $0x5FFFF;
	_ =	strace $0x9000004C  }
0xb2: {  	s29 =	simm.s32 $0x9;
	_ =	strace $0x8000004E  }
0xb3: {  	_ =	swait.ge [sflag:s29], $0x1  }
0xb4: {  	[sflag:s29] =	ssyncadd.s32 $0xFFFFFFFF  }
0xb5: {  	_ =	strace $0x9000004E  }
0xb6: {  	_ =	sfence  }
0xb7: {  	s30 =	sld [smem:$0x0];
	_ =	sdelay $0x2  }
0xb8: {  	s31 =	sshll.u32 s1, $0xD;
	s1 =	sshrl.u32 s1, $0x2  }
0xb9: {  	s3 =	sand.u32 $0x4000, s31;
	s1 =	sadd.s32 s1, s30  }
0xba: {  	s0 =	sor.u32 s3, s0;
	s1 =	sshll.u32 s1, $0x11  }
0xbb: {  	s0 =	sor.u32 s1, s0  }
0xbc: {  	s0 =	sadd.s32 $0x8F2B, s0  }
0xbd: {  	[sflag:s0] =	ssyncadd.remote.s32 $0x1  }
0xbe: {  	_ =	sfence.sel $0xFFFF  }
0xbf: {  	[dreg:$0x0] =	wrdreg $0xFFFFFFFF;
	(pc) =	sbr.abs _section_cstart, $3  }
0xc0: {  	[dreg:$0x1] =	wrdreg $0xFFFFFFFF  }
0xc1: {  	_ =	task.clear_ibuf [dreg:s6], $0x2FFFF;
	_ =	strace $0x9FFFFFFF  }
0xc2: {  	(tm) =	ssettm $0x7FFFFFFF  }
0xc3: {  	_ =	shalt  }
tec
execute0_lowered:
.L_overlay_start_1:
0x0: {  	(tag) =	ssettag $0x1  }
0x1: {  	s0 =	rddreg [dreg:$0x0]  }
0x2: {  	s2 =	rddreg [dreg:$0x1];
	s3 =	simm.s32 $0x0  }
0x3: {  	s13 =	stileid.u32;
	s1 =	srdreg.scid;
	s15 =	simm.s32 $0x3  }
0x4: {  	s16 =	simm.s32 $0x400;
	s17 =	simm.s32 $0x80;
	s31 =	simm.s32 $0x580  }
0x5: {  	s28 =	simm.s32 $0x780;
	s30 =	simm.s32 $0x1;
	s18 =	simm.s32 $0xB800  }
0x6: {  	s19 =	simm.s32 $0xC000;
	s14 =	simm.s32 $0x0;
	[smem:$0x7FF] =	sst s3  }
0x7: {  	s20 =	smul.u32 $0x2720, s13;
	s1 =	sand.u32 $0x1, s1;
	s4 =	sadd.s32 $0xB2C00, s0  }
0x8: {  	s5 =	sadd.s32 $0xA8C00, s0;
	s6 =	sadd.s32 $0x2EA00, s0;
	s9 =	smul.u32 $0x4E2, s13  }
0x9: {  	s7 =	sadd.s32 $0x29A00, s0;
	s22 =	smul.u32 $0x9C40, s13;
	s23 =	sshll.u32 s13, $0x6  }
0xa: {  	_ =	strace $0x8000004D;
	s8 =	smul.u32 $0x4E20, s1;
	s11 =	ssub.s32 $0x2, s1  }
0xb: {  	s1 =	sshll.u32 s1, $0x4;
	s10 =	sshrl.u32 s20, $0x3;
	s12 =	sshrl.u32 s11, $0x1  }
0xc: {  	s3 =	sadd.s32 s20, s2;
	s1 =	sor.u32 s13, s1;
	s13 =	sor.u32 $0x1C03, s23  }
0xd: {  	s24 =	sshrl.u32 s22, $0x2;
	s20 =	simm.s32 $0x700;
	s10 =	sadd.s32 s10, s0  }
0xe: {  	s9 =	sadd.s32 s9, s8;
	s8 =	sadd.s32 $0xC1C00, s0;
	s21 =	ssub.s32 s11, s12  }
0xf: {  	s11 =	smul.u32 $0x2800, s1;
	s25 =	sadd.s32 s24, s2;
	s29 =	sshrl.u32 s3, $0x3  }
0x10: {  	s12 =	simm.s32 $0x600;
	s1 =	simm.s32 $0x8800;
	[dreg:$0x4] =	wrdreg s13  }
0x11: {  	s3 =	simm.s32 $0xB000;
	s10 =	sadd.s32 $0xBCC00, s10;
	[dreg:$0x7] =	wrdreg s29  }
0x12: {  	s0 =	sadd.s32 s9, s0;
	s26 =	smax.u32 s21, $0x1;
	[dreg:$0x3] =	wrdreg s10  }
0x13: {  	s21 =	simm.s32 $0x480;
	s0 =	sadd.s32 $0x33A00, s0;
	[dreg:$0x6] =	wrdreg s26  }
0x14: {  	s26 =	simm.s32 $0x500;
	[dreg:$0x5] =	wrdreg s0;
	s0 =	sshrl.u32 s25, $0x3  }
0x15: {  	s10 =	simm.s32 $0x680;
	[dreg:$0x8] =	wrdreg s0;
	s0 =	simm.s32 $0x2  }
.LBB2_1:
0x16: {  	[dreg:$0x9] =	wrdreg s14  }
0x17: {  	s9 =	rddreg [dreg:$0x3]  }
0x18: {  	s29 =	rddreg [dreg:$0x7]  }
0x19: {  	[spmem:s29], [sflag:s13] =	dma.local [hbm:s9], $0x4E4  }
0x1a: {  	_ =	swait.ge [sflag:s15], $0x4E4  }
0x1b: {  	[sflag:s15] =	ssyncset.done $0x0  }
0x1c: {  	[sflag:s15] =	ssyncadd.s32 $0xFFFFFB1C  }
0x1d: {  	s22 =	simm.s32 $0x0;
	[bflag:$0x0] =	sbarrier.arrive $0xFFFF  }
.LBB2_2:
0x1e: {  	s9 =	sshll.u32 s22, $0xA  }
0x1f: {  	s23 =	sadd.s32 s11, s9  }
0x20: {  	s9 =	sshrl.u32 s23, $0x3  }
0x21: {  	s14 =	simm.s32 $0x0;
	s13 =	sadd.s32 s4, s9  }
0x22: {  	[tilespmem:s14], [sflag:$0x3] =	stream.linear.gather [hbm4b:s13+s14], $0x400, $0x38;
	[tilespmem:$0xEF20] =	vst v63  }
0x23: {  	_ =	swait.ge [sflag:s15], $0x400  }
0x24: {  	[sflag:s15] =	ssyncset.done $0x0  }
0x25: {  	s9 =	sadd.s32 s5, s9;
	[sflag:s15] =	ssyncadd.s32 $0xFFFFFC00  }
0x26: {  	[tilespmem:s16], [sflag:$0x3] =	stream.linear.gather [hbm4b:s9+s14], $0x400, $0x38;
	[tilespmem:$0xEF20] =	vst v63  }
0x27: {  	_ =	swait.ge [sflag:s15], $0x400  }
0x28: {  	[sflag:s15] =	ssyncset.done $0x0  }
0x29: {  	s24 =	simm.s32 $0x800;
	[sflag:s15] =	ssyncadd.s32 $0xFFFFFC00  }
0x2a: {  	[tilespmem:s24], [sflag:$0x1] =	stream.indirect.gather [hbm4b:s6+s17], $0x10, s14, s17, $0xb8;
	[tilespmem:$0xEF20] =	vst v63  }
0x2b: {  	s25 =	simm.s32 $0x4800  }
0x2c: {  	[tilespmem:s25], [sflag:$0x2] =	stream.indirect.gather [hbm4b:s7+s17], $0x10, s16, s17, $0xb8;
	[tilespmem:$0xEF20] =	vst v63  }
0x2d: {  	s13 =	simm.s32 $0x1000  }
0x2e: {  	[tilespmem:s13], [sflag:$0x1] =	stream.indirect.gather [hbm4b:s6+s17], $0x10, s17, s17, $0xb8;
	[tilespmem:$0xEF20] =	vst v63  }
0x2f: {  	s14 =	simm.s32 $0x5000  }
0x30: {  	[tilespmem:s14], [sflag:$0x2] =	stream.indirect.gather [hbm4b:s7+s17], $0x10, s21, s17, $0xb8;
	[tilespmem:$0xEF20] =	vst v63  }
0x31: {  	s24 =	simm.s32 $0x100;
	s25 =	simm.s32 $0x1800  }
0x32: {  	[tilespmem:s25], [sflag:$0x1] =	stream.indirect.gather [hbm4b:s6+s17], $0x10, s24, s17, $0xb8;
	[tilespmem:$0xEF20] =	vst v63  }
0x33: {  	s14 =	simm.s32 $0x5800  }
0x34: {  	[tilespmem:s14], [sflag:$0x2] =	stream.indirect.gather [hbm4b:s7+s17], $0x10, s26, s17, $0xb8;
	[tilespmem:$0xEF20] =	vst v63  }
0x35: {  	s24 =	simm.s32 $0x180;
	s25 =	simm.s32 $0x2000  }
0x36: {  	[tilespmem:s25], [sflag:$0x1] =	stream.indirect.gather [hbm4b:s6+s17], $0x10, s24, s17, $0xb8;
	[tilespmem:$0xEF20] =	vst v63  }
0x37: {  	s14 =	simm.s32 $0x6000  }
0x38: {  	[tilespmem:s14], [sflag:$0x2] =	stream.indirect.gather [hbm4b:s7+s17], $0x10, s31, s17, $0xb8;
	[tilespmem:$0xEF20] =	vst v63  }
0x39: {  	s24 =	simm.s32 $0x200;
	s25 =	simm.s32 $0x2800  }
0x3a: {  	[tilespmem:s25], [sflag:$0x1] =	stream.indirect.gather [hbm4b:s6+s17], $0x10, s24, s17, $0xb8;
	[tilespmem:$0xEF20] =	vst v63  }
0x3b: {  	s14 =	simm.s32 $0x6800  }
0x3c: {  	[tilespmem:s14], [sflag:$0x2] =	stream.indirect.gather [hbm4b:s7+s17], $0x10, s12, s17, $0xb8;
	[tilespmem:$0xEF20] =	vst v63  }
0x3d: {  	s24 =	simm.s32 $0x280;
	s25 =	simm.s32 $0x3000  }
0x3e: {  	[tilespmem:s25], [sflag:$0x1] =	stream.indirect.gather [hbm4b:s6+s17], $0x10, s24, s17, $0xb8;
	[tilespmem:$0xEF20] =	vst v63  }
0x3f: {  	s14 =	simm.s32 $0x7000  }
0x40: {  	[tilespmem:s14], [sflag:$0x2] =	stream.indirect.gather [hbm4b:s7+s17], $0x10, s10, s17, $0xb8;
	[tilespmem:$0xEF20] =	vst v63  }
0x41: {  	s24 =	simm.s32 $0x300;
	s25 =	simm.s32 $0x3800  }
0x42: {  	[tilespmem:s25], [sflag:$0x1] =	stream.indirect.gather [hbm4b:s6+s17], $0x10, s24, s17, $0xb8;
	[tilespmem:$0xEF20] =	vst v63  }
0x43: {  	s13 =	simm.s32 $0x7800  }
0x44: {  	[tilespmem:s13], [sflag:$0x2] =	stream.indirect.gather [hbm4b:s7+s17], $0x10, s20, s17, $0xb8;
	[tilespmem:$0xEF20] =	vst v63  }
0x45: {  	s14 =	simm.s32 $0x380;
	s24 =	simm.s32 $0x4000  }
0x46: {  	[tilespmem:s24], [sflag:$0x1] =	stream.indirect.gather [hbm4b:s6+s17], $0x10, s14, s17, $0xb8;
	[tilespmem:$0xEF20] =	vst v63  }
0x47: {  	s25 =	simm.s32 $0x8000  }
0x48: {  	[tilespmem:s25], [sflag:$0x2] =	stream.indirect.gather [hbm4b:s7+s17], $0x10, s28, s17, $0xb8;
	[tilespmem:$0xEF20] =	vst v63  }
0x49: {  	_ =	swait.ge [sflag:s30], $0x800  }
0x4a: {  	[sflag:s30] =	ssyncset.done $0x0  }
0x4b: {  	[sflag:s30] =	ssyncadd.s32 $0xFFFFF800  }
0x4c: {  	_ =	swait.ge [sflag:s0], $0x800  }
0x4d: {  	[sflag:s0] =	ssyncset.done $0x0  }
0x4e: {  	[sflag:s0] =	ssyncadd.s32 $0xFFFFF800  }
0x4f: {  	_ =	swait.ge [sflag:s30], $0x800  }
0x50: {  	[sflag:s30] =	ssyncset.done $0x0  }
0x51: {  	[sflag:s30] =	ssyncadd.s32 $0xFFFFF800  }
0x52: {  	_ =	swait.ge [sflag:s0], $0x800  }
0x53: {  	[sflag:s0] =	ssyncset.done $0x0  }
0x54: {  	[sflag:s0] =	ssyncadd.s32 $0xFFFFF800  }
0x55: {  	_ =	swait.ge [sflag:s30], $0x800  }
0x56: {  	[sflag:s30] =	ssyncset.done $0x0  }
0x57: {  	[sflag:s30] =	ssyncadd.s32 $0xFFFFF800  }
0x58: {  	_ =	swait.ge [sflag:s0], $0x800  }
0x59: {  	[sflag:s0] =	ssyncset.done $0x0  }
0x5a: {  	[sflag:s0] =	ssyncadd.s32 $0xFFFFF800  }
0x5b: {  	_ =	swait.ge [sflag:s30], $0x800  }
0x5c: {  	[sflag:s30] =	ssyncset.done $0x0  }
0x5d: {  	[sflag:s30] =	ssyncadd.s32 $0xFFFFF800  }
0x5e: {  	_ =	swait.ge [sflag:s0], $0x800  }
0x5f: {  	[sflag:s0] =	ssyncset.done $0x0  }
0x60: {  	[sflag:s0] =	ssyncadd.s32 $0xFFFFF800  }
0x61: {  	_ =	swait.ge [sflag:s30], $0x800  }
0x62: {  	[sflag:s30] =	ssyncset.done $0x0  }
0x63: {  	[sflag:s30] =	ssyncadd.s32 $0xFFFFF800  }
0x64: {  	_ =	swait.ge [sflag:s0], $0x800  }
0x65: {  	[sflag:s0] =	ssyncset.done $0x0  }
0x66: {  	[sflag:s0] =	ssyncadd.s32 $0xFFFFF800  }
0x67: {  	_ =	swait.ge [sflag:s30], $0x800  }
0x68: {  	[sflag:s30] =	ssyncset.done $0x0  }
0x69: {  	[sflag:s30] =	ssyncadd.s32 $0xFFFFF800  }
0x6a: {  	_ =	swait.ge [sflag:s0], $0x800  }
0x6b: {  	[sflag:s0] =	ssyncset.done $0x0  }
0x6c: {  	[sflag:s0] =	ssyncadd.s32 $0xFFFFF800  }
0x6d: {  	_ =	swait.ge [sflag:s30], $0x800  }
0x6e: {  	[sflag:s30] =	ssyncset.done $0x0  }
0x6f: {  	[sflag:s30] =	ssyncadd.s32 $0xFFFFF800  }
0x70: {  	_ =	swait.ge [sflag:s0], $0x800  }
0x71: {  	[sflag:s0] =	ssyncset.done $0x0  }
0x72: {  	[sflag:s0] =	ssyncadd.s32 $0xFFFFF800  }
0x73: {  	_ =	swait.ge [sflag:s30], $0x800  }
0x74: {  	[sflag:s30] =	ssyncset.done $0x0  }
0x75: {  	[sflag:s30] =	ssyncadd.s32 $0xFFFFF800  }
0x76: {  	_ =	swait.ge [sflag:s0], $0x800  }
0x77: {  	[sflag:s0] =	ssyncset.done $0x0  }
0x78: {  	s24 =	simm.s32 $0x0;
	[sflag:s0] =	ssyncadd.s32 $0xFFFFF800  }
0x79: {  	v0 =	vld [tilespmem:s24+$0x800]  }
0x7a: {  	v1 =	vld [tilespmem:s24+$0x4800];
	_ =	sdelay $0x4  }
0x7b: {  	v0 =	vadd.f32 v1, v0;
	_ =	sdelay $0x1  }
0x7c: {  	s29 =	simm.s32 $0x10;
	v1 =	vmul.f32 $2.000000030e-01, v0  }
0x7d: {  	v2 =	vld [tilespmem:s29+$0x800];
	vm0 =	vge.f32 v0, $0.0e+00  }
0x7e: {  	v3 =	vld [tilespmem:s29+$0x4800];
	v0 =	vsel vm0, v0, v1  }
0x7f: {  	s13 =	simm.s32 $0x20;
	v0 =	vmul.f32 $1.442695020e+00, v0  }
0x80: {  	v1 =	vld [tilespmem:s13+$0x800]  }
0x81: {  	(erf) = vpow2.f32 v0;
	v0 =	vld [tilespmem:s13+$0x4800];
	_ =	sdelay $0x1  }
0x82: {  	v2 =	vadd.f32 v3, v2;
	_ =	sdelay $0x1  }
0x83: {  	v3 =	vmul.f32 $2.000000030e-01, v2  }
0x84: {  	vm14 =	vge.f32 v2, $0.0e+00;
	v4 =	vadd.f32 v0, v1  }
0x85: {  	v0 =	vsel vm14, v2, v3  }
0x86: {  	s9 =	simm.s32 $0x30;
	v1 =	vmul.f32 $1.442695020e+00, v0;
	v2 =	vmul.f32 $2.000000030e-01, v4  }
0x87: {  	v0 =	vld [tilespmem:s9+$0x800]  }
0x88: {  	(erf) = vpow2.f32 v1;
	v1 =	vld [tilespmem:s9+$0x4800]  }
0x89: {  	vm15 =	vge.f32 v4, $0.0e+00  }
0x8a: {  	s14 =	simm.s32 $0x100;
	v3 =	vsel vm15, v4, v2;
	v2 =	vpop (erf)  }
.LBB2_3:
0x8b: {  	s25 =	sshra.s32 s14, $0x2  }
0x8c: {  	v3 =	vmul.f32 $1.442695020e+00, v3;
	[tilespmem:s24+$0x8800] =	vst v2;
	s24 =	smov.u32 s29;
	s29 =	smov.u32 s13;
	p0 =	sne.s32 s14, $0xFFC0  }
.Ltmp0:
0x8d: {  	s14 =	sadd.s32 $0x40, s14;
	v2 =	vadd.f32 v1, v0;
	v0 =	vld [tilespmem:s25+$0x800];
	(pc) =	sbr.rel @p0 .LBB2_3-.Ltmp0, $4  }
0x8e: {  	s13 =	smov.u32 s9;
	s9 =	smov.u32 s25;
	v1 =	vld [tilespmem:s25+$0x4800];
	(erf) = vpow2.f32 v3  }
0x8f: {  	v3 =	vmul.f32 $2.000000030e-01, v2  }
0x90: {  	vm0 =	vge.f32 v2, $0.0e+00  }
0x91: {  	v3 =	vsel vm0, v2, v3;
	v2 =	vpop (erf)  }
0x92: {  	_ = 	snop  }
0x93: {  	v0 =	vadd.f32 v1, v0;
	_ =	sdelay $0x1  }
0x94: {  	v1 =	vmul.f32 $2.000000030e-01, v0  }
0x95: {  	vm0 =	vge.f32 v0, $0.0e+00  }
0x96: {  	v60 =	vmul.f32 $1.442695020e+00, v3;
	v0 =	vsel vm0, v0, v1  }
0x97: {  	v0 =	vmul.f32 $1.442695020e+00, v0  }
0x98: {  	(erf) = vpow2.f32 v60  }
0x99: {  	(erf) = vpow2.f32 v0;
	_ =	sdelay $0x6  }
0x9a: {  	[tilespmem:s24+$0x8800] =	vst v2;
	v61 =	vpop (erf)  }
0x9b: {  	[tilespmem:s29+$0x8800] =	vst v61;
	v62 =	vpop (erf)  }
0x9c: {  	s29 =	sshll.u32 s23, $0x1;
	[tilespmem:s13+$0x8800] =	vst v62;
	v63 =	vpop (erf)  }
0x9d: {  	s14 =	simm.s32 $0x0;
	s13 =	sadd.s32 s8, s29;
	[tilespmem:s9+$0x8800] =	vst v63  }
0x9e: {  	[hbm4b:s13+s14] =	stream.linear.scatter [tilespmem:s1], [sflag:$0x3], $0x4000, $0x38;
	[tilespmem:$0xEF20] =	vst v63  }
0x9f: {  	_ =	swait.ge [sflag:s15], $0x4000  }
0xa0: {  	[sflag:s15] =	ssyncset.done $0x0  }
0xa1: {  	[sflag:s15] =	ssyncadd.s32 $0xFFFFC000  }
0xa2: {  	[spmem:s2] =	stream.indirect.scatter.add.f32 [tilespmem:s1], [sflag:$0x3], $0x10, s16, s17, $0xb8;
	[tilespmem:$0xEF20] =	vst v63  }
0xa3: {  	_ =	swait.ge [sflag:s15], $0x800  }
0xa4: {  	[sflag:s15] =	ssyncset.done $0x0  }
0xa5: {  	s23 =	simm.s32 $0x9000;
	[sflag:s15] =	ssyncadd.s32 $0xFFFFF800  }
0xa6: {  	[spmem:s2] =	stream.indirect.scatter.add.f32 [tilespmem:s23], [sflag:$0x3], $0x10, s21, s17, $0xb8;
	[tilespmem:$0xEF20] =	vst v63  }
0xa7: {  	_ =	swait.ge [sflag:s15], $0x800  }
0xa8: {  	[sflag:s15] =	ssyncset.done $0x0  }
0xa9: {  	s24 =	simm.s32 $0x9800;
	[sflag:s15] =	ssyncadd.s32 $0xFFFFF800  }
0xaa: {  	[spmem:s2] =	stream.indirect.scatter.add.f32 [tilespmem:s24], [sflag:$0x3], $0x10, s26, s17, $0xb8;
	[tilespmem:$0xEF20] =	vst v63  }
0xab: {  	_ =	swait.ge [sflag:s15], $0x800  }
0xac: {  	[sflag:s15] =	ssyncset.done $0x0  }
0xad: {  	s25 =	simm.s32 $0xA000;
	[sflag:s15] =	ssyncadd.s32 $0xFFFFF800  }
0xae: {  	[spmem:s2] =	stream.indirect.scatter.add.f32 [tilespmem:s25], [sflag:$0x3], $0x10, s31, s17, $0xb8;
	[tilespmem:$0xEF20] =	vst v63  }
0xaf: {  	_ =	swait.ge [sflag:s15], $0x800  }
0xb0: {  	[sflag:s15] =	ssyncset.done $0x0  }
0xb1: {  	s29 =	simm.s32 $0xA800;
	[sflag:s15] =	ssyncadd.s32 $0xFFFFF800  }
0xb2: {  	[spmem:s2] =	stream.indirect.scatter.add.f32 [tilespmem:s29], [sflag:$0x3], $0x10, s12, s17, $0xb8;
	[tilespmem:$0xEF20] =	vst v63  }
0xb3: {  	_ =	swait.ge [sflag:s15], $0x800  }
0xb4: {  	[sflag:s15] =	ssyncset.done $0x0  }
0xb5: {  	[sflag:s15] =	ssyncadd.s32 $0xFFFFF800  }
0xb6: {  	[spmem:s2] =	stream.indirect.scatter.add.f32 [tilespmem:s3], [sflag:$0x3], $0x10, s10, s17, $0xb8;
	[tilespmem:$0xEF20] =	vst v63  }
0xb7: {  	_ =	swait.ge [sflag:s15], $0x800  }
0xb8: {  	[sflag:s15] =	ssyncset.done $0x0  }
0xb9: {  	[sflag:s15] =	ssyncadd.s32 $0xFFFFF800  }
0xba: {  	[spmem:s2] =	stream.indirect.scatter.add.f32 [tilespmem:s18], [sflag:$0x3], $0x10, s20, s17, $0xb8;
	[tilespmem:$0xEF20] =	vst v63  }
0xbb: {  	s22 =	sadd.s32 $0x1, s22;
	_ =	swait.ge [sflag:s15], $0x800  }
0xbc: {  	p0 =	sne.s32 s22, $0xA;
	[sflag:s15] =	ssyncset.done $0x0  }
.Ltmp1:
0xbd: {  	[sflag:s15] =	ssyncadd.s32 $0xFFFFF800;
	(pc) =	sbr.rel @p0 .LBB2_2-.Ltmp1, $4  }
0xbe: {  	[spmem:s2] =	stream.indirect.scatter.add.f32 [tilespmem:s19], [sflag:$0x3], $0x10, s28, s17, $0xb8;
	[tilespmem:$0xEF20] =	vst v63  }
0xbf: {  	_ =	swait.ge [sflag:s15], $0x800  }
0xc0: {  	[sflag:s15] =	ssyncset.done $0x0  }
0xc1: {  	[sflag:s15] =	ssyncadd.s32 $0xFFFFF800  }
0xc2: {  	[bflag:$0x0] =	sbarrier.arrive $0xFFFF  }
0xc3: {  	s13 =	rddreg [dreg:$0x4]  }
0xc4: {  	s9 =	rddreg [dreg:$0x5]  }
0xc5: {  	s14 =	rddreg [dreg:$0x8]  }
0xc6: {  	[hbm:s9], [sflag:s13] =	dma.local [spmem:s14], $0x4E2  }
0xc7: {  	_ =	swait.ge [sflag:s15], $0x4E2  }
0xc8: {  	s25 =	rddreg [dreg:$0x9]  }
0xc9: {  	s29 =	rddreg [dreg:$0x6];
	s14 =	sadd.s32 $0x1, s25  }
0xca: {  	p0 =	sne.s32 s14, s29  }
.Ltmp2:
0xcb: {  	_ = 	snop;
	(pc) =	sbr.rel @p0 .LBB2_1-.Ltmp2, $3  }
0xcc: {  	_ =	sdelay $0x1  }
0xcd: {  	[sflag:s15] =	ssyncset.done $0x0  }
0xce: {  	[sflag:s15] =	ssyncadd.s32 $0xFFFFFB1E  }
0xcf: {  	_ =	sfence.sel $0x180000  }
0xd0: {  	[bflag:$0x0] =	sbarrier.arrive $0xFFFF  }
0xd1: {  	_ =	strace $0x9000004D  }
0xd2: {  	s0 =	stileid.u32;
	[bflag:$0x2] =	sbarrier.arrive $0xFFFF  }
0xd3: {  	p0 =	sne.s32 s0, $0x0;
	s0 =	rddreg [dreg:$0x2]  }
0xd4: {  	s0 =	sadd.s32 @!p0 $0x100000, s0  }
0xd5: {  	[sflag:s0] =	ssyncadd.tile.s32 @!p0 $0x1;
	_ =	shalt  }
.Lfunc_end2:
_tile_overlayer_lowered:
.L_overlay_start_2:
0xd6: {  	(tag) =	ssettag $0x2  }
0xd7: {  	s0 =	rddreg [dreg:$0x0];
	s2 =	stileid.u32  }
0xd8: {  	s1 =	rddreg [dreg:$0x1];
	p0 =	sne.s32 s2, $0x0  }
0xd9: {  	s3 =	rddreg [dreg:$0x2];
	[bflag:$0x3] =	sbarrier.arrive $0xFFFF;
	s2 =	simm.s32 @!p0 $0x1C03  }
0xda: {  	[timem:s3], [sflag:s2] =	dma.local @!p0 [hbm:s0], s1  }
0xdb: {  	s0 =	simm.s32 @!p0 $0x3  }
0xdc: {  	_ =	swait.ge @!p0 [sflag:s0], s1  }
0xdd: {  	s1 =	ssub.s32 @!p0 $0x0, s1;
	[sflag:s0] =	ssyncset.done @!p0 $0x0  }
0xde: {  	[sflag:s0] =	ssyncadd.s32 @!p0 s1  }
0xdf: {  	[bflag:$0x3] =	sbarrier.arrive $0xFFFF  }
0xe0: {  	_ =	shalt  }

// kernel: kernel.19.cloned.1.call-start
scs
__scs_entry_jumppad:
0x0: {  	(pc) =	sbr.rel $0x88, $3  }
0x1: {  	(tag) =	ssettag $0x0;
	lr =	simm.s32 $0x1  }
0x2: {  	[smem:$0x3F97] =	sst lr;
	_ =	strace $0xD0000000  }
0x3: {  	_ = 	snop  }
0x4: {  	_ = 	snop  }
0x5: {  	_ = 	snop  }
0x6: {  	_ = 	snop  }
0x7: {  	_ = 	snop  }
__scs_overlays_trampoline_lowered:
0x8: {  	[smem:$0x3FA6] =	sst s0  }
0x9: {  	[smem:$0x3FA7] =	sst s1  }
0xa: {  	[smem:$0x3FA8] =	sst s2  }
0xb: {  	[smem:$0x3FA9] =	sst s3  }
0xc: {  	[smem:$0x3FAA] =	sst s4  }
0xd: {  	[smem:$0x3FAB] =	sst s5  }
0xe: {  	[smem:$0x3FAC] =	sst s6  }
0xf: {  	[smem:$0x3FAD] =	sst s7  }
0x10: {  	[smem:$0x3FAE] =	sst s8  }
0x11: {  	[smem:$0x3FAF] =	sst s9;
	s0 =	simm.s32 @!p0 $0x0  }
0x12: {  	s1 =	sld [smem:$0x3F95];
	s0 =	simm.s32 @p0 $0x1  }
0x13: {  	[smem:$0x3FB0] =	sst s0;
	s0 =	simm.s32 @!p1 $0x0  }
0x14: {  	s2 =	sld [smem:$0x3F94];
	s0 =	simm.s32 @p1 $0x1  }
0x15: {  	[smem:$0x3FB1] =	sst s0;
	s0 =	simm.s32 @!p2 $0x0  }
0x16: {  	s3 =	sld [smem:$0x3FDB];
	s0 =	simm.s32 @p2 $0x1  }
0x17: {  	s4 =	simm.s32 $0x1BF5;
	[smem:$0x3FB3] =	sst s0  }
0x18: {  	s0 =	sld [smem:$0x3F96];
	_ =	swait.ge [sflag:s4], $0x0  }
0x19: {  	s7 =	sld [smem:$0x3F97]  }
0x1a: {  	s8 =	sadd.s32 $0xFFFFE003, lr  }
0x1b: {  	s9 =	sadd.s32 $0xFFFFFEF7, lr;
	s5 =	simm.s32 $0xFFFFFFFF;
	p2 =	slt.u32 s8, $0xFFFFF086  }
0x1c: {  	p1 =	slt.u32 s9, $0xF7A;
	s5 =	simm.s32 @!p2 $0x0  }
0x1d: {  	s5 =	simm.s32 @p1 $0x1;
	p0 =	seq.s32 s7, s2  }
0x1e: {  	s7 =	smul.u32 @!p0 $0xF7A, s2;
	p2 =	seq.s32 @!p0 s5, $0x0  }
0x1f: {  	s9 =	smul.u32 $0xF7A, s1;
	s8 =	simm.s32 @!p0 $0x1BF5;
	p2 =	por !p2, p0  }
0x20: {  	[sflag:s8] =	ssyncset.s32 @!p0 $0xFFFFF086;
	s6 =	sadd.s32 @!p0 s3, s7;
	s7 =	simm.s32 @!p0 $0x108  }
0x21: {  	s3 =	sadd.s32 s3, s9;
	s6 =	sadd.s32 @!p0 $0x88, s6;
	s7 =	simm.s32 @p2 $0x1082  }
0x22: {  	[simem:s7], [sflag:s8] =	dma.local @!p0 [hbm:s6], $0xF7A  }
0x23: {  	s9 =	sor.u32 $0xD0000000, s2;
	s6 =	simm.s32 $0x108;
	_ =	swait.ge @!p0 [sflag:s8], $0x0  }
0x24: {  	s3 =	sadd.s32 $0x88, s3;
	s6 =	simm.s32 @!p1 $0x1082;
	[sflag:s4] =	ssyncset.s32 $0xFFFFF086  }
0x25: {  	[simem:s6], [sflag:s4] =	dma.local [hbm:s3], $0xF7A  }
0x26: {  	[smem:$0x3F97] =	sst s1;
	(tag) =	ssettag s2;
	_ =	strace s9  }
0x27: {  	s1 =	sld [smem:$0x3FA7]  }
0x28: {  	s2 =	sld [smem:$0x3FA8]  }
0x29: {  	s4 =	sld [smem:$0x3FAA]  }
0x2a: {  	p0 =	seq.s32 s5, $0x0;
	s5 =	sld [smem:$0x3FAB]  }
0x2b: {  	s6 =	sld [smem:$0x3FAC]  }
0x2c: {  	s7 =	sld [smem:$0x3FAD]  }
0x2d: {  	s3 =	simm.s32 $0x108;
	s8 =	sld [smem:$0x3FAE]  }
0x2e: {  	s3 =	simm.s32 @!p0 $0x1082;
	s9 =	sld [smem:$0x3FAF]  }
0x2f: {  	lr =	sadd.s32 s0, s3;
	s0 =	sld [smem:$0x3FA6]  }
0x30: {  	s3 =	sld [smem:$0x3FA9]  }
0x31: {  	[smem:$0x3FB2] =	sst s10  }
0x32: {  	s10 =	sld [smem:$0x3FB0];
	_ =	sdelay $0x3  }
0x33: {  	p0 =	seq.s32 s10, $0x1;
	s10 =	sld [smem:$0x3FB2];
	_ =	sdelay $0x3  }
0x34: {  	[smem:$0x3FB2] =	sst s10  }
0x35: {  	s10 =	sld [smem:$0x3FB1];
	_ =	sdelay $0x3  }
0x36: {  	p1 =	seq.s32 s10, $0x1;
	s10 =	sld [smem:$0x3FB2];
	_ =	sdelay $0x3  }
0x37: {  	[smem:$0x3FB2] =	sst s10  }
0x38: {  	s10 =	sld [smem:$0x3FB3]  }
0x39: {  	_ = 	snop;
	(pc) =	sbr.ind lr, $3  }
0x3a: {  	_ = 	snop  }
0x3b: {  	_ = 	snop  }
0x3c: {  	p2 =	seq.s32 s10, $0x1;
	s10 =	sld [smem:$0x3FB2]  }
0x3d: {  	_ =	shalt  }
0x3e: {  	_ =	shalt  }
0x3f: {  	_ =	shalt  }
0x40: {  	_ =	shalt  }
0x41: {  	_ =	shalt  }
0x42: {  	_ =	shalt  }
0x43: {  	_ =	shalt  }
0x44: {  	_ =	shalt  }
0x45: {  	_ =	shalt  }
0x46: {  	_ =	shalt  }
0x47: {  	_ =	shalt  }
0x48: {  	_ =	shalt  }
0x49: {  	_ =	shalt  }
0x4a: {  	_ =	shalt  }
0x4b: {  	_ =	shalt  }
0x4c: {  	_ =	shalt  }
0x4d: {  	_ =	shalt  }
0x4e: {  	_ =	shalt  }
0x4f: {  	_ =	shalt  }
0x50: {  	_ =	shalt  }
0x51: {  	_ =	shalt  }
0x52: {  	_ =	shalt  }
0x53: {  	_ =	shalt  }
0x54: {  	_ =	shalt  }
0x55: {  	_ =	shalt  }
0x56: {  	_ =	shalt  }
0x57: {  	_ =	shalt  }
0x58: {  	_ =	shalt  }
0x59: {  	_ =	shalt  }
0x5a: {  	_ =	shalt  }
0x5b: {  	_ =	shalt  }
0x5c: {  	_ =	shalt  }
0x5d: {  	_ =	shalt  }
0x5e: {  	_ =	shalt  }
0x5f: {  	_ =	shalt  }
0x60: {  	_ =	shalt  }
0x61: {  	_ =	shalt  }
0x62: {  	_ =	shalt  }
0x63: {  	_ =	shalt  }
0x64: {  	_ =	shalt  }
0x65: {  	_ =	shalt  }
0x66: {  	_ =	shalt  }
0x67: {  	_ =	shalt  }
0x68: {  	_ =	shalt  }
0x69: {  	_ =	shalt  }
0x6a: {  	_ =	shalt  }
0x6b: {  	_ =	shalt  }
0x6c: {  	_ =	shalt  }
0x6d: {  	_ =	shalt  }
0x6e: {  	_ =	shalt  }
0x6f: {  	_ =	shalt  }
0x70: {  	_ =	shalt  }
0x71: {  	_ =	shalt  }
0x72: {  	_ =	shalt  }
0x73: {  	_ =	shalt  }
0x74: {  	_ =	shalt  }
0x75: {  	_ =	shalt  }
0x76: {  	_ =	shalt  }
0x77: {  	_ =	shalt  }
0x78: {  	_ =	shalt  }
0x79: {  	_ =	shalt  }
0x7a: {  	_ =	shalt  }
0x7b: {  	_ =	shalt  }
0x7c: {  	_ =	shalt  }
0x7d: {  	_ =	shalt  }
0x7e: {  	_ =	shalt  }
0x7f: {  	_ =	shalt  }
0x80: {  	_ =	shalt  }
0x81: {  	_ =	shalt  }
0x82: {  	_ =	shalt  }
0x83: {  	_ =	shalt  }
0x84: {  	_ =	shalt  }
0x85: {  	_ =	shalt  }
0x86: {  	_ =	shalt  }
0x87: {  	_ =	shalt  }
.Lfunc_end0:
.L_simem_size_0:
called_computation.3_lowered:
.L_overlay_start_0:
0x88: {  	s2 =	sld [smem:$0x3FD9]  }
0x89: {  	s3 =	sld [smem:$0x3FFE];
	_ =	sdelay $0x1  }
0x8a: {  	s1 =	srdreg.scid  }
0x8b: {  	s0 =	sand.u32 $0x1, s1  }
0x8c: {  	s17 =	sshll.u32 s0, $0xA;
	s2 =	sadd.s32 s3, s2  }
0x8d: {  	s2 =	sadd.s32 s2, s17  }
0x8e: {  	[smem:$0x3FBE] =	sst s2  }
0x8f: {  	_ = 	snop  }
0x90: {  	s2 =	sld [smem:$0x3FD0];
	(tm) =	ssettm $0x1  }
0x91: {  	s18 =	sld [smem:$0x3FFB];
	_ =	sdelay $0x3  }
0x92: {  	_ =	strace s18  }
0x93: {  	s3 =	sld [smem:$0x3FFC];
	_ =	sdelay $0x3  }
0x94: {  	_ =	strace s3  }
0x95: {  	s3 =	sld [smem:$0x3FFD];
	_ =	sdelay $0x3  }
0x96: {  	_ =	strace s3  }
0x97: {  	_ =	strace $0x8FFFFFFF  }
0x98: {  	s19 =	sld [smem:$0x3FDB];
	_ =	sdelay $0x1  }
0x99: {  	s4 =	simm.s32 $_scs_section_size  }
0x9a: {  	s5 =	simm.s32 $_size__tile_overlayer_lowered;
	s6 =	simm.s32 $_tile_overlayer_lowered  }
0x9b: {  	s22 =	simm.s32 $0x1BFF;
	s21 =	sshll.u32 s6, $0x1;
	s3 =	sadd.s32 s4, s19  }
0x9c: {  	s7 =	simm.s32 $0x0;
	s20 =	sshll.u32 s5, $0x1;
	s5 =	sadd.s32 s21, s3  }
0x9d: {  	[timem:s7], [sflag:s22] =	dma.local [hbm:s5], s20  }
0x9e: {  	_ =	swait.ge [sflag:s22], s20  }
0x9f: {  	s4 =	ssub.s32 $0x0, s20;
	[sflag:s22] =	ssyncset.done $0x0  }
0xa0: {  	[sflag:s22] =	ssyncadd.s32 s4;
	_ =	sdelay $0x1  }
0xa1: {  	s23 =	simm.s32 $0x1B8B  }
0xa2: {  	_ =	swait.ge [sflag:s23], $0x1  }
0xa3: {  	[sflag:s23] =	ssyncset.done $0x0  }
0xa4: {  	s25 =	simm.s32 $0x1B8E;
	s24 =	sld [smem:$0x3FFE];
	[sflag:s23] =	ssyncadd.s32 $0xFFFFFFFF  }
0xa5: {  	s26 =	simm.s32 $execute0_lowered;
	[smem:$0x3FD2] =	sst s25  }
0xa6: {  	s5 =	sshll.u32 s26, $0x1;
	_ =	strace $0x8000004F;
	[dreg:$0x1] =	wrdreg $0xFFFFFFFF  }
0xa7: {  	s28 =	simm.s32 $_size_execute0_lowered;
	s3 =	sadd.s32 s3, s5;
	[dreg:$0x0] =	wrdreg $0x0  }
0xa8: {  	s5 =	sshll.u32 s28, $0x1;
	[dreg:$0x2] =	wrdreg s3  }
0xa9: {  	[dreg:$0x3] =	wrdreg s5  }
0xaa: {  	[dreg:$0x4] =	wrdreg $0xC0  }
0xab: {  	_ =	task [dreg:s7], $0x5FFFF  }
0xac: {  	[dreg:$0x1] =	wrdreg $0xFFFFFFFF  }
0xad: {  	[dreg:$0x0] =	wrdreg $0x60  }
0xae: {  	[dreg:$0x2] =	wrdreg s2  }
0xaf: {  	[dreg:$0x3] =	wrdreg s24  }
0xb0: {  	[dreg:$0x4] =	wrdreg $0xA6000  }
0xb1: {  	[dreg:$0x5] =	wrdreg $0x9  }
0xb2: {  	_ =	task.clear_ibuf [dreg:s7], $0x6FFFF;
	_ =	strace $0x9000004F  }
0xb3: {  	s29 =	simm.s32 $0x9;
	_ =	strace $0x80000051  }
0xb4: {  	_ =	swait.ge [sflag:s29], $0x1  }
0xb5: {  	[sflag:s29] =	ssyncadd.s32 $0xFFFFFFFF  }
0xb6: {  	_ =	strace $0x90000051  }
0xb7: {  	_ =	sfence  }
0xb8: {  	s30 =	sld [smem:$0x0];
	_ =	sdelay $0x2  }
0xb9: {  	s31 =	sshll.u32 s1, $0xD;
	s1 =	sshrl.u32 s1, $0x2  }
0xba: {  	s3 =	sand.u32 $0x4000, s31;
	s1 =	sadd.s32 s1, s30  }
0xbb: {  	s0 =	sor.u32 s3, s0;
	s1 =	sshll.u32 s1, $0x11  }
0xbc: {  	s0 =	sor.u32 s1, s0  }
0xbd: {  	s0 =	sadd.s32 $0x8F2B, s0  }
0xbe: {  	[sflag:s0] =	ssyncadd.remote.s32 $0x1  }
0xbf: {  	_ =	sfence.sel $0xFFFF  }
0xc0: {  	[dreg:$0x0] =	wrdreg $0xFFFFFFFF;
	(pc) =	sbr.abs _section_cstart, $3  }
0xc1: {  	[dreg:$0x1] =	wrdreg $0xFFFFFFFF  }
0xc2: {  	_ =	task.clear_ibuf [dreg:s7], $0x2FFFF;
	_ =	strace $0x9FFFFFFF  }
0xc3: {  	(tm) =	ssettm $0x7FFFFFFF  }
tec
execute0_lowered:
.L_overlay_start_1:
0x0: {  	(tag) =	ssettag $0x1  }
0x1: {  	s2 =	rddreg [dreg:$0x0]  }
0x2: {  	s0 =	rddreg [dreg:$0x1]  }
0x3: {  	s3 =	rddreg [dreg:$0x2];
	s13 =	stileid.u32  }
0x4: {  	s1 =	srdreg.scid;
	s4 =	simm.s32 $0x0;
	s14 =	simm.s32 $0x2  }
0x5: {  	s15 =	simm.s32 $0x200;
	s16 =	simm.s32 $0x600;
	s17 =	simm.s32 $0x80  }
0x6: {  	s18 =	simm.s32 $0x400;
	s19 =	simm.s32 $0x2600;
	s20 =	simm.s32 $0x480  }
0x7: {  	s21 =	simm.s32 $0x4600;
	s23 =	simm.s32 $0x500;
	s28 =	simm.s32 $0x1  }
0x8: {  	s29 =	simm.s32 $0x280;
	s30 =	simm.s32 $0x300;
	s31 =	simm.s32 $0x380  }
0x9: {  	s9 =	smul.u32 $0x9C80, s13;
	s1 =	sand.u32 $0x1, s1;
	[smem:$0x7FF] =	sst s4  }
0xa: {  	s5 =	sadd.s32 $0xB2C00, s0;
	s10 =	smul.u32 $0x1388, s13;
	s6 =	sadd.s32 $0xA8C00, s0  }
0xb: {  	s7 =	sadd.s32 $0xC1C00, s0;
	s25 =	sshll.u32 s13, $0x6;
	s8 =	smul.u32 $0x13880, s1  }
0xc: {  	_ =	strace $0x80000050;
	s24 =	ssub.s32 $0x2, s1;
	s11 =	sshrl.u32 s9, $0x3  }
0xd: {  	s12 =	sshrl.u32 s24, $0x1;
	s9 =	sadd.s32 s9, s3;
	s11 =	sadd.s32 s11, s0  }
0xe: {  	s8 =	sadd.s32 s10, s8;
	s12 =	ssub.s32 s24, s12;
	s10 =	sor.u32 $0x1C02, s25  }
0xf: {  	s25 =	sshllo.u32 s1, $0x1;
	s0 =	sadd.s32 s8, s0;
	s8 =	smul.u32 $0x5000, s13  }
0x10: {  	s24 =	simm.s32 $0x6600;
	s13 =	smul.u32 $0x27100, s13;
	s11 =	sadd.s32 $0x1FE000, s11  }
0x11: {  	s12 =	smax.u32 s12, $0x1;
	[dreg:$0x4] =	wrdreg s11;
	s11 =	sshll.u32 s1, $0x1  }
0x12: {  	s0 =	sadd.s32 $0x3D800, s0;
	[dreg:$0x6] =	wrdreg s12;
	s13 =	sshrl.u32 s13, $0x2  }
0x13: {  	v2 =	vmov s25;
	s25 =	simm.s32 $0x580;
	[dreg:$0x5] =	wrdreg s0;
	v1 =	vmov s11;
	s26 =	sadd.s32 s13, s3  }
0x14: {  	v0 =	vmov s1;
	v2 =	vbroadcast v2, $0x0;
	s13 =	sshrl.u32 s9, $0x3;
	v1 =	vbroadcast v1, $0x0;
	s22 =	sshrl.u32 s26, $0x3;
	s26 =	simm.s32 $0x8600  }
.LBB2_1:
0x15: {  	s0 =	rddreg [dreg:$0x4]  }
0x16: {  	[spmem:s13], [sflag:s10] =	dma.local [hbm:s0], $0x1390  }
0x17: {  	_ =	swait.ge [sflag:s14], $0x1390  }
0x18: {  	[sflag:s14] =	ssyncset.done $0x0  }
0x19: {  	[sflag:s14] =	ssyncadd.s32 $0xFFFFEC70  }
0x1a: {  	s0 =	simm.s32 $0x0;
	[bflag:$0x0] =	sbarrier.arrive $0xFFFF  }
.LBB2_2:
0x1b: {  	s1 =	sshll.u32 s0, $0x9  }
0x1c: {  	s1 =	sadd.s32 s8, s1  }
0x1d: {  	s9 =	sshrl.u32 s1, $0x3  }
0x1e: {  	s12 =	simm.s32 $0x0;
	s11 =	sadd.s32 s5, s9  }
0x1f: {  	[tilespmem:s12], [sflag:$0x2] =	stream.linear.gather [hbm4b:s11+s12], $0x200, $0x38;
	[tilespmem:$0x14280] =	vst v63  }
0x20: {  	_ =	swait.ge [sflag:s14], $0x200  }
0x21: {  	[sflag:s14] =	ssyncset.done $0x0  }
0x22: {  	s9 =	sadd.s32 s6, s9;
	[sflag:s14] =	ssyncadd.s32 $0xFFFFFE00  }
0x23: {  	[tilespmem:s15], [sflag:$0x2] =	stream.linear.gather [hbm4b:s9+s12], $0x200, $0x38;
	[tilespmem:$0x14280] =	vst v63  }
0x24: {  	_ =	swait.ge [sflag:s14], $0x200  }
0x25: {  	s1 =	sshll.u32 s1, $0x1;
	[sflag:s14] =	ssyncset.done $0x0  }
0x26: {  	s1 =	sadd.s32 s7, s1;
	[sflag:s14] =	ssyncadd.s32 $0xFFFFFE00  }
0x27: {  	[tilespmem:s16], [sflag:$0x2] =	stream.linear.gather [hbm4b:s1+s12], $0x2000, $0x38;
	[tilespmem:$0x14280] =	vst v63  }
0x28: {  	_ =	swait.ge [sflag:s14], $0x2000  }
0x29: {  	[sflag:s14] =	ssyncset.done $0x0  }
0x2a: {  	[sflag:s14] =	ssyncadd.s32 $0xFFFFE000  }
0x2b: {  	v3 =	vld [tilespmem:$0x0]  }
0x2c: {  	v4 =	vld [tilespmem:$0x10]  }
0x2d: {  	v5 =	vld [tilespmem:$0x20]  }
0x2e: {  	v6 =	vld [tilespmem:$0x30]  }
0x2f: {  	v7 =	vld [tilespmem:$0x40]  }
0x30: {  	v8 =	vld [tilespmem:$0x50];
	v3 =	vshll.u32 v3, $0x1  }
0x31: {  	v9 =	vld [tilespmem:$0x60];
	v4 =	vshll.u32 v4, $0x1;
	v3 =	vor.u32 v0, v3  }
0x32: {  	[tilespmem:$0x400] =	vst v3;
	v3 =	vor.u32 v0, v4;
	v4 =	vshll.u32 v5, $0x1;
	v5 =	vld [tilespmem:$0x70]  }
0x33: {  	v44 =	vld [tilespmem:$0x80];
	[tilespmem:$0x410] =	vst v3;
	v3 =	vor.u32 v0, v4;
	v4 =	vshll.u32 v6, $0x1  }
0x34: {  	v45 =	vld [tilespmem:$0x90];
	[tilespmem:$0x420] =	vst v3;
	v3 =	vor.u32 v0, v4;
	v4 =	vshll.u32 v7, $0x1  }
0x35: {  	v46 =	vld [tilespmem:$0xA0];
	[tilespmem:$0x430] =	vst v3;
	v3 =	vor.u32 v0, v4;
	v4 =	vshll.u32 v8, $0x1  }
0x36: {  	v47 =	vld [tilespmem:$0xB0];
	[tilespmem:$0x440] =	vst v3;
	v3 =	vor.u32 v0, v4;
	v4 =	vshll.u32 v9, $0x1  }
0x37: {  	[tilespmem:$0x450] =	vst v3;
	v3 =	vor.u32 v0, v4;
	v4 =	vshll.u32 v5, $0x1;
	v5 =	vld [tilespmem:$0xC0]  }
0x38: {  	v48 =	vld [tilespmem:$0xD0];
	[tilespmem:$0x460] =	vst v3;
	v3 =	vor.u32 v0, v4;
	v4 =	vshll.u32 v44, $0x1  }
0x39: {  	v49 =	vld [tilespmem:$0xE0];
	[tilespmem:$0x470] =	vst v3;
	v3 =	vor.u32 v0, v4;
	v4 =	vshll.u32 v45, $0x1  }
0x3a: {  	v50 =	vld [tilespmem:$0xF0];
	[tilespmem:$0x480] =	vst v3;
	v3 =	vor.u32 v0, v4;
	v4 =	vshll.u32 v46, $0x1  }
0x3b: {  	v51 =	vld [tilespmem:$0x100];
	[tilespmem:$0x490] =	vst v3;
	v3 =	vor.u32 v0, v4;
	v4 =	vshll.u32 v47, $0x1  }
0x3c: {  	[tilespmem:$0x4A0] =	vst v3;
	v3 =	vor.u32 v0, v4;
	v4 =	vshll.u32 v5, $0x1;
	v5 =	vld [tilespmem:$0x110]  }
0x3d: {  	v52 =	vld [tilespmem:$0x120];
	[tilespmem:$0x4B0] =	vst v3;
	v3 =	vor.u32 v0, v4;
	v4 =	vshll.u32 v48, $0x1  }
0x3e: {  	v53 =	vld [tilespmem:$0x130];
	[tilespmem:$0x4C0] =	vst v3;
	v3 =	vor.u32 v0, v4;
	v4 =	vshll.u32 v49, $0x1  }
0x3f: {  	v54 =	vld [tilespmem:$0x140];
	[tilespmem:$0x4D0] =	vst v3;
	v3 =	vor.u32 v0, v4;
	v4 =	vshll.u32 v50, $0x1  }
0x40: {  	v55 =	vld [tilespmem:$0x150];
	[tilespmem:$0x4E0] =	vst v3;
	v3 =	vor.u32 v0, v4;
	v4 =	vshll.u32 v51, $0x1  }
0x41: {  	[tilespmem:$0x4F0] =	vst v3;
	v3 =	vor.u32 v0, v4;
	v4 =	vshll.u32 v5, $0x1;
	v5 =	vld [tilespmem:$0x160]  }
0x42: {  	v56 =	vld [tilespmem:$0x170];
	[tilespmem:$0x500] =	vst v3;
	v3 =	vor.u32 v0, v4;
	v4 =	vshll.u32 v52, $0x1  }
0x43: {  	v57 =	vld [tilespmem:$0x180];
	[tilespmem:$0x510] =	vst v3;
	v3 =	vor.u32 v0, v4;
	v4 =	vshll.u32 v53, $0x1  }
0x44: {  	v58 =	vld [tilespmem:$0x190];
	[tilespmem:$0x520] =	vst v3;
	v3 =	vor.u32 v0, v4;
	v4 =	vshll.u32 v54, $0x1  }
0x45: {  	v59 =	vld [tilespmem:$0x1A0];
	[tilespmem:$0x530] =	vst v3;
	v3 =	vor.u32 v0, v4;
	v4 =	vshll.u32 v55, $0x1  }
0x46: {  	[tilespmem:$0x540] =	vst v3;
	v3 =	vor.u32 v0, v4;
	v4 =	vshll.u32 v5, $0x1;
	v5 =	vld [tilespmem:$0x1B0]  }
0x47: {  	v60 =	vld [tilespmem:$0x1C0];
	[tilespmem:$0x550] =	vst v3;
	v3 =	vor.u32 v0, v4;
	v4 =	vshll.u32 v56, $0x1  }
0x48: {  	v61 =	vld [tilespmem:$0x1D0];
	[tilespmem:$0x560] =	vst v3;
	v3 =	vor.u32 v0, v4;
	v4 =	vshll.u32 v57, $0x1  }
0x49: {  	v62 =	vld [tilespmem:$0x1E0];
	[tilespmem:$0x570] =	vst v3;
	v3 =	vor.u32 v0, v4;
	v4 =	vshll.u32 v58, $0x1  }
0x4a: {  	v63 =	vld [tilespmem:$0x1F0];
	[tilespmem:$0x580] =	vst v3;
	v3 =	vor.u32 v0, v4;
	v4 =	vshll.u32 v59, $0x1  }
0x4b: {  	[tilespmem:$0x590] =	vst v3;
	v3 =	vor.u32 v0, v4;
	v4 =	vshll.u32 v5, $0x1  }
0x4c: {  	[tilespmem:$0x5A0] =	vst v3;
	v3 =	vor.u32 v0, v4;
	v4 =	vshll.u32 v60, $0x1  }
0x4d: {  	[tilespmem:$0x5B0] =	vst v3;
	v3 =	vor.u32 v0, v4;
	v4 =	vshll.u32 v61, $0x1  }
0x4e: {  	[tilespmem:$0x5C0] =	vst v3;
	v3 =	vor.u32 v0, v4;
	v4 =	vshll.u32 v62, $0x1  }
0x4f: {  	[tilespmem:$0x5D0] =	vst v3;
	v3 =	vor.u32 v0, v4;
	v4 =	vshll.u32 v63, $0x1  }
0x50: {  	[tilespmem:$0x5E0] =	vst v3;
	v3 =	vor.u32 v0, v4  }
0x51: {  	[tilespmem:$0x5F0] =	vst v3  }
0x52: {  	[tilespmem:s19], [sflag:$0x1] =	stream.indirect.gather [hbm4b:s2+s17], $0x40, s18, s17, $0xb8;
	[tilespmem:$0x14280] =	vst v63  }
0x53: {  	_ = 	snop  }
0x54: {  	[tilespmem:s21], [sflag:$0x1] =	stream.indirect.gather [hbm4b:s2+s17], $0x40, s20, s17, $0xb8;
	[tilespmem:$0x14280] =	vst v63  }
0x55: {  	_ = 	snop  }
0x56: {  	[tilespmem:s24], [sflag:$0x1] =	stream.indirect.gather [hbm4b:s2+s17], $0x40, s23, s17, $0xb8;
	[tilespmem:$0x14280] =	vst v63  }
0x57: {  	_ = 	snop  }
0x58: {  	[tilespmem:s26], [sflag:$0x1] =	stream.indirect.gather [hbm4b:s2+s17], $0x40, s25, s17, $0xb8;
	[tilespmem:$0x14280] =	vst v63  }
0x59: {  	_ =	swait.ge [sflag:s28], $0x2000  }
0x5a: {  	[sflag:s28] =	ssyncset.done $0x0  }
0x5b: {  	[sflag:s28] =	ssyncadd.s32 $0xFFFFE000  }
0x5c: {  	_ =	swait.ge [sflag:s28], $0x2000  }
0x5d: {  	[sflag:s28] =	ssyncset.done $0x0  }
0x5e: {  	[sflag:s28] =	ssyncadd.s32 $0xFFFFE000  }
0x5f: {  	_ =	swait.ge [sflag:s28], $0x2000  }
0x60: {  	[sflag:s28] =	ssyncset.done $0x0  }
0x61: {  	[sflag:s28] =	ssyncadd.s32 $0xFFFFE000  }
0x62: {  	_ =	swait.ge [sflag:s28], $0x2000  }
0x63: {  	[sflag:s28] =	ssyncset.done $0x0  }
0x64: {  	s1 =	simm.s32 $0x2620;
	[sflag:s28] =	ssyncadd.s32 $0xFFFFE000  }
0x65: {  	s11 =	simm.s32 $0x40;
	s9 =	simm.s32 $0x2620;
	s12 =	simm.s32 $0x0;
	v3 =	vld [tilespmem:s1+$0xFFFFFFF0]  }
.LBB2_3:
0x66: {  	p0 =	sne.s32 s11, $0x7FC0;
	v4 =	vld [tilespmem:s12+$0x600]  }
0x67: {  	v5 =	vld [tilespmem:s1+$0x10]  }
0x68: {  	v6 =	vld [tilespmem:s1+$0xFFFFFFE0]  }
0x69: {  	v7 =	vld [tilespmem:s1+$0x0];
	_ =	sdelay $0x1  }
0x6a: {  	v8 =	vperm.xlane v4, v1;
	v4 =	vperm.xlane v4, v2;
	_ =	sdelay $0x1  }
0x6b: {  	v6 =	vmul.f32 v6, v8;
	v3 =	vmul.f32 v3, v8  }
.Ltmp0:
0x6c: {  	v7 =	vmul.f32 v7, v4;
	v4 =	vmul.f32 v5, v4;
	(pc) =	sbr.rel @p0 .LBB2_3-.Ltmp0, $4  }
0x6d: {  	[tilespmem:s1+$0xFFFFFFE0] =	vst v6  }
0x6e: {  	[tilespmem:s1+$0xFFFFFFF0] =	vst v3  }
0x6f: {  	s1 =	sadd.s32 $0x40, s1;
	[tilespmem:s9+$0x0] =	vst v7  }
0x70: {  	s12 =	sshra.s32 s11, $0x2;
	s11 =	sadd.s32 $0x40, s11;
	v3 =	vld [tilespmem:s1+$0xFFFFFFF0];
	[tilespmem:s9+$0x10] =	vst v4;
	s9 =	smov.u32 s1  }
0x71: {  	v4 =	vld [tilespmem:s12+$0x600];
	_ =	sdelay $0x1  }
0x72: {  	v5 =	vld [tilespmem:s1+$0xFFFFFFE0];
	_ =	sdelay $0x1  }
0x73: {  	v6 =	vld [tilespmem:s1+$0x0]  }
0x74: {  	v7 =	vld [tilespmem:s1+$0x10];
	v8 =	vperm.xlane v4, v1;
	_ =	sdelay $0x1  }
0x75: {  	v4 =	vperm.xlane v4, v2;
	v5 =	vmul.f32 v5, v8  }
0x76: {  	v3 =	vmul.f32 v3, v8  }
0x77: {  	v6 =	vmul.f32 v6, v4;
	[tilespmem:s1+$0xFFFFFFE0] =	vst v5  }
0x78: {  	v4 =	vmul.f32 v7, v4;
	[tilespmem:s1+$0xFFFFFFF0] =	vst v3  }
0x79: {  	[tilespmem:s9+$0x0] =	vst v6  }
0x7a: {  	[tilespmem:s9+$0x10] =	vst v4  }
0x7b: {  	[spmem:s3] =	stream.indirect.scatter.add.f32 [tilespmem:s19], [sflag:$0x2], $0x40, s15, s17, $0xb8;
	[tilespmem:$0x14280] =	vst v63  }
0x7c: {  	_ =	swait.ge [sflag:s14], $0x2000  }
0x7d: {  	[sflag:s14] =	ssyncset.done $0x0  }
0x7e: {  	[sflag:s14] =	ssyncadd.s32 $0xFFFFE000  }
0x7f: {  	[spmem:s3] =	stream.indirect.scatter.add.f32 [tilespmem:s21], [sflag:$0x2], $0x40, s29, s17, $0xb8;
	[tilespmem:$0x14280] =	vst v63  }
0x80: {  	_ =	swait.ge [sflag:s14], $0x2000  }
0x81: {  	[sflag:s14] =	ssyncset.done $0x0  }
0x82: {  	[sflag:s14] =	ssyncadd.s32 $0xFFFFE000  }
0x83: {  	[spmem:s3] =	stream.indirect.scatter.add.f32 [tilespmem:s24], [sflag:$0x2], $0x40, s30, s17, $0xb8;
	[tilespmem:$0x14280] =	vst v63  }
0x84: {  	s0 =	sadd.s32 $0x1, s0;
	_ =	swait.ge [sflag:s14], $0x2000  }
0x85: {  	p0 =	sne.s32 s0, $0x28;
	[sflag:s14] =	ssyncset.done $0x0  }
.Ltmp1:
0x86: {  	[sflag:s14] =	ssyncadd.s32 $0xFFFFE000;
	(pc) =	sbr.rel @p0 .LBB2_2-.Ltmp1, $4  }
0x87: {  	[spmem:s3] =	stream.indirect.scatter.add.f32 [tilespmem:s26], [sflag:$0x2], $0x40, s31, s17, $0xb8;
	[tilespmem:$0x14280] =	vst v63  }
0x88: {  	_ =	swait.ge [sflag:s14], $0x2000  }
0x89: {  	[sflag:s14] =	ssyncset.done $0x0  }
0x8a: {  	[sflag:s14] =	ssyncadd.s32 $0xFFFFE000  }
0x8b: {  	[bflag:$0x0] =	sbarrier.arrive $0xFFFF  }
0x8c: {  	s0 =	rddreg [dreg:$0x5]  }
0x8d: {  	[hbm:s0], [sflag:s10] =	dma.local [spmem:s22], $0x1388  }
0x8e: {  	_ =	swait.ge [sflag:s14], $0x1388  }
0x8f: {  	s4 =	sadd.s32 $0x1, s4;
	s12 =	rddreg [dreg:$0x6]  }
0x90: {  	p0 =	sne.s32 s4, s12  }
.Ltmp2:
0x91: {  	_ = 	snop;
	(pc) =	sbr.rel @p0 .LBB2_1-.Ltmp2, $3  }
0x92: {  	[sflag:s14] =	ssyncset.done $0x0  }
0x93: {  	[sflag:s14] =	ssyncadd.s32 $0xFFFFEC78  }
0x94: {  	[bflag:$0x0] =	sbarrier.arrive $0xFFFF;
	_ =	sdelay $0x1  }
0x95: {  	_ =	sfence.sel $0x180000  }
0x96: {  	[bflag:$0x0] =	sbarrier.arrive $0xFFFF  }
0x97: {  	_ =	strace $0x90000050  }
0x98: {  	s0 =	stileid.u32;
	[bflag:$0x2] =	sbarrier.arrive $0xFFFF  }
0x99: {  	p0 =	sne.s32 s0, $0x0;
	s0 =	rddreg [dreg:$0x3]  }
0x9a: {  	s0 =	sadd.s32 @!p0 $0x100000, s0  }
0x9b: {  	[sflag:s0] =	ssyncadd.tile.s32 @!p0 $0x1;
	_ =	shalt  }
.Lfunc_end2:
_tile_overlayer_lowered:
.L_overlay_start_2:
0x9c: {  	(tag) =	ssettag $0x2  }
0x9d: {  	s0 =	rddreg [dreg:$0x0];
	s2 =	stileid.u32  }
0x9e: {  	s1 =	rddreg [dreg:$0x1];
	p0 =	sne.s32 s2, $0x0  }
0x9f: {  	s3 =	rddreg [dreg:$0x2];
	[bflag:$0x3] =	sbarrier.arrive $0xFFFF;
	s2 =	simm.s32 @!p0 $0x1C02  }
0xa0: {  	[timem:s3], [sflag:s2] =	dma.local @!p0 [hbm:s0], s1  }
0xa1: {  	s0 =	simm.s32 @!p0 $0x2  }
0xa2: {  	_ =	swait.ge @!p0 [sflag:s0], s1  }
0xa3: {  	s1 =	ssub.s32 @!p0 $0x0, s1;
	[sflag:s0] =	ssyncset.done @!p0 $0x0  }
0xa4: {  	[sflag:s0] =	ssyncadd.s32 @!p0 s1  }
0xa5: {  	[bflag:$0x3] =	sbarrier.arrive $0xFFFF  }
0xa6: {  	_ =	shalt  }

</sc_bundles>
